<compile_context>
chip_gen: v7x
topology: tpu7x:2x2x1
jax: 0.10.2.dev20260603
libtpu: 0.0.44.dev20260713+nightly
codegen_flags: <defaults>
</compile_context>

<pallas_src>
import functools

import jax
import jax.numpy as jnp
from jax import lax
from jax.experimental import pallas as pl
from jax.experimental.pallas import tpu as pltpu
from jax.experimental.pallas import tpu_sc as plsc

N = 10000
NPAD = 10240
E = 320000
F = 128
CH = 128
NTILES = 32
NCHUNK = 80
EP = CH * NCHUNK
RE = E // NTILES
PADE = EP - RE
RPT = NPAD // 16
NPH = 4
PCH = NCHUNK // NPH

_mesh = plsc.VectorSubcoreMesh(core_axis_name="c", subcore_axis_name="s")


def _deg_body(sd_hbm, out_hbm, idx_v, ones_v, acc, dsem):
    c = lax.axis_index("c")
    s = lax.axis_index("s")
    wid = c * 16 + s
    pltpu.sync_copy(sd_hbm.at[wid], idx_v)

    @pl.loop(0, CH)
    def _zero(i):
        for j in range(F // 16):
            ones_v[i, pl.ds(j * 16, 16)] = jnp.zeros((16,), jnp.float32)

    @pl.loop(0, RPT // CH)
    def _zacc(j):
        pltpu.sync_copy(ones_v, acc.at[pl.ds(s * RPT + j * CH, CH), :])

    @pl.loop(0, CH)
    def _ones(i):
        for j in range(F // 16):
            ones_v[i, pl.ds(j * 16, 16)] = jnp.ones((16,), jnp.float32)

    plsc.subcore_barrier()

    @pl.loop(0, NCHUNK, step=8)
    def _edges(g):
        for b in range(8):
            pltpu.async_copy(ones_v, acc.at[idx_v.at[g + b, 1]], dsem,
                             add=True)
        for b in range(8):
            pltpu.make_async_copy(ones_v, acc.at[idx_v.at[g + b, 1]],
                                  dsem).wait()

    plsc.subcore_barrier()
    pltpu.sync_copy(acc.at[pl.ds(s * RPT, RPT), :],
                    out_hbm.at[c, pl.ds(s * RPT, RPT), :])


_deg_kernel = functools.partial(
    pl.kernel,
    out_type=jax.ShapeDtypeStruct((2, NPAD, F), jnp.float32),
    mesh=_mesh,
    scratch_types=[
        pltpu.VMEM((NCHUNK, 2, CH), jnp.int32),
        pltpu.VMEM((CH, F), jnp.float32),
        pltpu.VMEM_SHARED((NPAD, F), jnp.float32),
        pltpu.SemaphoreType.DMA,
    ],
)(_deg_body)


def _prop_body(sd_hbm, z_hbm, out_hbm, idx_v, rows0, rows1, acc, sem0, sem1):
    c = lax.axis_index("c")
    s = lax.axis_index("s")
    wid = c * 16 + s

    @pl.loop(0, CH)
    def _zero(i):
        for j in range(F // 16):
            rows0[i, pl.ds(j * 16, 16)] = jnp.zeros((16,), jnp.float32)

    @pl.loop(0, RPT // CH)
    def _zacc(j):
        pltpu.sync_copy(rows0, acc.at[pl.ds(s * RPT + j * CH, CH), :])

    plsc.subcore_barrier()

    for ph in range(NPH):
        pltpu.sync_copy(sd_hbm.at[wid, pl.ds(ph * PCH, PCH)], idx_v)
        pltpu.async_copy(z_hbm.at[idx_v.at[0, 0]], rows0, sem0)
        pltpu.async_copy(z_hbm.at[idx_v.at[1, 0]], rows1, sem1)

        @pl.loop(0, PCH, step=2)
        def _edges(g):
            for b, (rows, sem) in enumerate(((rows0, sem0), (rows1, sem1))):
                gg = g + b
                pltpu.make_async_copy(z_hbm.at[idx_v.at[gg, 0]], rows,
                                      sem).wait()
                pltpu.sync_copy(rows, acc.at[idx_v.at[gg, 1]], add=True)

                @pl.when(gg + 2 < PCH)
                def _next():
                    pltpu.async_copy(z_hbm.at[idx_v.at[gg + 2, 0]], rows, sem)

    plsc.subcore_barrier()
    pltpu.sync_copy(acc.at[pl.ds(s * RPT, RPT), :],
                    out_hbm.at[c, pl.ds(s * RPT, RPT), :])


_prop_kernel = functools.partial(
    pl.kernel,
    out_type=jax.ShapeDtypeStruct((2, NPAD, F), jnp.float32),
    mesh=_mesh,
    scratch_types=[
        pltpu.VMEM((PCH, 2, CH), jnp.int32),
        pltpu.VMEM((CH, F), jnp.float32),
        pltpu.VMEM((CH, F), jnp.float32),
        pltpu.VMEM_SHARED((NPAD, F), jnp.float32),
        pltpu.SemaphoreType.DMA,
        pltpu.SemaphoreType.DMA,
    ],
)(_prop_body)


BLK = 2048
GRID = NPAD // BLK
DISW = 8


def _tcm_body(x_ref, w1_ref, y1_ref):
    y1_ref[...] = jnp.dot(x_ref[...], w1_ref[...],
                          preferred_element_type=jnp.float32)


def _tcb_body(deg2_ref, y1_ref, zs1_ref, dis_ref):
    dsum = deg2_ref[0, :, 0:1] + deg2_ref[1, :, 0:1] + 1.0
    dis = lax.rsqrt(dsum)
    dis_ref[...] = jnp.broadcast_to(dis, (BLK, DISW))
    zs1_ref[...] = dis * y1_ref[...]


def _tcd_body(dis_ref, p1_ref, zs1_ref, b1_ref, w2_ref, zs2_ref):
    dis = dis_ref[:, 0:1]
    accf = p1_ref[0] + p1_ref[1] + zs1_ref[...]
    h = jnp.maximum(dis * accf + b1_ref[...], 0.0)
    zs2_ref[...] = jnp.dot(dis * h, w2_ref[...],
                           preferred_element_type=jnp.float32)


def _tcf_body(dis_ref, p2_ref, zs2_ref, b2_ref, o_ref):
    dis = dis_ref[:, 0:1]
    accf = p2_ref[0] + p2_ref[1] + zs2_ref[...]
    o_ref[...] = dis * accf + b2_ref[...]


_row_spec = pl.BlockSpec((BLK, F), lambda i: (i, 0))
_pair_spec = pl.BlockSpec((2, BLK, F), lambda i: (0, i, 0))
_w_spec = pl.BlockSpec((F, F), lambda i: (0, 0))
_b_spec = pl.BlockSpec((1, F), lambda i: (0, 0))
_dis_spec = pl.BlockSpec((BLK, DISW), lambda i: (i, 0))

_row_sds = jax.ShapeDtypeStruct((NPAD, F), jnp.float32)

_tcm = pl.pallas_call(
    _tcm_body,
    grid=(GRID,),
    in_specs=[_row_spec, _w_spec],
    out_specs=_row_spec,
    out_shape=_row_sds,
)

_tcb = pl.pallas_call(
    _tcb_body,
    grid=(GRID,),
    in_specs=[_pair_spec, _row_spec],
    out_specs=[_row_spec, _dis_spec],
    out_shape=[_row_sds, jax.ShapeDtypeStruct((NPAD, DISW), jnp.float32)],
)

_tcd = pl.pallas_call(
    _tcd_body,
    grid=(GRID,),
    in_specs=[_dis_spec, _pair_spec, _row_spec, _b_spec, _w_spec],
    out_specs=_row_spec,
    out_shape=_row_sds,
)

_tcf = pl.pallas_call(
    _tcf_body,
    grid=(GRID,),
    in_specs=[_dis_spec, _pair_spec, _row_spec, _b_spec],
    out_specs=_row_spec,
    out_shape=_row_sds,
)


def _pack_edges(src, dst):
    src2 = src.reshape(NTILES, RE)
    dst2 = dst.reshape(NTILES, RE)
    pad_s = jnp.zeros((NTILES, PADE), jnp.int32)
    pad_d = jnp.broadcast_to(jnp.arange(N, N + PADE, dtype=jnp.int32),
                             (NTILES, PADE))
    s_p = jnp.concatenate([src2, pad_s], axis=1).reshape(NTILES, NCHUNK, CH)
    d_p = jnp.concatenate([dst2, pad_d], axis=1).reshape(NTILES, NCHUNK, CH)
    return jnp.stack([s_p, d_p], axis=2)


def kernel(x, edge_index, W1, b1, W_mu, b_mu, W_lv, b_lv):
    src = edge_index[0].astype(jnp.int32)
    dst = edge_index[1].astype(jnp.int32)
    sd = _pack_edges(src, dst)
    x_p = jnp.pad(x, ((0, NPAD - N), (0, 0)))
    W2 = jnp.concatenate([W_mu, W_lv], axis=1)
    b1r = b1.reshape(1, F)
    b2r = jnp.concatenate([b_mu, b_lv]).reshape(1, F)

    y1 = _tcm(x_p, W1)
    deg2 = _deg_kernel(sd)
    zs1, disN = _tcb(deg2, y1)
    p1 = _prop_kernel(sd, zs1)
    zs2 = _tcd(disN, p1, zs1, b1r, W2)
    p2 = _prop_kernel(sd, zs2)
    o = _tcf(disN, p2, zs2, b2r)
    return o[:N, :64], o[:N, 64:]

# --- scband reference (transcript-rebuilt; emitter-appended) ---
"""Pipeline reference for scband-encoder-45294725103683 (READ-ONLY COPY).

The authoritative reference and input builder live on the scoring server;
editing this copy changes nothing except your own understanding.
"""

import jax, jax.numpy as jnp
import numpy as np

N = 10000
E = 320000
IN_CH = 128
HID = 128  # 2 * out_channels
OUT = 64


def _gcn_conv(x, src_f, dst_f, norm, W, b, n_nodes):
    h = x @ W
    msg = h[src_f] * norm[:, None]
    out = jax.ops.segment_sum(msg, dst_f, num_segments=n_nodes)
    return out + b


def _build_norm(edge_index, n_nodes):
    src, dst = edge_index[0], edge_index[1]
    loop = jnp.arange(n_nodes, dtype=edge_index.dtype)
    src_f = jnp.concatenate([src, loop])
    dst_f = jnp.concatenate([dst, loop])
    deg = jax.ops.segment_sum(jnp.ones_like(dst_f, dtype=jnp.float32), dst_f, num_segments=n_nodes)
    dis = jnp.where(deg > 0, jax.lax.rsqrt(jnp.maximum(deg, 1e-12)), 0.0)
    norm = dis[src_f] * dis[dst_f]
    return src_f, dst_f, norm


def setup_inputs(seed: int = 0) -> dict:
    key = jax.random.key(seed)
    k1, k2, k3, k4, k5 = jax.random.split(key, 5)
    x = jax.random.normal(k1, (N, IN_CH), dtype=jnp.float32)
    edge_index = jax.random.randint(k2, (2, E), 0, N, dtype=jnp.int64)
    s1 = 1.0 / np.sqrt(IN_CH)
    s2 = 1.0 / np.sqrt(HID)
    W1 = jax.random.uniform(k3, (IN_CH, HID), dtype=jnp.float32, minval=-s1, maxval=s1)
    b1 = jnp.zeros((HID,), dtype=jnp.float32)
    W_mu = jax.random.uniform(k4, (HID, OUT), dtype=jnp.float32, minval=-s2, maxval=s2)
    b_mu = jnp.zeros((OUT,), dtype=jnp.float32)
    W_lv = jax.random.uniform(k5, (HID, OUT), dtype=jnp.float32, minval=-s2, maxval=s2)
    b_lv = jnp.zeros((OUT,), dtype=jnp.float32)
    return {"x": x, "edge_index": edge_index, "W1": W1, "b1": b1, "W_mu": W_mu, "b_mu": b_mu, "W_lv": W_lv, "b_lv": b_lv}


def reference(x, edge_index, W1, b1, W_mu, b_mu, W_lv, b_lv):
    src_f, dst_f, norm = _build_norm(edge_index, N)
    h = jax.nn.relu(_gcn_conv(x, src_f, dst_f, norm, W1, b1, N))
    mu = _gcn_conv(h, src_f, dst_f, norm, W_mu, b_mu, N)
    logvar = _gcn_conv(h, src_f, dst_f, norm, W_lv, b_lv, N)
    return (mu, logvar)

if __name__ == "__main__":
    import jax
    _d = setup_inputs()
    print(jax.jit(kernel)(*tuple(_d.values())))

</pallas_src>

<mosaic_0001>
#map = affine_map<(d0, d1) -> (0, 0, 0, 0)>
#map1 = affine_map<(d0, d1) -> (0, 0)>
#map2 = affine_map<(d0, d1) -> (0, 0, 0)>
module attributes {stable_mosaic.version = 14 : i64} {
  func.func @_prop_body(%arg0: i32, %arg1: i32, %arg2: memref<32x80x2x128xi32, #tpu.memory_space<hbm>>, %arg3: memref<10240x128xf32, #tpu.memory_space<hbm>>, %arg4: memref<2x10240x128xf32, #tpu.memory_space<hbm>>, %arg5: memref<20x2x128xi32, #tpu.memory_space<vmem>>, %arg6: memref<128x128xf32, #tpu.memory_space<vmem>>, %arg7: memref<128x128xf32, #tpu.memory_space<vmem>>, %arg8: memref<10240x128xf32, #tpu.memory_space<vmem_shared>>, %arg9: memref<!tpu.dma_semaphore, #tpu.memory_space<semaphore_mem>>, %arg10: memref<!tpu.dma_semaphore, #tpu.memory_space<semaphore_mem>>) attributes {dimension_semantics = [#tpu.dimension_semantics<core_parallel>, #tpu.dimension_semantics<subcore_parallel>], iteration_bounds = array<i64: 2, 16>, scalar_prefetch = 0 : i64, scratch_operands = 6 : i64, tpu.core_type = #tpu.core_type<sc_vector_subcore>, window_params = [{transform_indices = #map}, {transform_indices = #map1}, {transform_indices = #map2}]} {
    %mul3A = arith.constant 16 : i32
    %mul3A_0 = arith.muli %arg0, %mul3A : i32
    %add3A = arith.addi %mul3A_0, %arg1 : i32
    %scan3A = arith.constant 0 : i32
    %scan3A_1 = arith.constant 128 : i32
    %scan3A_2 = arith.addi %scan3A, %scan3A_1 : i32
    %scan3A_3 = arith.constant 1 : i32
    scf.for %scan3A_98 = %scan3A to %scan3A_2 step %scan3A_3  : i32 {
      %mul3A_99 = arith.constant 1 : i32
      %mul3A_100 = arith.muli %scan3A_98, %mul3A_99 : i32
      %add3A_101 = arith.constant 0 : i32
      %add3A_102 = arith.addi %add3A_101, %mul3A_100 : i32
      %broadcast_in_dim3A = arith.constant 0.000000e+00 : f32
      %broadcast_in_dim3A_103 = vector.broadcast %broadcast_in_dim3A : f32 to vector<16xf32>
      %swap3A = arith.index_cast %add3A_102 : i32 to index
      %swap3A_104 = arith.constant 0 : index
      %swap3A_105 = tpu.vector_load %arg6[%swap3A, %swap3A_104] {strides = array<i32>} : memref<128x128xf32, #tpu.memory_space<vmem>>, vector<1x16xf32>,
      %swap3A_106 = vector.shape_cast %swap3A_105 : vector<1x16xf32> to vector<16xf32>
      %swap3A_107 = vector.shape_cast %broadcast_in_dim3A_103 : vector<16xf32> to vector<1x16xf32>
      tpu.vector_store %arg6[%swap3A, %swap3A_104], %swap3A_107 {strides = array<i32>} : memref<128x128xf32, #tpu.memory_space<vmem>>, vector<1x16xf32>,
      %broadcast_in_dim3A_108 = arith.constant 0.000000e+00 : f32
      %broadcast_in_dim3A_109 = vector.broadcast %broadcast_in_dim3A_108 : f32 to vector<16xf32>
      %swap3A_110 = arith.index_cast %add3A_102 : i32 to index
      %swap3A_111 = arith.constant 16 : index
      %swap3A_112 = tpu.vector_load %arg6[%swap3A_110, %swap3A_111] {strides = array<i32>} : memref<128x128xf32, #tpu.memory_space<vmem>>, vector<1x16xf32>,
      %swap3A_113 = vector.shape_cast %swap3A_112 : vector<1x16xf32> to vector<16xf32>
      %swap3A_114 = vector.shape_cast %broadcast_in_dim3A_109 : vector<16xf32> to vector<1x16xf32>
      tpu.vector_store %arg6[%swap3A_110, %swap3A_111], %swap3A_114 {strides = array<i32>} : memref<128x128xf32, #tpu.memory_space<vmem>>, vector<1x16xf32>,
      %broadcast_in_dim3A_115 = arith.constant 0.000000e+00 : f32
      %broadcast_in_dim3A_116 = vector.broadcast %broadcast_in_dim3A_115 : f32 to vector<16xf32>
      %swap3A_117 = arith.index_cast %add3A_102 : i32 to index
      %swap3A_118 = arith.constant 32 : index
      %swap3A_119 = tpu.vector_load %arg6[%swap3A_117, %swap3A_118] {strides = array<i32>} : memref<128x128xf32, #tpu.memory_space<vmem>>, vector<1x16xf32>,
      %swap3A_120 = vector.shape_cast %swap3A_119 : vector<1x16xf32> to vector<16xf32>
      %swap3A_121 = vector.shape_cast %broadcast_in_dim3A_116 : vector<16xf32> to vector<1x16xf32>
      tpu.vector_store %arg6[%swap3A_117, %swap3A_118], %swap3A_121 {strides = array<i32>} : memref<128x128xf32, #tpu.memory_space<vmem>>, vector<1x16xf32>,
      %broadcast_in_dim3A_122 = arith.constant 0.000000e+00 : f32
      %broadcast_in_dim3A_123 = vector.broadcast %broadcast_in_dim3A_122 : f32 to vector<16xf32>
      %swap3A_124 = arith.index_cast %add3A_102 : i32 to index
      %swap3A_125 = arith.constant 48 : index
      %swap3A_126 = tpu.vector_load %arg6[%swap3A_124, %swap3A_125] {strides = array<i32>} : memref<128x128xf32, #tpu.memory_space<vmem>>, vector<1x16xf32>,
      %swap3A_127 = vector.shape_cast %swap3A_126 : vector<1x16xf32> to vector<16xf32>
      %swap3A_128 = vector.shape_cast %broadcast_in_dim3A_123 : vector<16xf32> to vector<1x16xf32>
      tpu.vector_store %arg6[%swap3A_124, %swap3A_125], %swap3A_128 {strides = array<i32>} : memref<128x128xf32, #tpu.memory_space<vmem>>, vector<1x16xf32>,
      %broadcast_in_dim3A_129 = arith.constant 0.000000e+00 : f32
      %broadcast_in_dim3A_130 = vector.broadcast %broadcast_in_dim3A_129 : f32 to vector<16xf32>
      %swap3A_131 = arith.index_cast %add3A_102 : i32 to index
      %swap3A_132 = arith.constant 64 : index
      %swap3A_133 = tpu.vector_load %arg6[%swap3A_131, %swap3A_132] {strides = array<i32>} : memref<128x128xf32, #tpu.memory_space<vmem>>, vector<1x16xf32>,
      %swap3A_134 = vector.shape_cast %swap3A_133 : vector<1x16xf32> to vector<16xf32>
      %swap3A_135 = vector.shape_cast %broadcast_in_dim3A_130 : vector<16xf32> to vector<1x16xf32>
      tpu.vector_store %arg6[%swap3A_131, %swap3A_132], %swap3A_135 {strides = array<i32>} : memref<128x128xf32, #tpu.memory_space<vmem>>, vector<1x16xf32>,
      %broadcast_in_dim3A_136 = arith.constant 0.000000e+00 : f32
      %broadcast_in_dim3A_137 = vector.broadcast %broadcast_in_dim3A_136 : f32 to vector<16xf32>
      %swap3A_138 = arith.index_cast %add3A_102 : i32 to index
      %swap3A_139 = arith.constant 80 : index
      %swap3A_140 = tpu.vector_load %arg6[%swap3A_138, %swap3A_139] {strides = array<i32>} : memref<128x128xf32, #tpu.memory_space<vmem>>, vector<1x16xf32>,
      %swap3A_141 = vector.shape_cast %swap3A_140 : vector<1x16xf32> to vector<16xf32>
      %swap3A_142 = vector.shape_cast %broadcast_in_dim3A_137 : vector<16xf32> to vector<1x16xf32>
      tpu.vector_store %arg6[%swap3A_138, %swap3A_139], %swap3A_142 {strides = array<i32>} : memref<128x128xf32, #tpu.memory_space<vmem>>, vector<1x16xf32>,
      %broadcast_in_dim3A_143 = arith.constant 0.000000e+00 : f32
      %broadcast_in_dim3A_144 = vector.broadcast %broadcast_in_dim3A_143 : f32 to vector<16xf32>
      %swap3A_145 = arith.index_cast %add3A_102 : i32 to index
      %swap3A_146 = arith.constant 96 : index
      %swap3A_147 = tpu.vector_load %arg6[%swap3A_145, %swap3A_146] {strides = array<i32>} : memref<128x128xf32, #tpu.memory_space<vmem>>, vector<1x16xf32>,
      %swap3A_148 = vector.shape_cast %swap3A_147 : vector<1x16xf32> to vector<16xf32>
      %swap3A_149 = vector.shape_cast %broadcast_in_dim3A_144 : vector<16xf32> to vector<1x16xf32>
      tpu.vector_store %arg6[%swap3A_145, %swap3A_146], %swap3A_149 {strides = array<i32>} : memref<128x128xf32, #tpu.memory_space<vmem>>, vector<1x16xf32>,
      %broadcast_in_dim3A_150 = arith.constant 0.000000e+00 : f32
      %broadcast_in_dim3A_151 = vector.broadcast %broadcast_in_dim3A_150 : f32 to vector<16xf32>
      %swap3A_152 = arith.index_cast %add3A_102 : i32 to index
      %swap3A_153 = arith.constant 112 : index
      %swap3A_154 = tpu.vector_load %arg6[%swap3A_152, %swap3A_153] {strides = array<i32>} : memref<128x128xf32, #tpu.memory_space<vmem>>, vector<1x16xf32>,
      %swap3A_155 = vector.shape_cast %swap3A_154 : vector<1x16xf32> to vector<16xf32>
      %swap3A_156 = vector.shape_cast %broadcast_in_dim3A_151 : vector<16xf32> to vector<1x16xf32>
      tpu.vector_store %arg6[%swap3A_152, %swap3A_153], %swap3A_156 {strides = array<i32>} : memref<128x128xf32, #tpu.memory_space<vmem>>, vector<1x16xf32>,
    }
    %scan3A_4 = arith.constant 128 : i32
    %scan3A_5 = arith.constant 0 : i32
    %scan3A_6 = arith.constant 5 : i32
    %scan3A_7 = arith.addi %scan3A_5, %scan3A_6 : i32
    %scan3A_8 = arith.constant 1 : i32
    scf.for %scan3A_98 = %scan3A_5 to %scan3A_7 step %scan3A_8  : i32 {
      %mul3A_99 = arith.constant 1 : i32
      %mul3A_100 = arith.muli %scan3A_98, %mul3A_99 : i32
      %add3A_101 = arith.constant 0 : i32
      %add3A_102 = arith.addi %add3A_101, %mul3A_100 : i32
      %mul3A_103 = arith.constant 640 : i32
      %mul3A_104 = arith.muli %arg1, %mul3A_103 : i32
      %mul3A_105 = arith.constant 128 : i32
      %mul3A_106 = arith.muli %add3A_102, %mul3A_105 : i32
      %add3A_107 = arith.addi %mul3A_104, %mul3A_106 : i32
      "tpu.region"() ({
        %run_scoped3A = tpu.sem_alloc : memref<!tpu.dma_semaphore, #tpu.memory_space<semaphore_mem>>
        %dma_start3A_108 = arith.constant 0 : i32
        %dma_start3A_109 = tpu.memref_slice %arg8[%add3A_107, %dma_start3A_108] : memref<10240x128xf32, #tpu.memory_space<vmem_shared>> -> memref<128x128xf32, #tpu.memory_space<vmem_shared>>
        %dma_start3A_110 = arith.constant 0 : i32
        %dma_start3A_111 = tpu.memref_slice %arg8[%add3A_107, %dma_start3A_110] : memref<10240x128xf32, #tpu.memory_space<vmem_shared>> -> memref<128x128xf32, #tpu.memory_space<vmem_shared>>
        tpu.enqueue_dma source(%arg6 : memref<128x128xf32, #tpu.memory_space<vmem>>) target(%dma_start3A_111 : memref<128x128xf32, #tpu.memory_space<vmem_shared>>) target_semaphore(%run_scoped3A : memref<!tpu.dma_semaphore, #tpu.memory_space<semaphore_mem>>)
        %dma_wait3A = arith.constant 0 : i32
        %dma_wait3A_112 = tpu.memref_slice %arg8[%add3A_107, %dma_wait3A] : memref<10240x128xf32, #tpu.memory_space<vmem_shared>> -> memref<128x128xf32, #tpu.memory_space<vmem_shared>>
        %dma_wait3A_113 = arith.constant 0 : i32
        %dma_wait3A_114 = tpu.memref_slice %arg8[%add3A_107, %dma_wait3A_113] : memref<10240x128xf32, #tpu.memory_space<vmem_shared>> -> memref<128x128xf32, #tpu.memory_space<vmem_shared>>
        tpu.wait_dma2 semaphore(%run_scoped3A : memref<!tpu.dma_semaphore, #tpu.memory_space<semaphore_mem>>) src(%arg6 : memref<128x128xf32, #tpu.memory_space<vmem>>) dst(%dma_wait3A_114 : memref<128x128xf32, #tpu.memory_space<vmem_shared>>)
        tpu.yield
      }) : () -> ()
    }
    %scan3A_9 = arith.constant 5 : i32
    %barrier3A = arith.constant 0 : index
    tpu.barrier barrier_id(%barrier3A)
    "tpu.region"() ({
      %run_scoped3A = tpu.sem_alloc : memref<!tpu.dma_semaphore, #tpu.memory_space<semaphore_mem>>
      %dma_start3A_98 = arith.constant 0 : i32
      %dma_start3A_99 = arith.constant 0 : i32
      %dma_start3A_100 = arith.constant 0 : i32
      %dma_start3A_101 = tpu.memref_slice %arg2[%add3A, %dma_start3A_98, %dma_start3A_99, %dma_start3A_100] : memref<32x80x2x128xi32, #tpu.memory_space<hbm>> -> memref<1x20x2x128xi32, #tpu.memory_space<hbm>>
      %dma_start3A_102 = tpu.memref_squeeze %dma_start3A_101 : memref<1x20x2x128xi32, #tpu.memory_space<hbm>> -> memref<20x2x128xi32, #tpu.memory_space<hbm>>
      %dma_start3A_103 = arith.constant 0 : i32
      %dma_start3A_104 = arith.constant 0 : i32
      %dma_start3A_105 = arith.constant 0 : i32
      %dma_start3A_106 = tpu.memref_slice %arg2[%add3A, %dma_start3A_103, %dma_start3A_104, %dma_start3A_105] : memref<32x80x2x128xi32, #tpu.memory_space<hbm>> -> memref<1x20x2x128xi32, #tpu.memory_space<hbm>>
      %dma_start3A_107 = tpu.memref_squeeze %dma_start3A_106 : memref<1x20x2x128xi32, #tpu.memory_space<hbm>> -> memref<20x2x128xi32, #tpu.memory_space<hbm>>
      tpu.enqueue_dma source(%dma_start3A_107 : memref<20x2x128xi32, #tpu.memory_space<hbm>>) target(%arg5 : memref<20x2x128xi32, #tpu.memory_space<vmem>>) target_semaphore(%run_scoped3A : memref<!tpu.dma_semaphore, #tpu.memory_space<semaphore_mem>>)
      %dma_wait3A = arith.constant 0 : i32
      %dma_wait3A_108 = arith.constant 0 : i32
      %dma_wait3A_109 = arith.constant 0 : i32
      %dma_wait3A_110 = tpu.memref_slice %arg2[%add3A, %dma_wait3A, %dma_wait3A_108, %dma_wait3A_109] : memref<32x80x2x128xi32, #tpu.memory_space<hbm>> -> memref<1x20x2x128xi32, #tpu.memory_space<hbm>>
      %dma_wait3A_111 = tpu.memref_squeeze %dma_wait3A_110 : memref<1x20x2x128xi32, #tpu.memory_space<hbm>> -> memref<20x2x128xi32, #tpu.memory_space<hbm>>
      %dma_wait3A_112 = arith.constant 0 : i32
      %dma_wait3A_113 = arith.constant 0 : i32
      %dma_wait3A_114 = arith.constant 0 : i32
      %dma_wait3A_115 = tpu.memref_slice %arg2[%add3A, %dma_wait3A_112, %dma_wait3A_113, %dma_wait3A_114] : memref<32x80x2x128xi32, #tpu.memory_space<hbm>> -> memref<1x20x2x128xi32, #tpu.memory_space<hbm>>
      %dma_wait3A_116 = tpu.memref_squeeze %dma_wait3A_115 : memref<1x20x2x128xi32, #tpu.memory_space<hbm>> -> memref<20x2x128xi32, #tpu.memory_space<hbm>>
      tpu.wait_dma2 semaphore(%run_scoped3A : memref<!tpu.dma_semaphore, #tpu.memory_space<semaphore_mem>>) src(%dma_wait3A_116 : memref<20x2x128xi32, #tpu.memory_space<hbm>>) dst(%arg5 : memref<20x2x128xi32, #tpu.memory_space<vmem>>)
      tpu.yield
    }) : () -> ()
    %dma_start3A = arith.constant 0 : i32
    %dma_start3A_10 = arith.constant 0 : i32
    %dma_start3A_11 = arith.constant 0 : i32
    %dma_start3A_12 = tpu.memref_slice %arg5[%dma_start3A, %dma_start3A_10, %dma_start3A_11] : memref<20x2x128xi32, #tpu.memory_space<vmem>> -> memref<1x1x128xi32, #tpu.memory_space<vmem>>
    %dma_start3A_13 = tpu.memref_squeeze %dma_start3A_12 : memref<1x1x128xi32, #tpu.memory_space<vmem>> -> memref<128xi32, #tpu.memory_space<vmem>>
    %dma_start3A_14 = arith.constant 0 : i32
    %dma_start3A_15 = arith.constant 0 : i32
    %dma_start3A_16 = tpu.memref_slice %arg3[%dma_start3A_14, %dma_start3A_15] : memref<10240x128xf32, #tpu.memory_space<hbm>> -> memref<10240x128xf32, #tpu.memory_space<hbm>>
    tpu.enqueue_indirect_dma source(%dma_start3A_16 : memref<10240x128xf32, #tpu.memory_space<hbm>>) target(%arg6 : memref<128x128xf32, #tpu.memory_space<vmem>>) offsets(%dma_start3A_13 : memref<128xi32, #tpu.memory_space<vmem>>) semaphore(%arg9 : memref<!tpu.dma_semaphore, #tpu.memory_space<semaphore_mem>>)
    %dma_start3A_17 = arith.constant 1 : i32
    %dma_start3A_18 = arith.constant 0 : i32
    %dma_start3A_19 = arith.constant 0 : i32
    %dma_start3A_20 = tpu.memref_slice %arg5[%dma_start3A_17, %dma_start3A_18, %dma_start3A_19] : memref<20x2x128xi32, #tpu.memory_space<vmem>> -> memref<1x1x128xi32, #tpu.memory_space<vmem>>
    %dma_start3A_21 = tpu.memref_squeeze %dma_start3A_20 : memref<1x1x128xi32, #tpu.memory_space<vmem>> -> memref<128xi32, #tpu.memory_space<vmem>>
    %dma_start3A_22 = arith.constant 0 : i32
    %dma_start3A_23 = arith.constant 0 : i32
    %dma_start3A_24 = tpu.memref_slice %arg3[%dma_start3A_22, %dma_start3A_23] : memref<10240x128xf32, #tpu.memory_space<hbm>> -> memref<10240x128xf32, #tpu.memory_space<hbm>>
    tpu.enqueue_indirect_dma source(%dma_start3A_24 : memref<10240x128xf32, #tpu.memory_space<hbm>>) target(%arg7 : memref<128x128xf32, #tpu.memory_space<vmem>>) offsets(%dma_start3A_21 : memref<128xi32, #tpu.memory_space<vmem>>) semaphore(%arg10 : memref<!tpu.dma_semaphore, #tpu.memory_space<semaphore_mem>>)
    %scan3A_25 = arith.constant 0 : i32
    %scan3A_26 = arith.constant 10 : i32
    %scan3A_27 = arith.addi %scan3A_25, %scan3A_26 : i32
    %scan3A_28 = arith.constant 1 : i32
    scf.for %scan3A_98 = %scan3A_25 to %scan3A_27 step %scan3A_28  : i32 {
      %mul3A_99 = arith.constant 2 : i32
      %mul3A_100 = arith.muli %scan3A_98, %mul3A_99 : i32
      %add3A_101 = arith.constant 0 : i32
      %add3A_102 = arith.addi %add3A_101, %mul3A_100 : i32
      %add3A_103 = arith.constant 0 : i32
      %add3A_104 = arith.addi %add3A_102, %add3A_103 : i32
      %dma_wait3A = arith.constant 0 : i32
      %dma_wait3A_105 = arith.constant 0 : i32
      %dma_wait3A_106 = tpu.memref_slice %arg5[%add3A_104, %dma_wait3A, %dma_wait3A_105] : memref<20x2x128xi32, #tpu.memory_space<vmem>> -> memref<1x1x128xi32, #tpu.memory_space<vmem>>
      %dma_wait3A_107 = tpu.memref_squeeze %dma_wait3A_106 : memref<1x1x128xi32, #tpu.memory_space<vmem>> -> memref<128xi32, #tpu.memory_space<vmem>>
      %dma_wait3A_108 = arith.constant 0 : i32
      %dma_wait3A_109 = arith.constant 0 : i32
      %dma_wait3A_110 = tpu.memref_slice %arg3[%dma_wait3A_108, %dma_wait3A_109] : memref<10240x128xf32, #tpu.memory_space<hbm>> -> memref<10240x128xf32, #tpu.memory_space<hbm>>
      tpu.wait_indirect_dma semaphore(%arg9 : memref<!tpu.dma_semaphore, #tpu.memory_space<semaphore_mem>>) src(%dma_wait3A_110 : memref<10240x128xf32, #tpu.memory_space<hbm>>) dst(%arg6 : memref<128x128xf32, #tpu.memory_space<vmem>>)
      %run_scoped3A = arith.constant 1 : i32
      "tpu.region"() ({
        %run_scoped3A_132 = tpu.sem_alloc : memref<!tpu.dma_semaphore, #tpu.memory_space<semaphore_mem>>
        %dma_start3A_133 = arith.constant 0 : i32
        %dma_start3A_134 = tpu.memref_slice %arg5[%add3A_104, %run_scoped3A, %dma_start3A_133] : memref<20x2x128xi32, #tpu.memory_space<vmem>> -> memref<1x1x128xi32, #tpu.memory_space<vmem>>
        %dma_start3A_135 = tpu.memref_squeeze %dma_start3A_134 : memref<1x1x128xi32, #tpu.memory_space<vmem>> -> memref<128xi32, #tpu.memory_space<vmem>>
        %dma_start3A_136 = arith.constant 0 : i32
        %dma_start3A_137 = arith.constant 0 : i32
        %dma_start3A_138 = tpu.memref_slice %arg8[%dma_start3A_136, %dma_start3A_137] : memref<10240x128xf32, #tpu.memory_space<vmem_shared>> -> memref<10240x128xf32, #tpu.memory_space<vmem_shared>>
        tpu.enqueue_indirect_dma source(%arg6 : memref<128x128xf32, #tpu.memory_space<vmem>>) target(%dma_start3A_138 : memref<10240x128xf32, #tpu.memory_space<vmem_shared>>) offsets(%dma_start3A_135 : memref<128xi32, #tpu.memory_space<vmem>>) semaphore(%run_scoped3A_132 : memref<!tpu.dma_semaphore, #tpu.memory_space<semaphore_mem>>) {add = true}
        %dma_wait3A_139 = arith.constant 0 : i32
        %dma_wait3A_140 = tpu.memref_slice %arg5[%add3A_104, %run_scoped3A, %dma_wait3A_139] : memref<20x2x128xi32, #tpu.memory_space<vmem>> -> memref<1x1x128xi32, #tpu.memory_space<vmem>>
        %dma_wait3A_141 = tpu.memref_squeeze %dma_wait3A_140 : memref<1x1x128xi32, #tpu.memory_space<vmem>> -> memref<128xi32, #tpu.memory_space<vmem>>
        %dma_wait3A_142 = arith.constant 0 : i32
        %dma_wait3A_143 = arith.constant 0 : i32
        %dma_wait3A_144 = tpu.memref_slice %arg8[%dma_wait3A_142, %dma_wait3A_143] : memref<10240x128xf32, #tpu.memory_space<vmem_shared>> -> memref<10240x128xf32, #tpu.memory_space<vmem_shared>>
        tpu.wait_indirect_dma semaphore(%run_scoped3A_132 : memref<!tpu.dma_semaphore, #tpu.memory_space<semaphore_mem>>) src(%arg6 : memref<128x128xf32, #tpu.memory_space<vmem>>) dst(%dma_wait3A_144 : memref<10240x128xf32, #tpu.memory_space<vmem_shared>>)
        tpu.yield
      }) : () -> ()
      %add3A_111 = arith.constant 2 : i32
      %add3A_112 = arith.addi %add3A_104, %add3A_111 : i32
      %lt3A = arith.constant 20 : i32
      %lt3A_113 = arith.cmpi slt, %add3A_112, %lt3A : i32
      %convert_element_type3A = arith.extui %lt3A_113 : i1 to i32
      %cond3A = arith.constant 0 : i32
      %cond3A_114 = arith.cmpi ne, %convert_element_type3A, %cond3A : i32
      scf.if %cond3A_114 {
        %add3A_132 = arith.constant 2 : i32
        %add3A_133 = arith.addi %add3A_104, %add3A_132 : i32
        %dma_start3A_134 = arith.constant 0 : i32
        %dma_start3A_135 = arith.constant 0 : i32
        %dma_start3A_136 = tpu.memref_slice %arg5[%add3A_133, %dma_start3A_134, %dma_start3A_135] : memref<20x2x128xi32, #tpu.memory_space<vmem>> -> memref<1x1x128xi32, #tpu.memory_space<vmem>>
        %dma_start3A_137 = tpu.memref_squeeze %dma_start3A_136 : memref<1x1x128xi32, #tpu.memory_space<vmem>> -> memref<128xi32, #tpu.memory_space<vmem>>
        %dma_start3A_138 = arith.constant 0 : i32
        %dma_start3A_139 = arith.constant 0 : i32
        %dma_start3A_140 = tpu.memref_slice %arg3[%dma_start3A_138, %dma_start3A_139] : memref<10240x128xf32, #tpu.memory_space<hbm>> -> memref<10240x128xf32, #tpu.memory_space<hbm>>
        tpu.enqueue_indirect_dma source(%dma_start3A_140 : memref<10240x128xf32, #tpu.memory_space<hbm>>) target(%arg6 : memref<128x128xf32, #tpu.memory_space<vmem>>) offsets(%dma_start3A_137 : memref<128xi32, #tpu.memory_space<vmem>>) semaphore(%arg9 : memref<!tpu.dma_semaphore, #tpu.memory_space<semaphore_mem>>)
      } else {
      }
      %add3A_115 = arith.constant 1 : i32
      %add3A_116 = arith.addi %add3A_102, %add3A_115 : i32
      %dma_wait3A_117 = arith.constant 0 : i32
      %dma_wait3A_118 = arith.constant 0 : i32
      %dma_wait3A_119 = tpu.memref_slice %arg5[%add3A_116, %dma_wait3A_117, %dma_wait3A_118] : memref<20x2x128xi32, #tpu.memory_space<vmem>> -> memref<1x1x128xi32, #tpu.memory_space<vmem>>
      %dma_wait3A_120 = tpu.memref_squeeze %dma_wait3A_119 : memref<1x1x128xi32, #tpu.memory_space<vmem>> -> memref<128xi32, #tpu.memory_space<vmem>>
      %dma_wait3A_121 = arith.constant 0 : i32
      %dma_wait3A_122 = arith.constant 0 : i32
      %dma_wait3A_123 = tpu.memref_slice %arg3[%dma_wait3A_121, %dma_wait3A_122] : memref<10240x128xf32, #tpu.memory_space<hbm>> -> memref<10240x128xf32, #tpu.memory_space<hbm>>
      tpu.wait_indirect_dma semaphore(%arg10 : memref<!tpu.dma_semaphore, #tpu.memory_space<semaphore_mem>>) src(%dma_wait3A_123 : memref<10240x128xf32, #tpu.memory_space<hbm>>) dst(%arg7 : memref<128x128xf32, #tpu.memory_space<vmem>>)
      %run_scoped3A_124 = arith.constant 1 : i32
      "tpu.region"() ({
        %run_scoped3A_132 = tpu.sem_alloc : memref<!tpu.dma_semaphore, #tpu.memory_space<semaphore_mem>>
        %dma_start3A_133 = arith.constant 0 : i32
        %dma_start3A_134 = tpu.memref_slice %arg5[%add3A_116, %run_scoped3A_124, %dma_start3A_133] : memref<20x2x128xi32, #tpu.memory_space<vmem>> -> memref<1x1x128xi32, #tpu.memory_space<vmem>>
        %dma_start3A_135 = tpu.memref_squeeze %dma_start3A_134 : memref<1x1x128xi32, #tpu.memory_space<vmem>> -> memref<128xi32, #tpu.memory_space<vmem>>
        %dma_start3A_136 = arith.constant 0 : i32
        %dma_start3A_137 = arith.constant 0 : i32
        %dma_start3A_138 = tpu.memref_slice %arg8[%dma_start3A_136, %dma_start3A_137] : memref<10240x128xf32, #tpu.memory_space<vmem_shared>> -> memref<10240x128xf32, #tpu.memory_space<vmem_shared>>
        tpu.enqueue_indirect_dma source(%arg7 : memref<128x128xf32, #tpu.memory_space<vmem>>) target(%dma_start3A_138 : memref<10240x128xf32, #tpu.memory_space<vmem_shared>>) offsets(%dma_start3A_135 : memref<128xi32, #tpu.memory_space<vmem>>) semaphore(%run_scoped3A_132 : memref<!tpu.dma_semaphore, #tpu.memory_space<semaphore_mem>>) {add = true}
        %dma_wait3A_139 = arith.constant 0 : i32
        %dma_wait3A_140 = tpu.memref_slice %arg5[%add3A_116, %run_scoped3A_124, %dma_wait3A_139] : memref<20x2x128xi32, #tpu.memory_space<vmem>> -> memref<1x1x128xi32, #tpu.memory_space<vmem>>
        %dma_wait3A_141 = tpu.memref_squeeze %dma_wait3A_140 : memref<1x1x128xi32, #tpu.memory_space<vmem>> -> memref<128xi32, #tpu.memory_space<vmem>>
        %dma_wait3A_142 = arith.constant 0 : i32
        %dma_wait3A_143 = arith.constant 0 : i32
        %dma_wait3A_144 = tpu.memref_slice %arg8[%dma_wait3A_142, %dma_wait3A_143] : memref<10240x128xf32, #tpu.memory_space<vmem_shared>> -> memref<10240x128xf32, #tpu.memory_space<vmem_shared>>
        tpu.wait_indirect_dma semaphore(%run_scoped3A_132 : memref<!tpu.dma_semaphore, #tpu.memory_space<semaphore_mem>>) src(%arg7 : memref<128x128xf32, #tpu.memory_space<vmem>>) dst(%dma_wait3A_144 : memref<10240x128xf32, #tpu.memory_space<vmem_shared>>)
        tpu.yield
      }) : () -> ()
      %add3A_125 = arith.constant 2 : i32
      %add3A_126 = arith.addi %add3A_116, %add3A_125 : i32
      %lt3A_127 = arith.constant 20 : i32
      %lt3A_128 = arith.cmpi slt, %add3A_126, %lt3A_127 : i32
      %convert_element_type3A_129 = arith.extui %lt3A_128 : i1 to i32
      %cond3A_130 = arith.constant 0 : i32
      %cond3A_131 = arith.cmpi ne, %convert_element_type3A_129, %cond3A_130 : i32
      scf.if %cond3A_131 {
        %add3A_132 = arith.constant 2 : i32
        %add3A_133 = arith.addi %add3A_116, %add3A_132 : i32
        %dma_start3A_134 = arith.constant 0 : i32
        %dma_start3A_135 = arith.constant 0 : i32
        %dma_start3A_136 = tpu.memref_slice %arg5[%add3A_133, %dma_start3A_134, %dma_start3A_135] : memref<20x2x128xi32, #tpu.memory_space<vmem>> -> memref<1x1x128xi32, #tpu.memory_space<vmem>>
        %dma_start3A_137 = tpu.memref_squeeze %dma_start3A_136 : memref<1x1x128xi32, #tpu.memory_space<vmem>> -> memref<128xi32, #tpu.memory_space<vmem>>
        %dma_start3A_138 = arith.constant 0 : i32
        %dma_start3A_139 = arith.constant 0 : i32
        %dma_start3A_140 = tpu.memref_slice %arg3[%dma_start3A_138, %dma_start3A_139] : memref<10240x128xf32, #tpu.memory_space<hbm>> -> memref<10240x128xf32, #tpu.memory_space<hbm>>
        tpu.enqueue_indirect_dma source(%dma_start3A_140 : memref<10240x128xf32, #tpu.memory_space<hbm>>) target(%arg7 : memref<128x128xf32, #tpu.memory_space<vmem>>) offsets(%dma_start3A_137 : memref<128xi32, #tpu.memory_space<vmem>>) semaphore(%arg10 : memref<!tpu.dma_semaphore, #tpu.memory_space<semaphore_mem>>)
      } else {
      }
    }
    %scan3A_29 = arith.constant 10 : i32
    "tpu.region"() ({
      %run_scoped3A = tpu.sem_alloc : memref<!tpu.dma_semaphore, #tpu.memory_space<semaphore_mem>>
      %dma_start3A_98 = arith.constant 20 : i32
      %dma_start3A_99 = arith.constant 0 : i32
      %dma_start3A_100 = arith.constant 0 : i32
      %dma_start3A_101 = tpu.memref_slice %arg2[%add3A, %dma_start3A_98, %dma_start3A_99, %dma_start3A_100] : memref<32x80x2x128xi32, #tpu.memory_space<hbm>> -> memref<1x20x2x128xi32, #tpu.memory_space<hbm>>
      %dma_start3A_102 = tpu.memref_squeeze %dma_start3A_101 : memref<1x20x2x128xi32, #tpu.memory_space<hbm>> -> memref<20x2x128xi32, #tpu.memory_space<hbm>>
      %dma_start3A_103 = arith.constant 20 : i32
      %dma_start3A_104 = arith.constant 0 : i32
      %dma_start3A_105 = arith.constant 0 : i32
      %dma_start3A_106 = tpu.memref_slice %arg2[%add3A, %dma_start3A_103, %dma_start3A_104, %dma_start3A_105] : memref<32x80x2x128xi32, #tpu.memory_space<hbm>> -> memref<1x20x2x128xi32, #tpu.memory_space<hbm>>
      %dma_start3A_107 = tpu.memref_squeeze %dma_start3A_106 : memref<1x20x2x128xi32, #tpu.memory_space<hbm>> -> memref<20x2x128xi32, #tpu.memory_space<hbm>>
      tpu.enqueue_dma source(%dma_start3A_107 : memref<20x2x128xi32, #tpu.memory_space<hbm>>) target(%arg5 : memref<20x2x128xi32, #tpu.memory_space<vmem>>) target_semaphore(%run_scoped3A : memref<!tpu.dma_semaphore, #tpu.memory_space<semaphore_mem>>)
      %dma_wait3A = arith.constant 20 : i32
      %dma_wait3A_108 = arith.constant 0 : i32
      %dma_wait3A_109 = arith.constant 0 : i32
      %dma_wait3A_110 = tpu.memref_slice %arg2[%add3A, %dma_wait3A, %dma_wait3A_108, %dma_wait3A_109] : memref<32x80x2x128xi32, #tpu.memory_space<hbm>> -> memref<1x20x2x128xi32, #tpu.memory_space<hbm>>
      %dma_wait3A_111 = tpu.memref_squeeze %dma_wait3A_110 : memref<1x20x2x128xi32, #tpu.memory_space<hbm>> -> memref<20x2x128xi32, #tpu.memory_space<hbm>>
      %dma_wait3A_112 = arith.constant 20 : i32
      %dma_wait3A_113 = arith.constant 0 : i32
      %dma_wait3A_114 = arith.constant 0 : i32
      %dma_wait3A_115 = tpu.memref_slice %arg2[%add3A, %dma_wait3A_112, %dma_wait3A_113, %dma_wait3A_114] : memref<32x80x2x128xi32, #tpu.memory_space<hbm>> -> memref<1x20x2x128xi32, #tpu.memory_space<hbm>>
      %dma_wait3A_116 = tpu.memref_squeeze %dma_wait3A_115 : memref<1x20x2x128xi32, #tpu.memory_space<hbm>> -> memref<20x2x128xi32, #tpu.memory_space<hbm>>
      tpu.wait_dma2 semaphore(%run_scoped3A : memref<!tpu.dma_semaphore, #tpu.memory_space<semaphore_mem>>) src(%dma_wait3A_116 : memref<20x2x128xi32, #tpu.memory_space<hbm>>) dst(%arg5 : memref<20x2x128xi32, #tpu.memory_space<vmem>>)
      tpu.yield
    }) : () -> ()
    %dma_start3A_30 = arith.constant 0 : i32
    %dma_start3A_31 = arith.constant 0 : i32
    %dma_start3A_32 = arith.constant 0 : i32
    %dma_start3A_33 = tpu.memref_slice %arg5[%dma_start3A_30, %dma_start3A_31, %dma_start3A_32] : memref<20x2x128xi32, #tpu.memory_space<vmem>> -> memref<1x1x128xi32, #tpu.memory_space<vmem>>
    %dma_start3A_34 = tpu.memref_squeeze %dma_start3A_33 : memref<1x1x128xi32, #tpu.memory_space<vmem>> -> memref<128xi32, #tpu.memory_space<vmem>>
    %dma_start3A_35 = arith.constant 0 : i32
    %dma_start3A_36 = arith.constant 0 : i32
    %dma_start3A_37 = tpu.memref_slice %arg3[%dma_start3A_35, %dma_start3A_36] : memref<10240x128xf32, #tpu.memory_space<hbm>> -> memref<10240x128xf32, #tpu.memory_space<hbm>>
    tpu.enqueue_indirect_dma source(%dma_start3A_37 : memref<10240x128xf32, #tpu.memory_space<hbm>>) target(%arg6 : memref<128x128xf32, #tpu.memory_space<vmem>>) offsets(%dma_start3A_34 : memref<128xi32, #tpu.memory_space<vmem>>) semaphore(%arg9 : memref<!tpu.dma_semaphore, #tpu.memory_space<semaphore_mem>>)
    %dma_start3A_38 = arith.constant 1 : i32
    %dma_start3A_39 = arith.constant 0 : i32
    %dma_start3A_40 = arith.constant 0 : i32
    %dma_start3A_41 = tpu.memref_slice %arg5[%dma_start3A_38, %dma_start3A_39, %dma_start3A_40] : memref<20x2x128xi32, #tpu.memory_space<vmem>> -> memref<1x1x128xi32, #tpu.memory_space<vmem>>
    %dma_start3A_42 = tpu.memref_squeeze %dma_start3A_41 : memref<1x1x128xi32, #tpu.memory_space<vmem>> -> memref<128xi32, #tpu.memory_space<vmem>>
    %dma_start3A_43 = arith.constant 0 : i32
    %dma_start3A_44 = arith.constant 0 : i32
    %dma_start3A_45 = tpu.memref_slice %arg3[%dma_start3A_43, %dma_start3A_44] : memref<10240x128xf32, #tpu.memory_space<hbm>> -> memref<10240x128xf32, #tpu.memory_space<hbm>>
    tpu.enqueue_indirect_dma source(%dma_start3A_45 : memref<10240x128xf32, #tpu.memory_space<hbm>>) target(%arg7 : memref<128x128xf32, #tpu.memory_space<vmem>>) offsets(%dma_start3A_42 : memref<128xi32, #tpu.memory_space<vmem>>) semaphore(%arg10 : memref<!tpu.dma_semaphore, #tpu.memory_space<semaphore_mem>>)
    %scan3A_46 = arith.constant 0 : i32
    %scan3A_47 = arith.constant 10 : i32
    %scan3A_48 = arith.addi %scan3A_46, %scan3A_47 : i32
    %scan3A_49 = arith.constant 1 : i32
    scf.for %scan3A_98 = %scan3A_46 to %scan3A_48 step %scan3A_49  : i32 {
      %mul3A_99 = arith.constant 2 : i32
      %mul3A_100 = arith.muli %scan3A_98, %mul3A_99 : i32
      %add3A_101 = arith.constant 0 : i32
      %add3A_102 = arith.addi %add3A_101, %mul3A_100 : i32
      %add3A_103 = arith.constant 0 : i32
      %add3A_104 = arith.addi %add3A_102, %add3A_103 : i32
      %dma_wait3A = arith.constant 0 : i32
      %dma_wait3A_105 = arith.constant 0 : i32
      %dma_wait3A_106 = tpu.memref_slice %arg5[%add3A_104, %dma_wait3A, %dma_wait3A_105] : memref<20x2x128xi32, #tpu.memory_space<vmem>> -> memref<1x1x128xi32, #tpu.memory_space<vmem>>
      %dma_wait3A_107 = tpu.memref_squeeze %dma_wait3A_106 : memref<1x1x128xi32, #tpu.memory_space<vmem>> -> memref<128xi32, #tpu.memory_space<vmem>>
      %dma_wait3A_108 = arith.constant 0 : i32
      %dma_wait3A_109 = arith.constant 0 : i32
      %dma_wait3A_110 = tpu.memref_slice %arg3[%dma_wait3A_108, %dma_wait3A_109] : memref<10240x128xf32, #tpu.memory_space<hbm>> -> memref<10240x128xf32, #tpu.memory_space<hbm>>
      tpu.wait_indirect_dma semaphore(%arg9 : memref<!tpu.dma_semaphore, #tpu.memory_space<semaphore_mem>>) src(%dma_wait3A_110 : memref<10240x128xf32, #tpu.memory_space<hbm>>) dst(%arg6 : memref<128x128xf32, #tpu.memory_space<vmem>>)
      %run_scoped3A = arith.constant 1 : i32
      "tpu.region"() ({
        %run_scoped3A_132 = tpu.sem_alloc : memref<!tpu.dma_semaphore, #tpu.memory_space<semaphore_mem>>
        %dma_start3A_133 = arith.constant 0 : i32
        %dma_start3A_134 = tpu.memref_slice %arg5[%add3A_104, %run_scoped3A, %dma_start3A_133] : memref<20x2x128xi32, #tpu.memory_space<vmem>> -> memref<1x1x128xi32, #tpu.memory_space<vmem>>
        %dma_start3A_135 = tpu.memref_squeeze %dma_start3A_134 : memref<1x1x128xi32, #tpu.memory_space<vmem>> -> memref<128xi32, #tpu.memory_space<vmem>>
        %dma_start3A_136 = arith.constant 0 : i32
        %dma_start3A_137 = arith.constant 0 : i32
        %dma_start3A_138 = tpu.memref_slice %arg8[%dma_start3A_136, %dma_start3A_137] : memref<10240x128xf32, #tpu.memory_space<vmem_shared>> -> memref<10240x128xf32, #tpu.memory_space<vmem_shared>>
        tpu.enqueue_indirect_dma source(%arg6 : memref<128x128xf32, #tpu.memory_space<vmem>>) target(%dma_start3A_138 : memref<10240x128xf32, #tpu.memory_space<vmem_shared>>) offsets(%dma_start3A_135 : memref<128xi32, #tpu.memory_space<vmem>>) semaphore(%run_scoped3A_132 : memref<!tpu.dma_semaphore, #tpu.memory_space<semaphore_mem>>) {add = true}
        %dma_wait3A_139 = arith.constant 0 : i32
        %dma_wait3A_140 = tpu.memref_slice %arg5[%add3A_104, %run_scoped3A, %dma_wait3A_139] : memref<20x2x128xi32, #tpu.memory_space<vmem>> -> memref<1x1x128xi32, #tpu.memory_space<vmem>>
        %dma_wait3A_141 = tpu.memref_squeeze %dma_wait3A_140 : memref<1x1x128xi32, #tpu.memory_space<vmem>> -> memref<128xi32, #tpu.memory_space<vmem>>
        %dma_wait3A_142 = arith.constant 0 : i32
        %dma_wait3A_143 = arith.constant 0 : i32
        %dma_wait3A_144 = tpu.memref_slice %arg8[%dma_wait3A_142, %dma_wait3A_143] : memref<10240x128xf32, #tpu.memory_space<vmem_shared>> -> memref<10240x128xf32, #tpu.memory_space<vmem_shared>>
        tpu.wait_indirect_dma semaphore(%run_scoped3A_132 : memref<!tpu.dma_semaphore, #tpu.memory_space<semaphore_mem>>) src(%arg6 : memref<128x128xf32, #tpu.memory_space<vmem>>) dst(%dma_wait3A_144 : memref<10240x128xf32, #tpu.memory_space<vmem_shared>>)
        tpu.yield
      }) : () -> ()
      %add3A_111 = arith.constant 2 : i32
      %add3A_112 = arith.addi %add3A_104, %add3A_111 : i32
      %lt3A = arith.constant 20 : i32
      %lt3A_113 = arith.cmpi slt, %add3A_112, %lt3A : i32
      %convert_element_type3A = arith.extui %lt3A_113 : i1 to i32
      %cond3A = arith.constant 0 : i32
      %cond3A_114 = arith.cmpi ne, %convert_element_type3A, %cond3A : i32
      scf.if %cond3A_114 {
        %add3A_132 = arith.constant 2 : i32
        %add3A_133 = arith.addi %add3A_104, %add3A_132 : i32
        %dma_start3A_134 = arith.constant 0 : i32
        %dma_start3A_135 = arith.constant 0 : i32
        %dma_start3A_136 = tpu.memref_slice %arg5[%add3A_133, %dma_start3A_134, %dma_start3A_135] : memref<20x2x128xi32, #tpu.memory_space<vmem>> -> memref<1x1x128xi32, #tpu.memory_space<vmem>>
        %dma_start3A_137 = tpu.memref_squeeze %dma_start3A_136 : memref<1x1x128xi32, #tpu.memory_space<vmem>> -> memref<128xi32, #tpu.memory_space<vmem>>
        %dma_start3A_138 = arith.constant 0 : i32
        %dma_start3A_139 = arith.constant 0 : i32
        %dma_start3A_140 = tpu.memref_slice %arg3[%dma_start3A_138, %dma_start3A_139] : memref<10240x128xf32, #tpu.memory_space<hbm>> -> memref<10240x128xf32, #tpu.memory_space<hbm>>
        tpu.enqueue_indirect_dma source(%dma_start3A_140 : memref<10240x128xf32, #tpu.memory_space<hbm>>) target(%arg6 : memref<128x128xf32, #tpu.memory_space<vmem>>) offsets(%dma_start3A_137 : memref<128xi32, #tpu.memory_space<vmem>>) semaphore(%arg9 : memref<!tpu.dma_semaphore, #tpu.memory_space<semaphore_mem>>)
      } else {
      }
      %add3A_115 = arith.constant 1 : i32
      %add3A_116 = arith.addi %add3A_102, %add3A_115 : i32
      %dma_wait3A_117 = arith.constant 0 : i32
      %dma_wait3A_118 = arith.constant 0 : i32
      %dma_wait3A_119 = tpu.memref_slice %arg5[%add3A_116, %dma_wait3A_117, %dma_wait3A_118] : memref<20x2x128xi32, #tpu.memory_space<vmem>> -> memref<1x1x128xi32, #tpu.memory_space<vmem>>
      %dma_wait3A_120 = tpu.memref_squeeze %dma_wait3A_119 : memref<1x1x128xi32, #tpu.memory_space<vmem>> -> memref<128xi32, #tpu.memory_space<vmem>>
      %dma_wait3A_121 = arith.constant 0 : i32
      %dma_wait3A_122 = arith.constant 0 : i32
      %dma_wait3A_123 = tpu.memref_slice %arg3[%dma_wait3A_121, %dma_wait3A_122] : memref<10240x128xf32, #tpu.memory_space<hbm>> -> memref<10240x128xf32, #tpu.memory_space<hbm>>
      tpu.wait_indirect_dma semaphore(%arg10 : memref<!tpu.dma_semaphore, #tpu.memory_space<semaphore_mem>>) src(%dma_wait3A_123 : memref<10240x128xf32, #tpu.memory_space<hbm>>) dst(%arg7 : memref<128x128xf32, #tpu.memory_space<vmem>>)
      %run_scoped3A_124 = arith.constant 1 : i32
      "tpu.region"() ({
        %run_scoped3A_132 = tpu.sem_alloc : memref<!tpu.dma_semaphore, #tpu.memory_space<semaphore_mem>>
        %dma_start3A_133 = arith.constant 0 : i32
        %dma_start3A_134 = tpu.memref_slice %arg5[%add3A_116, %run_scoped3A_124, %dma_start3A_133] : memref<20x2x128xi32, #tpu.memory_space<vmem>> -> memref<1x1x128xi32, #tpu.memory_space<vmem>>
        %dma_start3A_135 = tpu.memref_squeeze %dma_start3A_134 : memref<1x1x128xi32, #tpu.memory_space<vmem>> -> memref<128xi32, #tpu.memory_space<vmem>>
        %dma_start3A_136 = arith.constant 0 : i32
        %dma_start3A_137 = arith.constant 0 : i32
        %dma_start3A_138 = tpu.memref_slice %arg8[%dma_start3A_136, %dma_start3A_137] : memref<10240x128xf32, #tpu.memory_space<vmem_shared>> -> memref<10240x128xf32, #tpu.memory_space<vmem_shared>>
        tpu.enqueue_indirect_dma source(%arg7 : memref<128x128xf32, #tpu.memory_space<vmem>>) target(%dma_start3A_138 : memref<10240x128xf32, #tpu.memory_space<vmem_shared>>) offsets(%dma_start3A_135 : memref<128xi32, #tpu.memory_space<vmem>>) semaphore(%run_scoped3A_132 : memref<!tpu.dma_semaphore, #tpu.memory_space<semaphore_mem>>) {add = true}
        %dma_wait3A_139 = arith.constant 0 : i32
        %dma_wait3A_140 = tpu.memref_slice %arg5[%add3A_116, %run_scoped3A_124, %dma_wait3A_139] : memref<20x2x128xi32, #tpu.memory_space<vmem>> -> memref<1x1x128xi32, #tpu.memory_space<vmem>>
        %dma_wait3A_141 = tpu.memref_squeeze %dma_wait3A_140 : memref<1x1x128xi32, #tpu.memory_space<vmem>> -> memref<128xi32, #tpu.memory_space<vmem>>
        %dma_wait3A_142 = arith.constant 0 : i32
        %dma_wait3A_143 = arith.constant 0 : i32
        %dma_wait3A_144 = tpu.memref_slice %arg8[%dma_wait3A_142, %dma_wait3A_143] : memref<10240x128xf32, #tpu.memory_space<vmem_shared>> -> memref<10240x128xf32, #tpu.memory_space<vmem_shared>>
        tpu.wait_indirect_dma semaphore(%run_scoped3A_132 : memref<!tpu.dma_semaphore, #tpu.memory_space<semaphore_mem>>) src(%arg7 : memref<128x128xf32, #tpu.memory_space<vmem>>) dst(%dma_wait3A_144 : memref<10240x128xf32, #tpu.memory_space<vmem_shared>>)
        tpu.yield
      }) : () -> ()
      %add3A_125 = arith.constant 2 : i32
      %add3A_126 = arith.addi %add3A_116, %add3A_125 : i32
      %lt3A_127 = arith.constant 20 : i32
      %lt3A_128 = arith.cmpi slt, %add3A_126, %lt3A_127 : i32
      %convert_element_type3A_129 = arith.extui %lt3A_128 : i1 to i32
      %cond3A_130 = arith.constant 0 : i32
      %cond3A_131 = arith.cmpi ne, %convert_element_type3A_129, %cond3A_130 : i32
      scf.if %cond3A_131 {
        %add3A_132 = arith.constant 2 : i32
        %add3A_133 = arith.addi %add3A_116, %add3A_132 : i32
        %dma_start3A_134 = arith.constant 0 : i32
        %dma_start3A_135 = arith.constant 0 : i32
        %dma_start3A_136 = tpu.memref_slice %arg5[%add3A_133, %dma_start3A_134, %dma_start3A_135] : memref<20x2x128xi32, #tpu.memory_space<vmem>> -> memref<1x1x128xi32, #tpu.memory_space<vmem>>
        %dma_start3A_137 = tpu.memref_squeeze %dma_start3A_136 : memref<1x1x128xi32, #tpu.memory_space<vmem>> -> memref<128xi32, #tpu.memory_space<vmem>>
        %dma_start3A_138 = arith.constant 0 : i32
        %dma_start3A_139 = arith.constant 0 : i32
        %dma_start3A_140 = tpu.memref_slice %arg3[%dma_start3A_138, %dma_start3A_139] : memref<10240x128xf32, #tpu.memory_space<hbm>> -> memref<10240x128xf32, #tpu.memory_space<hbm>>
        tpu.enqueue_indirect_dma source(%dma_start3A_140 : memref<10240x128xf32, #tpu.memory_space<hbm>>) target(%arg7 : memref<128x128xf32, #tpu.memory_space<vmem>>) offsets(%dma_start3A_137 : memref<128xi32, #tpu.memory_space<vmem>>) semaphore(%arg10 : memref<!tpu.dma_semaphore, #tpu.memory_space<semaphore_mem>>)
      } else {
      }
    }
    %scan3A_50 = arith.constant 10 : i32
    "tpu.region"() ({
      %run_scoped3A = tpu.sem_alloc : memref<!tpu.dma_semaphore, #tpu.memory_space<semaphore_mem>>
      %dma_start3A_98 = arith.constant 40 : i32
      %dma_start3A_99 = arith.constant 0 : i32
      %dma_start3A_100 = arith.constant 0 : i32
      %dma_start3A_101 = tpu.memref_slice %arg2[%add3A, %dma_start3A_98, %dma_start3A_99, %dma_start3A_100] : memref<32x80x2x128xi32, #tpu.memory_space<hbm>> -> memref<1x20x2x128xi32, #tpu.memory_space<hbm>>
      %dma_start3A_102 = tpu.memref_squeeze %dma_start3A_101 : memref<1x20x2x128xi32, #tpu.memory_space<hbm>> -> memref<20x2x128xi32, #tpu.memory_space<hbm>>
      %dma_start3A_103 = arith.constant 40 : i32
      %dma_start3A_104 = arith.constant 0 : i32
      %dma_start3A_105 = arith.constant 0 : i32
      %dma_start3A_106 = tpu.memref_slice %arg2[%add3A, %dma_start3A_103, %dma_start3A_104, %dma_start3A_105] : memref<32x80x2x128xi32, #tpu.memory_space<hbm>> -> memref<1x20x2x128xi32, #tpu.memory_space<hbm>>
      %dma_start3A_107 = tpu.memref_squeeze %dma_start3A_106 : memref<1x20x2x128xi32, #tpu.memory_space<hbm>> -> memref<20x2x128xi32, #tpu.memory_space<hbm>>
      tpu.enqueue_dma source(%dma_start3A_107 : memref<20x2x128xi32, #tpu.memory_space<hbm>>) target(%arg5 : memref<20x2x128xi32, #tpu.memory_space<vmem>>) target_semaphore(%run_scoped3A : memref<!tpu.dma_semaphore, #tpu.memory_space<semaphore_mem>>)
      %dma_wait3A = arith.constant 40 : i32
      %dma_wait3A_108 = arith.constant 0 : i32
      %dma_wait3A_109 = arith.constant 0 : i32
      %dma_wait3A_110 = tpu.memref_slice %arg2[%add3A, %dma_wait3A, %dma_wait3A_108, %dma_wait3A_109] : memref<32x80x2x128xi32, #tpu.memory_space<hbm>> -> memref<1x20x2x128xi32, #tpu.memory_space<hbm>>
      %dma_wait3A_111 = tpu.memref_squeeze %dma_wait3A_110 : memref<1x20x2x128xi32, #tpu.memory_space<hbm>> -> memref<20x2x128xi32, #tpu.memory_space<hbm>>
      %dma_wait3A_112 = arith.constant 40 : i32
      %dma_wait3A_113 = arith.constant 0 : i32
      %dma_wait3A_114 = arith.constant 0 : i32
      %dma_wait3A_115 = tpu.memref_slice %arg2[%add3A, %dma_wait3A_112, %dma_wait3A_113, %dma_wait3A_114] : memref<32x80x2x128xi32, #tpu.memory_space<hbm>> -> memref<1x20x2x128xi32, #tpu.memory_space<hbm>>
      %dma_wait3A_116 = tpu.memref_squeeze %dma_wait3A_115 : memref<1x20x2x128xi32, #tpu.memory_space<hbm>> -> memref<20x2x128xi32, #tpu.memory_space<hbm>>
      tpu.wait_dma2 semaphore(%run_scoped3A : memref<!tpu.dma_semaphore, #tpu.memory_space<semaphore_mem>>) src(%dma_wait3A_116 : memref<20x2x128xi32, #tpu.memory_space<hbm>>) dst(%arg5 : memref<20x2x128xi32, #tpu.memory_space<vmem>>)
      tpu.yield
    }) : () -> ()
    %dma_start3A_51 = arith.constant 0 : i32
    %dma_start3A_52 = arith.constant 0 : i32
    %dma_start3A_53 = arith.constant 0 : i32
    %dma_start3A_54 = tpu.memref_slice %arg5[%dma_start3A_51, %dma_start3A_52, %dma_start3A_53] : memref<20x2x128xi32, #tpu.memory_space<vmem>> -> memref<1x1x128xi32, #tpu.memory_space<vmem>>
    %dma_start3A_55 = tpu.memref_squeeze %dma_start3A_54 : memref<1x1x128xi32, #tpu.memory_space<vmem>> -> memref<128xi32, #tpu.memory_space<vmem>>
    %dma_start3A_56 = arith.constant 0 : i32
    %dma_start3A_57 = arith.constant 0 : i32
    %dma_start3A_58 = tpu.memref_slice %arg3[%dma_start3A_56, %dma_start3A_57] : memref<10240x128xf32, #tpu.memory_space<hbm>> -> memref<10240x128xf32, #tpu.memory_space<hbm>>
    tpu.enqueue_indirect_dma source(%dma_start3A_58 : memref<10240x128xf32, #tpu.memory_space<hbm>>) target(%arg6 : memref<128x128xf32, #tpu.memory_space<vmem>>) offsets(%dma_start3A_55 : memref<128xi32, #tpu.memory_space<vmem>>) semaphore(%arg9 : memref<!tpu.dma_semaphore, #tpu.memory_space<semaphore_mem>>)
    %dma_start3A_59 = arith.constant 1 : i32
    %dma_start3A_60 = arith.constant 0 : i32
    %dma_start3A_61 = arith.constant 0 : i32
    %dma_start3A_62 = tpu.memref_slice %arg5[%dma_start3A_59, %dma_start3A_60, %dma_start3A_61] : memref<20x2x128xi32, #tpu.memory_space<vmem>> -> memref<1x1x128xi32, #tpu.memory_space<vmem>>
    %dma_start3A_63 = tpu.memref_squeeze %dma_start3A_62 : memref<1x1x128xi32, #tpu.memory_space<vmem>> -> memref<128xi32, #tpu.memory_space<vmem>>
    %dma_start3A_64 = arith.constant 0 : i32
    %dma_start3A_65 = arith.constant 0 : i32
    %dma_start3A_66 = tpu.memref_slice %arg3[%dma_start3A_64, %dma_start3A_65] : memref<10240x128xf32, #tpu.memory_space<hbm>> -> memref<10240x128xf32, #tpu.memory_space<hbm>>
    tpu.enqueue_indirect_dma source(%dma_start3A_66 : memref<10240x128xf32, #tpu.memory_space<hbm>>) target(%arg7 : memref<128x128xf32, #tpu.memory_space<vmem>>) offsets(%dma_start3A_63 : memref<128xi32, #tpu.memory_space<vmem>>) semaphore(%arg10 : memref<!tpu.dma_semaphore, #tpu.memory_space<semaphore_mem>>)
    %scan3A_67 = arith.constant 0 : i32
    %scan3A_68 = arith.constant 10 : i32
    %scan3A_69 = arith.addi %scan3A_67, %scan3A_68 : i32
    %scan3A_70 = arith.constant 1 : i32
    scf.for %scan3A_98 = %scan3A_67 to %scan3A_69 step %scan3A_70  : i32 {
      %mul3A_99 = arith.constant 2 : i32
      %mul3A_100 = arith.muli %scan3A_98, %mul3A_99 : i32
      %add3A_101 = arith.constant 0 : i32
      %add3A_102 = arith.addi %add3A_101, %mul3A_100 : i32
      %add3A_103 = arith.constant 0 : i32
      %add3A_104 = arith.addi %add3A_102, %add3A_103 : i32
      %dma_wait3A = arith.constant 0 : i32
      %dma_wait3A_105 = arith.constant 0 : i32
      %dma_wait3A_106 = tpu.memref_slice %arg5[%add3A_104, %dma_wait3A, %dma_wait3A_105] : memref<20x2x128xi32, #tpu.memory_space<vmem>> -> memref<1x1x128xi32, #tpu.memory_space<vmem>>
      %dma_wait3A_107 = tpu.memref_squeeze %dma_wait3A_106 : memref<1x1x128xi32, #tpu.memory_space<vmem>> -> memref<128xi32, #tpu.memory_space<vmem>>
      %dma_wait3A_108 = arith.constant 0 : i32
      %dma_wait3A_109 = arith.constant 0 : i32
      %dma_wait3A_110 = tpu.memref_slice %arg3[%dma_wait3A_108, %dma_wait3A_109] : memref<10240x128xf32, #tpu.memory_space<hbm>> -> memref<10240x128xf32, #tpu.memory_space<hbm>>
      tpu.wait_indirect_dma semaphore(%arg9 : memref<!tpu.dma_semaphore, #tpu.memory_space<semaphore_mem>>) src(%dma_wait3A_110 : memref<10240x128xf32, #tpu.memory_space<hbm>>) dst(%arg6 : memref<128x128xf32, #tpu.memory_space<vmem>>)
      %run_scoped3A = arith.constant 1 : i32
      "tpu.region"() ({
        %run_scoped3A_132 = tpu.sem_alloc : memref<!tpu.dma_semaphore, #tpu.memory_space<semaphore_mem>>
        %dma_start3A_133 = arith.constant 0 : i32
        %dma_start3A_134 = tpu.memref_slice %arg5[%add3A_104, %run_scoped3A, %dma_start3A_133] : memref<20x2x128xi32, #tpu.memory_space<vmem>> -> memref<1x1x128xi32, #tpu.memory_space<vmem>>
        %dma_start3A_135 = tpu.memref_squeeze %dma_start3A_134 : memref<1x1x128xi32, #tpu.memory_space<vmem>> -> memref<128xi32, #tpu.memory_space<vmem>>
        %dma_start3A_136 = arith.constant 0 : i32
        %dma_start3A_137 = arith.constant 0 : i32
        %dma_start3A_138 = tpu.memref_slice %arg8[%dma_start3A_136, %dma_start3A_137] : memref<10240x128xf32, #tpu.memory_space<vmem_shared>> -> memref<10240x128xf32, #tpu.memory_space<vmem_shared>>
        tpu.enqueue_indirect_dma source(%arg6 : memref<128x128xf32, #tpu.memory_space<vmem>>) target(%dma_start3A_138 : memref<10240x128xf32, #tpu.memory_space<vmem_shared>>) offsets(%dma_start3A_135 : memref<128xi32, #tpu.memory_space<vmem>>) semaphore(%run_scoped3A_132 : memref<!tpu.dma_semaphore, #tpu.memory_space<semaphore_mem>>) {add = true}
        %dma_wait3A_139 = arith.constant 0 : i32
        %dma_wait3A_140 = tpu.memref_slice %arg5[%add3A_104, %run_scoped3A, %dma_wait3A_139] : memref<20x2x128xi32, #tpu.memory_space<vmem>> -> memref<1x1x128xi32, #tpu.memory_space<vmem>>
        %dma_wait3A_141 = tpu.memref_squeeze %dma_wait3A_140 : memref<1x1x128xi32, #tpu.memory_space<vmem>> -> memref<128xi32, #tpu.memory_space<vmem>>
        %dma_wait3A_142 = arith.constant 0 : i32
        %dma_wait3A_143 = arith.constant 0 : i32
        %dma_wait3A_144 = tpu.memref_slice %arg8[%dma_wait3A_142, %dma_wait3A_143] : memref<10240x128xf32, #tpu.memory_space<vmem_shared>> -> memref<10240x128xf32, #tpu.memory_space<vmem_shared>>
        tpu.wait_indirect_dma semaphore(%run_scoped3A_132 : memref<!tpu.dma_semaphore, #tpu.memory_space<semaphore_mem>>) src(%arg6 : memref<128x128xf32, #tpu.memory_space<vmem>>) dst(%dma_wait3A_144 : memref<10240x128xf32, #tpu.memory_space<vmem_shared>>)
        tpu.yield
      }) : () -> ()
      %add3A_111 = arith.constant 2 : i32
      %add3A_112 = arith.addi %add3A_104, %add3A_111 : i32
      %lt3A = arith.constant 20 : i32
      %lt3A_113 = arith.cmpi slt, %add3A_112, %lt3A : i32
      %convert_element_type3A = arith.extui %lt3A_113 : i1 to i32
      %cond3A = arith.constant 0 : i32
      %cond3A_114 = arith.cmpi ne, %convert_element_type3A, %cond3A : i32
      scf.if %cond3A_114 {
        %add3A_132 = arith.constant 2 : i32
        %add3A_133 = arith.addi %add3A_104, %add3A_132 : i32
        %dma_start3A_134 = arith.constant 0 : i32
        %dma_start3A_135 = arith.constant 0 : i32
        %dma_start3A_136 = tpu.memref_slice %arg5[%add3A_133, %dma_start3A_134, %dma_start3A_135] : memref<20x2x128xi32, #tpu.memory_space<vmem>> -> memref<1x1x128xi32, #tpu.memory_space<vmem>>
        %dma_start3A_137 = tpu.memref_squeeze %dma_start3A_136 : memref<1x1x128xi32, #tpu.memory_space<vmem>> -> memref<128xi32, #tpu.memory_space<vmem>>
        %dma_start3A_138 = arith.constant 0 : i32
        %dma_start3A_139 = arith.constant 0 : i32
        %dma_start3A_140 = tpu.memref_slice %arg3[%dma_start3A_138, %dma_start3A_139] : memref<10240x128xf32, #tpu.memory_space<hbm>> -> memref<10240x128xf32, #tpu.memory_space<hbm>>
        tpu.enqueue_indirect_dma source(%dma_start3A_140 : memref<10240x128xf32, #tpu.memory_space<hbm>>) target(%arg6 : memref<128x128xf32, #tpu.memory_space<vmem>>) offsets(%dma_start3A_137 : memref<128xi32, #tpu.memory_space<vmem>>) semaphore(%arg9 : memref<!tpu.dma_semaphore, #tpu.memory_space<semaphore_mem>>)
      } else {
      }
      %add3A_115 = arith.constant 1 : i32
      %add3A_116 = arith.addi %add3A_102, %add3A_115 : i32
      %dma_wait3A_117 = arith.constant 0 : i32
      %dma_wait3A_118 = arith.constant 0 : i32
      %dma_wait3A_119 = tpu.memref_slice %arg5[%add3A_116, %dma_wait3A_117, %dma_wait3A_118] : memref<20x2x128xi32, #tpu.memory_space<vmem>> -> memref<1x1x128xi32, #tpu.memory_space<vmem>>
      %dma_wait3A_120 = tpu.memref_squeeze %dma_wait3A_119 : memref<1x1x128xi32, #tpu.memory_space<vmem>> -> memref<128xi32, #tpu.memory_space<vmem>>
      %dma_wait3A_121 = arith.constant 0 : i32
      %dma_wait3A_122 = arith.constant 0 : i32
      %dma_wait3A_123 = tpu.memref_slice %arg3[%dma_wait3A_121, %dma_wait3A_122] : memref<10240x128xf32, #tpu.memory_space<hbm>> -> memref<10240x128xf32, #tpu.memory_space<hbm>>
      tpu.wait_indirect_dma semaphore(%arg10 : memref<!tpu.dma_semaphore, #tpu.memory_space<semaphore_mem>>) src(%dma_wait3A_123 : memref<10240x128xf32, #tpu.memory_space<hbm>>) dst(%arg7 : memref<128x128xf32, #tpu.memory_space<vmem>>)
      %run_scoped3A_124 = arith.constant 1 : i32
      "tpu.region"() ({
        %run_scoped3A_132 = tpu.sem_alloc : memref<!tpu.dma_semaphore, #tpu.memory_space<semaphore_mem>>
        %dma_start3A_133 = arith.constant 0 : i32
        %dma_start3A_134 = tpu.memref_slice %arg5[%add3A_116, %run_scoped3A_124, %dma_start3A_133] : memref<20x2x128xi32, #tpu.memory_space<vmem>> -> memref<1x1x128xi32, #tpu.memory_space<vmem>>
        %dma_start3A_135 = tpu.memref_squeeze %dma_start3A_134 : memref<1x1x128xi32, #tpu.memory_space<vmem>> -> memref<128xi32, #tpu.memory_space<vmem>>
        %dma_start3A_136 = arith.constant 0 : i32
        %dma_start3A_137 = arith.constant 0 : i32
        %dma_start3A_138 = tpu.memref_slice %arg8[%dma_start3A_136, %dma_start3A_137] : memref<10240x128xf32, #tpu.memory_space<vmem_shared>> -> memref<10240x128xf32, #tpu.memory_space<vmem_shared>>
        tpu.enqueue_indirect_dma source(%arg7 : memref<128x128xf32, #tpu.memory_space<vmem>>) target(%dma_start3A_138 : memref<10240x128xf32, #tpu.memory_space<vmem_shared>>) offsets(%dma_start3A_135 : memref<128xi32, #tpu.memory_space<vmem>>) semaphore(%run_scoped3A_132 : memref<!tpu.dma_semaphore, #tpu.memory_space<semaphore_mem>>) {add = true}
        %dma_wait3A_139 = arith.constant 0 : i32
        %dma_wait3A_140 = tpu.memref_slice %arg5[%add3A_116, %run_scoped3A_124, %dma_wait3A_139] : memref<20x2x128xi32, #tpu.memory_space<vmem>> -> memref<1x1x128xi32, #tpu.memory_space<vmem>>
        %dma_wait3A_141 = tpu.memref_squeeze %dma_wait3A_140 : memref<1x1x128xi32, #tpu.memory_space<vmem>> -> memref<128xi32, #tpu.memory_space<vmem>>
        %dma_wait3A_142 = arith.constant 0 : i32
        %dma_wait3A_143 = arith.constant 0 : i32
        %dma_wait3A_144 = tpu.memref_slice %arg8[%dma_wait3A_142, %dma_wait3A_143] : memref<10240x128xf32, #tpu.memory_space<vmem_shared>> -> memref<10240x128xf32, #tpu.memory_space<vmem_shared>>
        tpu.wait_indirect_dma semaphore(%run_scoped3A_132 : memref<!tpu.dma_semaphore, #tpu.memory_space<semaphore_mem>>) src(%arg7 : memref<128x128xf32, #tpu.memory_space<vmem>>) dst(%dma_wait3A_144 : memref<10240x128xf32, #tpu.memory_space<vmem_shared>>)
        tpu.yield
      }) : () -> ()
      %add3A_125 = arith.constant 2 : i32
      %add3A_126 = arith.addi %add3A_116, %add3A_125 : i32
      %lt3A_127 = arith.constant 20 : i32
      %lt3A_128 = arith.cmpi slt, %add3A_126, %lt3A_127 : i32
      %convert_element_type3A_129 = arith.extui %lt3A_128 : i1 to i32
      %cond3A_130 = arith.constant 0 : i32
      %cond3A_131 = arith.cmpi ne, %convert_element_type3A_129, %cond3A_130 : i32
      scf.if %cond3A_131 {
        %add3A_132 = arith.constant 2 : i32
        %add3A_133 = arith.addi %add3A_116, %add3A_132 : i32
        %dma_start3A_134 = arith.constant 0 : i32
        %dma_start3A_135 = arith.constant 0 : i32
        %dma_start3A_136 = tpu.memref_slice %arg5[%add3A_133, %dma_start3A_134, %dma_start3A_135] : memref<20x2x128xi32, #tpu.memory_space<vmem>> -> memref<1x1x128xi32, #tpu.memory_space<vmem>>
        %dma_start3A_137 = tpu.memref_squeeze %dma_start3A_136 : memref<1x1x128xi32, #tpu.memory_space<vmem>> -> memref<128xi32, #tpu.memory_space<vmem>>
        %dma_start3A_138 = arith.constant 0 : i32
        %dma_start3A_139 = arith.constant 0 : i32
        %dma_start3A_140 = tpu.memref_slice %arg3[%dma_start3A_138, %dma_start3A_139] : memref<10240x128xf32, #tpu.memory_space<hbm>> -> memref<10240x128xf32, #tpu.memory_space<hbm>>
        tpu.enqueue_indirect_dma source(%dma_start3A_140 : memref<10240x128xf32, #tpu.memory_space<hbm>>) target(%arg7 : memref<128x128xf32, #tpu.memory_space<vmem>>) offsets(%dma_start3A_137 : memref<128xi32, #tpu.memory_space<vmem>>) semaphore(%arg10 : memref<!tpu.dma_semaphore, #tpu.memory_space<semaphore_mem>>)
      } else {
      }
    }
    %scan3A_71 = arith.constant 10 : i32
    "tpu.region"() ({
      %run_scoped3A = tpu.sem_alloc : memref<!tpu.dma_semaphore, #tpu.memory_space<semaphore_mem>>
      %dma_start3A_98 = arith.constant 60 : i32
      %dma_start3A_99 = arith.constant 0 : i32
      %dma_start3A_100 = arith.constant 0 : i32
      %dma_start3A_101 = tpu.memref_slice %arg2[%add3A, %dma_start3A_98, %dma_start3A_99, %dma_start3A_100] : memref<32x80x2x128xi32, #tpu.memory_space<hbm>> -> memref<1x20x2x128xi32, #tpu.memory_space<hbm>>
      %dma_start3A_102 = tpu.memref_squeeze %dma_start3A_101 : memref<1x20x2x128xi32, #tpu.memory_space<hbm>> -> memref<20x2x128xi32, #tpu.memory_space<hbm>>
      %dma_start3A_103 = arith.constant 60 : i32
      %dma_start3A_104 = arith.constant 0 : i32
      %dma_start3A_105 = arith.constant 0 : i32
      %dma_start3A_106 = tpu.memref_slice %arg2[%add3A, %dma_start3A_103, %dma_start3A_104, %dma_start3A_105] : memref<32x80x2x128xi32, #tpu.memory_space<hbm>> -> memref<1x20x2x128xi32, #tpu.memory_space<hbm>>
      %dma_start3A_107 = tpu.memref_squeeze %dma_start3A_106 : memref<1x20x2x128xi32, #tpu.memory_space<hbm>> -> memref<20x2x128xi32, #tpu.memory_space<hbm>>
      tpu.enqueue_dma source(%dma_start3A_107 : memref<20x2x128xi32, #tpu.memory_space<hbm>>) target(%arg5 : memref<20x2x128xi32, #tpu.memory_space<vmem>>) target_semaphore(%run_scoped3A : memref<!tpu.dma_semaphore, #tpu.memory_space<semaphore_mem>>)
      %dma_wait3A = arith.constant 60 : i32
      %dma_wait3A_108 = arith.constant 0 : i32
      %dma_wait3A_109 = arith.constant 0 : i32
      %dma_wait3A_110 = tpu.memref_slice %arg2[%add3A, %dma_wait3A, %dma_wait3A_108, %dma_wait3A_109] : memref<32x80x2x128xi32, #tpu.memory_space<hbm>> -> memref<1x20x2x128xi32, #tpu.memory_space<hbm>>
      %dma_wait3A_111 = tpu.memref_squeeze %dma_wait3A_110 : memref<1x20x2x128xi32, #tpu.memory_space<hbm>> -> memref<20x2x128xi32, #tpu.memory_space<hbm>>
      %dma_wait3A_112 = arith.constant 60 : i32
      %dma_wait3A_113 = arith.constant 0 : i32
      %dma_wait3A_114 = arith.constant 0 : i32
      %dma_wait3A_115 = tpu.memref_slice %arg2[%add3A, %dma_wait3A_112, %dma_wait3A_113, %dma_wait3A_114] : memref<32x80x2x128xi32, #tpu.memory_space<hbm>> -> memref<1x20x2x128xi32, #tpu.memory_space<hbm>>
      %dma_wait3A_116 = tpu.memref_squeeze %dma_wait3A_115 : memref<1x20x2x128xi32, #tpu.memory_space<hbm>> -> memref<20x2x128xi32, #tpu.memory_space<hbm>>
      tpu.wait_dma2 semaphore(%run_scoped3A : memref<!tpu.dma_semaphore, #tpu.memory_space<semaphore_mem>>) src(%dma_wait3A_116 : memref<20x2x128xi32, #tpu.memory_space<hbm>>) dst(%arg5 : memref<20x2x128xi32, #tpu.memory_space<vmem>>)
      tpu.yield
    }) : () -> ()
    %dma_start3A_72 = arith.constant 0 : i32
    %dma_start3A_73 = arith.constant 0 : i32
    %dma_start3A_74 = arith.constant 0 : i32
    %dma_start3A_75 = tpu.memref_slice %arg5[%dma_start3A_72, %dma_start3A_73, %dma_start3A_74] : memref<20x2x128xi32, #tpu.memory_space<vmem>> -> memref<1x1x128xi32, #tpu.memory_space<vmem>>
    %dma_start3A_76 = tpu.memref_squeeze %dma_start3A_75 : memref<1x1x128xi32, #tpu.memory_space<vmem>> -> memref<128xi32, #tpu.memory_space<vmem>>
    %dma_start3A_77 = arith.constant 0 : i32
    %dma_start3A_78 = arith.constant 0 : i32
    %dma_start3A_79 = tpu.memref_slice %arg3[%dma_start3A_77, %dma_start3A_78] : memref<10240x128xf32, #tpu.memory_space<hbm>> -> memref<10240x128xf32, #tpu.memory_space<hbm>>
    tpu.enqueue_indirect_dma source(%dma_start3A_79 : memref<10240x128xf32, #tpu.memory_space<hbm>>) target(%arg6 : memref<128x128xf32, #tpu.memory_space<vmem>>) offsets(%dma_start3A_76 : memref<128xi32, #tpu.memory_space<vmem>>) semaphore(%arg9 : memref<!tpu.dma_semaphore, #tpu.memory_space<semaphore_mem>>)
    %dma_start3A_80 = arith.constant 1 : i32
    %dma_start3A_81 = arith.constant 0 : i32
    %dma_start3A_82 = arith.constant 0 : i32
    %dma_start3A_83 = tpu.memref_slice %arg5[%dma_start3A_80, %dma_start3A_81, %dma_start3A_82] : memref<20x2x128xi32, #tpu.memory_space<vmem>> -> memref<1x1x128xi32, #tpu.memory_space<vmem>>
    %dma_start3A_84 = tpu.memref_squeeze %dma_start3A_83 : memref<1x1x128xi32, #tpu.memory_space<vmem>> -> memref<128xi32, #tpu.memory_space<vmem>>
    %dma_start3A_85 = arith.constant 0 : i32
    %dma_start3A_86 = arith.constant 0 : i32
    %dma_start3A_87 = tpu.memref_slice %arg3[%dma_start3A_85, %dma_start3A_86] : memref<10240x128xf32, #tpu.memory_space<hbm>> -> memref<10240x128xf32, #tpu.memory_space<hbm>>
    tpu.enqueue_indirect_dma source(%dma_start3A_87 : memref<10240x128xf32, #tpu.memory_space<hbm>>) target(%arg7 : memref<128x128xf32, #tpu.memory_space<vmem>>) offsets(%dma_start3A_84 : memref<128xi32, #tpu.memory_space<vmem>>) semaphore(%arg10 : memref<!tpu.dma_semaphore, #tpu.memory_space<semaphore_mem>>)
    %scan3A_88 = arith.constant 0 : i32
    %scan3A_89 = arith.constant 10 : i32
    %scan3A_90 = arith.addi %scan3A_88, %scan3A_89 : i32
    %scan3A_91 = arith.constant 1 : i32
    scf.for %scan3A_98 = %scan3A_88 to %scan3A_90 step %scan3A_91  : i32 {
      %mul3A_99 = arith.constant 2 : i32
      %mul3A_100 = arith.muli %scan3A_98, %mul3A_99 : i32
      %add3A_101 = arith.constant 0 : i32
      %add3A_102 = arith.addi %add3A_101, %mul3A_100 : i32
      %add3A_103 = arith.constant 0 : i32
      %add3A_104 = arith.addi %add3A_102, %add3A_103 : i32
      %dma_wait3A = arith.constant 0 : i32
      %dma_wait3A_105 = arith.constant 0 : i32
      %dma_wait3A_106 = tpu.memref_slice %arg5[%add3A_104, %dma_wait3A, %dma_wait3A_105] : memref<20x2x128xi32, #tpu.memory_space<vmem>> -> memref<1x1x128xi32, #tpu.memory_space<vmem>>
      %dma_wait3A_107 = tpu.memref_squeeze %dma_wait3A_106 : memref<1x1x128xi32, #tpu.memory_space<vmem>> -> memref<128xi32, #tpu.memory_space<vmem>>
      %dma_wait3A_108 = arith.constant 0 : i32
      %dma_wait3A_109 = arith.constant 0 : i32
      %dma_wait3A_110 = tpu.memref_slice %arg3[%dma_wait3A_108, %dma_wait3A_109] : memref<10240x128xf32, #tpu.memory_space<hbm>> -> memref<10240x128xf32, #tpu.memory_space<hbm>>
      tpu.wait_indirect_dma semaphore(%arg9 : memref<!tpu.dma_semaphore, #tpu.memory_space<semaphore_mem>>) src(%dma_wait3A_110 : memref<10240x128xf32, #tpu.memory_space<hbm>>) dst(%arg6 : memref<128x128xf32, #tpu.memory_space<vmem>>)
      %run_scoped3A = arith.constant 1 : i32
      "tpu.region"() ({
        %run_scoped3A_132 = tpu.sem_alloc : memref<!tpu.dma_semaphore, #tpu.memory_space<semaphore_mem>>
        %dma_start3A_133 = arith.constant 0 : i32
        %dma_start3A_134 = tpu.memref_slice %arg5[%add3A_104, %run_scoped3A, %dma_start3A_133] : memref<20x2x128xi32, #tpu.memory_space<vmem>> -> memref<1x1x128xi32, #tpu.memory_space<vmem>>
        %dma_start3A_135 = tpu.memref_squeeze %dma_start3A_134 : memref<1x1x128xi32, #tpu.memory_space<vmem>> -> memref<128xi32, #tpu.memory_space<vmem>>
        %dma_start3A_136 = arith.constant 0 : i32
        %dma_start3A_137 = arith.constant 0 : i32
        %dma_start3A_138 = tpu.memref_slice %arg8[%dma_start3A_136, %dma_start3A_137] : memref<10240x128xf32, #tpu.memory_space<vmem_shared>> -> memref<10240x128xf32, #tpu.memory_space<vmem_shared>>
        tpu.enqueue_indirect_dma source(%arg6 : memref<128x128xf32, #tpu.memory_space<vmem>>) target(%dma_start3A_138 : memref<10240x128xf32, #tpu.memory_space<vmem_shared>>) offsets(%dma_start3A_135 : memref<128xi32, #tpu.memory_space<vmem>>) semaphore(%run_scoped3A_132 : memref<!tpu.dma_semaphore, #tpu.memory_space<semaphore_mem>>) {add = true}
        %dma_wait3A_139 = arith.constant 0 : i32
        %dma_wait3A_140 = tpu.memref_slice %arg5[%add3A_104, %run_scoped3A, %dma_wait3A_139] : memref<20x2x128xi32, #tpu.memory_space<vmem>> -> memref<1x1x128xi32, #tpu.memory_space<vmem>>
        %dma_wait3A_141 = tpu.memref_squeeze %dma_wait3A_140 : memref<1x1x128xi32, #tpu.memory_space<vmem>> -> memref<128xi32, #tpu.memory_space<vmem>>
        %dma_wait3A_142 = arith.constant 0 : i32
        %dma_wait3A_143 = arith.constant 0 : i32
        %dma_wait3A_144 = tpu.memref_slice %arg8[%dma_wait3A_142, %dma_wait3A_143] : memref<10240x128xf32, #tpu.memory_space<vmem_shared>> -> memref<10240x128xf32, #tpu.memory_space<vmem_shared>>
        tpu.wait_indirect_dma semaphore(%run_scoped3A_132 : memref<!tpu.dma_semaphore, #tpu.memory_space<semaphore_mem>>) src(%arg6 : memref<128x128xf32, #tpu.memory_space<vmem>>) dst(%dma_wait3A_144 : memref<10240x128xf32, #tpu.memory_space<vmem_shared>>)
        tpu.yield
      }) : () -> ()
      %add3A_111 = arith.constant 2 : i32
      %add3A_112 = arith.addi %add3A_104, %add3A_111 : i32
      %lt3A = arith.constant 20 : i32
      %lt3A_113 = arith.cmpi slt, %add3A_112, %lt3A : i32
      %convert_element_type3A = arith.extui %lt3A_113 : i1 to i32
      %cond3A = arith.constant 0 : i32
      %cond3A_114 = arith.cmpi ne, %convert_element_type3A, %cond3A : i32
      scf.if %cond3A_114 {
        %add3A_132 = arith.constant 2 : i32
        %add3A_133 = arith.addi %add3A_104, %add3A_132 : i32
        %dma_start3A_134 = arith.constant 0 : i32
        %dma_start3A_135 = arith.constant 0 : i32
        %dma_start3A_136 = tpu.memref_slice %arg5[%add3A_133, %dma_start3A_134, %dma_start3A_135] : memref<20x2x128xi32, #tpu.memory_space<vmem>> -> memref<1x1x128xi32, #tpu.memory_space<vmem>>
        %dma_start3A_137 = tpu.memref_squeeze %dma_start3A_136 : memref<1x1x128xi32, #tpu.memory_space<vmem>> -> memref<128xi32, #tpu.memory_space<vmem>>
        %dma_start3A_138 = arith.constant 0 : i32
        %dma_start3A_139 = arith.constant 0 : i32
        %dma_start3A_140 = tpu.memref_slice %arg3[%dma_start3A_138, %dma_start3A_139] : memref<10240x128xf32, #tpu.memory_space<hbm>> -> memref<10240x128xf32, #tpu.memory_space<hbm>>
        tpu.enqueue_indirect_dma source(%dma_start3A_140 : memref<10240x128xf32, #tpu.memory_space<hbm>>) target(%arg6 : memref<128x128xf32, #tpu.memory_space<vmem>>) offsets(%dma_start3A_137 : memref<128xi32, #tpu.memory_space<vmem>>) semaphore(%arg9 : memref<!tpu.dma_semaphore, #tpu.memory_space<semaphore_mem>>)
      } else {
      }
      %add3A_115 = arith.constant 1 : i32
      %add3A_116 = arith.addi %add3A_102, %add3A_115 : i32
      %dma_wait3A_117 = arith.constant 0 : i32
      %dma_wait3A_118 = arith.constant 0 : i32
      %dma_wait3A_119 = tpu.memref_slice %arg5[%add3A_116, %dma_wait3A_117, %dma_wait3A_118] : memref<20x2x128xi32, #tpu.memory_space<vmem>> -> memref<1x1x128xi32, #tpu.memory_space<vmem>>
      %dma_wait3A_120 = tpu.memref_squeeze %dma_wait3A_119 : memref<1x1x128xi32, #tpu.memory_space<vmem>> -> memref<128xi32, #tpu.memory_space<vmem>>
      %dma_wait3A_121 = arith.constant 0 : i32
      %dma_wait3A_122 = arith.constant 0 : i32
      %dma_wait3A_123 = tpu.memref_slice %arg3[%dma_wait3A_121, %dma_wait3A_122] : memref<10240x128xf32, #tpu.memory_space<hbm>> -> memref<10240x128xf32, #tpu.memory_space<hbm>>
      tpu.wait_indirect_dma semaphore(%arg10 : memref<!tpu.dma_semaphore, #tpu.memory_space<semaphore_mem>>) src(%dma_wait3A_123 : memref<10240x128xf32, #tpu.memory_space<hbm>>) dst(%arg7 : memref<128x128xf32, #tpu.memory_space<vmem>>)
      %run_scoped3A_124 = arith.constant 1 : i32
      "tpu.region"() ({
        %run_scoped3A_132 = tpu.sem_alloc : memref<!tpu.dma_semaphore, #tpu.memory_space<semaphore_mem>>
        %dma_start3A_133 = arith.constant 0 : i32
        %dma_start3A_134 = tpu.memref_slice %arg5[%add3A_116, %run_scoped3A_124, %dma_start3A_133] : memref<20x2x128xi32, #tpu.memory_space<vmem>> -> memref<1x1x128xi32, #tpu.memory_space<vmem>>
        %dma_start3A_135 = tpu.memref_squeeze %dma_start3A_134 : memref<1x1x128xi32, #tpu.memory_space<vmem>> -> memref<128xi32, #tpu.memory_space<vmem>>
        %dma_start3A_136 = arith.constant 0 : i32
        %dma_start3A_137 = arith.constant 0 : i32
        %dma_start3A_138 = tpu.memref_slice %arg8[%dma_start3A_136, %dma_start3A_137] : memref<10240x128xf32, #tpu.memory_space<vmem_shared>> -> memref<10240x128xf32, #tpu.memory_space<vmem_shared>>
        tpu.enqueue_indirect_dma source(%arg7 : memref<128x128xf32, #tpu.memory_space<vmem>>) target(%dma_start3A_138 : memref<10240x128xf32, #tpu.memory_space<vmem_shared>>) offsets(%dma_start3A_135 : memref<128xi32, #tpu.memory_space<vmem>>) semaphore(%run_scoped3A_132 : memref<!tpu.dma_semaphore, #tpu.memory_space<semaphore_mem>>) {add = true}
        %dma_wait3A_139 = arith.constant 0 : i32
        %dma_wait3A_140 = tpu.memref_slice %arg5[%add3A_116, %run_scoped3A_124, %dma_wait3A_139] : memref<20x2x128xi32, #tpu.memory_space<vmem>> -> memref<1x1x128xi32, #tpu.memory_space<vmem>>
        %dma_wait3A_141 = tpu.memref_squeeze %dma_wait3A_140 : memref<1x1x128xi32, #tpu.memory_space<vmem>> -> memref<128xi32, #tpu.memory_space<vmem>>
        %dma_wait3A_142 = arith.constant 0 : i32
        %dma_wait3A_143 = arith.constant 0 : i32
        %dma_wait3A_144 = tpu.memref_slice %arg8[%dma_wait3A_142, %dma_wait3A_143] : memref<10240x128xf32, #tpu.memory_space<vmem_shared>> -> memref<10240x128xf32, #tpu.memory_space<vmem_shared>>
        tpu.wait_indirect_dma semaphore(%run_scoped3A_132 : memref<!tpu.dma_semaphore, #tpu.memory_space<semaphore_mem>>) src(%arg7 : memref<128x128xf32, #tpu.memory_space<vmem>>) dst(%dma_wait3A_144 : memref<10240x128xf32, #tpu.memory_space<vmem_shared>>)
        tpu.yield
      }) : () -> ()
      %add3A_125 = arith.constant 2 : i32
      %add3A_126 = arith.addi %add3A_116, %add3A_125 : i32
      %lt3A_127 = arith.constant 20 : i32
      %lt3A_128 = arith.cmpi slt, %add3A_126, %lt3A_127 : i32
      %convert_element_type3A_129 = arith.extui %lt3A_128 : i1 to i32
      %cond3A_130 = arith.constant 0 : i32
      %cond3A_131 = arith.cmpi ne, %convert_element_type3A_129, %cond3A_130 : i32
      scf.if %cond3A_131 {
        %add3A_132 = arith.constant 2 : i32
        %add3A_133 = arith.addi %add3A_116, %add3A_132 : i32
        %dma_start3A_134 = arith.constant 0 : i32
        %dma_start3A_135 = arith.constant 0 : i32
        %dma_start3A_136 = tpu.memref_slice %arg5[%add3A_133, %dma_start3A_134, %dma_start3A_135] : memref<20x2x128xi32, #tpu.memory_space<vmem>> -> memref<1x1x128xi32, #tpu.memory_space<vmem>>
        %dma_start3A_137 = tpu.memref_squeeze %dma_start3A_136 : memref<1x1x128xi32, #tpu.memory_space<vmem>> -> memref<128xi32, #tpu.memory_space<vmem>>
        %dma_start3A_138 = arith.constant 0 : i32
        %dma_start3A_139 = arith.constant 0 : i32
        %dma_start3A_140 = tpu.memref_slice %arg3[%dma_start3A_138, %dma_start3A_139] : memref<10240x128xf32, #tpu.memory_space<hbm>> -> memref<10240x128xf32, #tpu.memory_space<hbm>>
        tpu.enqueue_indirect_dma source(%dma_start3A_140 : memref<10240x128xf32, #tpu.memory_space<hbm>>) target(%arg7 : memref<128x128xf32, #tpu.memory_space<vmem>>) offsets(%dma_start3A_137 : memref<128xi32, #tpu.memory_space<vmem>>) semaphore(%arg10 : memref<!tpu.dma_semaphore, #tpu.memory_space<semaphore_mem>>)
      } else {
      }
    }
    %scan3A_92 = arith.constant 10 : i32
    %barrier3A_93 = arith.constant 0 : index
    tpu.barrier barrier_id(%barrier3A_93)
    %mul3A_94 = arith.constant 640 : i32
    %mul3A_95 = arith.muli %arg1, %mul3A_94 : i32
    %mul3A_96 = arith.constant 640 : i32
    %mul3A_97 = arith.muli %arg1, %mul3A_96 : i32
    "tpu.region"() ({
      %run_scoped3A = tpu.sem_alloc : memref<!tpu.dma_semaphore, #tpu.memory_space<semaphore_mem>>
      %dma_start3A_98 = arith.constant 0 : i32
      %dma_start3A_99 = tpu.memref_slice %arg4[%arg0, %mul3A_97, %dma_start3A_98] : memref<2x10240x128xf32, #tpu.memory_space<hbm>> -> memref<1x640x128xf32, #tpu.memory_space<hbm>>
      %dma_start3A_100 = tpu.memref_squeeze %dma_start3A_99 : memref<1x640x128xf32, #tpu.memory_space<hbm>> -> memref<640x128xf32, #tpu.memory_space<hbm>>
      %dma_start3A_101 = arith.constant 0 : i32
      %dma_start3A_102 = tpu.memref_slice %arg8[%mul3A_95, %dma_start3A_101] : memref<10240x128xf32, #tpu.memory_space<vmem_shared>> -> memref<640x128xf32, #tpu.memory_space<vmem_shared>>
      tpu.enqueue_dma source(%dma_start3A_102 : memref<640x128xf32, #tpu.memory_space<vmem_shared>>) target(%dma_start3A_100 : memref<640x128xf32, #tpu.memory_space<hbm>>) target_semaphore(%run_scoped3A : memref<!tpu.dma_semaphore, #tpu.memory_space<semaphore_mem>>)
      %dma_wait3A = arith.constant 0 : i32
      %dma_wait3A_103 = tpu.memref_slice %arg4[%arg0, %mul3A_97, %dma_wait3A] : memref<2x10240x128xf32, #tpu.memory_space<hbm>> -> memref<1x640x128xf32, #tpu.memory_space<hbm>>
      %dma_wait3A_104 = tpu.memref_squeeze %dma_wait3A_103 : memref<1x640x128xf32, #tpu.memory_space<hbm>> -> memref<640x128xf32, #tpu.memory_space<hbm>>
      %dma_wait3A_105 = arith.constant 0 : i32
      %dma_wait3A_106 = tpu.memref_slice %arg8[%mul3A_95, %dma_wait3A_105] : memref<10240x128xf32, #tpu.memory_space<vmem_shared>> -> memref<640x128xf32, #tpu.memory_space<vmem_shared>>
      tpu.wait_dma2 semaphore(%run_scoped3A : memref<!tpu.dma_semaphore, #tpu.memory_space<semaphore_mem>>) src(%dma_wait3A_106 : memref<640x128xf32, #tpu.memory_space<vmem_shared>>) dst(%dma_wait3A_104 : memref<640x128xf32, #tpu.memory_space<hbm>>)
      tpu.yield
    }) : () -> ()
    return
  }
}

#map = affine_map<(d0, d1) -> (0, 0, 0, 0)>
#map1 = affine_map<(d0, d1) -> (0, 0, 0)>
module attributes {stable_mosaic.version = 14 : i64} {
  func.func @_deg_body(%arg0: i32, %arg1: i32, %arg2: memref<32x80x2x128xi32, #tpu.memory_space<hbm>>, %arg3: memref<2x10240x128xf32, #tpu.memory_space<hbm>>, %arg4: memref<80x2x128xi32, #tpu.memory_space<vmem>>, %arg5: memref<128x128xf32, #tpu.memory_space<vmem>>, %arg6: memref<10240x128xf32, #tpu.memory_space<vmem_shared>>, %arg7: memref<!tpu.dma_semaphore, #tpu.memory_space<semaphore_mem>>) attributes {dimension_semantics = [#tpu.dimension_semantics<core_parallel>, #tpu.dimension_semantics<subcore_parallel>], iteration_bounds = array<i64: 2, 16>, scalar_prefetch = 0 : i64, scratch_operands = 4 : i64, tpu.core_type = #tpu.core_type<sc_vector_subcore>, window_params = [{transform_indices = #map}, {transform_indices = #map1}]} {
    %mul3A = arith.constant 16 : i32
    %mul3A_0 = arith.muli %arg0, %mul3A : i32
    %add3A = arith.addi %mul3A_0, %arg1 : i32
    "tpu.region"() ({
      %run_scoped3A = tpu.sem_alloc : memref<!tpu.dma_semaphore, #tpu.memory_space<semaphore_mem>>
      %dma_start3A = arith.constant 0 : i32
      %dma_start3A_25 = arith.constant 0 : i32
      %dma_start3A_26 = arith.constant 0 : i32
      %dma_start3A_27 = tpu.memref_slice %arg2[%add3A, %dma_start3A, %dma_start3A_25, %dma_start3A_26] : memref<32x80x2x128xi32, #tpu.memory_space<hbm>> -> memref<1x80x2x128xi32, #tpu.memory_space<hbm>>
      %dma_start3A_28 = tpu.memref_squeeze %dma_start3A_27 : memref<1x80x2x128xi32, #tpu.memory_space<hbm>> -> memref<80x2x128xi32, #tpu.memory_space<hbm>>
      %dma_start3A_29 = arith.constant 0 : i32
      %dma_start3A_30 = arith.constant 0 : i32
      %dma_start3A_31 = arith.constant 0 : i32
      %dma_start3A_32 = tpu.memref_slice %arg2[%add3A, %dma_start3A_29, %dma_start3A_30, %dma_start3A_31] : memref<32x80x2x128xi32, #tpu.memory_space<hbm>> -> memref<1x80x2x128xi32, #tpu.memory_space<hbm>>
      %dma_start3A_33 = tpu.memref_squeeze %dma_start3A_32 : memref<1x80x2x128xi32, #tpu.memory_space<hbm>> -> memref<80x2x128xi32, #tpu.memory_space<hbm>>
      tpu.enqueue_dma source(%dma_start3A_33 : memref<80x2x128xi32, #tpu.memory_space<hbm>>) target(%arg4 : memref<80x2x128xi32, #tpu.memory_space<vmem>>) target_semaphore(%run_scoped3A : memref<!tpu.dma_semaphore, #tpu.memory_space<semaphore_mem>>)
      %dma_wait3A = arith.constant 0 : i32
      %dma_wait3A_34 = arith.constant 0 : i32
      %dma_wait3A_35 = arith.constant 0 : i32
      %dma_wait3A_36 = tpu.memref_slice %arg2[%add3A, %dma_wait3A, %dma_wait3A_34, %dma_wait3A_35] : memref<32x80x2x128xi32, #tpu.memory_space<hbm>> -> memref<1x80x2x128xi32, #tpu.memory_space<hbm>>
      %dma_wait3A_37 = tpu.memref_squeeze %dma_wait3A_36 : memref<1x80x2x128xi32, #tpu.memory_space<hbm>> -> memref<80x2x128xi32, #tpu.memory_space<hbm>>
      %dma_wait3A_38 = arith.constant 0 : i32
      %dma_wait3A_39 = arith.constant 0 : i32
      %dma_wait3A_40 = arith.constant 0 : i32
      %dma_wait3A_41 = tpu.memref_slice %arg2[%add3A, %dma_wait3A_38, %dma_wait3A_39, %dma_wait3A_40] : memref<32x80x2x128xi32, #tpu.memory_space<hbm>> -> memref<1x80x2x128xi32, #tpu.memory_space<hbm>>
      %dma_wait3A_42 = tpu.memref_squeeze %dma_wait3A_41 : memref<1x80x2x128xi32, #tpu.memory_space<hbm>> -> memref<80x2x128xi32, #tpu.memory_space<hbm>>
      tpu.wait_dma2 semaphore(%run_scoped3A : memref<!tpu.dma_semaphore, #tpu.memory_space<semaphore_mem>>) src(%dma_wait3A_42 : memref<80x2x128xi32, #tpu.memory_space<hbm>>) dst(%arg4 : memref<80x2x128xi32, #tpu.memory_space<vmem>>)
      tpu.yield
    }) : () -> ()
    %scan3A = arith.constant 0 : i32
    %scan3A_1 = arith.constant 128 : i32
    %scan3A_2 = arith.addi %scan3A, %scan3A_1 : i32
    %scan3A_3 = arith.constant 1 : i32
    scf.for %scan3A_25 = %scan3A to %scan3A_2 step %scan3A_3  : i32 {
      %mul3A_26 = arith.constant 1 : i32
      %mul3A_27 = arith.muli %scan3A_25, %mul3A_26 : i32
      %add3A_28 = arith.constant 0 : i32
      %add3A_29 = arith.addi %add3A_28, %mul3A_27 : i32
      %broadcast_in_dim3A = arith.constant 0.000000e+00 : f32
      %broadcast_in_dim3A_30 = vector.broadcast %broadcast_in_dim3A : f32 to vector<16xf32>
      %swap3A = arith.index_cast %add3A_29 : i32 to index
      %swap3A_31 = arith.constant 0 : index
      %swap3A_32 = tpu.vector_load %arg5[%swap3A, %swap3A_31] {strides = array<i32>} : memref<128x128xf32, #tpu.memory_space<vmem>>, vector<1x16xf32>,
      %swap3A_33 = vector.shape_cast %swap3A_32 : vector<1x16xf32> to vector<16xf32>
      %swap3A_34 = vector.shape_cast %broadcast_in_dim3A_30 : vector<16xf32> to vector<1x16xf32>
      tpu.vector_store %arg5[%swap3A, %swap3A_31], %swap3A_34 {strides = array<i32>} : memref<128x128xf32, #tpu.memory_space<vmem>>, vector<1x16xf32>,
      %broadcast_in_dim3A_35 = arith.constant 0.000000e+00 : f32
      %broadcast_in_dim3A_36 = vector.broadcast %broadcast_in_dim3A_35 : f32 to vector<16xf32>
      %swap3A_37 = arith.index_cast %add3A_29 : i32 to index
      %swap3A_38 = arith.constant 16 : index
      %swap3A_39 = tpu.vector_load %arg5[%swap3A_37, %swap3A_38] {strides = array<i32>} : memref<128x128xf32, #tpu.memory_space<vmem>>, vector<1x16xf32>,
      %swap3A_40 = vector.shape_cast %swap3A_39 : vector<1x16xf32> to vector<16xf32>
      %swap3A_41 = vector.shape_cast %broadcast_in_dim3A_36 : vector<16xf32> to vector<1x16xf32>
      tpu.vector_store %arg5[%swap3A_37, %swap3A_38], %swap3A_41 {strides = array<i32>} : memref<128x128xf32, #tpu.memory_space<vmem>>, vector<1x16xf32>,
      %broadcast_in_dim3A_42 = arith.constant 0.000000e+00 : f32
      %broadcast_in_dim3A_43 = vector.broadcast %broadcast_in_dim3A_42 : f32 to vector<16xf32>
      %swap3A_44 = arith.index_cast %add3A_29 : i32 to index
      %swap3A_45 = arith.constant 32 : index
      %swap3A_46 = tpu.vector_load %arg5[%swap3A_44, %swap3A_45] {strides = array<i32>} : memref<128x128xf32, #tpu.memory_space<vmem>>, vector<1x16xf32>,
      %swap3A_47 = vector.shape_cast %swap3A_46 : vector<1x16xf32> to vector<16xf32>
      %swap3A_48 = vector.shape_cast %broadcast_in_dim3A_43 : vector<16xf32> to vector<1x16xf32>
      tpu.vector_store %arg5[%swap3A_44, %swap3A_45], %swap3A_48 {strides = array<i32>} : memref<128x128xf32, #tpu.memory_space<vmem>>, vector<1x16xf32>,
      %broadcast_in_dim3A_49 = arith.constant 0.000000e+00 : f32
      %broadcast_in_dim3A_50 = vector.broadcast %broadcast_in_dim3A_49 : f32 to vector<16xf32>
      %swap3A_51 = arith.index_cast %add3A_29 : i32 to index
      %swap3A_52 = arith.constant 48 : index
      %swap3A_53 = tpu.vector_load %arg5[%swap3A_51, %swap3A_52] {strides = array<i32>} : memref<128x128xf32, #tpu.memory_space<vmem>>, vector<1x16xf32>,
      %swap3A_54 = vector.shape_cast %swap3A_53 : vector<1x16xf32> to vector<16xf32>
      %swap3A_55 = vector.shape_cast %broadcast_in_dim3A_50 : vector<16xf32> to vector<1x16xf32>
      tpu.vector_store %arg5[%swap3A_51, %swap3A_52], %swap3A_55 {strides = array<i32>} : memref<128x128xf32, #tpu.memory_space<vmem>>, vector<1x16xf32>,
      %broadcast_in_dim3A_56 = arith.constant 0.000000e+00 : f32
      %broadcast_in_dim3A_57 = vector.broadcast %broadcast_in_dim3A_56 : f32 to vector<16xf32>
      %swap3A_58 = arith.index_cast %add3A_29 : i32 to index
      %swap3A_59 = arith.constant 64 : index
      %swap3A_60 = tpu.vector_load %arg5[%swap3A_58, %swap3A_59] {strides = array<i32>} : memref<128x128xf32, #tpu.memory_space<vmem>>, vector<1x16xf32>,
      %swap3A_61 = vector.shape_cast %swap3A_60 : vector<1x16xf32> to vector<16xf32>
      %swap3A_62 = vector.shape_cast %broadcast_in_dim3A_57 : vector<16xf32> to vector<1x16xf32>
      tpu.vector_store %arg5[%swap3A_58, %swap3A_59], %swap3A_62 {strides = array<i32>} : memref<128x128xf32, #tpu.memory_space<vmem>>, vector<1x16xf32>,
      %broadcast_in_dim3A_63 = arith.constant 0.000000e+00 : f32
      %broadcast_in_dim3A_64 = vector.broadcast %broadcast_in_dim3A_63 : f32 to vector<16xf32>
      %swap3A_65 = arith.index_cast %add3A_29 : i32 to index
      %swap3A_66 = arith.constant 80 : index
      %swap3A_67 = tpu.vector_load %arg5[%swap3A_65, %swap3A_66] {strides = array<i32>} : memref<128x128xf32, #tpu.memory_space<vmem>>, vector<1x16xf32>,
      %swap3A_68 = vector.shape_cast %swap3A_67 : vector<1x16xf32> to vector<16xf32>
      %swap3A_69 = vector.shape_cast %broadcast_in_dim3A_64 : vector<16xf32> to vector<1x16xf32>
      tpu.vector_store %arg5[%swap3A_65, %swap3A_66], %swap3A_69 {strides = array<i32>} : memref<128x128xf32, #tpu.memory_space<vmem>>, vector<1x16xf32>,
      %broadcast_in_dim3A_70 = arith.constant 0.000000e+00 : f32
      %broadcast_in_dim3A_71 = vector.broadcast %broadcast_in_dim3A_70 : f32 to vector<16xf32>
      %swap3A_72 = arith.index_cast %add3A_29 : i32 to index
      %swap3A_73 = arith.constant 96 : index
      %swap3A_74 = tpu.vector_load %arg5[%swap3A_72, %swap3A_73] {strides = array<i32>} : memref<128x128xf32, #tpu.memory_space<vmem>>, vector<1x16xf32>,
      %swap3A_75 = vector.shape_cast %swap3A_74 : vector<1x16xf32> to vector<16xf32>
      %swap3A_76 = vector.shape_cast %broadcast_in_dim3A_71 : vector<16xf32> to vector<1x16xf32>
      tpu.vector_store %arg5[%swap3A_72, %swap3A_73], %swap3A_76 {strides = array<i32>} : memref<128x128xf32, #tpu.memory_space<vmem>>, vector<1x16xf32>,
      %broadcast_in_dim3A_77 = arith.constant 0.000000e+00 : f32
      %broadcast_in_dim3A_78 = vector.broadcast %broadcast_in_dim3A_77 : f32 to vector<16xf32>
      %swap3A_79 = arith.index_cast %add3A_29 : i32 to index
      %swap3A_80 = arith.constant 112 : index
      %swap3A_81 = tpu.vector_load %arg5[%swap3A_79, %swap3A_80] {strides = array<i32>} : memref<128x128xf32, #tpu.memory_space<vmem>>, vector<1x16xf32>,
      %swap3A_82 = vector.shape_cast %swap3A_81 : vector<1x16xf32> to vector<16xf32>
      %swap3A_83 = vector.shape_cast %broadcast_in_dim3A_78 : vector<16xf32> to vector<1x16xf32>
      tpu.vector_store %arg5[%swap3A_79, %swap3A_80], %swap3A_83 {strides = array<i32>} : memref<128x128xf32, #tpu.memory_space<vmem>>, vector<1x16xf32>,
    }
    %scan3A_4 = arith.constant 128 : i32
    %scan3A_5 = arith.constant 0 : i32
    %scan3A_6 = arith.constant 5 : i32
    %scan3A_7 = arith.addi %scan3A_5, %scan3A_6 : i32
    %scan3A_8 = arith.constant 1 : i32
    scf.for %scan3A_25 = %scan3A_5 to %scan3A_7 step %scan3A_8  : i32 {
      %mul3A_26 = arith.constant 1 : i32
      %mul3A_27 = arith.muli %scan3A_25, %mul3A_26 : i32
      %add3A_28 = arith.constant 0 : i32
      %add3A_29 = arith.addi %add3A_28, %mul3A_27 : i32
      %mul3A_30 = arith.constant 640 : i32
      %mul3A_31 = arith.muli %arg1, %mul3A_30 : i32
      %mul3A_32 = arith.constant 128 : i32
      %mul3A_33 = arith.muli %add3A_29, %mul3A_32 : i32
      %add3A_34 = arith.addi %mul3A_31, %mul3A_33 : i32
      "tpu.region"() ({
        %run_scoped3A = tpu.sem_alloc : memref<!tpu.dma_semaphore, #tpu.memory_space<semaphore_mem>>
        %dma_start3A = arith.constant 0 : i32
        %dma_start3A_35 = tpu.memref_slice %arg6[%add3A_34, %dma_start3A] : memref<10240x128xf32, #tpu.memory_space<vmem_shared>> -> memref<128x128xf32, #tpu.memory_space<vmem_shared>>
        %dma_start3A_36 = arith.constant 0 : i32
        %dma_start3A_37 = tpu.memref_slice %arg6[%add3A_34, %dma_start3A_36] : memref<10240x128xf32, #tpu.memory_space<vmem_shared>> -> memref<128x128xf32, #tpu.memory_space<vmem_shared>>
        tpu.enqueue_dma source(%arg5 : memref<128x128xf32, #tpu.memory_space<vmem>>) target(%dma_start3A_37 : memref<128x128xf32, #tpu.memory_space<vmem_shared>>) target_semaphore(%run_scoped3A : memref<!tpu.dma_semaphore, #tpu.memory_space<semaphore_mem>>)
        %dma_wait3A = arith.constant 0 : i32
        %dma_wait3A_38 = tpu.memref_slice %arg6[%add3A_34, %dma_wait3A] : memref<10240x128xf32, #tpu.memory_space<vmem_shared>> -> memref<128x128xf32, #tpu.memory_space<vmem_shared>>
        %dma_wait3A_39 = arith.constant 0 : i32
        %dma_wait3A_40 = tpu.memref_slice %arg6[%add3A_34, %dma_wait3A_39] : memref<10240x128xf32, #tpu.memory_space<vmem_shared>> -> memref<128x128xf32, #tpu.memory_space<vmem_shared>>
        tpu.wait_dma2 semaphore(%run_scoped3A : memref<!tpu.dma_semaphore, #tpu.memory_space<semaphore_mem>>) src(%arg5 : memref<128x128xf32, #tpu.memory_space<vmem>>) dst(%dma_wait3A_40 : memref<128x128xf32, #tpu.memory_space<vmem_shared>>)
        tpu.yield
      }) : () -> ()
    }
    %scan3A_9 = arith.constant 5 : i32
    %scan3A_10 = arith.constant 0 : i32
    %scan3A_11 = arith.constant 128 : i32
    %scan3A_12 = arith.addi %scan3A_10, %scan3A_11 : i32
    %scan3A_13 = arith.constant 1 : i32
    scf.for %scan3A_25 = %scan3A_10 to %scan3A_12 step %scan3A_13  : i32 {
      %mul3A_26 = arith.constant 1 : i32
      %mul3A_27 = arith.muli %scan3A_25, %mul3A_26 : i32
      %add3A_28 = arith.constant 0 : i32
      %add3A_29 = arith.addi %add3A_28, %mul3A_27 : i32
      %broadcast_in_dim3A = arith.constant 1.000000e+00 : f32
      %broadcast_in_dim3A_30 = vector.broadcast %broadcast_in_dim3A : f32 to vector<16xf32>
      %swap3A = arith.index_cast %add3A_29 : i32 to index
      %swap3A_31 = arith.constant 0 : index
      %swap3A_32 = tpu.vector_load %arg5[%swap3A, %swap3A_31] {strides = array<i32>} : memref<128x128xf32, #tpu.memory_space<vmem>>, vector<1x16xf32>,
      %swap3A_33 = vector.shape_cast %swap3A_32 : vector<1x16xf32> to vector<16xf32>
      %swap3A_34 = vector.shape_cast %broadcast_in_dim3A_30 : vector<16xf32> to vector<1x16xf32>
      tpu.vector_store %arg5[%swap3A, %swap3A_31], %swap3A_34 {strides = array<i32>} : memref<128x128xf32, #tpu.memory_space<vmem>>, vector<1x16xf32>,
      %broadcast_in_dim3A_35 = arith.constant 1.000000e+00 : f32
      %broadcast_in_dim3A_36 = vector.broadcast %broadcast_in_dim3A_35 : f32 to vector<16xf32>
      %swap3A_37 = arith.index_cast %add3A_29 : i32 to index
      %swap3A_38 = arith.constant 16 : index
      %swap3A_39 = tpu.vector_load %arg5[%swap3A_37, %swap3A_38] {strides = array<i32>} : memref<128x128xf32, #tpu.memory_space<vmem>>, vector<1x16xf32>,
      %swap3A_40 = vector.shape_cast %swap3A_39 : vector<1x16xf32> to vector<16xf32>
      %swap3A_41 = vector.shape_cast %broadcast_in_dim3A_36 : vector<16xf32> to vector<1x16xf32>
      tpu.vector_store %arg5[%swap3A_37, %swap3A_38], %swap3A_41 {strides = array<i32>} : memref<128x128xf32, #tpu.memory_space<vmem>>, vector<1x16xf32>,
      %broadcast_in_dim3A_42 = arith.constant 1.000000e+00 : f32
      %broadcast_in_dim3A_43 = vector.broadcast %broadcast_in_dim3A_42 : f32 to vector<16xf32>
      %swap3A_44 = arith.index_cast %add3A_29 : i32 to index
      %swap3A_45 = arith.constant 32 : index
      %swap3A_46 = tpu.vector_load %arg5[%swap3A_44, %swap3A_45] {strides = array<i32>} : memref<128x128xf32, #tpu.memory_space<vmem>>, vector<1x16xf32>,
      %swap3A_47 = vector.shape_cast %swap3A_46 : vector<1x16xf32> to vector<16xf32>
      %swap3A_48 = vector.shape_cast %broadcast_in_dim3A_43 : vector<16xf32> to vector<1x16xf32>
      tpu.vector_store %arg5[%swap3A_44, %swap3A_45], %swap3A_48 {strides = array<i32>} : memref<128x128xf32, #tpu.memory_space<vmem>>, vector<1x16xf32>,
      %broadcast_in_dim3A_49 = arith.constant 1.000000e+00 : f32
      %broadcast_in_dim3A_50 = vector.broadcast %broadcast_in_dim3A_49 : f32 to vector<16xf32>
      %swap3A_51 = arith.index_cast %add3A_29 : i32 to index
      %swap3A_52 = arith.constant 48 : index
      %swap3A_53 = tpu.vector_load %arg5[%swap3A_51, %swap3A_52] {strides = array<i32>} : memref<128x128xf32, #tpu.memory_space<vmem>>, vector<1x16xf32>,
      %swap3A_54 = vector.shape_cast %swap3A_53 : vector<1x16xf32> to vector<16xf32>
      %swap3A_55 = vector.shape_cast %broadcast_in_dim3A_50 : vector<16xf32> to vector<1x16xf32>
      tpu.vector_store %arg5[%swap3A_51, %swap3A_52], %swap3A_55 {strides = array<i32>} : memref<128x128xf32, #tpu.memory_space<vmem>>, vector<1x16xf32>,
      %broadcast_in_dim3A_56 = arith.constant 1.000000e+00 : f32
      %broadcast_in_dim3A_57 = vector.broadcast %broadcast_in_dim3A_56 : f32 to vector<16xf32>
      %swap3A_58 = arith.index_cast %add3A_29 : i32 to index
      %swap3A_59 = arith.constant 64 : index
      %swap3A_60 = tpu.vector_load %arg5[%swap3A_58, %swap3A_59] {strides = array<i32>} : memref<128x128xf32, #tpu.memory_space<vmem>>, vector<1x16xf32>,
      %swap3A_61 = vector.shape_cast %swap3A_60 : vector<1x16xf32> to vector<16xf32>
      %swap3A_62 = vector.shape_cast %broadcast_in_dim3A_57 : vector<16xf32> to vector<1x16xf32>
      tpu.vector_store %arg5[%swap3A_58, %swap3A_59], %swap3A_62 {strides = array<i32>} : memref<128x128xf32, #tpu.memory_space<vmem>>, vector<1x16xf32>,
      %broadcast_in_dim3A_63 = arith.constant 1.000000e+00 : f32
      %broadcast_in_dim3A_64 = vector.broadcast %broadcast_in_dim3A_63 : f32 to vector<16xf32>
      %swap3A_65 = arith.index_cast %add3A_29 : i32 to index
      %swap3A_66 = arith.constant 80 : index
      %swap3A_67 = tpu.vector_load %arg5[%swap3A_65, %swap3A_66] {strides = array<i32>} : memref<128x128xf32, #tpu.memory_space<vmem>>, vector<1x16xf32>,
      %swap3A_68 = vector.shape_cast %swap3A_67 : vector<1x16xf32> to vector<16xf32>
      %swap3A_69 = vector.shape_cast %broadcast_in_dim3A_64 : vector<16xf32> to vector<1x16xf32>
      tpu.vector_store %arg5[%swap3A_65, %swap3A_66], %swap3A_69 {strides = array<i32>} : memref<128x128xf32, #tpu.memory_space<vmem>>, vector<1x16xf32>,
      %broadcast_in_dim3A_70 = arith.constant 1.000000e+00 : f32
      %broadcast_in_dim3A_71 = vector.broadcast %broadcast_in_dim3A_70 : f32 to vector<16xf32>
      %swap3A_72 = arith.index_cast %add3A_29 : i32 to index
      %swap3A_73 = arith.constant 96 : index
      %swap3A_74 = tpu.vector_load %arg5[%swap3A_72, %swap3A_73] {strides = array<i32>} : memref<128x128xf32, #tpu.memory_space<vmem>>, vector<1x16xf32>,
      %swap3A_75 = vector.shape_cast %swap3A_74 : vector<1x16xf32> to vector<16xf32>
      %swap3A_76 = vector.shape_cast %broadcast_in_dim3A_71 : vector<16xf32> to vector<1x16xf32>
      tpu.vector_store %arg5[%swap3A_72, %swap3A_73], %swap3A_76 {strides = array<i32>} : memref<128x128xf32, #tpu.memory_space<vmem>>, vector<1x16xf32>,
      %broadcast_in_dim3A_77 = arith.constant 1.000000e+00 : f32
      %broadcast_in_dim3A_78 = vector.broadcast %broadcast_in_dim3A_77 : f32 to vector<16xf32>
      %swap3A_79 = arith.index_cast %add3A_29 : i32 to index
      %swap3A_80 = arith.constant 112 : index
      %swap3A_81 = tpu.vector_load %arg5[%swap3A_79, %swap3A_80] {strides = array<i32>} : memref<128x128xf32, #tpu.memory_space<vmem>>, vector<1x16xf32>,
      %swap3A_82 = vector.shape_cast %swap3A_81 : vector<1x16xf32> to vector<16xf32>
      %swap3A_83 = vector.shape_cast %broadcast_in_dim3A_78 : vector<16xf32> to vector<1x16xf32>
      tpu.vector_store %arg5[%swap3A_79, %swap3A_80], %swap3A_83 {strides = array<i32>} : memref<128x128xf32, #tpu.memory_space<vmem>>, vector<1x16xf32>,
    }
    %scan3A_14 = arith.constant 128 : i32
    %barrier3A = arith.constant 0 : index
    tpu.barrier barrier_id(%barrier3A)
    %scan3A_15 = arith.constant 0 : i32
    %scan3A_16 = arith.constant 10 : i32
    %scan3A_17 = arith.addi %scan3A_15, %scan3A_16 : i32
    %scan3A_18 = arith.constant 1 : i32
    scf.for %scan3A_25 = %scan3A_15 to %scan3A_17 step %scan3A_18  : i32 {
      %mul3A_26 = arith.constant 8 : i32
      %mul3A_27 = arith.muli %scan3A_25, %mul3A_26 : i32
      %add3A_28 = arith.constant 0 : i32
      %add3A_29 = arith.addi %add3A_28, %mul3A_27 : i32
      %add3A_30 = arith.constant 0 : i32
      %add3A_31 = arith.addi %add3A_29, %add3A_30 : i32
      %dma_start3A = arith.constant 1 : i32
      %dma_start3A_32 = arith.constant 0 : i32
      %dma_start3A_33 = tpu.memref_slice %arg4[%add3A_31, %dma_start3A, %dma_start3A_32] : memref<80x2x128xi32, #tpu.memory_space<vmem>> -> memref<1x1x128xi32, #tpu.memory_space<vmem>>
      %dma_start3A_34 = tpu.memref_squeeze %dma_start3A_33 : memref<1x1x128xi32, #tpu.memory_space<vmem>> -> memref<128xi32, #tpu.memory_space<vmem>>
      %dma_start3A_35 = arith.constant 0 : i32
      %dma_start3A_36 = arith.constant 0 : i32
      %dma_start3A_37 = tpu.memref_slice %arg6[%dma_start3A_35, %dma_start3A_36] : memref<10240x128xf32, #tpu.memory_space<vmem_shared>> -> memref<10240x128xf32, #tpu.memory_space<vmem_shared>>
      tpu.enqueue_indirect_dma source(%arg5 : memref<128x128xf32, #tpu.memory_space<vmem>>) target(%dma_start3A_37 : memref<10240x128xf32, #tpu.memory_space<vmem_shared>>) offsets(%dma_start3A_34 : memref<128xi32, #tpu.memory_space<vmem>>) semaphore(%arg7 : memref<!tpu.dma_semaphore, #tpu.memory_space<semaphore_mem>>) {add = true}
      %add3A_38 = arith.constant 1 : i32
      %add3A_39 = arith.addi %add3A_29, %add3A_38 : i32
      %dma_start3A_40 = arith.constant 1 : i32
      %dma_start3A_41 = arith.constant 0 : i32
      %dma_start3A_42 = tpu.memref_slice %arg4[%add3A_39, %dma_start3A_40, %dma_start3A_41] : memref<80x2x128xi32, #tpu.memory_space<vmem>> -> memref<1x1x128xi32, #tpu.memory_space<vmem>>
      %dma_start3A_43 = tpu.memref_squeeze %dma_start3A_42 : memref<1x1x128xi32, #tpu.memory_space<vmem>> -> memref<128xi32, #tpu.memory_space<vmem>>
      %dma_start3A_44 = arith.constant 0 : i32
      %dma_start3A_45 = arith.constant 0 : i32
      %dma_start3A_46 = tpu.memref_slice %arg6[%dma_start3A_44, %dma_start3A_45] : memref<10240x128xf32, #tpu.memory_space<vmem_shared>> -> memref<10240x128xf32, #tpu.memory_space<vmem_shared>>
      tpu.enqueue_indirect_dma source(%arg5 : memref<128x128xf32, #tpu.memory_space<vmem>>) target(%dma_start3A_46 : memref<10240x128xf32, #tpu.memory_space<vmem_shared>>) offsets(%dma_start3A_43 : memref<128xi32, #tpu.memory_space<vmem>>) semaphore(%arg7 : memref<!tpu.dma_semaphore, #tpu.memory_space<semaphore_mem>>) {add = true}
      %add3A_47 = arith.constant 2 : i32
      %add3A_48 = arith.addi %add3A_29, %add3A_47 : i32
      %dma_start3A_49 = arith.constant 1 : i32
      %dma_start3A_50 = arith.constant 0 : i32
      %dma_start3A_51 = tpu.memref_slice %arg4[%add3A_48, %dma_start3A_49, %dma_start3A_50] : memref<80x2x128xi32, #tpu.memory_space<vmem>> -> memref<1x1x128xi32, #tpu.memory_space<vmem>>
      %dma_start3A_52 = tpu.memref_squeeze %dma_start3A_51 : memref<1x1x128xi32, #tpu.memory_space<vmem>> -> memref<128xi32, #tpu.memory_space<vmem>>
      %dma_start3A_53 = arith.constant 0 : i32
      %dma_start3A_54 = arith.constant 0 : i32
      %dma_start3A_55 = tpu.memref_slice %arg6[%dma_start3A_53, %dma_start3A_54] : memref<10240x128xf32, #tpu.memory_space<vmem_shared>> -> memref<10240x128xf32, #tpu.memory_space<vmem_shared>>
      tpu.enqueue_indirect_dma source(%arg5 : memref<128x128xf32, #tpu.memory_space<vmem>>) target(%dma_start3A_55 : memref<10240x128xf32, #tpu.memory_space<vmem_shared>>) offsets(%dma_start3A_52 : memref<128xi32, #tpu.memory_space<vmem>>) semaphore(%arg7 : memref<!tpu.dma_semaphore, #tpu.memory_space<semaphore_mem>>) {add = true}
      %add3A_56 = arith.constant 3 : i32
      %add3A_57 = arith.addi %add3A_29, %add3A_56 : i32
      %dma_start3A_58 = arith.constant 1 : i32
      %dma_start3A_59 = arith.constant 0 : i32
      %dma_start3A_60 = tpu.memref_slice %arg4[%add3A_57, %dma_start3A_58, %dma_start3A_59] : memref<80x2x128xi32, #tpu.memory_space<vmem>> -> memref<1x1x128xi32, #tpu.memory_space<vmem>>
      %dma_start3A_61 = tpu.memref_squeeze %dma_start3A_60 : memref<1x1x128xi32, #tpu.memory_space<vmem>> -> memref<128xi32, #tpu.memory_space<vmem>>
      %dma_start3A_62 = arith.constant 0 : i32
      %dma_start3A_63 = arith.constant 0 : i32
      %dma_start3A_64 = tpu.memref_slice %arg6[%dma_start3A_62, %dma_start3A_63] : memref<10240x128xf32, #tpu.memory_space<vmem_shared>> -> memref<10240x128xf32, #tpu.memory_space<vmem_shared>>
      tpu.enqueue_indirect_dma source(%arg5 : memref<128x128xf32, #tpu.memory_space<vmem>>) target(%dma_start3A_64 : memref<10240x128xf32, #tpu.memory_space<vmem_shared>>) offsets(%dma_start3A_61 : memref<128xi32, #tpu.memory_space<vmem>>) semaphore(%arg7 : memref<!tpu.dma_semaphore, #tpu.memory_space<semaphore_mem>>) {add = true}
      %add3A_65 = arith.constant 4 : i32
      %add3A_66 = arith.addi %add3A_29, %add3A_65 : i32
      %dma_start3A_67 = arith.constant 1 : i32
      %dma_start3A_68 = arith.constant 0 : i32
      %dma_start3A_69 = tpu.memref_slice %arg4[%add3A_66, %dma_start3A_67, %dma_start3A_68] : memref<80x2x128xi32, #tpu.memory_space<vmem>> -> memref<1x1x128xi32, #tpu.memory_space<vmem>>
      %dma_start3A_70 = tpu.memref_squeeze %dma_start3A_69 : memref<1x1x128xi32, #tpu.memory_space<vmem>> -> memref<128xi32, #tpu.memory_space<vmem>>
      %dma_start3A_71 = arith.constant 0 : i32
      %dma_start3A_72 = arith.constant 0 : i32
      %dma_start3A_73 = tpu.memref_slice %arg6[%dma_start3A_71, %dma_start3A_72] : memref<10240x128xf32, #tpu.memory_space<vmem_shared>> -> memref<10240x128xf32, #tpu.memory_space<vmem_shared>>
      tpu.enqueue_indirect_dma source(%arg5 : memref<128x128xf32, #tpu.memory_space<vmem>>) target(%dma_start3A_73 : memref<10240x128xf32, #tpu.memory_space<vmem_shared>>) offsets(%dma_start3A_70 : memref<128xi32, #tpu.memory_space<vmem>>) semaphore(%arg7 : memref<!tpu.dma_semaphore, #tpu.memory_space<semaphore_mem>>) {add = true}
      %add3A_74 = arith.constant 5 : i32
      %add3A_75 = arith.addi %add3A_29, %add3A_74 : i32
      %dma_start3A_76 = arith.constant 1 : i32
      %dma_start3A_77 = arith.constant 0 : i32
      %dma_start3A_78 = tpu.memref_slice %arg4[%add3A_75, %dma_start3A_76, %dma_start3A_77] : memref<80x2x128xi32, #tpu.memory_space<vmem>> -> memref<1x1x128xi32, #tpu.memory_space<vmem>>
      %dma_start3A_79 = tpu.memref_squeeze %dma_start3A_78 : memref<1x1x128xi32, #tpu.memory_space<vmem>> -> memref<128xi32, #tpu.memory_space<vmem>>
      %dma_start3A_80 = arith.constant 0 : i32
      %dma_start3A_81 = arith.constant 0 : i32
      %dma_start3A_82 = tpu.memref_slice %arg6[%dma_start3A_80, %dma_start3A_81] : memref<10240x128xf32, #tpu.memory_space<vmem_shared>> -> memref<10240x128xf32, #tpu.memory_space<vmem_shared>>
      tpu.enqueue_indirect_dma source(%arg5 : memref<128x128xf32, #tpu.memory_space<vmem>>) target(%dma_start3A_82 : memref<10240x128xf32, #tpu.memory_space<vmem_shared>>) offsets(%dma_start3A_79 : memref<128xi32, #tpu.memory_space<vmem>>) semaphore(%arg7 : memref<!tpu.dma_semaphore, #tpu.memory_space<semaphore_mem>>) {add = true}
      %add3A_83 = arith.constant 6 : i32
      %add3A_84 = arith.addi %add3A_29, %add3A_83 : i32
      %dma_start3A_85 = arith.constant 1 : i32
      %dma_start3A_86 = arith.constant 0 : i32
      %dma_start3A_87 = tpu.memref_slice %arg4[%add3A_84, %dma_start3A_85, %dma_start3A_86] : memref<80x2x128xi32, #tpu.memory_space<vmem>> -> memref<1x1x128xi32, #tpu.memory_space<vmem>>
      %dma_start3A_88 = tpu.memref_squeeze %dma_start3A_87 : memref<1x1x128xi32, #tpu.memory_space<vmem>> -> memref<128xi32, #tpu.memory_space<vmem>>
      %dma_start3A_89 = arith.constant 0 : i32
      %dma_start3A_90 = arith.constant 0 : i32
      %dma_start3A_91 = tpu.memref_slice %arg6[%dma_start3A_89, %dma_start3A_90] : memref<10240x128xf32, #tpu.memory_space<vmem_shared>> -> memref<10240x128xf32, #tpu.memory_space<vmem_shared>>
      tpu.enqueue_indirect_dma source(%arg5 : memref<128x128xf32, #tpu.memory_space<vmem>>) target(%dma_start3A_91 : memref<10240x128xf32, #tpu.memory_space<vmem_shared>>) offsets(%dma_start3A_88 : memref<128xi32, #tpu.memory_space<vmem>>) semaphore(%arg7 : memref<!tpu.dma_semaphore, #tpu.memory_space<semaphore_mem>>) {add = true}
      %add3A_92 = arith.constant 7 : i32
      %add3A_93 = arith.addi %add3A_29, %add3A_92 : i32
      %dma_start3A_94 = arith.constant 1 : i32
      %dma_start3A_95 = arith.constant 0 : i32
      %dma_start3A_96 = tpu.memref_slice %arg4[%add3A_93, %dma_start3A_94, %dma_start3A_95] : memref<80x2x128xi32, #tpu.memory_space<vmem>> -> memref<1x1x128xi32, #tpu.memory_space<vmem>>
      %dma_start3A_97 = tpu.memref_squeeze %dma_start3A_96 : memref<1x1x128xi32, #tpu.memory_space<vmem>> -> memref<128xi32, #tpu.memory_space<vmem>>
      %dma_start3A_98 = arith.constant 0 : i32
      %dma_start3A_99 = arith.constant 0 : i32
      %dma_start3A_100 = tpu.memref_slice %arg6[%dma_start3A_98, %dma_start3A_99] : memref<10240x128xf32, #tpu.memory_space<vmem_shared>> -> memref<10240x128xf32, #tpu.memory_space<vmem_shared>>
      tpu.enqueue_indirect_dma source(%arg5 : memref<128x128xf32, #tpu.memory_space<vmem>>) target(%dma_start3A_100 : memref<10240x128xf32, #tpu.memory_space<vmem_shared>>) offsets(%dma_start3A_97 : memref<128xi32, #tpu.memory_space<vmem>>) semaphore(%arg7 : memref<!tpu.dma_semaphore, #tpu.memory_space<semaphore_mem>>) {add = true}
      %add3A_101 = arith.constant 0 : i32
      %add3A_102 = arith.addi %add3A_29, %add3A_101 : i32
      %dma_wait3A = arith.constant 1 : i32
      %dma_wait3A_103 = arith.constant 0 : i32
      %dma_wait3A_104 = tpu.memref_slice %arg4[%add3A_102, %dma_wait3A, %dma_wait3A_103] : memref<80x2x128xi32, #tpu.memory_space<vmem>> -> memref<1x1x128xi32, #tpu.memory_space<vmem>>
      %dma_wait3A_105 = tpu.memref_squeeze %dma_wait3A_104 : memref<1x1x128xi32, #tpu.memory_space<vmem>> -> memref<128xi32, #tpu.memory_space<vmem>>
      %dma_wait3A_106 = arith.constant 0 : i32
      %dma_wait3A_107 = arith.constant 0 : i32
      %dma_wait3A_108 = tpu.memref_slice %arg6[%dma_wait3A_106, %dma_wait3A_107] : memref<10240x128xf32, #tpu.memory_space<vmem_shared>> -> memref<10240x128xf32, #tpu.memory_space<vmem_shared>>
      tpu.wait_indirect_dma semaphore(%arg7 : memref<!tpu.dma_semaphore, #tpu.memory_space<semaphore_mem>>) src(%arg5 : memref<128x128xf32, #tpu.memory_space<vmem>>) dst(%dma_wait3A_108 : memref<10240x128xf32, #tpu.memory_space<vmem_shared>>)
      %add3A_109 = arith.constant 1 : i32
      %add3A_110 = arith.addi %add3A_29, %add3A_109 : i32
      %dma_wait3A_111 = arith.constant 1 : i32
      %dma_wait3A_112 = arith.constant 0 : i32
      %dma_wait3A_113 = tpu.memref_slice %arg4[%add3A_110, %dma_wait3A_111, %dma_wait3A_112] : memref<80x2x128xi32, #tpu.memory_space<vmem>> -> memref<1x1x128xi32, #tpu.memory_space<vmem>>
      %dma_wait3A_114 = tpu.memref_squeeze %dma_wait3A_113 : memref<1x1x128xi32, #tpu.memory_space<vmem>> -> memref<128xi32, #tpu.memory_space<vmem>>
      %dma_wait3A_115 = arith.constant 0 : i32
      %dma_wait3A_116 = arith.constant 0 : i32
      %dma_wait3A_117 = tpu.memref_slice %arg6[%dma_wait3A_115, %dma_wait3A_116] : memref<10240x128xf32, #tpu.memory_space<vmem_shared>> -> memref<10240x128xf32, #tpu.memory_space<vmem_shared>>
      tpu.wait_indirect_dma semaphore(%arg7 : memref<!tpu.dma_semaphore, #tpu.memory_space<semaphore_mem>>) src(%arg5 : memref<128x128xf32, #tpu.memory_space<vmem>>) dst(%dma_wait3A_117 : memref<10240x128xf32, #tpu.memory_space<vmem_shared>>)
      %add3A_118 = arith.constant 2 : i32
      %add3A_119 = arith.addi %add3A_29, %add3A_118 : i32
      %dma_wait3A_120 = arith.constant 1 : i32
      %dma_wait3A_121 = arith.constant 0 : i32
      %dma_wait3A_122 = tpu.memref_slice %arg4[%add3A_119, %dma_wait3A_120, %dma_wait3A_121] : memref<80x2x128xi32, #tpu.memory_space<vmem>> -> memref<1x1x128xi32, #tpu.memory_space<vmem>>
      %dma_wait3A_123 = tpu.memref_squeeze %dma_wait3A_122 : memref<1x1x128xi32, #tpu.memory_space<vmem>> -> memref<128xi32, #tpu.memory_space<vmem>>
      %dma_wait3A_124 = arith.constant 0 : i32
      %dma_wait3A_125 = arith.constant 0 : i32
      %dma_wait3A_126 = tpu.memref_slice %arg6[%dma_wait3A_124, %dma_wait3A_125] : memref<10240x128xf32, #tpu.memory_space<vmem_shared>> -> memref<10240x128xf32, #tpu.memory_space<vmem_shared>>
      tpu.wait_indirect_dma semaphore(%arg7 : memref<!tpu.dma_semaphore, #tpu.memory_space<semaphore_mem>>) src(%arg5 : memref<128x128xf32, #tpu.memory_space<vmem>>) dst(%dma_wait3A_126 : memref<10240x128xf32, #tpu.memory_space<vmem_shared>>)
      %add3A_127 = arith.constant 3 : i32
      %add3A_128 = arith.addi %add3A_29, %add3A_127 : i32
      %dma_wait3A_129 = arith.constant 1 : i32
      %dma_wait3A_130 = arith.constant 0 : i32
      %dma_wait3A_131 = tpu.memref_slice %arg4[%add3A_128, %dma_wait3A_129, %dma_wait3A_130] : memref<80x2x128xi32, #tpu.memory_space<vmem>> -> memref<1x1x128xi32, #tpu.memory_space<vmem>>
      %dma_wait3A_132 = tpu.memref_squeeze %dma_wait3A_131 : memref<1x1x128xi32, #tpu.memory_space<vmem>> -> memref<128xi32, #tpu.memory_space<vmem>>
      %dma_wait3A_133 = arith.constant 0 : i32
      %dma_wait3A_134 = arith.constant 0 : i32
      %dma_wait3A_135 = tpu.memref_slice %arg6[%dma_wait3A_133, %dma_wait3A_134] : memref<10240x128xf32, #tpu.memory_space<vmem_shared>> -> memref<10240x128xf32, #tpu.memory_space<vmem_shared>>
      tpu.wait_indirect_dma semaphore(%arg7 : memref<!tpu.dma_semaphore, #tpu.memory_space<semaphore_mem>>) src(%arg5 : memref<128x128xf32, #tpu.memory_space<vmem>>) dst(%dma_wait3A_135 : memref<10240x128xf32, #tpu.memory_space<vmem_shared>>)
      %add3A_136 = arith.constant 4 : i32
      %add3A_137 = arith.addi %add3A_29, %add3A_136 : i32
      %dma_wait3A_138 = arith.constant 1 : i32
      %dma_wait3A_139 = arith.constant 0 : i32
      %dma_wait3A_140 = tpu.memref_slice %arg4[%add3A_137, %dma_wait3A_138, %dma_wait3A_139] : memref<80x2x128xi32, #tpu.memory_space<vmem>> -> memref<1x1x128xi32, #tpu.memory_space<vmem>>
      %dma_wait3A_141 = tpu.memref_squeeze %dma_wait3A_140 : memref<1x1x128xi32, #tpu.memory_space<vmem>> -> memref<128xi32, #tpu.memory_space<vmem>>
      %dma_wait3A_142 = arith.constant 0 : i32
      %dma_wait3A_143 = arith.constant 0 : i32
      %dma_wait3A_144 = tpu.memref_slice %arg6[%dma_wait3A_142, %dma_wait3A_143] : memref<10240x128xf32, #tpu.memory_space<vmem_shared>> -> memref<10240x128xf32, #tpu.memory_space<vmem_shared>>
      tpu.wait_indirect_dma semaphore(%arg7 : memref<!tpu.dma_semaphore, #tpu.memory_space<semaphore_mem>>) src(%arg5 : memref<128x128xf32, #tpu.memory_space<vmem>>) dst(%dma_wait3A_144 : memref<10240x128xf32, #tpu.memory_space<vmem_shared>>)
      %add3A_145 = arith.constant 5 : i32
      %add3A_146 = arith.addi %add3A_29, %add3A_145 : i32
      %dma_wait3A_147 = arith.constant 1 : i32
      %dma_wait3A_148 = arith.constant 0 : i32
      %dma_wait3A_149 = tpu.memref_slice %arg4[%add3A_146, %dma_wait3A_147, %dma_wait3A_148] : memref<80x2x128xi32, #tpu.memory_space<vmem>> -> memref<1x1x128xi32, #tpu.memory_space<vmem>>
      %dma_wait3A_150 = tpu.memref_squeeze %dma_wait3A_149 : memref<1x1x128xi32, #tpu.memory_space<vmem>> -> memref<128xi32, #tpu.memory_space<vmem>>
      %dma_wait3A_151 = arith.constant 0 : i32
      %dma_wait3A_152 = arith.constant 0 : i32
      %dma_wait3A_153 = tpu.memref_slice %arg6[%dma_wait3A_151, %dma_wait3A_152] : memref<10240x128xf32, #tpu.memory_space<vmem_shared>> -> memref<10240x128xf32, #tpu.memory_space<vmem_shared>>
      tpu.wait_indirect_dma semaphore(%arg7 : memref<!tpu.dma_semaphore, #tpu.memory_space<semaphore_mem>>) src(%arg5 : memref<128x128xf32, #tpu.memory_space<vmem>>) dst(%dma_wait3A_153 : memref<10240x128xf32, #tpu.memory_space<vmem_shared>>)
      %add3A_154 = arith.constant 6 : i32
      %add3A_155 = arith.addi %add3A_29, %add3A_154 : i32
      %dma_wait3A_156 = arith.constant 1 : i32
      %dma_wait3A_157 = arith.constant 0 : i32
      %dma_wait3A_158 = tpu.memref_slice %arg4[%add3A_155, %dma_wait3A_156, %dma_wait3A_157] : memref<80x2x128xi32, #tpu.memory_space<vmem>> -> memref<1x1x128xi32, #tpu.memory_space<vmem>>
      %dma_wait3A_159 = tpu.memref_squeeze %dma_wait3A_158 : memref<1x1x128xi32, #tpu.memory_space<vmem>> -> memref<128xi32, #tpu.memory_space<vmem>>
      %dma_wait3A_160 = arith.constant 0 : i32
      %dma_wait3A_161 = arith.constant 0 : i32
      %dma_wait3A_162 = tpu.memref_slice %arg6[%dma_wait3A_160, %dma_wait3A_161] : memref<10240x128xf32, #tpu.memory_space<vmem_shared>> -> memref<10240x128xf32, #tpu.memory_space<vmem_shared>>
      tpu.wait_indirect_dma semaphore(%arg7 : memref<!tpu.dma_semaphore, #tpu.memory_space<semaphore_mem>>) src(%arg5 : memref<128x128xf32, #tpu.memory_space<vmem>>) dst(%dma_wait3A_162 : memref<10240x128xf32, #tpu.memory_space<vmem_shared>>)
      %add3A_163 = arith.constant 7 : i32
      %add3A_164 = arith.addi %add3A_29, %add3A_163 : i32
      %dma_wait3A_165 = arith.constant 1 : i32
      %dma_wait3A_166 = arith.constant 0 : i32
      %dma_wait3A_167 = tpu.memref_slice %arg4[%add3A_164, %dma_wait3A_165, %dma_wait3A_166] : memref<80x2x128xi32, #tpu.memory_space<vmem>> -> memref<1x1x128xi32, #tpu.memory_space<vmem>>
      %dma_wait3A_168 = tpu.memref_squeeze %dma_wait3A_167 : memref<1x1x128xi32, #tpu.memory_space<vmem>> -> memref<128xi32, #tpu.memory_space<vmem>>
      %dma_wait3A_169 = arith.constant 0 : i32
      %dma_wait3A_170 = arith.constant 0 : i32
      %dma_wait3A_171 = tpu.memref_slice %arg6[%dma_wait3A_169, %dma_wait3A_170] : memref<10240x128xf32, #tpu.memory_space<vmem_shared>> -> memref<10240x128xf32, #tpu.memory_space<vmem_shared>>
      tpu.wait_indirect_dma semaphore(%arg7 : memref<!tpu.dma_semaphore, #tpu.memory_space<semaphore_mem>>) src(%arg5 : memref<128x128xf32, #tpu.memory_space<vmem>>) dst(%dma_wait3A_171 : memref<10240x128xf32, #tpu.memory_space<vmem_shared>>)
    }
    %scan3A_19 = arith.constant 10 : i32
    %barrier3A_20 = arith.constant 0 : index
    tpu.barrier barrier_id(%barrier3A_20)
    %mul3A_21 = arith.constant 640 : i32
    %mul3A_22 = arith.muli %arg1, %mul3A_21 : i32
    %mul3A_23 = arith.constant 640 : i32
    %mul3A_24 = arith.muli %arg1, %mul3A_23 : i32
    "tpu.region"() ({
      %run_scoped3A = tpu.sem_alloc : memref<!tpu.dma_semaphore, #tpu.memory_space<semaphore_mem>>
      %dma_start3A = arith.constant 0 : i32
      %dma_start3A_25 = tpu.memref_slice %arg3[%arg0, %mul3A_24, %dma_start3A] : memref<2x10240x128xf32, #tpu.memory_space<hbm>> -> memref<1x640x128xf32, #tpu.memory_space<hbm>>
      %dma_start3A_26 = tpu.memref_squeeze %dma_start3A_25 : memref<1x640x128xf32, #tpu.memory_space<hbm>> -> memref<640x128xf32, #tpu.memory_space<hbm>>
      %dma_start3A_27 = arith.constant 0 : i32
      %dma_start3A_28 = tpu.memref_slice %arg6[%mul3A_22, %dma_start3A_27] : memref<10240x128xf32, #tpu.memory_space<vmem_shared>> -> memref<640x128xf32, #tpu.memory_space<vmem_shared>>
      tpu.enqueue_dma source(%dma_start3A_28 : memref<640x128xf32, #tpu.memory_space<vmem_shared>>) target(%dma_start3A_26 : memref<640x128xf32, #tpu.memory_space<hbm>>) target_semaphore(%run_scoped3A : memref<!tpu.dma_semaphore, #tpu.memory_space<semaphore_mem>>)
      %dma_wait3A = arith.constant 0 : i32
      %dma_wait3A_29 = tpu.memref_slice %arg3[%arg0, %mul3A_24, %dma_wait3A] : memref<2x10240x128xf32, #tpu.memory_space<hbm>> -> memref<1x640x128xf32, #tpu.memory_space<hbm>>
      %dma_wait3A_30 = tpu.memref_squeeze %dma_wait3A_29 : memref<1x640x128xf32, #tpu.memory_space<hbm>> -> memref<640x128xf32, #tpu.memory_space<hbm>>
      %dma_wait3A_31 = arith.constant 0 : i32
      %dma_wait3A_32 = tpu.memref_slice %arg6[%mul3A_22, %dma_wait3A_31] : memref<10240x128xf32, #tpu.memory_space<vmem_shared>> -> memref<640x128xf32, #tpu.memory_space<vmem_shared>>
      tpu.wait_dma2 semaphore(%run_scoped3A : memref<!tpu.dma_semaphore, #tpu.memory_space<semaphore_mem>>) src(%dma_wait3A_32 : memref<640x128xf32, #tpu.memory_space<vmem_shared>>) dst(%dma_wait3A_30 : memref<640x128xf32, #tpu.memory_space<hbm>>)
      tpu.yield
    }) : () -> ()
    return
  }
}

#map = affine_map<(d0, d1) -> (0, 0, 0, 0)>
#map1 = affine_map<(d0, d1) -> (0, 0)>
#map2 = affine_map<(d0, d1) -> (0, 0, 0)>
module attributes {stable_mosaic.version = 14 : i64} {
  func.func @_prop_body(%arg0: i32, %arg1: i32, %arg2: memref<32x80x2x128xi32, #tpu.memory_space<hbm>>, %arg3: memref<10240x128xf32, #tpu.memory_space<hbm>>, %arg4: memref<2x10240x128xf32, #tpu.memory_space<hbm>>, %arg5: memref<20x2x128xi32, #tpu.memory_space<vmem>>, %arg6: memref<128x128xf32, #tpu.memory_space<vmem>>, %arg7: memref<128x128xf32, #tpu.memory_space<vmem>>, %arg8: memref<10240x128xf32, #tpu.memory_space<vmem_shared>>, %arg9: memref<!tpu.dma_semaphore, #tpu.memory_space<semaphore_mem>>, %arg10: memref<!tpu.dma_semaphore, #tpu.memory_space<semaphore_mem>>) attributes {dimension_semantics = [#tpu.dimension_semantics<core_parallel>, #tpu.dimension_semantics<subcore_parallel>], iteration_bounds = array<i64: 2, 16>, scalar_prefetch = 0 : i64, scratch_operands = 6 : i64, tpu.core_type = #tpu.core_type<sc_vector_subcore>, window_params = [{transform_indices = #map}, {transform_indices = #map1}, {transform_indices = #map2}]} {
    %mul3A = arith.constant 16 : i32
    %mul3A_0 = arith.muli %arg0, %mul3A : i32
    %add3A = arith.addi %mul3A_0, %arg1 : i32
    %scan3A = arith.constant 0 : i32
    %scan3A_1 = arith.constant 128 : i32
    %scan3A_2 = arith.addi %scan3A, %scan3A_1 : i32
    %scan3A_3 = arith.constant 1 : i32
    scf.for %scan3A_98 = %scan3A to %scan3A_2 step %scan3A_3  : i32 {
      %mul3A_99 = arith.constant 1 : i32
      %mul3A_100 = arith.muli %scan3A_98, %mul3A_99 : i32
      %add3A_101 = arith.constant 0 : i32
      %add3A_102 = arith.addi %add3A_101, %mul3A_100 : i32
      %broadcast_in_dim3A = arith.constant 0.000000e+00 : f32
      %broadcast_in_dim3A_103 = vector.broadcast %broadcast_in_dim3A : f32 to vector<16xf32>
      %swap3A = arith.index_cast %add3A_102 : i32 to index
      %swap3A_104 = arith.constant 0 : index
      %swap3A_105 = tpu.vector_load %arg6[%swap3A, %swap3A_104] {strides = array<i32>} : memref<128x128xf32, #tpu.memory_space<vmem>>, vector<1x16xf32>,
      %swap3A_106 = vector.shape_cast %swap3A_105 : vector<1x16xf32> to vector<16xf32>
      %swap3A_107 = vector.shape_cast %broadcast_in_dim3A_103 : vector<16xf32> to vector<1x16xf32>
      tpu.vector_store %arg6[%swap3A, %swap3A_104], %swap3A_107 {strides = array<i32>} : memref<128x128xf32, #tpu.memory_space<vmem>>, vector<1x16xf32>,
      %broadcast_in_dim3A_108 = arith.constant 0.000000e+00 : f32
      %broadcast_in_dim3A_109 = vector.broadcast %broadcast_in_dim3A_108 : f32 to vector<16xf32>
      %swap3A_110 = arith.index_cast %add3A_102 : i32 to index
      %swap3A_111 = arith.constant 16 : index
      %swap3A_112 = tpu.vector_load %arg6[%swap3A_110, %swap3A_111] {strides = array<i32>} : memref<128x128xf32, #tpu.memory_space<vmem>>, vector<1x16xf32>,
      %swap3A_113 = vector.shape_cast %swap3A_112 : vector<1x16xf32> to vector<16xf32>
      %swap3A_114 = vector.shape_cast %broadcast_in_dim3A_109 : vector<16xf32> to vector<1x16xf32>
      tpu.vector_store %arg6[%swap3A_110, %swap3A_111], %swap3A_114 {strides = array<i32>} : memref<128x128xf32, #tpu.memory_space<vmem>>, vector<1x16xf32>,
      %broadcast_in_dim3A_115 = arith.constant 0.000000e+00 : f32
      %broadcast_in_dim3A_116 = vector.broadcast %broadcast_in_dim3A_115 : f32 to vector<16xf32>
      %swap3A_117 = arith.index_cast %add3A_102 : i32 to index
      %swap3A_118 = arith.constant 32 : index
      %swap3A_119 = tpu.vector_load %arg6[%swap3A_117, %swap3A_118] {strides = array<i32>} : memref<128x128xf32, #tpu.memory_space<vmem>>, vector<1x16xf32>,
      %swap3A_120 = vector.shape_cast %swap3A_119 : vector<1x16xf32> to vector<16xf32>
      %swap3A_121 = vector.shape_cast %broadcast_in_dim3A_116 : vector<16xf32> to vector<1x16xf32>
      tpu.vector_store %arg6[%swap3A_117, %swap3A_118], %swap3A_121 {strides = array<i32>} : memref<128x128xf32, #tpu.memory_space<vmem>>, vector<1x16xf32>,
      %broadcast_in_dim3A_122 = arith.constant 0.000000e+00 : f32
      %broadcast_in_dim3A_123 = vector.broadcast %broadcast_in_dim3A_122 : f32 to vector<16xf32>
      %swap3A_124 = arith.index_cast %add3A_102 : i32 to index
      %swap3A_125 = arith.constant 48 : index
      %swap3A_126 = tpu.vector_load %arg6[%swap3A_124, %swap3A_125] {strides = array<i32>} : memref<128x128xf32, #tpu.memory_space<vmem>>, vector<1x16xf32>,
      %swap3A_127 = vector.shape_cast %swap3A_126 : vector<1x16xf32> to vector<16xf32>
      %swap3A_128 = vector.shape_cast %broadcast_in_dim3A_123 : vector<16xf32> to vector<1x16xf32>
      tpu.vector_store %arg6[%swap3A_124, %swap3A_125], %swap3A_128 {strides = array<i32>} : memref<128x128xf32, #tpu.memory_space<vmem>>, vector<1x16xf32>,
      %broadcast_in_dim3A_129 = arith.constant 0.000000e+00 : f32
      %broadcast_in_dim3A_130 = vector.broadcast %broadcast_in_dim3A_129 : f32 to vector<16xf32>
      %swap3A_131 = arith.index_cast %add3A_102 : i32 to index
      %swap3A_132 = arith.constant 64 : index
      %swap3A_133 = tpu.vector_load %arg6[%swap3A_131, %swap3A_132] {strides = array<i32>} : memref<128x128xf32, #tpu.memory_space<vmem>>, vector<1x16xf32>,
      %swap3A_134 = vector.shape_cast %swap3A_133 : vector<1x16xf32> to vector<16xf32>
      %swap3A_135 = vector.shape_cast %broadcast_in_dim3A_130 : vector<16xf32> to vector<1x16xf32>
      tpu.vector_store %arg6[%swap3A_131, %swap3A_132], %swap3A_135 {strides = array<i32>} : memref<128x128xf32, #tpu.memory_space<vmem>>, vector<1x16xf32>,
      %broadcast_in_dim3A_136 = arith.constant 0.000000e+00 : f32
      %broadcast_in_dim3A_137 = vector.broadcast %broadcast_in_dim3A_136 : f32 to vector<16xf32>
      %swap3A_138 = arith.index_cast %add3A_102 : i32 to index
      %swap3A_139 = arith.constant 80 : index
      %swap3A_140 = tpu.vector_load %arg6[%swap3A_138, %swap3A_139] {strides = array<i32>} : memref<128x128xf32, #tpu.memory_space<vmem>>, vector<1x16xf32>,
      %swap3A_141 = vector.shape_cast %swap3A_140 : vector<1x16xf32> to vector<16xf32>
      %swap3A_142 = vector.shape_cast %broadcast_in_dim3A_137 : vector<16xf32> to vector<1x16xf32>
      tpu.vector_store %arg6[%swap3A_138, %swap3A_139], %swap3A_142 {strides = array<i32>} : memref<128x128xf32, #tpu.memory_space<vmem>>, vector<1x16xf32>,
      %broadcast_in_dim3A_143 = arith.constant 0.000000e+00 : f32
      %broadcast_in_dim3A_144 = vector.broadcast %broadcast_in_dim3A_143 : f32 to vector<16xf32>
      %swap3A_145 = arith.index_cast %add3A_102 : i32 to index
      %swap3A_146 = arith.constant 96 : index
      %swap3A_147 = tpu.vector_load %arg6[%swap3A_145, %swap3A_146] {strides = array<i32>} : memref<128x128xf32, #tpu.memory_space<vmem>>, vector<1x16xf32>,
      %swap3A_148 = vector.shape_cast %swap3A_147 : vector<1x16xf32> to vector<16xf32>
      %swap3A_149 = vector.shape_cast %broadcast_in_dim3A_144 : vector<16xf32> to vector<1x16xf32>
      tpu.vector_store %arg6[%swap3A_145, %swap3A_146], %swap3A_149 {strides = array<i32>} : memref<128x128xf32, #tpu.memory_space<vmem>>, vector<1x16xf32>,
      %broadcast_in_dim3A_150 = arith.constant 0.000000e+00 : f32
      %broadcast_in_dim3A_151 = vector.broadcast %broadcast_in_dim3A_150 : f32 to vector<16xf32>
      %swap3A_152 = arith.index_cast %add3A_102 : i32 to index
      %swap3A_153 = arith.constant 112 : index
      %swap3A_154 = tpu.vector_load %arg6[%swap3A_152, %swap3A_153] {strides = array<i32>} : memref<128x128xf32, #tpu.memory_space<vmem>>, vector<1x16xf32>,
      %swap3A_155 = vector.shape_cast %swap3A_154 : vector<1x16xf32> to vector<16xf32>
      %swap3A_156 = vector.shape_cast %broadcast_in_dim3A_151 : vector<16xf32> to vector<1x16xf32>
      tpu.vector_store %arg6[%swap3A_152, %swap3A_153], %swap3A_156 {strides = array<i32>} : memref<128x128xf32, #tpu.memory_space<vmem>>, vector<1x16xf32>,
    }
    %scan3A_4 = arith.constant 128 : i32
    %scan3A_5 = arith.constant 0 : i32
    %scan3A_6 = arith.constant 5 : i32
    %scan3A_7 = arith.addi %scan3A_5, %scan3A_6 : i32
    %scan3A_8 = arith.constant 1 : i32
    scf.for %scan3A_98 = %scan3A_5 to %scan3A_7 step %scan3A_8  : i32 {
      %mul3A_99 = arith.constant 1 : i32
      %mul3A_100 = arith.muli %scan3A_98, %mul3A_99 : i32
      %add3A_101 = arith.constant 0 : i32
      %add3A_102 = arith.addi %add3A_101, %mul3A_100 : i32
      %mul3A_103 = arith.constant 640 : i32
      %mul3A_104 = arith.muli %arg1, %mul3A_103 : i32
      %mul3A_105 = arith.constant 128 : i32
      %mul3A_106 = arith.muli %add3A_102, %mul3A_105 : i32
      %add3A_107 = arith.addi %mul3A_104, %mul3A_106 : i32
      "tpu.region"() ({
        %run_scoped3A = tpu.sem_alloc : memref<!tpu.dma_semaphore, #tpu.memory_space<semaphore_mem>>
        %dma_start3A_108 = arith.constant 0 : i32
        %dma_start3A_109 = tpu.memref_slice %arg8[%add3A_107, %dma_start3A_108] : memref<10240x128xf32, #tpu.memory_space<vmem_shared>> -> memref<128x128xf32, #tpu.memory_space<vmem_shared>>
        %dma_start3A_110 = arith.constant 0 : i32
        %dma_start3A_111 = tpu.memref_slice %arg8[%add3A_107, %dma_start3A_110] : memref<10240x128xf32, #tpu.memory_space<vmem_shared>> -> memref<128x128xf32, #tpu.memory_space<vmem_shared>>
        tpu.enqueue_dma source(%arg6 : memref<128x128xf32, #tpu.memory_space<vmem>>) target(%dma_start3A_111 : memref<128x128xf32, #tpu.memory_space<vmem_shared>>) target_semaphore(%run_scoped3A : memref<!tpu.dma_semaphore, #tpu.memory_space<semaphore_mem>>)
        %dma_wait3A = arith.constant 0 : i32
        %dma_wait3A_112 = tpu.memref_slice %arg8[%add3A_107, %dma_wait3A] : memref<10240x128xf32, #tpu.memory_space<vmem_shared>> -> memref<128x128xf32, #tpu.memory_space<vmem_shared>>
        %dma_wait3A_113 = arith.constant 0 : i32
        %dma_wait3A_114 = tpu.memref_slice %arg8[%add3A_107, %dma_wait3A_113] : memref<10240x128xf32, #tpu.memory_space<vmem_shared>> -> memref<128x128xf32, #tpu.memory_space<vmem_shared>>
        tpu.wait_dma2 semaphore(%run_scoped3A : memref<!tpu.dma_semaphore, #tpu.memory_space<semaphore_mem>>) src(%arg6 : memref<128x128xf32, #tpu.memory_space<vmem>>) dst(%dma_wait3A_114 : memref<128x128xf32, #tpu.memory_space<vmem_shared>>)
        tpu.yield
      }) : () -> ()
    }
    %scan3A_9 = arith.constant 5 : i32
    %barrier3A = arith.constant 0 : index
    tpu.barrier barrier_id(%barrier3A)
    "tpu.region"() ({
      %run_scoped3A = tpu.sem_alloc : memref<!tpu.dma_semaphore, #tpu.memory_space<semaphore_mem>>
      %dma_start3A_98 = arith.constant 0 : i32
      %dma_start3A_99 = arith.constant 0 : i32
      %dma_start3A_100 = arith.constant 0 : i32
      %dma_start3A_101 = tpu.memref_slice %arg2[%add3A, %dma_start3A_98, %dma_start3A_99, %dma_start3A_100] : memref<32x80x2x128xi32, #tpu.memory_space<hbm>> -> memref<1x20x2x128xi32, #tpu.memory_space<hbm>>
      %dma_start3A_102 = tpu.memref_squeeze %dma_start3A_101 : memref<1x20x2x128xi32, #tpu.memory_space<hbm>> -> memref<20x2x128xi32, #tpu.memory_space<hbm>>
      %dma_start3A_103 = arith.constant 0 : i32
      %dma_start3A_104 = arith.constant 0 : i32
      %dma_start3A_105 = arith.constant 0 : i32
      %dma_start3A_106 = tpu.memref_slice %arg2[%add3A, %dma_start3A_103, %dma_start3A_104, %dma_start3A_105] : memref<32x80x2x128xi32, #tpu.memory_space<hbm>> -> memref<1x20x2x128xi32, #tpu.memory_space<hbm>>
      %dma_start3A_107 = tpu.memref_squeeze %dma_start3A_106 : memref<1x20x2x128xi32, #tpu.memory_space<hbm>> -> memref<20x2x128xi32, #tpu.memory_space<hbm>>
      tpu.enqueue_dma source(%dma_start3A_107 : memref<20x2x128xi32, #tpu.memory_space<hbm>>) target(%arg5 : memref<20x2x128xi32, #tpu.memory_space<vmem>>) target_semaphore(%run_scoped3A : memref<!tpu.dma_semaphore, #tpu.memory_space<semaphore_mem>>)
      %dma_wait3A = arith.constant 0 : i32
      %dma_wait3A_108 = arith.constant 0 : i32
      %dma_wait3A_109 = arith.constant 0 : i32
      %dma_wait3A_110 = tpu.memref_slice %arg2[%add3A, %dma_wait3A, %dma_wait3A_108, %dma_wait3A_109] : memref<32x80x2x128xi32, #tpu.memory_space<hbm>> -> memref<1x20x2x128xi32, #tpu.memory_space<hbm>>
      %dma_wait3A_111 = tpu.memref_squeeze %dma_wait3A_110 : memref<1x20x2x128xi32, #tpu.memory_space<hbm>> -> memref<20x2x128xi32, #tpu.memory_space<hbm>>
      %dma_wait3A_112 = arith.constant 0 : i32
      %dma_wait3A_113 = arith.constant 0 : i32
      %dma_wait3A_114 = arith.constant 0 : i32
      %dma_wait3A_115 = tpu.memref_slice %arg2[%add3A, %dma_wait3A_112, %dma_wait3A_113, %dma_wait3A_114] : memref<32x80x2x128xi32, #tpu.memory_space<hbm>> -> memref<1x20x2x128xi32, #tpu.memory_space<hbm>>
      %dma_wait3A_116 = tpu.memref_squeeze %dma_wait3A_115 : memref<1x20x2x128xi32, #tpu.memory_space<hbm>> -> memref<20x2x128xi32, #tpu.memory_space<hbm>>
      tpu.wait_dma2 semaphore(%run_scoped3A : memref<!tpu.dma_semaphore, #tpu.memory_space<semaphore_mem>>) src(%dma_wait3A_116 : memref<20x2x128xi32, #tpu.memory_space<hbm>>) dst(%arg5 : memref<20x2x128xi32, #tpu.memory_space<vmem>>)
      tpu.yield
    }) : () -> ()
    %dma_start3A = arith.constant 0 : i32
    %dma_start3A_10 = arith.constant 0 : i32
    %dma_start3A_11 = arith.constant 0 : i32
    %dma_start3A_12 = tpu.memref_slice %arg5[%dma_start3A, %dma_start3A_10, %dma_start3A_11] : memref<20x2x128xi32, #tpu.memory_space<vmem>> -> memref<1x1x128xi32, #tpu.memory_space<vmem>>
    %dma_start3A_13 = tpu.memref_squeeze %dma_start3A_12 : memref<1x1x128xi32, #tpu.memory_space<vmem>> -> memref<128xi32, #tpu.memory_space<vmem>>
    %dma_start3A_14 = arith.constant 0 : i32
    %dma_start3A_15 = arith.constant 0 : i32
    %dma_start3A_16 = tpu.memref_slice %arg3[%dma_start3A_14, %dma_start3A_15] : memref<10240x128xf32, #tpu.memory_space<hbm>> -> memref<10240x128xf32, #tpu.memory_space<hbm>>
    tpu.enqueue_indirect_dma source(%dma_start3A_16 : memref<10240x128xf32, #tpu.memory_space<hbm>>) target(%arg6 : memref<128x128xf32, #tpu.memory_space<vmem>>) offsets(%dma_start3A_13 : memref<128xi32, #tpu.memory_space<vmem>>) semaphore(%arg9 : memref<!tpu.dma_semaphore, #tpu.memory_space<semaphore_mem>>)
    %dma_start3A_17 = arith.constant 1 : i32
    %dma_start3A_18 = arith.constant 0 : i32
    %dma_start3A_19 = arith.constant 0 : i32
    %dma_start3A_20 = tpu.memref_slice %arg5[%dma_start3A_17, %dma_start3A_18, %dma_start3A_19] : memref<20x2x128xi32, #tpu.memory_space<vmem>> -> memref<1x1x128xi32, #tpu.memory_space<vmem>>
    %dma_start3A_21 = tpu.memref_squeeze %dma_start3A_20 : memref<1x1x128xi32, #tpu.memory_space<vmem>> -> memref<128xi32, #tpu.memory_space<vmem>>
    %dma_start3A_22 = arith.constant 0 : i32
    %dma_start3A_23 = arith.constant 0 : i32
    %dma_start3A_24 = tpu.memref_slice %arg3[%dma_start3A_22, %dma_start3A_23] : memref<10240x128xf32, #tpu.memory_space<hbm>> -> memref<10240x128xf32, #tpu.memory_space<hbm>>
    tpu.enqueue_indirect_dma source(%dma_start3A_24 : memref<10240x128xf32, #tpu.memory_space<hbm>>) target(%arg7 : memref<128x128xf32, #tpu.memory_space<vmem>>) offsets(%dma_start3A_21 : memref<128xi32, #tpu.memory_space<vmem>>) semaphore(%arg10 : memref<!tpu.dma_semaphore, #tpu.memory_space<semaphore_mem>>)
    %scan3A_25 = arith.constant 0 : i32
    %scan3A_26 = arith.constant 10 : i32
    %scan3A_27 = arith.addi %scan3A_25, %scan3A_26 : i32
    %scan3A_28 = arith.constant 1 : i32
    scf.for %scan3A_98 = %scan3A_25 to %scan3A_27 step %scan3A_28  : i32 {
      %mul3A_99 = arith.constant 2 : i32
      %mul3A_100 = arith.muli %scan3A_98, %mul3A_99 : i32
      %add3A_101 = arith.constant 0 : i32
      %add3A_102 = arith.addi %add3A_101, %mul3A_100 : i32
      %add3A_103 = arith.constant 0 : i32
      %add3A_104 = arith.addi %add3A_102, %add3A_103 : i32
      %dma_wait3A = arith.constant 0 : i32
      %dma_wait3A_105 = arith.constant 0 : i32
      %dma_wait3A_106 = tpu.memref_slice %arg5[%add3A_104, %dma_wait3A, %dma_wait3A_105] : memref<20x2x128xi32, #tpu.memory_space<vmem>> -> memref<1x1x128xi32, #tpu.memory_space<vmem>>
      %dma_wait3A_107 = tpu.memref_squeeze %dma_wait3A_106 : memref<1x1x128xi32, #tpu.memory_space<vmem>> -> memref<128xi32, #tpu.memory_space<vmem>>
      %dma_wait3A_108 = arith.constant 0 : i32
      %dma_wait3A_109 = arith.constant 0 : i32
      %dma_wait3A_110 = tpu.memref_slice %arg3[%dma_wait3A_108, %dma_wait3A_109] : memref<10240x128xf32, #tpu.memory_space<hbm>> -> memref<10240x128xf32, #tpu.memory_space<hbm>>
      tpu.wait_indirect_dma semaphore(%arg9 : memref<!tpu.dma_semaphore, #tpu.memory_space<semaphore_mem>>) src(%dma_wait3A_110 : memref<10240x128xf32, #tpu.memory_space<hbm>>) dst(%arg6 : memref<128x128xf32, #tpu.memory_space<vmem>>)
      %run_scoped3A = arith.constant 1 : i32
      "tpu.region"() ({
        %run_scoped3A_132 = tpu.sem_alloc : memref<!tpu.dma_semaphore, #tpu.memory_space<semaphore_mem>>
        %dma_start3A_133 = arith.constant 0 : i32
        %dma_start3A_134 = tpu.memref_slice %arg5[%add3A_104, %run_scoped3A, %dma_start3A_133] : memref<20x2x128xi32, #tpu.memory_space<vmem>> -> memref<1x1x128xi32, #tpu.memory_space<vmem>>
        %dma_start3A_135 = tpu.memref_squeeze %dma_start3A_134 : memref<1x1x128xi32, #tpu.memory_space<vmem>> -> memref<128xi32, #tpu.memory_space<vmem>>
        %dma_start3A_136 = arith.constant 0 : i32
        %dma_start3A_137 = arith.constant 0 : i32
        %dma_start3A_138 = tpu.memref_slice %arg8[%dma_start3A_136, %dma_start3A_137] : memref<10240x128xf32, #tpu.memory_space<vmem_shared>> -> memref<10240x128xf32, #tpu.memory_space<vmem_shared>>
        tpu.enqueue_indirect_dma source(%arg6 : memref<128x128xf32, #tpu.memory_space<vmem>>) target(%dma_start3A_138 : memref<10240x128xf32, #tpu.memory_space<vmem_shared>>) offsets(%dma_start3A_135 : memref<128xi32, #tpu.memory_space<vmem>>) semaphore(%run_scoped3A_132 : memref<!tpu.dma_semaphore, #tpu.memory_space<semaphore_mem>>) {add = true}
        %dma_wait3A_139 = arith.constant 0 : i32
        %dma_wait3A_140 = tpu.memref_slice %arg5[%add3A_104, %run_scoped3A, %dma_wait3A_139] : memref<20x2x128xi32, #tpu.memory_space<vmem>> -> memref<1x1x128xi32, #tpu.memory_space<vmem>>
        %dma_wait3A_141 = tpu.memref_squeeze %dma_wait3A_140 : memref<1x1x128xi32, #tpu.memory_space<vmem>> -> memref<128xi32, #tpu.memory_space<vmem>>
        %dma_wait3A_142 = arith.constant 0 : i32
        %dma_wait3A_143 = arith.constant 0 : i32
        %dma_wait3A_144 = tpu.memref_slice %arg8[%dma_wait3A_142, %dma_wait3A_143] : memref<10240x128xf32, #tpu.memory_space<vmem_shared>> -> memref<10240x128xf32, #tpu.memory_space<vmem_shared>>
        tpu.wait_indirect_dma semaphore(%run_scoped3A_132 : memref<!tpu.dma_semaphore, #tpu.memory_space<semaphore_mem>>) src(%arg6 : memref<128x128xf32, #tpu.memory_space<vmem>>) dst(%dma_wait3A_144 : memref<10240x128xf32, #tpu.memory_space<vmem_shared>>)
        tpu.yield
      }) : () -> ()
      %add3A_111 = arith.constant 2 : i32
      %add3A_112 = arith.addi %add3A_104, %add3A_111 : i32
      %lt3A = arith.constant 20 : i32
      %lt3A_113 = arith.cmpi slt, %add3A_112, %lt3A : i32
      %convert_element_type3A = arith.extui %lt3A_113 : i1 to i32
      %cond3A = arith.constant 0 : i32
      %cond3A_114 = arith.cmpi ne, %convert_element_type3A, %cond3A : i32
      scf.if %cond3A_114 {
        %add3A_132 = arith.constant 2 : i32
        %add3A_133 = arith.addi %add3A_104, %add3A_132 : i32
        %dma_start3A_134 = arith.constant 0 : i32
        %dma_start3A_135 = arith.constant 0 : i32
        %dma_start3A_136 = tpu.memref_slice %arg5[%add3A_133, %dma_start3A_134, %dma_start3A_135] : memref<20x2x128xi32, #tpu.memory_space<vmem>> -> memref<1x1x128xi32, #tpu.memory_space<vmem>>
        %dma_start3A_137 = tpu.memref_squeeze %dma_start3A_136 : memref<1x1x128xi32, #tpu.memory_space<vmem>> -> memref<128xi32, #tpu.memory_space<vmem>>
        %dma_start3A_138 = arith.constant 0 : i32
        %dma_start3A_139 = arith.constant 0 : i32
        %dma_start3A_140 = tpu.memref_slice %arg3[%dma_start3A_138, %dma_start3A_139] : memref<10240x128xf32, #tpu.memory_space<hbm>> -> memref<10240x128xf32, #tpu.memory_space<hbm>>
        tpu.enqueue_indirect_dma source(%dma_start3A_140 : memref<10240x128xf32, #tpu.memory_space<hbm>>) target(%arg6 : memref<128x128xf32, #tpu.memory_space<vmem>>) offsets(%dma_start3A_137 : memref<128xi32, #tpu.memory_space<vmem>>) semaphore(%arg9 : memref<!tpu.dma_semaphore, #tpu.memory_space<semaphore_mem>>)
      } else {
      }
      %add3A_115 = arith.constant 1 : i32
      %add3A_116 = arith.addi %add3A_102, %add3A_115 : i32
      %dma_wait3A_117 = arith.constant 0 : i32
      %dma_wait3A_118 = arith.constant 0 : i32
      %dma_wait3A_119 = tpu.memref_slice %arg5[%add3A_116, %dma_wait3A_117, %dma_wait3A_118] : memref<20x2x128xi32, #tpu.memory_space<vmem>> -> memref<1x1x128xi32, #tpu.memory_space<vmem>>
      %dma_wait3A_120 = tpu.memref_squeeze %dma_wait3A_119 : memref<1x1x128xi32, #tpu.memory_space<vmem>> -> memref<128xi32, #tpu.memory_space<vmem>>
      %dma_wait3A_121 = arith.constant 0 : i32
      %dma_wait3A_122 = arith.constant 0 : i32
      %dma_wait3A_123 = tpu.memref_slice %arg3[%dma_wait3A_121, %dma_wait3A_122] : memref<10240x128xf32, #tpu.memory_space<hbm>> -> memref<10240x128xf32, #tpu.memory_space<hbm>>
      tpu.wait_indirect_dma semaphore(%arg10 : memref<!tpu.dma_semaphore, #tpu.memory_space<semaphore_mem>>) src(%dma_wait3A_123 : memref<10240x128xf32, #tpu.memory_space<hbm>>) dst(%arg7 : memref<128x128xf32, #tpu.memory_space<vmem>>)
      %run_scoped3A_124 = arith.constant 1 : i32
      "tpu.region"() ({
        %run_scoped3A_132 = tpu.sem_alloc : memref<!tpu.dma_semaphore, #tpu.memory_space<semaphore_mem>>
        %dma_start3A_133 = arith.constant 0 : i32
        %dma_start3A_134 = tpu.memref_slice %arg5[%add3A_116, %run_scoped3A_124, %dma_start3A_133] : memref<20x2x128xi32, #tpu.memory_space<vmem>> -> memref<1x1x128xi32, #tpu.memory_space<vmem>>
        %dma_start3A_135 = tpu.memref_squeeze %dma_start3A_134 : memref<1x1x128xi32, #tpu.memory_space<vmem>> -> memref<128xi32, #tpu.memory_space<vmem>>
        %dma_start3A_136 = arith.constant 0 : i32
        %dma_start3A_137 = arith.constant 0 : i32
        %dma_start3A_138 = tpu.memref_slice %arg8[%dma_start3A_136, %dma_start3A_137] : memref<10240x128xf32, #tpu.memory_space<vmem_shared>> -> memref<10240x128xf32, #tpu.memory_space<vmem_shared>>
        tpu.enqueue_indirect_dma source(%arg7 : memref<128x128xf32, #tpu.memory_space<vmem>>) target(%dma_start3A_138 : memref<10240x128xf32, #tpu.memory_space<vmem_shared>>) offsets(%dma_start3A_135 : memref<128xi32, #tpu.memory_space<vmem>>) semaphore(%run_scoped3A_132 : memref<!tpu.dma_semaphore, #tpu.memory_space<semaphore_mem>>) {add = true}
        %dma_wait3A_139 = arith.constant 0 : i32
        %dma_wait3A_140 = tpu.memref_slice %arg5[%add3A_116, %run_scoped3A_124, %dma_wait3A_139] : memref<20x2x128xi32, #tpu.memory_space<vmem>> -> memref<1x1x128xi32, #tpu.memory_space<vmem>>
        %dma_wait3A_141 = tpu.memref_squeeze %dma_wait3A_140 : memref<1x1x128xi32, #tpu.memory_space<vmem>> -> memref<128xi32, #tpu.memory_space<vmem>>
        %dma_wait3A_142 = arith.constant 0 : i32
        %dma_wait3A_143 = arith.constant 0 : i32
        %dma_wait3A_144 = tpu.memref_slice %arg8[%dma_wait3A_142, %dma_wait3A_143] : memref<10240x128xf32, #tpu.memory_space<vmem_shared>> -> memref<10240x128xf32, #tpu.memory_space<vmem_shared>>
        tpu.wait_indirect_dma semaphore(%run_scoped3A_132 : memref<!tpu.dma_semaphore, #tpu.memory_space<semaphore_mem>>) src(%arg7 : memref<128x128xf32, #tpu.memory_space<vmem>>) dst(%dma_wait3A_144 : memref<10240x128xf32, #tpu.memory_space<vmem_shared>>)
        tpu.yield
      }) : () -> ()
      %add3A_125 = arith.constant 2 : i32
      %add3A_126 = arith.addi %add3A_116, %add3A_125 : i32
      %lt3A_127 = arith.constant 20 : i32
      %lt3A_128 = arith.cmpi slt, %add3A_126, %lt3A_127 : i32
      %convert_element_type3A_129 = arith.extui %lt3A_128 : i1 to i32
      %cond3A_130 = arith.constant 0 : i32
      %cond3A_131 = arith.cmpi ne, %convert_element_type3A_129, %cond3A_130 : i32
      scf.if %cond3A_131 {
        %add3A_132 = arith.constant 2 : i32
        %add3A_133 = arith.addi %add3A_116, %add3A_132 : i32
        %dma_start3A_134 = arith.constant 0 : i32
        %dma_start3A_135 = arith.constant 0 : i32
        %dma_start3A_136 = tpu.memref_slice %arg5[%add3A_133, %dma_start3A_134, %dma_start3A_135] : memref<20x2x128xi32, #tpu.memory_space<vmem>> -> memref<1x1x128xi32, #tpu.memory_space<vmem>>
        %dma_start3A_137 = tpu.memref_squeeze %dma_start3A_136 : memref<1x1x128xi32, #tpu.memory_space<vmem>> -> memref<128xi32, #tpu.memory_space<vmem>>
        %dma_start3A_138 = arith.constant 0 : i32
        %dma_start3A_139 = arith.constant 0 : i32
        %dma_start3A_140 = tpu.memref_slice %arg3[%dma_start3A_138, %dma_start3A_139] : memref<10240x128xf32, #tpu.memory_space<hbm>> -> memref<10240x128xf32, #tpu.memory_space<hbm>>
        tpu.enqueue_indirect_dma source(%dma_start3A_140 : memref<10240x128xf32, #tpu.memory_space<hbm>>) target(%arg7 : memref<128x128xf32, #tpu.memory_space<vmem>>) offsets(%dma_start3A_137 : memref<128xi32, #tpu.memory_space<vmem>>) semaphore(%arg10 : memref<!tpu.dma_semaphore, #tpu.memory_space<semaphore_mem>>)
      } else {
      }
    }
    %scan3A_29 = arith.constant 10 : i32
    "tpu.region"() ({
      %run_scoped3A = tpu.sem_alloc : memref<!tpu.dma_semaphore, #tpu.memory_space<semaphore_mem>>
      %dma_start3A_98 = arith.constant 20 : i32
      %dma_start3A_99 = arith.constant 0 : i32
      %dma_start3A_100 = arith.constant 0 : i32
      %dma_start3A_101 = tpu.memref_slice %arg2[%add3A, %dma_start3A_98, %dma_start3A_99, %dma_start3A_100] : memref<32x80x2x128xi32, #tpu.memory_space<hbm>> -> memref<1x20x2x128xi32, #tpu.memory_space<hbm>>
      %dma_start3A_102 = tpu.memref_squeeze %dma_start3A_101 : memref<1x20x2x128xi32, #tpu.memory_space<hbm>> -> memref<20x2x128xi32, #tpu.memory_space<hbm>>
      %dma_start3A_103 = arith.constant 20 : i32
      %dma_start3A_104 = arith.constant 0 : i32
      %dma_start3A_105 = arith.constant 0 : i32
      %dma_start3A_106 = tpu.memref_slice %arg2[%add3A, %dma_start3A_103, %dma_start3A_104, %dma_start3A_105] : memref<32x80x2x128xi32, #tpu.memory_space<hbm>> -> memref<1x20x2x128xi32, #tpu.memory_space<hbm>>
      %dma_start3A_107 = tpu.memref_squeeze %dma_start3A_106 : memref<1x20x2x128xi32, #tpu.memory_space<hbm>> -> memref<20x2x128xi32, #tpu.memory_space<hbm>>
      tpu.enqueue_dma source(%dma_start3A_107 : memref<20x2x128xi32, #tpu.memory_space<hbm>>) target(%arg5 : memref<20x2x128xi32, #tpu.memory_space<vmem>>) target_semaphore(%run_scoped3A : memref<!tpu.dma_semaphore, #tpu.memory_space<semaphore_mem>>)
      %dma_wait3A = arith.constant 20 : i32
      %dma_wait3A_108 = arith.constant 0 : i32
      %dma_wait3A_109 = arith.constant 0 : i32
      %dma_wait3A_110 = tpu.memref_slice %arg2[%add3A, %dma_wait3A, %dma_wait3A_108, %dma_wait3A_109] : memref<32x80x2x128xi32, #tpu.memory_space<hbm>> -> memref<1x20x2x128xi32, #tpu.memory_space<hbm>>
      %dma_wait3A_111 = tpu.memref_squeeze %dma_wait3A_110 : memref<1x20x2x128xi32, #tpu.memory_space<hbm>> -> memref<20x2x128xi32, #tpu.memory_space<hbm>>
      %dma_wait3A_112 = arith.constant 20 : i32
      %dma_wait3A_113 = arith.constant 0 : i32
      %dma_wait3A_114 = arith.constant 0 : i32
      %dma_wait3A_115 = tpu.memref_slice %arg2[%add3A, %dma_wait3A_112, %dma_wait3A_113, %dma_wait3A_114] : memref<32x80x2x128xi32, #tpu.memory_space<hbm>> -> memref<1x20x2x128xi32, #tpu.memory_space<hbm>>
      %dma_wait3A_116 = tpu.memref_squeeze %dma_wait3A_115 : memref<1x20x2x128xi32, #tpu.memory_space<hbm>> -> memref<20x2x128xi32, #tpu.memory_space<hbm>>
      tpu.wait_dma2 semaphore(%run_scoped3A : memref<!tpu.dma_semaphore, #tpu.memory_space<semaphore_mem>>) src(%dma_wait3A_116 : memref<20x2x128xi32, #tpu.memory_space<hbm>>) dst(%arg5 : memref<20x2x128xi32, #tpu.memory_space<vmem>>)
      tpu.yield
    }) : () -> ()
    %dma_start3A_30 = arith.constant 0 : i32
    %dma_start3A_31 = arith.constant 0 : i32
    %dma_start3A_32 = arith.constant 0 : i32
    %dma_start3A_33 = tpu.memref_slice %arg5[%dma_start3A_30, %dma_start3A_31, %dma_start3A_32] : memref<20x2x128xi32, #tpu.memory_space<vmem>> -> memref<1x1x128xi32, #tpu.memory_space<vmem>>
    %dma_start3A_34 = tpu.memref_squeeze %dma_start3A_33 : memref<1x1x128xi32, #tpu.memory_space<vmem>> -> memref<128xi32, #tpu.memory_space<vmem>>
    %dma_start3A_35 = arith.constant 0 : i32
    %dma_start3A_36 = arith.constant 0 : i32
    %dma_start3A_37 = tpu.memref_slice %arg3[%dma_start3A_35, %dma_start3A_36] : memref<10240x128xf32, #tpu.memory_space<hbm>> -> memref<10240x128xf32, #tpu.memory_space<hbm>>
    tpu.enqueue_indirect_dma source(%dma_start3A_37 : memref<10240x128xf32, #tpu.memory_space<hbm>>) target(%arg6 : memref<128x128xf32, #tpu.memory_space<vmem>>) offsets(%dma_start3A_34 : memref<128xi32, #tpu.memory_space<vmem>>) semaphore(%arg9 : memref<!tpu.dma_semaphore, #tpu.memory_space<semaphore_mem>>)
    %dma_start3A_38 = arith.constant 1 : i32
    %dma_start3A_39 = arith.constant 0 : i32
    %dma_start3A_40 = arith.constant 0 : i32
    %dma_start3A_41 = tpu.memref_slice %arg5[%dma_start3A_38, %dma_start3A_39, %dma_start3A_40] : memref<20x2x128xi32, #tpu.memory_space<vmem>> -> memref<1x1x128xi32, #tpu.memory_space<vmem>>
    %dma_start3A_42 = tpu.memref_squeeze %dma_start3A_41 : memref<1x1x128xi32, #tpu.memory_space<vmem>> -> memref<128xi32, #tpu.memory_space<vmem>>
    %dma_start3A_43 = arith.constant 0 : i32
    %dma_start3A_44 = arith.constant 0 : i32
    %dma_start3A_45 = tpu.memref_slice %arg3[%dma_start3A_43, %dma_start3A_44] : memref<10240x128xf32, #tpu.memory_space<hbm>> -> memref<10240x128xf32, #tpu.memory_space<hbm>>
    tpu.enqueue_indirect_dma source(%dma_start3A_45 : memref<10240x128xf32, #tpu.memory_space<hbm>>) target(%arg7 : memref<128x128xf32, #tpu.memory_space<vmem>>) offsets(%dma_start3A_42 : memref<128xi32, #tpu.memory_space<vmem>>) semaphore(%arg10 : memref<!tpu.dma_semaphore, #tpu.memory_space<semaphore_mem>>)
    %scan3A_46 = arith.constant 0 : i32
    %scan3A_47 = arith.constant 10 : i32
    %scan3A_48 = arith.addi %scan3A_46, %scan3A_47 : i32
    %scan3A_49 = arith.constant 1 : i32
    scf.for %scan3A_98 = %scan3A_46 to %scan3A_48 step %scan3A_49  : i32 {
      %mul3A_99 = arith.constant 2 : i32
      %mul3A_100 = arith.muli %scan3A_98, %mul3A_99 : i32
      %add3A_101 = arith.constant 0 : i32
      %add3A_102 = arith.addi %add3A_101, %mul3A_100 : i32
      %add3A_103 = arith.constant 0 : i32
      %add3A_104 = arith.addi %add3A_102, %add3A_103 : i32
      %dma_wait3A = arith.constant 0 : i32
      %dma_wait3A_105 = arith.constant 0 : i32
      %dma_wait3A_106 = tpu.memref_slice %arg5[%add3A_104, %dma_wait3A, %dma_wait3A_105] : memref<20x2x128xi32, #tpu.memory_space<vmem>> -> memref<1x1x128xi32, #tpu.memory_space<vmem>>
      %dma_wait3A_107 = tpu.memref_squeeze %dma_wait3A_106 : memref<1x1x128xi32, #tpu.memory_space<vmem>> -> memref<128xi32, #tpu.memory_space<vmem>>
      %dma_wait3A_108 = arith.constant 0 : i32
      %dma_wait3A_109 = arith.constant 0 : i32
      %dma_wait3A_110 = tpu.memref_slice %arg3[%dma_wait3A_108, %dma_wait3A_109] : memref<10240x128xf32, #tpu.memory_space<hbm>> -> memref<10240x128xf32, #tpu.memory_space<hbm>>
      tpu.wait_indirect_dma semaphore(%arg9 : memref<!tpu.dma_semaphore, #tpu.memory_space<semaphore_mem>>) src(%dma_wait3A_110 : memref<10240x128xf32, #tpu.memory_space<hbm>>) dst(%arg6 : memref<128x128xf32, #tpu.memory_space<vmem>>)
      %run_scoped3A = arith.constant 1 : i32
      "tpu.region"() ({
        %run_scoped3A_132 = tpu.sem_alloc : memref<!tpu.dma_semaphore, #tpu.memory_space<semaphore_mem>>
        %dma_start3A_133 = arith.constant 0 : i32
        %dma_start3A_134 = tpu.memref_slice %arg5[%add3A_104, %run_scoped3A, %dma_start3A_133] : memref<20x2x128xi32, #tpu.memory_space<vmem>> -> memref<1x1x128xi32, #tpu.memory_space<vmem>>
        %dma_start3A_135 = tpu.memref_squeeze %dma_start3A_134 : memref<1x1x128xi32, #tpu.memory_space<vmem>> -> memref<128xi32, #tpu.memory_space<vmem>>
        %dma_start3A_136 = arith.constant 0 : i32
        %dma_start3A_137 = arith.constant 0 : i32
        %dma_start3A_138 = tpu.memref_slice %arg8[%dma_start3A_136, %dma_start3A_137] : memref<10240x128xf32, #tpu.memory_space<vmem_shared>> -> memref<10240x128xf32, #tpu.memory_space<vmem_shared>>
        tpu.enqueue_indirect_dma source(%arg6 : memref<128x128xf32, #tpu.memory_space<vmem>>) target(%dma_start3A_138 : memref<10240x128xf32, #tpu.memory_space<vmem_shared>>) offsets(%dma_start3A_135 : memref<128xi32, #tpu.memory_space<vmem>>) semaphore(%run_scoped3A_132 : memref<!tpu.dma_semaphore, #tpu.memory_space<semaphore_mem>>) {add = true}
        %dma_wait3A_139 = arith.constant 0 : i32
        %dma_wait3A_140 = tpu.memref_slice %arg5[%add3A_104, %run_scoped3A, %dma_wait3A_139] : memref<20x2x128xi32, #tpu.memory_space<vmem>> -> memref<1x1x128xi32, #tpu.memory_space<vmem>>
        %dma_wait3A_141 = tpu.memref_squeeze %dma_wait3A_140 : memref<1x1x128xi32, #tpu.memory_space<vmem>> -> memref<128xi32, #tpu.memory_space<vmem>>
        %dma_wait3A_142 = arith.constant 0 : i32
        %dma_wait3A_143 = arith.constant 0 : i32
        %dma_wait3A_144 = tpu.memref_slice %arg8[%dma_wait3A_142, %dma_wait3A_143] : memref<10240x128xf32, #tpu.memory_space<vmem_shared>> -> memref<10240x128xf32, #tpu.memory_space<vmem_shared>>
        tpu.wait_indirect_dma semaphore(%run_scoped3A_132 : memref<!tpu.dma_semaphore, #tpu.memory_space<semaphore_mem>>) src(%arg6 : memref<128x128xf32, #tpu.memory_space<vmem>>) dst(%dma_wait3A_144 : memref<10240x128xf32, #tpu.memory_space<vmem_shared>>)
        tpu.yield
      }) : () -> ()
      %add3A_111 = arith.constant 2 : i32
      %add3A_112 = arith.addi %add3A_104, %add3A_111 : i32
      %lt3A = arith.constant 20 : i32
      %lt3A_113 = arith.cmpi slt, %add3A_112, %lt3A : i32
      %convert_element_type3A = arith.extui %lt3A_113 : i1 to i32
      %cond3A = arith.constant 0 : i32
      %cond3A_114 = arith.cmpi ne, %convert_element_type3A, %cond3A : i32
      scf.if %cond3A_114 {
        %add3A_132 = arith.constant 2 : i32
        %add3A_133 = arith.addi %add3A_104, %add3A_132 : i32
        %dma_start3A_134 = arith.constant 0 : i32
        %dma_start3A_135 = arith.constant 0 : i32
        %dma_start3A_136 = tpu.memref_slice %arg5[%add3A_133, %dma_start3A_134, %dma_start3A_135] : memref<20x2x128xi32, #tpu.memory_space<vmem>> -> memref<1x1x128xi32, #tpu.memory_space<vmem>>
        %dma_start3A_137 = tpu.memref_squeeze %dma_start3A_136 : memref<1x1x128xi32, #tpu.memory_space<vmem>> -> memref<128xi32, #tpu.memory_space<vmem>>
        %dma_start3A_138 = arith.constant 0 : i32
        %dma_start3A_139 = arith.constant 0 : i32
        %dma_start3A_140 = tpu.memref_slice %arg3[%dma_start3A_138, %dma_start3A_139] : memref<10240x128xf32, #tpu.memory_space<hbm>> -> memref<10240x128xf32, #tpu.memory_space<hbm>>
        tpu.enqueue_indirect_dma source(%dma_start3A_140 : memref<10240x128xf32, #tpu.memory_space<hbm>>) target(%arg6 : memref<128x128xf32, #tpu.memory_space<vmem>>) offsets(%dma_start3A_137 : memref<128xi32, #tpu.memory_space<vmem>>) semaphore(%arg9 : memref<!tpu.dma_semaphore, #tpu.memory_space<semaphore_mem>>)
      } else {
      }
      %add3A_115 = arith.constant 1 : i32
      %add3A_116 = arith.addi %add3A_102, %add3A_115 : i32
      %dma_wait3A_117 = arith.constant 0 : i32
      %dma_wait3A_118 = arith.constant 0 : i32
      %dma_wait3A_119 = tpu.memref_slice %arg5[%add3A_116, %dma_wait3A_117, %dma_wait3A_118] : memref<20x2x128xi32, #tpu.memory_space<vmem>> -> memref<1x1x128xi32, #tpu.memory_space<vmem>>
      %dma_wait3A_120 = tpu.memref_squeeze %dma_wait3A_119 : memref<1x1x128xi32, #tpu.memory_space<vmem>> -> memref<128xi32, #tpu.memory_space<vmem>>
      %dma_wait3A_121 = arith.constant 0 : i32
      %dma_wait3A_122 = arith.constant 0 : i32
      %dma_wait3A_123 = tpu.memref_slice %arg3[%dma_wait3A_121, %dma_wait3A_122] : memref<10240x128xf32, #tpu.memory_space<hbm>> -> memref<10240x128xf32, #tpu.memory_space<hbm>>
      tpu.wait_indirect_dma semaphore(%arg10 : memref<!tpu.dma_semaphore, #tpu.memory_space<semaphore_mem>>) src(%dma_wait3A_123 : memref<10240x128xf32, #tpu.memory_space<hbm>>) dst(%arg7 : memref<128x128xf32, #tpu.memory_space<vmem>>)
      %run_scoped3A_124 = arith.constant 1 : i32
      "tpu.region"() ({
        %run_scoped3A_132 = tpu.sem_alloc : memref<!tpu.dma_semaphore, #tpu.memory_space<semaphore_mem>>
        %dma_start3A_133 = arith.constant 0 : i32
        %dma_start3A_134 = tpu.memref_slice %arg5[%add3A_116, %run_scoped3A_124, %dma_start3A_133] : memref<20x2x128xi32, #tpu.memory_space<vmem>> -> memref<1x1x128xi32, #tpu.memory_space<vmem>>
        %dma_start3A_135 = tpu.memref_squeeze %dma_start3A_134 : memref<1x1x128xi32, #tpu.memory_space<vmem>> -> memref<128xi32, #tpu.memory_space<vmem>>
        %dma_start3A_136 = arith.constant 0 : i32
        %dma_start3A_137 = arith.constant 0 : i32
        %dma_start3A_138 = tpu.memref_slice %arg8[%dma_start3A_136, %dma_start3A_137] : memref<10240x128xf32, #tpu.memory_space<vmem_shared>> -> memref<10240x128xf32, #tpu.memory_space<vmem_shared>>
        tpu.enqueue_indirect_dma source(%arg7 : memref<128x128xf32, #tpu.memory_space<vmem>>) target(%dma_start3A_138 : memref<10240x128xf32, #tpu.memory_space<vmem_shared>>) offsets(%dma_start3A_135 : memref<128xi32, #tpu.memory_space<vmem>>) semaphore(%run_scoped3A_132 : memref<!tpu.dma_semaphore, #tpu.memory_space<semaphore_mem>>) {add = true}
        %dma_wait3A_139 = arith.constant 0 : i32
        %dma_wait3A_140 = tpu.memref_slice %arg5[%add3A_116, %run_scoped3A_124, %dma_wait3A_139] : memref<20x2x128xi32, #tpu.memory_space<vmem>> -> memref<1x1x128xi32, #tpu.memory_space<vmem>>
        %dma_wait3A_141 = tpu.memref_squeeze %dma_wait3A_140 : memref<1x1x128xi32, #tpu.memory_space<vmem>> -> memref<128xi32, #tpu.memory_space<vmem>>
        %dma_wait3A_142 = arith.constant 0 : i32
        %dma_wait3A_143 = arith.constant 0 : i32
        %dma_wait3A_144 = tpu.memref_slice %arg8[%dma_wait3A_142, %dma_wait3A_143] : memref<10240x128xf32, #tpu.memory_space<vmem_shared>> -> memref<10240x128xf32, #tpu.memory_space<vmem_shared>>
        tpu.wait_indirect_dma semaphore(%run_scoped3A_132 : memref<!tpu.dma_semaphore, #tpu.memory_space<semaphore_mem>>) src(%arg7 : memref<128x128xf32, #tpu.memory_space<vmem>>) dst(%dma_wait3A_144 : memref<10240x128xf32, #tpu.memory_space<vmem_shared>>)
        tpu.yield
      }) : () -> ()
      %add3A_125 = arith.constant 2 : i32
      %add3A_126 = arith.addi %add3A_116, %add3A_125 : i32
      %lt3A_127 = arith.constant 20 : i32
      %lt3A_128 = arith.cmpi slt, %add3A_126, %lt3A_127 : i32
      %convert_element_type3A_129 = arith.extui %lt3A_128 : i1 to i32
      %cond3A_130 = arith.constant 0 : i32
      %cond3A_131 = arith.cmpi ne, %convert_element_type3A_129, %cond3A_130 : i32
      scf.if %cond3A_131 {
        %add3A_132 = arith.constant 2 : i32
        %add3A_133 = arith.addi %add3A_116, %add3A_132 : i32
        %dma_start3A_134 = arith.constant 0 : i32
        %dma_start3A_135 = arith.constant 0 : i32
        %dma_start3A_136 = tpu.memref_slice %arg5[%add3A_133, %dma_start3A_134, %dma_start3A_135] : memref<20x2x128xi32, #tpu.memory_space<vmem>> -> memref<1x1x128xi32, #tpu.memory_space<vmem>>
        %dma_start3A_137 = tpu.memref_squeeze %dma_start3A_136 : memref<1x1x128xi32, #tpu.memory_space<vmem>> -> memref<128xi32, #tpu.memory_space<vmem>>
        %dma_start3A_138 = arith.constant 0 : i32
        %dma_start3A_139 = arith.constant 0 : i32
        %dma_start3A_140 = tpu.memref_slice %arg3[%dma_start3A_138, %dma_start3A_139] : memref<10240x128xf32, #tpu.memory_space<hbm>> -> memref<10240x128xf32, #tpu.memory_space<hbm>>
        tpu.enqueue_indirect_dma source(%dma_start3A_140 : memref<10240x128xf32, #tpu.memory_space<hbm>>) target(%arg7 : memref<128x128xf32, #tpu.memory_space<vmem>>) offsets(%dma_start3A_137 : memref<128xi32, #tpu.memory_space<vmem>>) semaphore(%arg10 : memref<!tpu.dma_semaphore, #tpu.memory_space<semaphore_mem>>)
      } else {
      }
    }
    %scan3A_50 = arith.constant 10 : i32
    "tpu.region"() ({
      %run_scoped3A = tpu.sem_alloc : memref<!tpu.dma_semaphore, #tpu.memory_space<semaphore_mem>>
      %dma_start3A_98 = arith.constant 40 : i32
      %dma_start3A_99 = arith.constant 0 : i32
      %dma_start3A_100 = arith.constant 0 : i32
      %dma_start3A_101 = tpu.memref_slice %arg2[%add3A, %dma_start3A_98, %dma_start3A_99, %dma_start3A_100] : memref<32x80x2x128xi32, #tpu.memory_space<hbm>> -> memref<1x20x2x128xi32, #tpu.memory_space<hbm>>
      %dma_start3A_102 = tpu.memref_squeeze %dma_start3A_101 : memref<1x20x2x128xi32, #tpu.memory_space<hbm>> -> memref<20x2x128xi32, #tpu.memory_space<hbm>>
      %dma_start3A_103 = arith.constant 40 : i32
      %dma_start3A_104 = arith.constant 0 : i32
      %dma_start3A_105 = arith.constant 0 : i32
      %dma_start3A_106 = tpu.memref_slice %arg2[%add3A, %dma_start3A_103, %dma_start3A_104, %dma_start3A_105] : memref<32x80x2x128xi32, #tpu.memory_space<hbm>> -> memref<1x20x2x128xi32, #tpu.memory_space<hbm>>
      %dma_start3A_107 = tpu.memref_squeeze %dma_start3A_106 : memref<1x20x2x128xi32, #tpu.memory_space<hbm>> -> memref<20x2x128xi32, #tpu.memory_space<hbm>>
      tpu.enqueue_dma source(%dma_start3A_107 : memref<20x2x128xi32, #tpu.memory_space<hbm>>) target(%arg5 : memref<20x2x128xi32, #tpu.memory_space<vmem>>) target_semaphore(%run_scoped3A : memref<!tpu.dma_semaphore, #tpu.memory_space<semaphore_mem>>)
      %dma_wait3A = arith.constant 40 : i32
      %dma_wait3A_108 = arith.constant 0 : i32
      %dma_wait3A_109 = arith.constant 0 : i32
      %dma_wait3A_110 = tpu.memref_slice %arg2[%add3A, %dma_wait3A, %dma_wait3A_108, %dma_wait3A_109] : memref<32x80x2x128xi32, #tpu.memory_space<hbm>> -> memref<1x20x2x128xi32, #tpu.memory_space<hbm>>
      %dma_wait3A_111 = tpu.memref_squeeze %dma_wait3A_110 : memref<1x20x2x128xi32, #tpu.memory_space<hbm>> -> memref<20x2x128xi32, #tpu.memory_space<hbm>>
      %dma_wait3A_112 = arith.constant 40 : i32
      %dma_wait3A_113 = arith.constant 0 : i32
      %dma_wait3A_114 = arith.constant 0 : i32
      %dma_wait3A_115 = tpu.memref_slice %arg2[%add3A, %dma_wait3A_112, %dma_wait3A_113, %dma_wait3A_114] : memref<32x80x2x128xi32, #tpu.memory_space<hbm>> -> memref<1x20x2x128xi32, #tpu.memory_space<hbm>>
      %dma_wait3A_116 = tpu.memref_squeeze %dma_wait3A_115 : memref<1x20x2x128xi32, #tpu.memory_space<hbm>> -> memref<20x2x128xi32, #tpu.memory_space<hbm>>
      tpu.wait_dma2 semaphore(%run_scoped3A : memref<!tpu.dma_semaphore, #tpu.memory_space<semaphore_mem>>) src(%dma_wait3A_116 : memref<20x2x128xi32, #tpu.memory_space<hbm>>) dst(%arg5 : memref<20x2x128xi32, #tpu.memory_space<vmem>>)
      tpu.yield
    }) : () -> ()
    %dma_start3A_51 = arith.constant 0 : i32
    %dma_start3A_52 = arith.constant 0 : i32
    %dma_start3A_53 = arith.constant 0 : i32
    %dma_start3A_54 = tpu.memref_slice %arg5[%dma_start3A_51, %dma_start3A_52, %dma_start3A_53] : memref<20x2x128xi32, #tpu.memory_space<vmem>> -> memref<1x1x128xi32, #tpu.memory_space<vmem>>
    %dma_start3A_55 = tpu.memref_squeeze %dma_start3A_54 : memref<1x1x128xi32, #tpu.memory_space<vmem>> -> memref<128xi32, #tpu.memory_space<vmem>>
    %dma_start3A_56 = arith.constant 0 : i32
    %dma_start3A_57 = arith.constant 0 : i32
    %dma_start3A_58 = tpu.memref_slice %arg3[%dma_start3A_56, %dma_start3A_57] : memref<10240x128xf32, #tpu.memory_space<hbm>> -> memref<10240x128xf32, #tpu.memory_space<hbm>>
    tpu.enqueue_indirect_dma source(%dma_start3A_58 : memref<10240x128xf32, #tpu.memory_space<hbm>>) target(%arg6 : memref<128x128xf32, #tpu.memory_space<vmem>>) offsets(%dma_start3A_55 : memref<128xi32, #tpu.memory_space<vmem>>) semaphore(%arg9 : memref<!tpu.dma_semaphore, #tpu.memory_space<semaphore_mem>>)
    %dma_start3A_59 = arith.constant 1 : i32
    %dma_start3A_60 = arith.constant 0 : i32
    %dma_start3A_61 = arith.constant 0 : i32
    %dma_start3A_62 = tpu.memref_slice %arg5[%dma_start3A_59, %dma_start3A_60, %dma_start3A_61] : memref<20x2x128xi32, #tpu.memory_space<vmem>> -> memref<1x1x128xi32, #tpu.memory_space<vmem>>
    %dma_start3A_63 = tpu.memref_squeeze %dma_start3A_62 : memref<1x1x128xi32, #tpu.memory_space<vmem>> -> memref<128xi32, #tpu.memory_space<vmem>>
    %dma_start3A_64 = arith.constant 0 : i32
    %dma_start3A_65 = arith.constant 0 : i32
    %dma_start3A_66 = tpu.memref_slice %arg3[%dma_start3A_64, %dma_start3A_65] : memref<10240x128xf32, #tpu.memory_space<hbm>> -> memref<10240x128xf32, #tpu.memory_space<hbm>>
    tpu.enqueue_indirect_dma source(%dma_start3A_66 : memref<10240x128xf32, #tpu.memory_space<hbm>>) target(%arg7 : memref<128x128xf32, #tpu.memory_space<vmem>>) offsets(%dma_start3A_63 : memref<128xi32, #tpu.memory_space<vmem>>) semaphore(%arg10 : memref<!tpu.dma_semaphore, #tpu.memory_space<semaphore_mem>>)
    %scan3A_67 = arith.constant 0 : i32
    %scan3A_68 = arith.constant 10 : i32
    %scan3A_69 = arith.addi %scan3A_67, %scan3A_68 : i32
    %scan3A_70 = arith.constant 1 : i32
    scf.for %scan3A_98 = %scan3A_67 to %scan3A_69 step %scan3A_70  : i32 {
      %mul3A_99 = arith.constant 2 : i32
      %mul3A_100 = arith.muli %scan3A_98, %mul3A_99 : i32
      %add3A_101 = arith.constant 0 : i32
      %add3A_102 = arith.addi %add3A_101, %mul3A_100 : i32
      %add3A_103 = arith.constant 0 : i32
      %add3A_104 = arith.addi %add3A_102, %add3A_103 : i32
      %dma_wait3A = arith.constant 0 : i32
      %dma_wait3A_105 = arith.constant 0 : i32
      %dma_wait3A_106 = tpu.memref_slice %arg5[%add3A_104, %dma_wait3A, %dma_wait3A_105] : memref<20x2x128xi32, #tpu.memory_space<vmem>> -> memref<1x1x128xi32, #tpu.memory_space<vmem>>
      %dma_wait3A_107 = tpu.memref_squeeze %dma_wait3A_106 : memref<1x1x128xi32, #tpu.memory_space<vmem>> -> memref<128xi32, #tpu.memory_space<vmem>>
      %dma_wait3A_108 = arith.constant 0 : i32
      %dma_wait3A_109 = arith.constant 0 : i32
      %dma_wait3A_110 = tpu.memref_slice %arg3[%dma_wait3A_108, %dma_wait3A_109] : memref<10240x128xf32, #tpu.memory_space<hbm>> -> memref<10240x128xf32, #tpu.memory_space<hbm>>
      tpu.wait_indirect_dma semaphore(%arg9 : memref<!tpu.dma_semaphore, #tpu.memory_space<semaphore_mem>>) src(%dma_wait3A_110 : memref<10240x128xf32, #tpu.memory_space<hbm>>) dst(%arg6 : memref<128x128xf32, #tpu.memory_space<vmem>>)
      %run_scoped3A = arith.constant 1 : i32
      "tpu.region"() ({
        %run_scoped3A_132 = tpu.sem_alloc : memref<!tpu.dma_semaphore, #tpu.memory_space<semaphore_mem>>
        %dma_start3A_133 = arith.constant 0 : i32
        %dma_start3A_134 = tpu.memref_slice %arg5[%add3A_104, %run_scoped3A, %dma_start3A_133] : memref<20x2x128xi32, #tpu.memory_space<vmem>> -> memref<1x1x128xi32, #tpu.memory_space<vmem>>
        %dma_start3A_135 = tpu.memref_squeeze %dma_start3A_134 : memref<1x1x128xi32, #tpu.memory_space<vmem>> -> memref<128xi32, #tpu.memory_space<vmem>>
        %dma_start3A_136 = arith.constant 0 : i32
        %dma_start3A_137 = arith.constant 0 : i32
        %dma_start3A_138 = tpu.memref_slice %arg8[%dma_start3A_136, %dma_start3A_137] : memref<10240x128xf32, #tpu.memory_space<vmem_shared>> -> memref<10240x128xf32, #tpu.memory_space<vmem_shared>>
        tpu.enqueue_indirect_dma source(%arg6 : memref<128x128xf32, #tpu.memory_space<vmem>>) target(%dma_start3A_138 : memref<10240x128xf32, #tpu.memory_space<vmem_shared>>) offsets(%dma_start3A_135 : memref<128xi32, #tpu.memory_space<vmem>>) semaphore(%run_scoped3A_132 : memref<!tpu.dma_semaphore, #tpu.memory_space<semaphore_mem>>) {add = true}
        %dma_wait3A_139 = arith.constant 0 : i32
        %dma_wait3A_140 = tpu.memref_slice %arg5[%add3A_104, %run_scoped3A, %dma_wait3A_139] : memref<20x2x128xi32, #tpu.memory_space<vmem>> -> memref<1x1x128xi32, #tpu.memory_space<vmem>>
        %dma_wait3A_141 = tpu.memref_squeeze %dma_wait3A_140 : memref<1x1x128xi32, #tpu.memory_space<vmem>> -> memref<128xi32, #tpu.memory_space<vmem>>
        %dma_wait3A_142 = arith.constant 0 : i32
        %dma_wait3A_143 = arith.constant 0 : i32
        %dma_wait3A_144 = tpu.memref_slice %arg8[%dma_wait3A_142, %dma_wait3A_143] : memref<10240x128xf32, #tpu.memory_space<vmem_shared>> -> memref<10240x128xf32, #tpu.memory_space<vmem_shared>>
        tpu.wait_indirect_dma semaphore(%run_scoped3A_132 : memref<!tpu.dma_semaphore, #tpu.memory_space<semaphore_mem>>) src(%arg6 : memref<128x128xf32, #tpu.memory_space<vmem>>) dst(%dma_wait3A_144 : memref<10240x128xf32, #tpu.memory_space<vmem_shared>>)
        tpu.yield
      }) : () -> ()
      %add3A_111 = arith.constant 2 : i32
      %add3A_112 = arith.addi %add3A_104, %add3A_111 : i32
      %lt3A = arith.constant 20 : i32
      %lt3A_113 = arith.cmpi slt, %add3A_112, %lt3A : i32
      %convert_element_type3A = arith.extui %lt3A_113 : i1 to i32
      %cond3A = arith.constant 0 : i32
      %cond3A_114 = arith.cmpi ne, %convert_element_type3A, %cond3A : i32
      scf.if %cond3A_114 {
        %add3A_132 = arith.constant 2 : i32
        %add3A_133 = arith.addi %add3A_104, %add3A_132 : i32
        %dma_start3A_134 = arith.constant 0 : i32
        %dma_start3A_135 = arith.constant 0 : i32
        %dma_start3A_136 = tpu.memref_slice %arg5[%add3A_133, %dma_start3A_134, %dma_start3A_135] : memref<20x2x128xi32, #tpu.memory_space<vmem>> -> memref<1x1x128xi32, #tpu.memory_space<vmem>>
        %dma_start3A_137 = tpu.memref_squeeze %dma_start3A_136 : memref<1x1x128xi32, #tpu.memory_space<vmem>> -> memref<128xi32, #tpu.memory_space<vmem>>
        %dma_start3A_138 = arith.constant 0 : i32
        %dma_start3A_139 = arith.constant 0 : i32
        %dma_start3A_140 = tpu.memref_slice %arg3[%dma_start3A_138, %dma_start3A_139] : memref<10240x128xf32, #tpu.memory_space<hbm>> -> memref<10240x128xf32, #tpu.memory_space<hbm>>
        tpu.enqueue_indirect_dma source(%dma_start3A_140 : memref<10240x128xf32, #tpu.memory_space<hbm>>) target(%arg6 : memref<128x128xf32, #tpu.memory_space<vmem>>) offsets(%dma_start3A_137 : memref<128xi32, #tpu.memory_space<vmem>>) semaphore(%arg9 : memref<!tpu.dma_semaphore, #tpu.memory_space<semaphore_mem>>)
      } else {
      }
      %add3A_115 = arith.constant 1 : i32
      %add3A_116 = arith.addi %add3A_102, %add3A_115 : i32
      %dma_wait3A_117 = arith.constant 0 : i32
      %dma_wait3A_118 = arith.constant 0 : i32
      %dma_wait3A_119 = tpu.memref_slice %arg5[%add3A_116, %dma_wait3A_117, %dma_wait3A_118] : memref<20x2x128xi32, #tpu.memory_space<vmem>> -> memref<1x1x128xi32, #tpu.memory_space<vmem>>
      %dma_wait3A_120 = tpu.memref_squeeze %dma_wait3A_119 : memref<1x1x128xi32, #tpu.memory_space<vmem>> -> memref<128xi32, #tpu.memory_space<vmem>>
      %dma_wait3A_121 = arith.constant 0 : i32
      %dma_wait3A_122 = arith.constant 0 : i32
      %dma_wait3A_123 = tpu.memref_slice %arg3[%dma_wait3A_121, %dma_wait3A_122] : memref<10240x128xf32, #tpu.memory_space<hbm>> -> memref<10240x128xf32, #tpu.memory_space<hbm>>
      tpu.wait_indirect_dma semaphore(%arg10 : memref<!tpu.dma_semaphore, #tpu.memory_space<semaphore_mem>>) src(%dma_wait3A_123 : memref<10240x128xf32, #tpu.memory_space<hbm>>) dst(%arg7 : memref<128x128xf32, #tpu.memory_space<vmem>>)
      %run_scoped3A_124 = arith.constant 1 : i32
      "tpu.region"() ({
        %run_scoped3A_132 = tpu.sem_alloc : memref<!tpu.dma_semaphore, #tpu.memory_space<semaphore_mem>>
        %dma_start3A_133 = arith.constant 0 : i32
        %dma_start3A_134 = tpu.memref_slice %arg5[%add3A_116, %run_scoped3A_124, %dma_start3A_133] : memref<20x2x128xi32, #tpu.memory_space<vmem>> -> memref<1x1x128xi32, #tpu.memory_space<vmem>>
        %dma_start3A_135 = tpu.memref_squeeze %dma_start3A_134 : memref<1x1x128xi32, #tpu.memory_space<vmem>> -> memref<128xi32, #tpu.memory_space<vmem>>
        %dma_start3A_136 = arith.constant 0 : i32
        %dma_start3A_137 = arith.constant 0 : i32
        %dma_start3A_138 = tpu.memref_slice %arg8[%dma_start3A_136, %dma_start3A_137] : memref<10240x128xf32, #tpu.memory_space<vmem_shared>> -> memref<10240x128xf32, #tpu.memory_space<vmem_shared>>
        tpu.enqueue_indirect_dma source(%arg7 : memref<128x128xf32, #tpu.memory_space<vmem>>) target(%dma_start3A_138 : memref<10240x128xf32, #tpu.memory_space<vmem_shared>>) offsets(%dma_start3A_135 : memref<128xi32, #tpu.memory_space<vmem>>) semaphore(%run_scoped3A_132 : memref<!tpu.dma_semaphore, #tpu.memory_space<semaphore_mem>>) {add = true}
        %dma_wait3A_139 = arith.constant 0 : i32
        %dma_wait3A_140 = tpu.memref_slice %arg5[%add3A_116, %run_scoped3A_124, %dma_wait3A_139] : memref<20x2x128xi32, #tpu.memory_space<vmem>> -> memref<1x1x128xi32, #tpu.memory_space<vmem>>
        %dma_wait3A_141 = tpu.memref_squeeze %dma_wait3A_140 : memref<1x1x128xi32, #tpu.memory_space<vmem>> -> memref<128xi32, #tpu.memory_space<vmem>>
        %dma_wait3A_142 = arith.constant 0 : i32
        %dma_wait3A_143 = arith.constant 0 : i32
        %dma_wait3A_144 = tpu.memref_slice %arg8[%dma_wait3A_142, %dma_wait3A_143] : memref<10240x128xf32, #tpu.memory_space<vmem_shared>> -> memref<10240x128xf32, #tpu.memory_space<vmem_shared>>
        tpu.wait_indirect_dma semaphore(%run_scoped3A_132 : memref<!tpu.dma_semaphore, #tpu.memory_space<semaphore_mem>>) src(%arg7 : memref<128x128xf32, #tpu.memory_space<vmem>>) dst(%dma_wait3A_144 : memref<10240x128xf32, #tpu.memory_space<vmem_shared>>)
        tpu.yield
      }) : () -> ()
      %add3A_125 = arith.constant 2 : i32
      %add3A_126 = arith.addi %add3A_116, %add3A_125 : i32
      %lt3A_127 = arith.constant 20 : i32
      %lt3A_128 = arith.cmpi slt, %add3A_126, %lt3A_127 : i32
      %convert_element_type3A_129 = arith.extui %lt3A_128 : i1 to i32
      %cond3A_130 = arith.constant 0 : i32
      %cond3A_131 = arith.cmpi ne, %convert_element_type3A_129, %cond3A_130 : i32
      scf.if %cond3A_131 {
        %add3A_132 = arith.constant 2 : i32
        %add3A_133 = arith.addi %add3A_116, %add3A_132 : i32
        %dma_start3A_134 = arith.constant 0 : i32
        %dma_start3A_135 = arith.constant 0 : i32
        %dma_start3A_136 = tpu.memref_slice %arg5[%add3A_133, %dma_start3A_134, %dma_start3A_135] : memref<20x2x128xi32, #tpu.memory_space<vmem>> -> memref<1x1x128xi32, #tpu.memory_space<vmem>>
        %dma_start3A_137 = tpu.memref_squeeze %dma_start3A_136 : memref<1x1x128xi32, #tpu.memory_space<vmem>> -> memref<128xi32, #tpu.memory_space<vmem>>
        %dma_start3A_138 = arith.constant 0 : i32
        %dma_start3A_139 = arith.constant 0 : i32
        %dma_start3A_140 = tpu.memref_slice %arg3[%dma_start3A_138, %dma_start3A_139] : memref<10240x128xf32, #tpu.memory_space<hbm>> -> memref<10240x128xf32, #tpu.memory_space<hbm>>
        tpu.enqueue_indirect_dma source(%dma_start3A_140 : memref<10240x128xf32, #tpu.memory_space<hbm>>) target(%arg7 : memref<128x128xf32, #tpu.memory_space<vmem>>) offsets(%dma_start3A_137 : memref<128xi32, #tpu.memory_space<vmem>>) semaphore(%arg10 : memref<!tpu.dma_semaphore, #tpu.memory_space<semaphore_mem>>)
      } else {
      }
    }
    %scan3A_71 = arith.constant 10 : i32
    "tpu.region"() ({
      %run_scoped3A = tpu.sem_alloc : memref<!tpu.dma_semaphore, #tpu.memory_space<semaphore_mem>>
      %dma_start3A_98 = arith.constant 60 : i32
      %dma_start3A_99 = arith.constant 0 : i32
      %dma_start3A_100 = arith.constant 0 : i32
      %dma_start3A_101 = tpu.memref_slice %arg2[%add3A, %dma_start3A_98, %dma_start3A_99, %dma_start3A_100] : memref<32x80x2x128xi32, #tpu.memory_space<hbm>> -> memref<1x20x2x128xi32, #tpu.memory_space<hbm>>
      %dma_start3A_102 = tpu.memref_squeeze %dma_start3A_101 : memref<1x20x2x128xi32, #tpu.memory_space<hbm>> -> memref<20x2x128xi32, #tpu.memory_space<hbm>>
      %dma_start3A_103 = arith.constant 60 : i32
      %dma_start3A_104 = arith.constant 0 : i32
      %dma_start3A_105 = arith.constant 0 : i32
      %dma_start3A_106 = tpu.memref_slice %arg2[%add3A, %dma_start3A_103, %dma_start3A_104, %dma_start3A_105] : memref<32x80x2x128xi32, #tpu.memory_space<hbm>> -> memref<1x20x2x128xi32, #tpu.memory_space<hbm>>
      %dma_start3A_107 = tpu.memref_squeeze %dma_start3A_106 : memref<1x20x2x128xi32, #tpu.memory_space<hbm>> -> memref<20x2x128xi32, #tpu.memory_space<hbm>>
      tpu.enqueue_dma source(%dma_start3A_107 : memref<20x2x128xi32, #tpu.memory_space<hbm>>) target(%arg5 : memref<20x2x128xi32, #tpu.memory_space<vmem>>) target_semaphore(%run_scoped3A : memref<!tpu.dma_semaphore, #tpu.memory_space<semaphore_mem>>)
      %dma_wait3A = arith.constant 60 : i32
      %dma_wait3A_108 = arith.constant 0 : i32
      %dma_wait3A_109 = arith.constant 0 : i32
      %dma_wait3A_110 = tpu.memref_slice %arg2[%add3A, %dma_wait3A, %dma_wait3A_108, %dma_wait3A_109] : memref<32x80x2x128xi32, #tpu.memory_space<hbm>> -> memref<1x20x2x128xi32, #tpu.memory_space<hbm>>
      %dma_wait3A_111 = tpu.memref_squeeze %dma_wait3A_110 : memref<1x20x2x128xi32, #tpu.memory_space<hbm>> -> memref<20x2x128xi32, #tpu.memory_space<hbm>>
      %dma_wait3A_112 = arith.constant 60 : i32
      %dma_wait3A_113 = arith.constant 0 : i32
      %dma_wait3A_114 = arith.constant 0 : i32
      %dma_wait3A_115 = tpu.memref_slice %arg2[%add3A, %dma_wait3A_112, %dma_wait3A_113, %dma_wait3A_114] : memref<32x80x2x128xi32, #tpu.memory_space<hbm>> -> memref<1x20x2x128xi32, #tpu.memory_space<hbm>>
      %dma_wait3A_116 = tpu.memref_squeeze %dma_wait3A_115 : memref<1x20x2x128xi32, #tpu.memory_space<hbm>> -> memref<20x2x128xi32, #tpu.memory_space<hbm>>
      tpu.wait_dma2 semaphore(%run_scoped3A : memref<!tpu.dma_semaphore, #tpu.memory_space<semaphore_mem>>) src(%dma_wait3A_116 : memref<20x2x128xi32, #tpu.memory_space<hbm>>) dst(%arg5 : memref<20x2x128xi32, #tpu.memory_space<vmem>>)
      tpu.yield
    }) : () -> ()
    %dma_start3A_72 = arith.constant 0 : i32
    %dma_start3A_73 = arith.constant 0 : i32
    %dma_start3A_74 = arith.constant 0 : i32
    %dma_start3A_75 = tpu.memref_slice %arg5[%dma_start3A_72, %dma_start3A_73, %dma_start3A_74] : memref<20x2x128xi32, #tpu.memory_space<vmem>> -> memref<1x1x128xi32, #tpu.memory_space<vmem>>
    %dma_start3A_76 = tpu.memref_squeeze %dma_start3A_75 : memref<1x1x128xi32, #tpu.memory_space<vmem>> -> memref<128xi32, #tpu.memory_space<vmem>>
    %dma_start3A_77 = arith.constant 0 : i32
    %dma_start3A_78 = arith.constant 0 : i32
    %dma_start3A_79 = tpu.memref_slice %arg3[%dma_start3A_77, %dma_start3A_78] : memref<10240x128xf32, #tpu.memory_space<hbm>> -> memref<10240x128xf32, #tpu.memory_space<hbm>>
    tpu.enqueue_indirect_dma source(%dma_start3A_79 : memref<10240x128xf32, #tpu.memory_space<hbm>>) target(%arg6 : memref<128x128xf32, #tpu.memory_space<vmem>>) offsets(%dma_start3A_76 : memref<128xi32, #tpu.memory_space<vmem>>) semaphore(%arg9 : memref<!tpu.dma_semaphore, #tpu.memory_space<semaphore_mem>>)
    %dma_start3A_80 = arith.constant 1 : i32
    %dma_start3A_81 = arith.constant 0 : i32
    %dma_start3A_82 = arith.constant 0 : i32
    %dma_start3A_83 = tpu.memref_slice %arg5[%dma_start3A_80, %dma_start3A_81, %dma_start3A_82] : memref<20x2x128xi32, #tpu.memory_space<vmem>> -> memref<1x1x128xi32, #tpu.memory_space<vmem>>
    %dma_start3A_84 = tpu.memref_squeeze %dma_start3A_83 : memref<1x1x128xi32, #tpu.memory_space<vmem>> -> memref<128xi32, #tpu.memory_space<vmem>>
    %dma_start3A_85 = arith.constant 0 : i32
    %dma_start3A_86 = arith.constant 0 : i32
    %dma_start3A_87 = tpu.memref_slice %arg3[%dma_start3A_85, %dma_start3A_86] : memref<10240x128xf32, #tpu.memory_space<hbm>> -> memref<10240x128xf32, #tpu.memory_space<hbm>>
    tpu.enqueue_indirect_dma source(%dma_start3A_87 : memref<10240x128xf32, #tpu.memory_space<hbm>>) target(%arg7 : memref<128x128xf32, #tpu.memory_space<vmem>>) offsets(%dma_start3A_84 : memref<128xi32, #tpu.memory_space<vmem>>) semaphore(%arg10 : memref<!tpu.dma_semaphore, #tpu.memory_space<semaphore_mem>>)
    %scan3A_88 = arith.constant 0 : i32
    %scan3A_89 = arith.constant 10 : i32
    %scan3A_90 = arith.addi %scan3A_88, %scan3A_89 : i32
    %scan3A_91 = arith.constant 1 : i32
    scf.for %scan3A_98 = %scan3A_88 to %scan3A_90 step %scan3A_91  : i32 {
      %mul3A_99 = arith.constant 2 : i32
      %mul3A_100 = arith.muli %scan3A_98, %mul3A_99 : i32
      %add3A_101 = arith.constant 0 : i32
      %add3A_102 = arith.addi %add3A_101, %mul3A_100 : i32
      %add3A_103 = arith.constant 0 : i32
      %add3A_104 = arith.addi %add3A_102, %add3A_103 : i32
      %dma_wait3A = arith.constant 0 : i32
      %dma_wait3A_105 = arith.constant 0 : i32
      %dma_wait3A_106 = tpu.memref_slice %arg5[%add3A_104, %dma_wait3A, %dma_wait3A_105] : memref<20x2x128xi32, #tpu.memory_space<vmem>> -> memref<1x1x128xi32, #tpu.memory_space<vmem>>
      %dma_wait3A_107 = tpu.memref_squeeze %dma_wait3A_106 : memref<1x1x128xi32, #tpu.memory_space<vmem>> -> memref<128xi32, #tpu.memory_space<vmem>>
      %dma_wait3A_108 = arith.constant 0 : i32
      %dma_wait3A_109 = arith.constant 0 : i32
      %dma_wait3A_110 = tpu.memref_slice %arg3[%dma_wait3A_108, %dma_wait3A_109] : memref<10240x128xf32, #tpu.memory_space<hbm>> -> memref<10240x128xf32, #tpu.memory_space<hbm>>
      tpu.wait_indirect_dma semaphore(%arg9 : memref<!tpu.dma_semaphore, #tpu.memory_space<semaphore_mem>>) src(%dma_wait3A_110 : memref<10240x128xf32, #tpu.memory_space<hbm>>) dst(%arg6 : memref<128x128xf32, #tpu.memory_space<vmem>>)
      %run_scoped3A = arith.constant 1 : i32
      "tpu.region"() ({
        %run_scoped3A_132 = tpu.sem_alloc : memref<!tpu.dma_semaphore, #tpu.memory_space<semaphore_mem>>
        %dma_start3A_133 = arith.constant 0 : i32
        %dma_start3A_134 = tpu.memref_slice %arg5[%add3A_104, %run_scoped3A, %dma_start3A_133] : memref<20x2x128xi32, #tpu.memory_space<vmem>> -> memref<1x1x128xi32, #tpu.memory_space<vmem>>
        %dma_start3A_135 = tpu.memref_squeeze %dma_start3A_134 : memref<1x1x128xi32, #tpu.memory_space<vmem>> -> memref<128xi32, #tpu.memory_space<vmem>>
        %dma_start3A_136 = arith.constant 0 : i32
        %dma_start3A_137 = arith.constant 0 : i32
        %dma_start3A_138 = tpu.memref_slice %arg8[%dma_start3A_136, %dma_start3A_137] : memref<10240x128xf32, #tpu.memory_space<vmem_shared>> -> memref<10240x128xf32, #tpu.memory_space<vmem_shared>>
        tpu.enqueue_indirect_dma source(%arg6 : memref<128x128xf32, #tpu.memory_space<vmem>>) target(%dma_start3A_138 : memref<10240x128xf32, #tpu.memory_space<vmem_shared>>) offsets(%dma_start3A_135 : memref<128xi32, #tpu.memory_space<vmem>>) semaphore(%run_scoped3A_132 : memref<!tpu.dma_semaphore, #tpu.memory_space<semaphore_mem>>) {add = true}
        %dma_wait3A_139 = arith.constant 0 : i32
        %dma_wait3A_140 = tpu.memref_slice %arg5[%add3A_104, %run_scoped3A, %dma_wait3A_139] : memref<20x2x128xi32, #tpu.memory_space<vmem>> -> memref<1x1x128xi32, #tpu.memory_space<vmem>>
        %dma_wait3A_141 = tpu.memref_squeeze %dma_wait3A_140 : memref<1x1x128xi32, #tpu.memory_space<vmem>> -> memref<128xi32, #tpu.memory_space<vmem>>
        %dma_wait3A_142 = arith.constant 0 : i32
        %dma_wait3A_143 = arith.constant 0 : i32
        %dma_wait3A_144 = tpu.memref_slice %arg8[%dma_wait3A_142, %dma_wait3A_143] : memref<10240x128xf32, #tpu.memory_space<vmem_shared>> -> memref<10240x128xf32, #tpu.memory_space<vmem_shared>>
        tpu.wait_indirect_dma semaphore(%run_scoped3A_132 : memref<!tpu.dma_semaphore, #tpu.memory_space<semaphore_mem>>) src(%arg6 : memref<128x128xf32, #tpu.memory_space<vmem>>) dst(%dma_wait3A_144 : memref<10240x128xf32, #tpu.memory_space<vmem_shared>>)
        tpu.yield
      }) : () -> ()
      %add3A_111 = arith.constant 2 : i32
      %add3A_112 = arith.addi %add3A_104, %add3A_111 : i32
      %lt3A = arith.constant 20 : i32
      %lt3A_113 = arith.cmpi slt, %add3A_112, %lt3A : i32
      %convert_element_type3A = arith.extui %lt3A_113 : i1 to i32
      %cond3A = arith.constant 0 : i32
      %cond3A_114 = arith.cmpi ne, %convert_element_type3A, %cond3A : i32
      scf.if %cond3A_114 {
        %add3A_132 = arith.constant 2 : i32
        %add3A_133 = arith.addi %add3A_104, %add3A_132 : i32
        %dma_start3A_134 = arith.constant 0 : i32
        %dma_start3A_135 = arith.constant 0 : i32
        %dma_start3A_136 = tpu.memref_slice %arg5[%add3A_133, %dma_start3A_134, %dma_start3A_135] : memref<20x2x128xi32, #tpu.memory_space<vmem>> -> memref<1x1x128xi32, #tpu.memory_space<vmem>>
        %dma_start3A_137 = tpu.memref_squeeze %dma_start3A_136 : memref<1x1x128xi32, #tpu.memory_space<vmem>> -> memref<128xi32, #tpu.memory_space<vmem>>
        %dma_start3A_138 = arith.constant 0 : i32
        %dma_start3A_139 = arith.constant 0 : i32
        %dma_start3A_140 = tpu.memref_slice %arg3[%dma_start3A_138, %dma_start3A_139] : memref<10240x128xf32, #tpu.memory_space<hbm>> -> memref<10240x128xf32, #tpu.memory_space<hbm>>
        tpu.enqueue_indirect_dma source(%dma_start3A_140 : memref<10240x128xf32, #tpu.memory_space<hbm>>) target(%arg6 : memref<128x128xf32, #tpu.memory_space<vmem>>) offsets(%dma_start3A_137 : memref<128xi32, #tpu.memory_space<vmem>>) semaphore(%arg9 : memref<!tpu.dma_semaphore, #tpu.memory_space<semaphore_mem>>)
      } else {
      }
      %add3A_115 = arith.constant 1 : i32
      %add3A_116 = arith.addi %add3A_102, %add3A_115 : i32
      %dma_wait3A_117 = arith.constant 0 : i32
      %dma_wait3A_118 = arith.constant 0 : i32
      %dma_wait3A_119 = tpu.memref_slice %arg5[%add3A_116, %dma_wait3A_117, %dma_wait3A_118] : memref<20x2x128xi32, #tpu.memory_space<vmem>> -> memref<1x1x128xi32, #tpu.memory_space<vmem>>
      %dma_wait3A_120 = tpu.memref_squeeze %dma_wait3A_119 : memref<1x1x128xi32, #tpu.memory_space<vmem>> -> memref<128xi32, #tpu.memory_space<vmem>>
      %dma_wait3A_121 = arith.constant 0 : i32
      %dma_wait3A_122 = arith.constant 0 : i32
      %dma_wait3A_123 = tpu.memref_slice %arg3[%dma_wait3A_121, %dma_wait3A_122] : memref<10240x128xf32, #tpu.memory_space<hbm>> -> memref<10240x128xf32, #tpu.memory_space<hbm>>
      tpu.wait_indirect_dma semaphore(%arg10 : memref<!tpu.dma_semaphore, #tpu.memory_space<semaphore_mem>>) src(%dma_wait3A_123 : memref<10240x128xf32, #tpu.memory_space<hbm>>) dst(%arg7 : memref<128x128xf32, #tpu.memory_space<vmem>>)
      %run_scoped3A_124 = arith.constant 1 : i32
      "tpu.region"() ({
        %run_scoped3A_132 = tpu.sem_alloc : memref<!tpu.dma_semaphore, #tpu.memory_space<semaphore_mem>>
        %dma_start3A_133 = arith.constant 0 : i32
        %dma_start3A_134 = tpu.memref_slice %arg5[%add3A_116, %run_scoped3A_124, %dma_start3A_133] : memref<20x2x128xi32, #tpu.memory_space<vmem>> -> memref<1x1x128xi32, #tpu.memory_space<vmem>>
        %dma_start3A_135 = tpu.memref_squeeze %dma_start3A_134 : memref<1x1x128xi32, #tpu.memory_space<vmem>> -> memref<128xi32, #tpu.memory_space<vmem>>
        %dma_start3A_136 = arith.constant 0 : i32
        %dma_start3A_137 = arith.constant 0 : i32
        %dma_start3A_138 = tpu.memref_slice %arg8[%dma_start3A_136, %dma_start3A_137] : memref<10240x128xf32, #tpu.memory_space<vmem_shared>> -> memref<10240x128xf32, #tpu.memory_space<vmem_shared>>
        tpu.enqueue_indirect_dma source(%arg7 : memref<128x128xf32, #tpu.memory_space<vmem>>) target(%dma_start3A_138 : memref<10240x128xf32, #tpu.memory_space<vmem_shared>>) offsets(%dma_start3A_135 : memref<128xi32, #tpu.memory_space<vmem>>) semaphore(%run_scoped3A_132 : memref<!tpu.dma_semaphore, #tpu.memory_space<semaphore_mem>>) {add = true}
        %dma_wait3A_139 = arith.constant 0 : i32
        %dma_wait3A_140 = tpu.memref_slice %arg5[%add3A_116, %run_scoped3A_124, %dma_wait3A_139] : memref<20x2x128xi32, #tpu.memory_space<vmem>> -> memref<1x1x128xi32, #tpu.memory_space<vmem>>
        %dma_wait3A_141 = tpu.memref_squeeze %dma_wait3A_140 : memref<1x1x128xi32, #tpu.memory_space<vmem>> -> memref<128xi32, #tpu.memory_space<vmem>>
        %dma_wait3A_142 = arith.constant 0 : i32
        %dma_wait3A_143 = arith.constant 0 : i32
        %dma_wait3A_144 = tpu.memref_slice %arg8[%dma_wait3A_142, %dma_wait3A_143] : memref<10240x128xf32, #tpu.memory_space<vmem_shared>> -> memref<10240x128xf32, #tpu.memory_space<vmem_shared>>
        tpu.wait_indirect_dma semaphore(%run_scoped3A_132 : memref<!tpu.dma_semaphore, #tpu.memory_space<semaphore_mem>>) src(%arg7 : memref<128x128xf32, #tpu.memory_space<vmem>>) dst(%dma_wait3A_144 : memref<10240x128xf32, #tpu.memory_space<vmem_shared>>)
        tpu.yield
      }) : () -> ()
      %add3A_125 = arith.constant 2 : i32
      %add3A_126 = arith.addi %add3A_116, %add3A_125 : i32
      %lt3A_127 = arith.constant 20 : i32
      %lt3A_128 = arith.cmpi slt, %add3A_126, %lt3A_127 : i32
      %convert_element_type3A_129 = arith.extui %lt3A_128 : i1 to i32
      %cond3A_130 = arith.constant 0 : i32
      %cond3A_131 = arith.cmpi ne, %convert_element_type3A_129, %cond3A_130 : i32
      scf.if %cond3A_131 {
        %add3A_132 = arith.constant 2 : i32
        %add3A_133 = arith.addi %add3A_116, %add3A_132 : i32
        %dma_start3A_134 = arith.constant 0 : i32
        %dma_start3A_135 = arith.constant 0 : i32
        %dma_start3A_136 = tpu.memref_slice %arg5[%add3A_133, %dma_start3A_134, %dma_start3A_135] : memref<20x2x128xi32, #tpu.memory_space<vmem>> -> memref<1x1x128xi32, #tpu.memory_space<vmem>>
        %dma_start3A_137 = tpu.memref_squeeze %dma_start3A_136 : memref<1x1x128xi32, #tpu.memory_space<vmem>> -> memref<128xi32, #tpu.memory_space<vmem>>
        %dma_start3A_138 = arith.constant 0 : i32
        %dma_start3A_139 = arith.constant 0 : i32
        %dma_start3A_140 = tpu.memref_slice %arg3[%dma_start3A_138, %dma_start3A_139] : memref<10240x128xf32, #tpu.memory_space<hbm>> -> memref<10240x128xf32, #tpu.memory_space<hbm>>
        tpu.enqueue_indirect_dma source(%dma_start3A_140 : memref<10240x128xf32, #tpu.memory_space<hbm>>) target(%arg7 : memref<128x128xf32, #tpu.memory_space<vmem>>) offsets(%dma_start3A_137 : memref<128xi32, #tpu.memory_space<vmem>>) semaphore(%arg10 : memref<!tpu.dma_semaphore, #tpu.memory_space<semaphore_mem>>)
      } else {
      }
    }
    %scan3A_92 = arith.constant 10 : i32
    %barrier3A_93 = arith.constant 0 : index
    tpu.barrier barrier_id(%barrier3A_93)
    %mul3A_94 = arith.constant 640 : i32
    %mul3A_95 = arith.muli %arg1, %mul3A_94 : i32
    %mul3A_96 = arith.constant 640 : i32
    %mul3A_97 = arith.muli %arg1, %mul3A_96 : i32
    "tpu.region"() ({
      %run_scoped3A = tpu.sem_alloc : memref<!tpu.dma_semaphore, #tpu.memory_space<semaphore_mem>>
      %dma_start3A_98 = arith.constant 0 : i32
      %dma_start3A_99 = tpu.memref_slice %arg4[%arg0, %mul3A_97, %dma_start3A_98] : memref<2x10240x128xf32, #tpu.memory_space<hbm>> -> memref<1x640x128xf32, #tpu.memory_space<hbm>>
      %dma_start3A_100 = tpu.memref_squeeze %dma_start3A_99 : memref<1x640x128xf32, #tpu.memory_space<hbm>> -> memref<640x128xf32, #tpu.memory_space<hbm>>
      %dma_start3A_101 = arith.constant 0 : i32
      %dma_start3A_102 = tpu.memref_slice %arg8[%mul3A_95, %dma_start3A_101] : memref<10240x128xf32, #tpu.memory_space<vmem_shared>> -> memref<640x128xf32, #tpu.memory_space<vmem_shared>>
      tpu.enqueue_dma source(%dma_start3A_102 : memref<640x128xf32, #tpu.memory_space<vmem_shared>>) target(%dma_start3A_100 : memref<640x128xf32, #tpu.memory_space<hbm>>) target_semaphore(%run_scoped3A : memref<!tpu.dma_semaphore, #tpu.memory_space<semaphore_mem>>)
      %dma_wait3A = arith.constant 0 : i32
      %dma_wait3A_103 = tpu.memref_slice %arg4[%arg0, %mul3A_97, %dma_wait3A] : memref<2x10240x128xf32, #tpu.memory_space<hbm>> -> memref<1x640x128xf32, #tpu.memory_space<hbm>>
      %dma_wait3A_104 = tpu.memref_squeeze %dma_wait3A_103 : memref<1x640x128xf32, #tpu.memory_space<hbm>> -> memref<640x128xf32, #tpu.memory_space<hbm>>
      %dma_wait3A_105 = arith.constant 0 : i32
      %dma_wait3A_106 = tpu.memref_slice %arg8[%mul3A_95, %dma_wait3A_105] : memref<10240x128xf32, #tpu.memory_space<vmem_shared>> -> memref<640x128xf32, #tpu.memory_space<vmem_shared>>
      tpu.wait_dma2 semaphore(%run_scoped3A : memref<!tpu.dma_semaphore, #tpu.memory_space<semaphore_mem>>) src(%dma_wait3A_106 : memref<640x128xf32, #tpu.memory_space<vmem_shared>>) dst(%dma_wait3A_104 : memref<640x128xf32, #tpu.memory_space<hbm>>)
      tpu.yield
    }) : () -> ()
    return
  }
}

module attributes {stable_mosaic.version = 14 : i64} {
  func.func @_tcm_body(%arg0: i32, %arg1: memref<2048x128xf32, #tpu.memory_space<vmem>>, %arg2: memref<128x128xf32, #tpu.memory_space<vmem>>, %arg3: memref<2048x128xf32, #tpu.memory_space<vmem>>) attributes {dimension_semantics = [#tpu.dimension_semantics<arbitrary>], iteration_bounds = array<i64: 5>, scalar_prefetch = 0 : i64, scratch_operands = 0 : i64, tpu.core_type = #tpu.core_type<tc>, window_params = [{transform_indices = @transform_0, window_bounds = array<i64: 2048, 128>}, {pipeline_mode = #tpu.pipeline_mode<synchronous>, transform_indices = @transform_1, window_bounds = array<i64: 128, 128>}, {transform_indices = @transform_2, window_bounds = array<i64: 2048, 128>}]} {
    %get3A = arith.constant 0 : index
    %get3A_0 = arith.constant 0 : index
    %get3A_1 = vector.load %arg1[%get3A, %get3A_0] : memref<2048x128xf32, #tpu.memory_space<vmem>>, vector<2048x128xf32>
    %get3A_2 = arith.constant 0 : index
    %get3A_3 = arith.constant 0 : index
    %get3A_4 = vector.load %arg2[%get3A_2, %get3A_3] : memref<128x128xf32, #tpu.memory_space<vmem>>, vector<128x128xf32>
    %dot_general3A = arith.constant dense<0.000000e+00> : vector<2048x128xf32>
    %dot_general3A_5 = tpu.matmul %get3A_1, %get3A_4, %dot_general3A {dimension_numbers = #tpu.dot_dimension_numbers<[1], [0], [0], [1], [0, 0, 1, 1], [], []>, transpose_lhs_hint = false} : vector<2048x128xf32>, vector<128x128xf32>, vector<2048x128xf32> -> vector<2048x128xf32>
    %swap3A = arith.constant 0 : index
    %swap3A_6 = arith.constant 0 : index
    %swap3A_7 = vector.load %arg3[%swap3A, %swap3A_6] : memref<2048x128xf32, #tpu.memory_space<vmem>>, vector<2048x128xf32>
    tpu.vector_store %arg3[%swap3A, %swap3A_6], %dot_general3A_5 {strides = array<i32>} : memref<2048x128xf32, #tpu.memory_space<vmem>>, vector<2048x128xf32>,
    return
  }
  func.func @transform_0(%arg0: i32) -> (i32, i32) {
    %c0_i32 = arith.constant 0 : i32
    %c0_i32_0 = arith.constant 0 : i32
    return %arg0, %c0_i32 : i32, i32
  }
  func.func @transform_1(%arg0: i32) -> (i32, i32) {
    %c0_i32 = arith.constant 0 : i32
    %c0_i32_0 = arith.constant 0 : i32
    %c0_i32_1 = arith.constant 0 : i32
    return %c0_i32, %c0_i32_0 : i32, i32
  }
  func.func @transform_2(%arg0: i32) -> (i32, i32) {
    %c0_i32 = arith.constant 0 : i32
    %c0_i32_0 = arith.constant 0 : i32
    return %arg0, %c0_i32 : i32, i32
  }
}

module attributes {stable_mosaic.version = 14 : i64} {
  func.func @_tcb_body(%arg0: i32, %arg1: memref<2x2048x128xf32, #tpu.memory_space<vmem>>, %arg2: memref<2048x128xf32, #tpu.memory_space<vmem>>, %arg3: memref<2048x128xf32, #tpu.memory_space<vmem>>, %arg4: memref<2048x8xf32, #tpu.memory_space<vmem>>) attributes {dimension_semantics = [#tpu.dimension_semantics<arbitrary>], iteration_bounds = array<i64: 5>, scalar_prefetch = 0 : i64, scratch_operands = 0 : i64, tpu.core_type = #tpu.core_type<tc>, window_params = [{transform_indices = @transform_0, window_bounds = array<i64: 2, 2048, 128>}, {transform_indices = @transform_1, window_bounds = array<i64: 2048, 128>}, {transform_indices = @transform_2, window_bounds = array<i64: 2048, 128>}, {transform_indices = @transform_3, window_bounds = array<i64: 2048, 8>}]} {
    %get3A = arith.constant 0 : index
    %get3A_0 = arith.constant 0 : index
    %get3A_1 = arith.constant 0 : index
    %get3A_2 = vector.load %arg1[%get3A, %get3A_0, %get3A_1] : memref<2x2048x128xf32, #tpu.memory_space<vmem>>, vector<1x2048x1xf32>
    %get3A_3 = vector.shape_cast %get3A_2 : vector<1x2048x1xf32> to vector<2048x1xf32>
    %get3A_4 = arith.constant 1 : index
    %get3A_5 = arith.constant 0 : index
    %get3A_6 = arith.constant 0 : index
    %get3A_7 = vector.load %arg1[%get3A_4, %get3A_5, %get3A_6] : memref<2x2048x128xf32, #tpu.memory_space<vmem>>, vector<1x2048x1xf32>
    %get3A_8 = vector.shape_cast %get3A_7 : vector<1x2048x1xf32> to vector<2048x1xf32>
    %add3A = arith.addf %get3A_3, %get3A_8 : vector<2048x1xf32>
    %add3A_9 = arith.constant 1.000000e+00 : f32
    %add3A_10 = vector.broadcast %add3A_9 : f32 to vector<2048x1xf32>
    %add3A_11 = arith.addf %add3A, %add3A_10 : vector<2048x1xf32>
    %rsqrt3A = math.rsqrt %add3A_11 : vector<2048x1xf32>
    %broadcast_in_dim3A = vector.shape_cast %rsqrt3A : vector<2048x1xf32> to vector<2048x1xf32>
    %broadcast_in_dim3A_12 = vector.broadcast %broadcast_in_dim3A : vector<2048x1xf32> to vector<2048x8xf32>
    %swap3A = arith.constant 0 : index
    %swap3A_13 = arith.constant 0 : index
    %swap3A_14 = vector.load %arg4[%swap3A, %swap3A_13] : memref<2048x8xf32, #tpu.memory_space<vmem>>, vector<2048x8xf32>
    tpu.vector_store %arg4[%swap3A, %swap3A_13], %broadcast_in_dim3A_12 {strides = array<i32>} : memref<2048x8xf32, #tpu.memory_space<vmem>>, vector<2048x8xf32>,
    %get3A_15 = arith.constant 0 : index
    %get3A_16 = arith.constant 0 : index
    %get3A_17 = vector.load %arg2[%get3A_15, %get3A_16] : memref<2048x128xf32, #tpu.memory_space<vmem>>, vector<2048x128xf32>
    %mul3A = vector.broadcast %rsqrt3A : vector<2048x1xf32> to vector<2048x128xf32>
    %mul3A_18 = arith.mulf %mul3A, %get3A_17 : vector<2048x128xf32>
    %swap3A_19 = arith.constant 0 : index
    %swap3A_20 = arith.constant 0 : index
    %swap3A_21 = vector.load %arg3[%swap3A_19, %swap3A_20] : memref<2048x128xf32, #tpu.memory_space<vmem>>, vector<2048x128xf32>
    tpu.vector_store %arg3[%swap3A_19, %swap3A_20], %mul3A_18 {strides = array<i32>} : memref<2048x128xf32, #tpu.memory_space<vmem>>, vector<2048x128xf32>,
    return
  }
  func.func @transform_0(%arg0: i32) -> (i32, i32, i32) {
    %c0_i32 = arith.constant 0 : i32
    %c0_i32_0 = arith.constant 0 : i32
    %c0_i32_1 = arith.constant 0 : i32
    return %c0_i32, %arg0, %c0_i32_0 : i32, i32, i32
  }
  func.func @transform_1(%arg0: i32) -> (i32, i32) {
    %c0_i32 = arith.constant 0 : i32
    %c0_i32_0 = arith.constant 0 : i32
    return %arg0, %c0_i32 : i32, i32
  }
  func.func @transform_2(%arg0: i32) -> (i32, i32) {
    %c0_i32 = arith.constant 0 : i32
    %c0_i32_0 = arith.constant 0 : i32
    return %arg0, %c0_i32 : i32, i32
  }
  func.func @transform_3(%arg0: i32) -> (i32, i32) {
    %c0_i32 = arith.constant 0 : i32
    %c0_i32_0 = arith.constant 0 : i32
    return %arg0, %c0_i32 : i32, i32
  }
}

module attributes {stable_mosaic.version = 14 : i64} {
  func.func @_tcd_body(%arg0: i32, %arg1: memref<2048x8xf32, #tpu.memory_space<vmem>>, %arg2: memref<2x2048x128xf32, #tpu.memory_space<vmem>>, %arg3: memref<2048x128xf32, #tpu.memory_space<vmem>>, %arg4: memref<1x128xf32, #tpu.memory_space<vmem>>, %arg5: memref<128x128xf32, #tpu.memory_space<vmem>>, %arg6: memref<2048x128xf32, #tpu.memory_space<vmem>>) attributes {dimension_semantics = [#tpu.dimension_semantics<arbitrary>], iteration_bounds = array<i64: 5>, scalar_prefetch = 0 : i64, scratch_operands = 0 : i64, tpu.core_type = #tpu.core_type<tc>, window_params = [{transform_indices = @transform_0, window_bounds = array<i64: 2048, 8>}, {transform_indices = @transform_1, window_bounds = array<i64: 2, 2048, 128>}, {transform_indices = @transform_2, window_bounds = array<i64: 2048, 128>}, {pipeline_mode = #tpu.pipeline_mode<synchronous>, transform_indices = @transform_3, window_bounds = array<i64: 1, 128>}, {pipeline_mode = #tpu.pipeline_mode<synchronous>, transform_indices = @transform_4, window_bounds = array<i64: 128, 128>}, {transform_indices = @transform_5, window_bounds = array<i64: 2048, 128>}]} {
    %get3A = arith.constant 0 : index
    %get3A_0 = arith.constant 0 : index
    %get3A_1 = vector.load %arg1[%get3A, %get3A_0] : memref<2048x8xf32, #tpu.memory_space<vmem>>, vector<2048x1xf32>
    %get3A_2 = arith.constant 0 : index
    %get3A_3 = arith.constant 0 : index
    %get3A_4 = arith.constant 0 : index
    %get3A_5 = vector.load %arg2[%get3A_2, %get3A_3, %get3A_4] : memref<2x2048x128xf32, #tpu.memory_space<vmem>>, vector<1x2048x128xf32>
    %get3A_6 = vector.shape_cast %get3A_5 : vector<1x2048x128xf32> to vector<2048x128xf32>
    %get3A_7 = arith.constant 1 : index
    %get3A_8 = arith.constant 0 : index
    %get3A_9 = arith.constant 0 : index
    %get3A_10 = vector.load %arg2[%get3A_7, %get3A_8, %get3A_9] : memref<2x2048x128xf32, #tpu.memory_space<vmem>>, vector<1x2048x128xf32>
    %get3A_11 = vector.shape_cast %get3A_10 : vector<1x2048x128xf32> to vector<2048x128xf32>
    %add3A = arith.addf %get3A_6, %get3A_11 : vector<2048x128xf32>
    %get3A_12 = arith.constant 0 : index
    %get3A_13 = arith.constant 0 : index
    %get3A_14 = vector.load %arg3[%get3A_12, %get3A_13] : memref<2048x128xf32, #tpu.memory_space<vmem>>, vector<2048x128xf32>
    %add3A_15 = arith.addf %add3A, %get3A_14 : vector<2048x128xf32>
    %mul3A = vector.broadcast %get3A_1 : vector<2048x1xf32> to vector<2048x128xf32>
    %mul3A_16 = arith.mulf %mul3A, %add3A_15 : vector<2048x128xf32>
    %get3A_17 = arith.constant 0 : index
    %get3A_18 = arith.constant 0 : index
    %get3A_19 = vector.load %arg4[%get3A_17, %get3A_18] : memref<1x128xf32, #tpu.memory_space<vmem>>, vector<1x128xf32>
    %add3A_20 = vector.broadcast %get3A_19 : vector<1x128xf32> to vector<2048x128xf32>
    %add3A_21 = arith.addf %mul3A_16, %add3A_20 : vector<2048x128xf32>
    %max3A = arith.constant 0.000000e+00 : f32
    %max3A_22 = vector.broadcast %max3A : f32 to vector<2048x128xf32>
    %max3A_23 = arith.maximumf %add3A_21, %max3A_22 : vector<2048x128xf32>
    %mul3A_24 = vector.broadcast %get3A_1 : vector<2048x1xf32> to vector<2048x128xf32>
    %mul3A_25 = arith.mulf %mul3A_24, %max3A_23 : vector<2048x128xf32>
    %get3A_26 = arith.constant 0 : index
    %get3A_27 = arith.constant 0 : index
    %get3A_28 = vector.load %arg5[%get3A_26, %get3A_27] : memref<128x128xf32, #tpu.memory_space<vmem>>, vector<128x128xf32>
    %dot_general3A = arith.constant dense<0.000000e+00> : vector<2048x128xf32>
    %dot_general3A_29 = tpu.matmul %mul3A_25, %get3A_28, %dot_general3A {dimension_numbers = #tpu.dot_dimension_numbers<[1], [0], [0], [1], [0, 0, 1, 1], [], []>, transpose_lhs_hint = false} : vector<2048x128xf32>, vector<128x128xf32>, vector<2048x128xf32> -> vector<2048x128xf32>
    %swap3A = arith.constant 0 : index
    %swap3A_30 = arith.constant 0 : index
    %swap3A_31 = vector.load %arg6[%swap3A, %swap3A_30] : memref<2048x128xf32, #tpu.memory_space<vmem>>, vector<2048x128xf32>
    tpu.vector_store %arg6[%swap3A, %swap3A_30], %dot_general3A_29 {strides = array<i32>} : memref<2048x128xf32, #tpu.memory_space<vmem>>, vector<2048x128xf32>,
    return
  }
  func.func @transform_0(%arg0: i32) -> (i32, i32) {
    %c0_i32 = arith.constant 0 : i32
    %c0_i32_0 = arith.constant 0 : i32
    return %arg0, %c0_i32 : i32, i32
  }
  func.func @transform_1(%arg0: i32) -> (i32, i32, i32) {
    %c0_i32 = arith.constant 0 : i32
    %c0_i32_0 = arith.constant 0 : i32
    %c0_i32_1 = arith.constant 0 : i32
    return %c0_i32, %arg0, %c0_i32_0 : i32, i32, i32
  }
  func.func @transform_2(%arg0: i32) -> (i32, i32) {
    %c0_i32 = arith.constant 0 : i32
    %c0_i32_0 = arith.constant 0 : i32
    return %arg0, %c0_i32 : i32, i32
  }
  func.func @transform_3(%arg0: i32) -> (i32, i32) {
    %c0_i32 = arith.constant 0 : i32
    %c0_i32_0 = arith.constant 0 : i32
    %c0_i32_1 = arith.constant 0 : i32
    return %c0_i32, %c0_i32_0 : i32, i32
  }
  func.func @transform_4(%arg0: i32) -> (i32, i32) {
    %c0_i32 = arith.constant 0 : i32
    %c0_i32_0 = arith.constant 0 : i32
    %c0_i32_1 = arith.constant 0 : i32
    return %c0_i32, %c0_i32_0 : i32, i32
  }
  func.func @transform_5(%arg0: i32) -> (i32, i32) {
    %c0_i32 = arith.constant 0 : i32
    %c0_i32_0 = arith.constant 0 : i32
    return %arg0, %c0_i32 : i32, i32
  }
}

module attributes {stable_mosaic.version = 14 : i64} {
  func.func @_tcf_body(%arg0: i32, %arg1: memref<2048x8xf32, #tpu.memory_space<vmem>>, %arg2: memref<2x2048x128xf32, #tpu.memory_space<vmem>>, %arg3: memref<2048x128xf32, #tpu.memory_space<vmem>>, %arg4: memref<1x128xf32, #tpu.memory_space<vmem>>, %arg5: memref<2048x128xf32, #tpu.memory_space<vmem>>) attributes {dimension_semantics = [#tpu.dimension_semantics<arbitrary>], iteration_bounds = array<i64: 5>, scalar_prefetch = 0 : i64, scratch_operands = 0 : i64, tpu.core_type = #tpu.core_type<tc>, window_params = [{transform_indices = @transform_0, window_bounds = array<i64: 2048, 8>}, {transform_indices = @transform_1, window_bounds = array<i64: 2, 2048, 128>}, {transform_indices = @transform_2, window_bounds = array<i64: 2048, 128>}, {pipeline_mode = #tpu.pipeline_mode<synchronous>, transform_indices = @transform_3, window_bounds = array<i64: 1, 128>}, {transform_indices = @transform_4, window_bounds = array<i64: 2048, 128>}]} {
    %get3A = arith.constant 0 : index
    %get3A_0 = arith.constant 0 : index
    %get3A_1 = vector.load %arg1[%get3A, %get3A_0] : memref<2048x8xf32, #tpu.memory_space<vmem>>, vector<2048x1xf32>
    %get3A_2 = arith.constant 0 : index
    %get3A_3 = arith.constant 0 : index
    %get3A_4 = arith.constant 0 : index
    %get3A_5 = vector.load %arg2[%get3A_2, %get3A_3, %get3A_4] : memref<2x2048x128xf32, #tpu.memory_space<vmem>>, vector<1x2048x128xf32>
    %get3A_6 = vector.shape_cast %get3A_5 : vector<1x2048x128xf32> to vector<2048x128xf32>
    %get3A_7 = arith.constant 1 : index
    %get3A_8 = arith.constant 0 : index
    %get3A_9 = arith.constant 0 : index
    %get3A_10 = vector.load %arg2[%get3A_7, %get3A_8, %get3A_9] : memref<2x2048x128xf32, #tpu.memory_space<vmem>>, vector<1x2048x128xf32>
    %get3A_11 = vector.shape_cast %get3A_10 : vector<1x2048x128xf32> to vector<2048x128xf32>
    %add3A = arith.addf %get3A_6, %get3A_11 : vector<2048x128xf32>
    %get3A_12 = arith.constant 0 : index
    %get3A_13 = arith.constant 0 : index
    %get3A_14 = vector.load %arg3[%get3A_12, %get3A_13] : memref<2048x128xf32, #tpu.memory_space<vmem>>, vector<2048x128xf32>
    %add3A_15 = arith.addf %add3A, %get3A_14 : vector<2048x128xf32>
    %mul3A = vector.broadcast %get3A_1 : vector<2048x1xf32> to vector<2048x128xf32>
    %mul3A_16 = arith.mulf %mul3A, %add3A_15 : vector<2048x128xf32>
    %get3A_17 = arith.constant 0 : index
    %get3A_18 = arith.constant 0 : index
    %get3A_19 = vector.load %arg4[%get3A_17, %get3A_18] : memref<1x128xf32, #tpu.memory_space<vmem>>, vector<1x128xf32>
    %add3A_20 = vector.broadcast %get3A_19 : vector<1x128xf32> to vector<2048x128xf32>
    %add3A_21 = arith.addf %mul3A_16, %add3A_20 : vector<2048x128xf32>
    %swap3A = arith.constant 0 : index
    %swap3A_22 = arith.constant 0 : index
    %swap3A_23 = vector.load %arg5[%swap3A, %swap3A_22] : memref<2048x128xf32, #tpu.memory_space<vmem>>, vector<2048x128xf32>
    tpu.vector_store %arg5[%swap3A, %swap3A_22], %add3A_21 {strides = array<i32>} : memref<2048x128xf32, #tpu.memory_space<vmem>>, vector<2048x128xf32>,
    return
  }
  func.func @transform_0(%arg0: i32) -> (i32, i32) {
    %c0_i32 = arith.constant 0 : i32
    %c0_i32_0 = arith.constant 0 : i32
    return %arg0, %c0_i32 : i32, i32
  }
  func.func @transform_1(%arg0: i32) -> (i32, i32, i32) {
    %c0_i32 = arith.constant 0 : i32
    %c0_i32_0 = arith.constant 0 : i32
    %c0_i32_1 = arith.constant 0 : i32
    return %c0_i32, %arg0, %c0_i32_0 : i32, i32, i32
  }
  func.func @transform_2(%arg0: i32) -> (i32, i32) {
    %c0_i32 = arith.constant 0 : i32
    %c0_i32_0 = arith.constant 0 : i32
    return %arg0, %c0_i32 : i32, i32
  }
  func.func @transform_3(%arg0: i32) -> (i32, i32) {
    %c0_i32 = arith.constant 0 : i32
    %c0_i32_0 = arith.constant 0 : i32
    %c0_i32_1 = arith.constant 0 : i32
    return %c0_i32, %c0_i32_0 : i32, i32
  }
  func.func @transform_4(%arg0: i32) -> (i32, i32) {
    %c0_i32 = arith.constant 0 : i32
    %c0_i32_0 = arith.constant 0 : i32
    return %arg0, %c0_i32 : i32, i32
  }
}

</mosaic_0001>

<sc_bundles>
// kernel: kernel.12.cloned.1.call-start
scs
__scs_entry_jumppad:
0x0: {  	(pc) =	sbr.rel $0x88, $3  }
0x1: {  	(tag) =	ssettag $0x0;
	lr =	simm.s32 $0x1  }
0x2: {  	[smem:$0x3F99] =	sst lr;
	_ =	strace $0xD0000000  }
0x3: {  	_ = 	snop  }
0x4: {  	_ = 	snop  }
0x5: {  	_ = 	snop  }
0x6: {  	_ = 	snop  }
0x7: {  	_ = 	snop  }
__scs_overlays_trampoline_lowered:
0x8: {  	[smem:$0x3FA8] =	sst s0  }
0x9: {  	[smem:$0x3FA9] =	sst s1  }
0xa: {  	[smem:$0x3FAA] =	sst s2  }
0xb: {  	[smem:$0x3FAB] =	sst s3  }
0xc: {  	[smem:$0x3FAC] =	sst s4  }
0xd: {  	[smem:$0x3FAD] =	sst s5  }
0xe: {  	[smem:$0x3FAE] =	sst s6  }
0xf: {  	[smem:$0x3FAF] =	sst s7  }
0x10: {  	[smem:$0x3FB0] =	sst s8  }
0x11: {  	[smem:$0x3FB1] =	sst s9;
	s0 =	simm.s32 @!p0 $0x0  }
0x12: {  	s1 =	sld [smem:$0x3F97];
	s0 =	simm.s32 @p0 $0x1  }
0x13: {  	[smem:$0x3FB2] =	sst s0;
	s0 =	simm.s32 @!p1 $0x0  }
0x14: {  	s2 =	sld [smem:$0x3F96];
	s0 =	simm.s32 @p1 $0x1  }
0x15: {  	[smem:$0x3FB3] =	sst s0;
	s0 =	simm.s32 @!p2 $0x0  }
0x16: {  	s3 =	sld [smem:$0x3FDB];
	s0 =	simm.s32 @p2 $0x1  }
0x17: {  	s4 =	simm.s32 $0x1BF5;
	[smem:$0x3FB5] =	sst s0  }
0x18: {  	s0 =	sld [smem:$0x3F98];
	_ =	swait.ge [sflag:s4], $0x0  }
0x19: {  	s7 =	sld [smem:$0x3F99]  }
0x1a: {  	s8 =	sadd.s32 $0xFFFFE003, lr  }
0x1b: {  	s9 =	sadd.s32 $0xFFFFFEF7, lr;
	s5 =	simm.s32 $0xFFFFFFFF;
	p2 =	slt.u32 s8, $0xFFFFF086  }
0x1c: {  	p1 =	slt.u32 s9, $0xF7A;
	s5 =	simm.s32 @!p2 $0x0  }
0x1d: {  	s5 =	simm.s32 @p1 $0x1;
	p0 =	seq.s32 s7, s2  }
0x1e: {  	s7 =	smul.u32 @!p0 $0xF7A, s2;
	p2 =	seq.s32 @!p0 s5, $0x0  }
0x1f: {  	s9 =	smul.u32 $0xF7A, s1;
	s8 =	simm.s32 @!p0 $0x1BF5;
	p2 =	por !p2, p0  }
0x20: {  	[sflag:s8] =	ssyncset.s32 @!p0 $0xFFFFF086;
	s6 =	sadd.s32 @!p0 s3, s7;
	s7 =	simm.s32 @!p0 $0x108  }
0x21: {  	s3 =	sadd.s32 s3, s9;
	s6 =	sadd.s32 @!p0 $0x88, s6;
	s7 =	simm.s32 @p2 $0x1082  }
0x22: {  	[simem:s7], [sflag:s8] =	dma.local @!p0 [hbm:s6], $0xF7A  }
0x23: {  	s9 =	sor.u32 $0xD0000000, s2;
	s6 =	simm.s32 $0x108;
	_ =	swait.ge @!p0 [sflag:s8], $0x0  }
0x24: {  	s3 =	sadd.s32 $0x88, s3;
	s6 =	simm.s32 @!p1 $0x1082;
	[sflag:s4] =	ssyncset.s32 $0xFFFFF086  }
0x25: {  	[simem:s6], [sflag:s4] =	dma.local [hbm:s3], $0xF7A  }
0x26: {  	[smem:$0x3F99] =	sst s1;
	(tag) =	ssettag s2;
	_ =	strace s9  }
0x27: {  	s1 =	sld [smem:$0x3FA9]  }
0x28: {  	s2 =	sld [smem:$0x3FAA]  }
0x29: {  	s4 =	sld [smem:$0x3FAC]  }
0x2a: {  	p0 =	seq.s32 s5, $0x0;
	s5 =	sld [smem:$0x3FAD]  }
0x2b: {  	s6 =	sld [smem:$0x3FAE]  }
0x2c: {  	s7 =	sld [smem:$0x3FAF]  }
0x2d: {  	s3 =	simm.s32 $0x108;
	s8 =	sld [smem:$0x3FB0]  }
0x2e: {  	s3 =	simm.s32 @!p0 $0x1082;
	s9 =	sld [smem:$0x3FB1]  }
0x2f: {  	lr =	sadd.s32 s0, s3;
	s0 =	sld [smem:$0x3FA8]  }
0x30: {  	s3 =	sld [smem:$0x3FAB]  }
0x31: {  	[smem:$0x3FB4] =	sst s10  }
0x32: {  	s10 =	sld [smem:$0x3FB2];
	_ =	sdelay $0x3  }
0x33: {  	p0 =	seq.s32 s10, $0x1;
	s10 =	sld [smem:$0x3FB4];
	_ =	sdelay $0x3  }
0x34: {  	[smem:$0x3FB4] =	sst s10  }
0x35: {  	s10 =	sld [smem:$0x3FB3];
	_ =	sdelay $0x3  }
0x36: {  	p1 =	seq.s32 s10, $0x1;
	s10 =	sld [smem:$0x3FB4];
	_ =	sdelay $0x3  }
0x37: {  	[smem:$0x3FB4] =	sst s10  }
0x38: {  	s10 =	sld [smem:$0x3FB5]  }
0x39: {  	_ = 	snop;
	(pc) =	sbr.ind lr, $3  }
0x3a: {  	_ = 	snop  }
0x3b: {  	_ = 	snop  }
0x3c: {  	p2 =	seq.s32 s10, $0x1;
	s10 =	sld [smem:$0x3FB4]  }
0x3d: {  	_ =	shalt  }
0x3e: {  	_ =	shalt  }
0x3f: {  	_ =	shalt  }
0x40: {  	_ =	shalt  }
0x41: {  	_ =	shalt  }
0x42: {  	_ =	shalt  }
0x43: {  	_ =	shalt  }
0x44: {  	_ =	shalt  }
0x45: {  	_ =	shalt  }
0x46: {  	_ =	shalt  }
0x47: {  	_ =	shalt  }
0x48: {  	_ =	shalt  }
0x49: {  	_ =	shalt  }
0x4a: {  	_ =	shalt  }
0x4b: {  	_ =	shalt  }
0x4c: {  	_ =	shalt  }
0x4d: {  	_ =	shalt  }
0x4e: {  	_ =	shalt  }
0x4f: {  	_ =	shalt  }
0x50: {  	_ =	shalt  }
0x51: {  	_ =	shalt  }
0x52: {  	_ =	shalt  }
0x53: {  	_ =	shalt  }
0x54: {  	_ =	shalt  }
0x55: {  	_ =	shalt  }
0x56: {  	_ =	shalt  }
0x57: {  	_ =	shalt  }
0x58: {  	_ =	shalt  }
0x59: {  	_ =	shalt  }
0x5a: {  	_ =	shalt  }
0x5b: {  	_ =	shalt  }
0x5c: {  	_ =	shalt  }
0x5d: {  	_ =	shalt  }
0x5e: {  	_ =	shalt  }
0x5f: {  	_ =	shalt  }
0x60: {  	_ =	shalt  }
0x61: {  	_ =	shalt  }
0x62: {  	_ =	shalt  }
0x63: {  	_ =	shalt  }
0x64: {  	_ =	shalt  }
0x65: {  	_ =	shalt  }
0x66: {  	_ =	shalt  }
0x67: {  	_ =	shalt  }
0x68: {  	_ =	shalt  }
0x69: {  	_ =	shalt  }
0x6a: {  	_ =	shalt  }
0x6b: {  	_ =	shalt  }
0x6c: {  	_ =	shalt  }
0x6d: {  	_ =	shalt  }
0x6e: {  	_ =	shalt  }
0x6f: {  	_ =	shalt  }
0x70: {  	_ =	shalt  }
0x71: {  	_ =	shalt  }
0x72: {  	_ =	shalt  }
0x73: {  	_ =	shalt  }
0x74: {  	_ =	shalt  }
0x75: {  	_ =	shalt  }
0x76: {  	_ =	shalt  }
0x77: {  	_ =	shalt  }
0x78: {  	_ =	shalt  }
0x79: {  	_ =	shalt  }
0x7a: {  	_ =	shalt  }
0x7b: {  	_ =	shalt  }
0x7c: {  	_ =	shalt  }
0x7d: {  	_ =	shalt  }
0x7e: {  	_ =	shalt  }
0x7f: {  	_ =	shalt  }
0x80: {  	_ =	shalt  }
0x81: {  	_ =	shalt  }
0x82: {  	_ =	shalt  }
0x83: {  	_ =	shalt  }
0x84: {  	_ =	shalt  }
0x85: {  	_ =	shalt  }
0x86: {  	_ =	shalt  }
0x87: {  	_ =	shalt  }
.Lfunc_end0:
.L_simem_size_0:
called_computation.1_lowered:
.L_overlay_start_0:
0x88: {  	s2 =	sld [smem:$0x3FD9]  }
0x89: {  	s3 =	sld [smem:$0x3FFE];
	_ =	sdelay $0x1  }
0x8a: {  	s1 =	srdreg.scid  }
0x8b: {  	s0 =	sand.u32 $0x1, s1  }
0x8c: {  	s16 =	sshll.u32 s0, $0xA;
	s2 =	sadd.s32 s3, s2  }
0x8d: {  	s2 =	sadd.s32 s2, s16  }
0x8e: {  	[smem:$0x3FC0] =	sst s2  }
0x8f: {  	_ = 	snop  }
0x90: {  	(tm) =	ssettm $0x1  }
0x91: {  	s17 =	sld [smem:$0x3FFB];
	_ =	sdelay $0x3  }
0x92: {  	_ =	strace s17  }
0x93: {  	s2 =	sld [smem:$0x3FFC];
	_ =	sdelay $0x3  }
0x94: {  	_ =	strace s2  }
0x95: {  	s2 =	sld [smem:$0x3FFD];
	_ =	sdelay $0x3  }
0x96: {  	_ =	strace s2  }
0x97: {  	_ =	strace $0x8FFFFFFF  }
0x98: {  	s18 =	sld [smem:$0x3FDB];
	_ =	sdelay $0x1  }
0x99: {  	s19 =	simm.s32 $_scs_section_size  }
0x9a: {  	s4 =	simm.s32 $_size__tile_overlayer_lowered;
	s5 =	simm.s32 $_tile_overlayer_lowered  }
0x9b: {  	s22 =	simm.s32 $0x1BFF;
	s21 =	sshll.u32 s5, $0x1;
	s2 =	sadd.s32 s19, s18  }
0x9c: {  	s6 =	simm.s32 $0x0;
	s20 =	sshll.u32 s4, $0x1;
	s4 =	sadd.s32 s21, s2  }
0x9d: {  	[timem:s6], [sflag:s22] =	dma.local [hbm:s4], s20  }
0x9e: {  	_ =	swait.ge [sflag:s22], s20  }
0x9f: {  	s3 =	ssub.s32 $0x0, s20;
	[sflag:s22] =	ssyncset.done $0x0  }
0xa0: {  	[sflag:s22] =	ssyncadd.s32 s3;
	_ =	sdelay $0x1  }
0xa1: {  	s23 =	simm.s32 $0x1B8B  }
0xa2: {  	_ =	swait.ge [sflag:s23], $0x1  }
0xa3: {  	[sflag:s23] =	ssyncset.done $0x0  }
0xa4: {  	s25 =	simm.s32 $0x1B8E;
	s24 =	sld [smem:$0x3FFE];
	[sflag:s23] =	ssyncadd.s32 $0xFFFFFFFF  }
0xa5: {  	s26 =	simm.s32 $execute0_lowered;
	[smem:$0x3FD2] =	sst s25  }
0xa6: {  	s4 =	sshll.u32 s26, $0x1;
	_ =	strace $0x80000049;
	[dreg:$0x1] =	wrdreg $0xFFFFFFFF  }
0xa7: {  	s28 =	simm.s32 $_size_execute0_lowered;
	s2 =	sadd.s32 s2, s4;
	[dreg:$0x0] =	wrdreg $0x0  }
0xa8: {  	s4 =	sshll.u32 s28, $0x1;
	[dreg:$0x2] =	wrdreg s2  }
0xa9: {  	[dreg:$0x3] =	wrdreg s4  }
0xaa: {  	[dreg:$0x4] =	wrdreg $0xC0  }
0xab: {  	_ =	task [dreg:s6], $0x5FFFF  }
0xac: {  	[dreg:$0x1] =	wrdreg $0xFFFFFFFF  }
0xad: {  	[dreg:$0x0] =	wrdreg $0x60  }
0xae: {  	[dreg:$0x2] =	wrdreg s24  }
0xaf: {  	[dreg:$0x3] =	wrdreg $0x94000  }
0xb0: {  	[dreg:$0x4] =	wrdreg $0x9  }
0xb1: {  	_ =	task.clear_ibuf [dreg:s6], $0x5FFFF;
	_ =	strace $0x90000049  }
0xb2: {  	s29 =	simm.s32 $0x9;
	_ =	strace $0x8000004B  }
0xb3: {  	_ =	swait.ge [sflag:s29], $0x1  }
0xb4: {  	[sflag:s29] =	ssyncadd.s32 $0xFFFFFFFF  }
0xb5: {  	_ =	strace $0x9000004B  }
0xb6: {  	_ =	sfence  }
0xb7: {  	s30 =	sld [smem:$0x0];
	_ =	sdelay $0x2  }
0xb8: {  	s31 =	sshll.u32 s1, $0xD;
	s1 =	sshrl.u32 s1, $0x2  }
0xb9: {  	s3 =	sand.u32 $0x4000, s31;
	s1 =	sadd.s32 s1, s30  }
0xba: {  	s0 =	sor.u32 s3, s0;
	s1 =	sshll.u32 s1, $0x11  }
0xbb: {  	s0 =	sor.u32 s1, s0  }
0xbc: {  	s0 =	sadd.s32 $0x8F2B, s0  }
0xbd: {  	[sflag:s0] =	ssyncadd.remote.s32 $0x1  }
0xbe: {  	_ =	sfence.sel $0xFFFF  }
0xbf: {  	[dreg:$0x0] =	wrdreg $0xFFFFFFFF;
	(pc) =	sbr.abs _section_cstart, $3  }
0xc0: {  	[dreg:$0x1] =	wrdreg $0xFFFFFFFF  }
0xc1: {  	_ =	task.clear_ibuf [dreg:s6], $0x2FFFF;
	_ =	strace $0x9FFFFFFF  }
0xc2: {  	(tm) =	ssettm $0x7FFFFFFF  }
0xc3: {  	_ =	shalt  }
tec
execute0_lowered:
.L_overlay_start_1:
0x0: {  	(tag) =	ssettag $0x1  }
0x1: {  	s0 =	srdreg.scid;
	s5 =	rddreg [dreg:$0x0]  }
0x2: {  	s7 =	stileid.u32;
	s2 =	rddreg [dreg:$0x1];
	s3 =	simm.s32 $0x0  }
0x3: {  	s0 =	sand.u32 $0x1, s0;
	[smem:$0x7FF] =	sst s3;
	s20 =	smul.u32 $0x14000, s7  }
0x4: {  	s1 =	sshll.u32 s0, $0x4;
	s4 =	smul.u32 $0x140000, s0;
	s0 =	ssub.s32 $0x2, s0  }
0x5: {  	s1 =	sor.u32 s7, s1;
	s7 =	smul.u32 $0x50000, s7;
	s21 =	sshrl.u32 s0, $0x1  }
0x6: {  	_ =	strace $0x8000004A;
	s3 =	sadd.s32 s20, s4;
	s0 =	ssub.s32 s0, s21  }
0x7: {  	s3 =	sshrl.u32 s3, $0x3;
	s7 =	sshrl.u32 s7, $0x2;
	s0 =	smax.u32 s0, $0x1  }
0x8: {  	s3 =	sadd.s32 s3, s5;
	s22 =	sadd.s32 s7, s2;
	[dreg:$0x8] =	wrdreg s0  }
0x9: {  	s16 =	simm.s32 $0x1400;
	s26 =	sadd.s32 $0x3EA00, s3;
	[dreg:$0xd] =	wrdreg s22  }
0xa: {  	s1 =	smul.u32 $0x5000, s1;
	s28 =	sadd.s32 $0x4000, s22;
	[dreg:$0x7] =	wrdreg s26  }
0xb: {  	s17 =	simm.s32 $0x3;
	s29 =	sadd.s32 $0x8000, s22;
	[dreg:$0x9] =	wrdreg s28  }
0xc: {  	s1 =	sshrl.u32 s1, $0x3;
	s30 =	sadd.s32 $0xC000, s22;
	[dreg:$0xa] =	wrdreg s29  }
0xd: {  	s1 =	sadd.s32 s1, s5;
	s31 =	sadd.s32 $0x10000, s22;
	[dreg:$0xb] =	wrdreg s30  }
0xe: {  	s18 =	simm.s32 $0x80;
	s23 =	sadd.s32 $0x2A00, s1;
	[dreg:$0xc] =	wrdreg s31  }
0xf: {  	s12 =	simm.s32 $0x0;
	s24 =	sadd.s32 $0x2C80, s1;
	[dreg:$0x3] =	wrdreg s23  }
0x10: {  	s4 =	sadd.s32 $0x16A00, s5;
	s25 =	sadd.s32 $0x2F00, s1;
	[dreg:$0x4] =	wrdreg s24  }
0x11: {  	s20 =	simm.s32 $0x5400;
	s1 =	sadd.s32 $0x3180, s1;
	[dreg:$0x5] =	wrdreg s25  }
0x12: {  	v0 =	vimm.f32 $0.0e+00;
	s21 =	simm.s32 $0x1;
	[dreg:$0x6] =	wrdreg s1;
	s23 =	simm.s32 $0x2  }
.LBB2_1:
0x13: {  	s13 =	simm.s32 $0x0;
	s14 =	simm.s32 $0x200  }
.LBB2_2:
0x14: {  	p0 =	sne.s32 s14, $0xFE00;
	[tilespmem:s13+$0x1470] =	vst v0  }
0x15: {  	[tilespmem:s13+$0x1400] =	vst v0  }
0x16: {  	[tilespmem:s13+$0x1410] =	vst v0  }
.Ltmp0:
0x17: {  	[tilespmem:s13+$0x1420] =	vst v0;
	(pc) =	sbr.rel @p0 .LBB2_2-.Ltmp0, $4  }
0x18: {  	[tilespmem:s13+$0x1430] =	vst v0  }
0x19: {  	[tilespmem:s13+$0x1440] =	vst v0  }
0x1a: {  	[tilespmem:s13+$0x1450] =	vst v0  }
0x1b: {  	[tilespmem:s13+$0x1460] =	vst v0;
	s13 =	sshra.s32 s14, $0x2;
	s14 =	sadd.s32 $0x200, s14  }
0x1c: {  	[tilespmem:s13+$0x1470] =	vst v0  }
0x1d: {  	[tilespmem:s13+$0x1400] =	vst v0  }
0x1e: {  	[tilespmem:s13+$0x1410] =	vst v0  }
0x1f: {  	[tilespmem:s13+$0x1420] =	vst v0  }
0x20: {  	[tilespmem:s13+$0x1430] =	vst v0  }
0x21: {  	[tilespmem:s13+$0x1440] =	vst v0  }
0x22: {  	[tilespmem:s13+$0x1450] =	vst v0  }
0x23: {  	[tilespmem:s13+$0x1460] =	vst v0;
	s0 =	rddreg [dreg:$0xd]  }
0x24: {  	[spmem:s0] =	stream.linear.scatter [tilespmem:s16], [sflag:$0x3], $0x4000, $0x38;
	[tilespmem:$0x1D400] =	vst v63  }
0x25: {  	_ =	swait.ge [sflag:s17], $0x4000  }
0x26: {  	[sflag:s17] =	ssyncset.done $0x0  }
0x27: {  	s31 =	rddreg [dreg:$0x9];
	[sflag:s17] =	ssyncadd.s32 $0xFFFFC000  }
0x28: {  	[spmem:s31] =	stream.linear.scatter [tilespmem:s16], [sflag:$0x3], $0x4000, $0x38;
	[tilespmem:$0x1D400] =	vst v63  }
0x29: {  	_ =	swait.ge [sflag:s17], $0x4000  }
0x2a: {  	[sflag:s17] =	ssyncset.done $0x0  }
0x2b: {  	s0 =	rddreg [dreg:$0xa];
	[sflag:s17] =	ssyncadd.s32 $0xFFFFC000  }
0x2c: {  	[spmem:s0] =	stream.linear.scatter [tilespmem:s16], [sflag:$0x3], $0x4000, $0x38;
	[tilespmem:$0x1D400] =	vst v63  }
0x2d: {  	_ =	swait.ge [sflag:s17], $0x4000  }
0x2e: {  	[sflag:s17] =	ssyncset.done $0x0  }
0x2f: {  	s1 =	rddreg [dreg:$0xb];
	[sflag:s17] =	ssyncadd.s32 $0xFFFFC000  }
0x30: {  	[spmem:s1] =	stream.linear.scatter [tilespmem:s16], [sflag:$0x3], $0x4000, $0x38;
	[tilespmem:$0x1D400] =	vst v63  }
0x31: {  	_ =	swait.ge [sflag:s17], $0x4000  }
0x32: {  	[sflag:s17] =	ssyncset.done $0x0  }
0x33: {  	s3 =	rddreg [dreg:$0xc];
	[sflag:s17] =	ssyncadd.s32 $0xFFFFC000  }
0x34: {  	[spmem:s3] =	stream.linear.scatter [tilespmem:s16], [sflag:$0x3], $0x4000, $0x38;
	[tilespmem:$0x1D400] =	vst v63  }
0x35: {  	_ =	swait.ge [sflag:s17], $0x4000  }
0x36: {  	[sflag:s17] =	ssyncset.done $0x0  }
0x37: {  	[sflag:s17] =	ssyncadd.s32 $0xFFFFC000  }
0x38: {  	[bflag:$0x0] =	sbarrier.arrive $0xFFFF  }
0x39: {  	s1 =	simm.s32 $0x0;
	s5 =	rddreg [dreg:$0x3]  }
0x3a: {  	[tilespmem:s1], [sflag:$0x3] =	stream.linear.gather [hbm4b:s5+s1], $0x1400, $0x38;
	[tilespmem:$0x1D400] =	vst v63  }
0x3b: {  	_ =	swait.ge [sflag:s17], $0x1400  }
0x3c: {  	[sflag:s17] =	ssyncset.done $0x0  }
0x3d: {  	[sflag:s17] =	ssyncadd.s32 $0xFFFFEC00  }
0x3e: {  	[tilespmem:s16], [sflag:$0x1] =	stream.indirect.gather [hbm4b:s4+s18], $0x80, s1, s18, $0xb8;
	[tilespmem:$0x1D400] =	vst v63  }
0x3f: {  	s6 =	simm.s32 $0x100  }
0x40: {  	[tilespmem:s20], [sflag:$0x2] =	stream.indirect.gather [hbm4b:s4+s18], $0x80, s6, s18, $0xb8;
	[tilespmem:$0x1D400] =	vst v63  }
0x41: {  	_ =	swait.ge [sflag:s21], $0x4000  }
0x42: {  	[sflag:s21] =	ssyncset.done $0x0  }
0x43: {  	[sflag:s21] =	ssyncadd.s32 $0xFFFFC000  }
0x44: {  	[spmem:s2] =	stream.indirect.scatter.add.f32 [tilespmem:s16], [sflag:$0x3], $0x80, s18, s18, $0xb8;
	[tilespmem:$0x1D400] =	vst v63  }
0x45: {  	_ =	swait.ge [sflag:s17], $0x4000  }
0x46: {  	[sflag:s17] =	ssyncset.done $0x0  }
0x47: {  	s7 =	simm.s32 $0x200;
	[sflag:s17] =	ssyncadd.s32 $0xFFFFC000  }
0x48: {  	[tilespmem:s16], [sflag:$0x1] =	stream.indirect.gather [hbm4b:s4+s18], $0x80, s7, s18, $0xb8;
	[tilespmem:$0x1D400] =	vst v63  }
0x49: {  	_ =	swait.ge [sflag:s23], $0x4000  }
0x4a: {  	[sflag:s23] =	ssyncset.done $0x0  }
0x4b: {  	s8 =	simm.s32 $0x180;
	[sflag:s23] =	ssyncadd.s32 $0xFFFFC000  }
0x4c: {  	[spmem:s2] =	stream.indirect.scatter.add.f32 [tilespmem:s20], [sflag:$0x3], $0x80, s8, s18, $0xb8;
	[tilespmem:$0x1D400] =	vst v63  }
0x4d: {  	_ =	swait.ge [sflag:s17], $0x4000  }
0x4e: {  	[sflag:s17] =	ssyncset.done $0x0  }
0x4f: {  	s9 =	simm.s32 $0x300;
	[sflag:s17] =	ssyncadd.s32 $0xFFFFC000  }
0x50: {  	[tilespmem:s20], [sflag:$0x2] =	stream.indirect.gather [hbm4b:s4+s18], $0x80, s9, s18, $0xb8;
	[tilespmem:$0x1D400] =	vst v63  }
0x51: {  	_ =	swait.ge [sflag:s21], $0x4000  }
0x52: {  	[sflag:s21] =	ssyncset.done $0x0  }
0x53: {  	s10 =	simm.s32 $0x280;
	[sflag:s21] =	ssyncadd.s32 $0xFFFFC000  }
0x54: {  	[spmem:s2] =	stream.indirect.scatter.add.f32 [tilespmem:s16], [sflag:$0x3], $0x80, s10, s18, $0xb8;
	[tilespmem:$0x1D400] =	vst v63  }
0x55: {  	_ =	swait.ge [sflag:s17], $0x4000  }
0x56: {  	[sflag:s17] =	ssyncset.done $0x0  }
0x57: {  	s11 =	simm.s32 $0x400;
	[sflag:s17] =	ssyncadd.s32 $0xFFFFC000  }
0x58: {  	[tilespmem:s16], [sflag:$0x1] =	stream.indirect.gather [hbm4b:s4+s18], $0x80, s11, s18, $0xb8;
	[tilespmem:$0x1D400] =	vst v63  }
0x59: {  	_ =	swait.ge [sflag:s23], $0x4000  }
0x5a: {  	[sflag:s23] =	ssyncset.done $0x0  }
0x5b: {  	s13 =	simm.s32 $0x380;
	[sflag:s23] =	ssyncadd.s32 $0xFFFFC000  }
0x5c: {  	[spmem:s2] =	stream.indirect.scatter.add.f32 [tilespmem:s20], [sflag:$0x3], $0x80, s13, s18, $0xb8;
	[tilespmem:$0x1D400] =	vst v63  }
0x5d: {  	_ =	swait.ge [sflag:s17], $0x4000  }
0x5e: {  	[sflag:s17] =	ssyncset.done $0x0  }
0x5f: {  	s14 =	simm.s32 $0x500;
	[sflag:s17] =	ssyncadd.s32 $0xFFFFC000  }
0x60: {  	[tilespmem:s20], [sflag:$0x2] =	stream.indirect.gather [hbm4b:s4+s18], $0x80, s14, s18, $0xb8;
	[tilespmem:$0x1D400] =	vst v63  }
0x61: {  	_ =	swait.ge [sflag:s21], $0x4000  }
0x62: {  	[sflag:s21] =	ssyncset.done $0x0  }
0x63: {  	s15 =	simm.s32 $0x480;
	[sflag:s21] =	ssyncadd.s32 $0xFFFFC000  }
0x64: {  	[spmem:s2] =	stream.indirect.scatter.add.f32 [tilespmem:s16], [sflag:$0x3], $0x80, s15, s18, $0xb8;
	[tilespmem:$0x1D400] =	vst v63  }
0x65: {  	_ =	swait.ge [sflag:s17], $0x4000  }
0x66: {  	[sflag:s17] =	ssyncset.done $0x0  }
0x67: {  	s19 =	simm.s32 $0x600;
	[sflag:s17] =	ssyncadd.s32 $0xFFFFC000  }
0x68: {  	[tilespmem:s16], [sflag:$0x1] =	stream.indirect.gather [hbm4b:s4+s18], $0x80, s19, s18, $0xb8;
	[tilespmem:$0x1D400] =	vst v63  }
0x69: {  	_ =	swait.ge [sflag:s23], $0x4000  }
0x6a: {  	[sflag:s23] =	ssyncset.done $0x0  }
0x6b: {  	s22 =	simm.s32 $0x580;
	[sflag:s23] =	ssyncadd.s32 $0xFFFFC000  }
0x6c: {  	[spmem:s2] =	stream.indirect.scatter.add.f32 [tilespmem:s20], [sflag:$0x3], $0x80, s22, s18, $0xb8;
	[tilespmem:$0x1D400] =	vst v63  }
0x6d: {  	_ =	swait.ge [sflag:s17], $0x4000  }
0x6e: {  	[sflag:s17] =	ssyncset.done $0x0  }
0x6f: {  	s24 =	simm.s32 $0x700;
	[sflag:s17] =	ssyncadd.s32 $0xFFFFC000  }
0x70: {  	[tilespmem:s20], [sflag:$0x2] =	stream.indirect.gather [hbm4b:s4+s18], $0x80, s24, s18, $0xb8;
	[tilespmem:$0x1D400] =	vst v63  }
0x71: {  	_ =	swait.ge [sflag:s21], $0x4000  }
0x72: {  	[sflag:s21] =	ssyncset.done $0x0  }
0x73: {  	s25 =	simm.s32 $0x680;
	[sflag:s21] =	ssyncadd.s32 $0xFFFFC000  }
0x74: {  	[spmem:s2] =	stream.indirect.scatter.add.f32 [tilespmem:s16], [sflag:$0x3], $0x80, s25, s18, $0xb8;
	[tilespmem:$0x1D400] =	vst v63  }
0x75: {  	_ =	swait.ge [sflag:s17], $0x4000  }
0x76: {  	[sflag:s17] =	ssyncset.done $0x0  }
0x77: {  	s26 =	simm.s32 $0x800;
	[sflag:s17] =	ssyncadd.s32 $0xFFFFC000  }
0x78: {  	[tilespmem:s16], [sflag:$0x1] =	stream.indirect.gather [hbm4b:s4+s18], $0x80, s26, s18, $0xb8;
	[tilespmem:$0x1D400] =	vst v63  }
0x79: {  	_ =	swait.ge [sflag:s23], $0x4000  }
0x7a: {  	[sflag:s23] =	ssyncset.done $0x0  }
0x7b: {  	s28 =	simm.s32 $0x780;
	[sflag:s23] =	ssyncadd.s32 $0xFFFFC000  }
0x7c: {  	[spmem:s2] =	stream.indirect.scatter.add.f32 [tilespmem:s20], [sflag:$0x3], $0x80, s28, s18, $0xb8;
	[tilespmem:$0x1D400] =	vst v63  }
0x7d: {  	_ =	swait.ge [sflag:s17], $0x4000  }
0x7e: {  	[sflag:s17] =	ssyncset.done $0x0  }
0x7f: {  	s31 =	simm.s32 $0x900;
	[sflag:s17] =	ssyncadd.s32 $0xFFFFC000  }
0x80: {  	[tilespmem:s20], [sflag:$0x2] =	stream.indirect.gather [hbm4b:s4+s18], $0x80, s31, s18, $0xb8;
	[tilespmem:$0x1D400] =	vst v63  }
0x81: {  	_ =	swait.ge [sflag:s21], $0x4000  }
0x82: {  	[sflag:s21] =	ssyncset.done $0x0  }
0x83: {  	s6 =	simm.s32 $0x880;
	[sflag:s21] =	ssyncadd.s32 $0xFFFFC000  }
0x84: {  	[spmem:s2] =	stream.indirect.scatter.add.f32 [tilespmem:s16], [sflag:$0x3], $0x80, s6, s18, $0xb8;
	[tilespmem:$0x1D400] =	vst v63  }
0x85: {  	_ =	swait.ge [sflag:s17], $0x4000  }
0x86: {  	[sflag:s17] =	ssyncset.done $0x0  }
0x87: {  	s7 =	simm.s32 $0xA00;
	[sflag:s17] =	ssyncadd.s32 $0xFFFFC000  }
0x88: {  	[tilespmem:s16], [sflag:$0x1] =	stream.indirect.gather [hbm4b:s4+s18], $0x80, s7, s18, $0xb8;
	[tilespmem:$0x1D400] =	vst v63  }
0x89: {  	_ =	swait.ge [sflag:s23], $0x4000  }
0x8a: {  	[sflag:s23] =	ssyncset.done $0x0  }
0x8b: {  	s8 =	simm.s32 $0x980;
	[sflag:s23] =	ssyncadd.s32 $0xFFFFC000  }
0x8c: {  	[spmem:s2] =	stream.indirect.scatter.add.f32 [tilespmem:s20], [sflag:$0x3], $0x80, s8, s18, $0xb8;
	[tilespmem:$0x1D400] =	vst v63  }
0x8d: {  	_ =	swait.ge [sflag:s17], $0x4000  }
0x8e: {  	[sflag:s17] =	ssyncset.done $0x0  }
0x8f: {  	s9 =	simm.s32 $0xB00;
	[sflag:s17] =	ssyncadd.s32 $0xFFFFC000  }
0x90: {  	[tilespmem:s20], [sflag:$0x2] =	stream.indirect.gather [hbm4b:s4+s18], $0x80, s9, s18, $0xb8;
	[tilespmem:$0x1D400] =	vst v63  }
0x91: {  	_ =	swait.ge [sflag:s21], $0x4000  }
0x92: {  	[sflag:s21] =	ssyncset.done $0x0  }
0x93: {  	s10 =	simm.s32 $0xA80;
	[sflag:s21] =	ssyncadd.s32 $0xFFFFC000  }
0x94: {  	[spmem:s2] =	stream.indirect.scatter.add.f32 [tilespmem:s16], [sflag:$0x3], $0x80, s10, s18, $0xb8;
	[tilespmem:$0x1D400] =	vst v63  }
0x95: {  	_ =	swait.ge [sflag:s17], $0x4000  }
0x96: {  	[sflag:s17] =	ssyncset.done $0x0  }
0x97: {  	s11 =	simm.s32 $0xC00;
	[sflag:s17] =	ssyncadd.s32 $0xFFFFC000  }
0x98: {  	[tilespmem:s16], [sflag:$0x1] =	stream.indirect.gather [hbm4b:s4+s18], $0x80, s11, s18, $0xb8;
	[tilespmem:$0x1D400] =	vst v63  }
0x99: {  	_ =	swait.ge [sflag:s23], $0x4000  }
0x9a: {  	[sflag:s23] =	ssyncset.done $0x0  }
0x9b: {  	s14 =	simm.s32 $0xB80;
	[sflag:s23] =	ssyncadd.s32 $0xFFFFC000  }
0x9c: {  	[spmem:s2] =	stream.indirect.scatter.add.f32 [tilespmem:s20], [sflag:$0x3], $0x80, s14, s18, $0xb8;
	[tilespmem:$0x1D400] =	vst v63  }
0x9d: {  	_ =	swait.ge [sflag:s17], $0x4000  }
0x9e: {  	[sflag:s17] =	ssyncset.done $0x0  }
0x9f: {  	s15 =	simm.s32 $0xD00;
	[sflag:s17] =	ssyncadd.s32 $0xFFFFC000  }
0xa0: {  	[tilespmem:s20], [sflag:$0x2] =	stream.indirect.gather [hbm4b:s4+s18], $0x80, s15, s18, $0xb8;
	[tilespmem:$0x1D400] =	vst v63  }
0xa1: {  	_ =	swait.ge [sflag:s21], $0x4000  }
0xa2: {  	[sflag:s21] =	ssyncset.done $0x0  }
0xa3: {  	s19 =	simm.s32 $0xC80;
	[sflag:s21] =	ssyncadd.s32 $0xFFFFC000  }
0xa4: {  	[spmem:s2] =	stream.indirect.scatter.add.f32 [tilespmem:s16], [sflag:$0x3], $0x80, s19, s18, $0xb8;
	[tilespmem:$0x1D400] =	vst v63  }
0xa5: {  	_ =	swait.ge [sflag:s17], $0x4000  }
0xa6: {  	[sflag:s17] =	ssyncset.done $0x0  }
0xa7: {  	s22 =	simm.s32 $0xE00;
	[sflag:s17] =	ssyncadd.s32 $0xFFFFC000  }
0xa8: {  	[tilespmem:s16], [sflag:$0x1] =	stream.indirect.gather [hbm4b:s4+s18], $0x80, s22, s18, $0xb8;
	[tilespmem:$0x1D400] =	vst v63  }
0xa9: {  	_ =	swait.ge [sflag:s23], $0x4000  }
0xaa: {  	[sflag:s23] =	ssyncset.done $0x0  }
0xab: {  	s24 =	simm.s32 $0xD80;
	[sflag:s23] =	ssyncadd.s32 $0xFFFFC000  }
0xac: {  	[spmem:s2] =	stream.indirect.scatter.add.f32 [tilespmem:s20], [sflag:$0x3], $0x80, s24, s18, $0xb8;
	[tilespmem:$0x1D400] =	vst v63  }
0xad: {  	_ =	swait.ge [sflag:s17], $0x4000  }
0xae: {  	[sflag:s17] =	ssyncset.done $0x0  }
0xaf: {  	s25 =	simm.s32 $0xF00;
	[sflag:s17] =	ssyncadd.s32 $0xFFFFC000  }
0xb0: {  	[tilespmem:s20], [sflag:$0x2] =	stream.indirect.gather [hbm4b:s4+s18], $0x80, s25, s18, $0xb8;
	[tilespmem:$0x1D400] =	vst v63  }
0xb1: {  	_ =	swait.ge [sflag:s21], $0x4000  }
0xb2: {  	[sflag:s21] =	ssyncset.done $0x0  }
0xb3: {  	s26 =	simm.s32 $0xE80;
	[sflag:s21] =	ssyncadd.s32 $0xFFFFC000  }
0xb4: {  	[spmem:s2] =	stream.indirect.scatter.add.f32 [tilespmem:s16], [sflag:$0x3], $0x80, s26, s18, $0xb8;
	[tilespmem:$0x1D400] =	vst v63  }
0xb5: {  	_ =	swait.ge [sflag:s17], $0x4000  }
0xb6: {  	[sflag:s17] =	ssyncset.done $0x0  }
0xb7: {  	s28 =	simm.s32 $0x1000;
	[sflag:s17] =	ssyncadd.s32 $0xFFFFC000  }
0xb8: {  	[tilespmem:s16], [sflag:$0x1] =	stream.indirect.gather [hbm4b:s4+s18], $0x80, s28, s18, $0xb8;
	[tilespmem:$0x1D400] =	vst v63  }
0xb9: {  	_ =	swait.ge [sflag:s23], $0x4000  }
0xba: {  	[sflag:s23] =	ssyncset.done $0x0  }
0xbb: {  	s0 =	simm.s32 $0xF80;
	[sflag:s23] =	ssyncadd.s32 $0xFFFFC000  }
0xbc: {  	[spmem:s2] =	stream.indirect.scatter.add.f32 [tilespmem:s20], [sflag:$0x3], $0x80, s0, s18, $0xb8;
	[tilespmem:$0x1D400] =	vst v63  }
0xbd: {  	_ =	swait.ge [sflag:s17], $0x4000  }
0xbe: {  	[sflag:s17] =	ssyncset.done $0x0  }
0xbf: {  	s6 =	simm.s32 $0x1100;
	[sflag:s17] =	ssyncadd.s32 $0xFFFFC000  }
0xc0: {  	[tilespmem:s20], [sflag:$0x2] =	stream.indirect.gather [hbm4b:s4+s18], $0x80, s6, s18, $0xb8;
	[tilespmem:$0x1D400] =	vst v63  }
0xc1: {  	_ =	swait.ge [sflag:s21], $0x4000  }
0xc2: {  	[sflag:s21] =	ssyncset.done $0x0  }
0xc3: {  	s7 =	simm.s32 $0x1080;
	[sflag:s21] =	ssyncadd.s32 $0xFFFFC000  }
0xc4: {  	[spmem:s2] =	stream.indirect.scatter.add.f32 [tilespmem:s16], [sflag:$0x3], $0x80, s7, s18, $0xb8;
	[tilespmem:$0x1D400] =	vst v63  }
0xc5: {  	_ =	swait.ge [sflag:s17], $0x4000  }
0xc6: {  	[sflag:s17] =	ssyncset.done $0x0  }
0xc7: {  	s8 =	simm.s32 $0x1200;
	[sflag:s17] =	ssyncadd.s32 $0xFFFFC000  }
0xc8: {  	[tilespmem:s16], [sflag:$0x1] =	stream.indirect.gather [hbm4b:s4+s18], $0x80, s8, s18, $0xb8;
	[tilespmem:$0x1D400] =	vst v63  }
0xc9: {  	_ =	swait.ge [sflag:s23], $0x4000  }
0xca: {  	[sflag:s23] =	ssyncset.done $0x0  }
0xcb: {  	s9 =	simm.s32 $0x1180;
	[sflag:s23] =	ssyncadd.s32 $0xFFFFC000  }
0xcc: {  	[spmem:s2] =	stream.indirect.scatter.add.f32 [tilespmem:s20], [sflag:$0x3], $0x80, s9, s18, $0xb8;
	[tilespmem:$0x1D400] =	vst v63  }
0xcd: {  	_ =	swait.ge [sflag:s17], $0x4000  }
0xce: {  	[sflag:s17] =	ssyncset.done $0x0  }
0xcf: {  	s10 =	simm.s32 $0x1300;
	[sflag:s17] =	ssyncadd.s32 $0xFFFFC000  }
0xd0: {  	[tilespmem:s20], [sflag:$0x2] =	stream.indirect.gather [hbm4b:s4+s18], $0x80, s10, s18, $0xb8;
	[tilespmem:$0x1D400] =	vst v63  }
0xd1: {  	_ =	swait.ge [sflag:s21], $0x4000  }
0xd2: {  	[sflag:s21] =	ssyncset.done $0x0  }
0xd3: {  	s11 =	simm.s32 $0x1280;
	[sflag:s21] =	ssyncadd.s32 $0xFFFFC000  }
0xd4: {  	[spmem:s2] =	stream.indirect.scatter.add.f32 [tilespmem:s16], [sflag:$0x3], $0x80, s11, s18, $0xb8;
	[tilespmem:$0x1D400] =	vst v63  }
0xd5: {  	_ =	swait.ge [sflag:s17], $0x4000  }
0xd6: {  	[sflag:s17] =	ssyncset.done $0x0  }
0xd7: {  	[sflag:s17] =	ssyncadd.s32 $0xFFFFC000  }
0xd8: {  	_ =	swait.ge [sflag:s23], $0x4000  }
0xd9: {  	[sflag:s23] =	ssyncset.done $0x0  }
0xda: {  	s14 =	simm.s32 $0x1380;
	[sflag:s23] =	ssyncadd.s32 $0xFFFFC000  }
0xdb: {  	[spmem:s2] =	stream.indirect.scatter.add.f32 [tilespmem:s20], [sflag:$0x3], $0x80, s14, s18, $0xb8;
	[tilespmem:$0x1D400] =	vst v63  }
0xdc: {  	_ =	swait.ge [sflag:s17], $0x4000  }
0xdd: {  	[sflag:s17] =	ssyncset.done $0x0  }
0xde: {  	s15 =	rddreg [dreg:$0x4];
	[sflag:s17] =	ssyncadd.s32 $0xFFFFC000  }
0xdf: {  	[tilespmem:s1], [sflag:$0x3] =	stream.linear.gather [hbm4b:s15+s1], $0x1400, $0x38;
	[tilespmem:$0x1D400] =	vst v63  }
0xe0: {  	_ =	swait.ge [sflag:s17], $0x1400  }
0xe1: {  	[sflag:s17] =	ssyncset.done $0x0  }
0xe2: {  	[sflag:s17] =	ssyncadd.s32 $0xFFFFEC00  }
0xe3: {  	[tilespmem:s16], [sflag:$0x1] =	stream.indirect.gather [hbm4b:s4+s18], $0x80, s1, s18, $0xb8;
	[tilespmem:$0x1D400] =	vst v63  }
0xe4: {  	s5 =	simm.s32 $0x100  }
0xe5: {  	[tilespmem:s20], [sflag:$0x2] =	stream.indirect.gather [hbm4b:s4+s18], $0x80, s5, s18, $0xb8;
	[tilespmem:$0x1D400] =	vst v63  }
0xe6: {  	_ =	swait.ge [sflag:s21], $0x4000  }
0xe7: {  	[sflag:s21] =	ssyncset.done $0x0  }
0xe8: {  	[sflag:s21] =	ssyncadd.s32 $0xFFFFC000  }
0xe9: {  	[spmem:s2] =	stream.indirect.scatter.add.f32 [tilespmem:s16], [sflag:$0x3], $0x80, s18, s18, $0xb8;
	[tilespmem:$0x1D400] =	vst v63  }
0xea: {  	_ =	swait.ge [sflag:s17], $0x4000  }
0xeb: {  	[sflag:s17] =	ssyncset.done $0x0  }
0xec: {  	s30 =	simm.s32 $0x200;
	[sflag:s17] =	ssyncadd.s32 $0xFFFFC000  }
0xed: {  	[tilespmem:s16], [sflag:$0x1] =	stream.indirect.gather [hbm4b:s4+s18], $0x80, s30, s18, $0xb8;
	[tilespmem:$0x1D400] =	vst v63  }
0xee: {  	_ =	swait.ge [sflag:s23], $0x4000  }
0xef: {  	[sflag:s23] =	ssyncset.done $0x0  }
0xf0: {  	s3 =	simm.s32 $0x180;
	[sflag:s23] =	ssyncadd.s32 $0xFFFFC000  }
0xf1: {  	[spmem:s2] =	stream.indirect.scatter.add.f32 [tilespmem:s20], [sflag:$0x3], $0x80, s3, s18, $0xb8;
	[tilespmem:$0x1D400] =	vst v63  }
0xf2: {  	_ =	swait.ge [sflag:s17], $0x4000  }
0xf3: {  	[sflag:s17] =	ssyncset.done $0x0  }
0xf4: {  	s6 =	simm.s32 $0x300;
	[sflag:s17] =	ssyncadd.s32 $0xFFFFC000  }
0xf5: {  	[tilespmem:s20], [sflag:$0x2] =	stream.indirect.gather [hbm4b:s4+s18], $0x80, s6, s18, $0xb8;
	[tilespmem:$0x1D400] =	vst v63  }
0xf6: {  	_ =	swait.ge [sflag:s21], $0x4000  }
0xf7: {  	[sflag:s21] =	ssyncset.done $0x0  }
0xf8: {  	s7 =	simm.s32 $0x280;
	[sflag:s21] =	ssyncadd.s32 $0xFFFFC000  }
0xf9: {  	[spmem:s2] =	stream.indirect.scatter.add.f32 [tilespmem:s16], [sflag:$0x3], $0x80, s7, s18, $0xb8;
	[tilespmem:$0x1D400] =	vst v63  }
0xfa: {  	_ =	swait.ge [sflag:s17], $0x4000  }
0xfb: {  	[sflag:s17] =	ssyncset.done $0x0  }
0xfc: {  	s8 =	simm.s32 $0x400;
	[sflag:s17] =	ssyncadd.s32 $0xFFFFC000  }
0xfd: {  	[tilespmem:s16], [sflag:$0x1] =	stream.indirect.gather [hbm4b:s4+s18], $0x80, s8, s18, $0xb8;
	[tilespmem:$0x1D400] =	vst v63  }
0xfe: {  	_ =	swait.ge [sflag:s23], $0x4000  }
0xff: {  	[sflag:s23] =	ssyncset.done $0x0  }
0x100: {  	s9 =	simm.s32 $0x380;
	[sflag:s23] =	ssyncadd.s32 $0xFFFFC000  }
0x101: {  	[spmem:s2] =	stream.indirect.scatter.add.f32 [tilespmem:s20], [sflag:$0x3], $0x80, s9, s18, $0xb8;
	[tilespmem:$0x1D400] =	vst v63  }
0x102: {  	_ =	swait.ge [sflag:s17], $0x4000  }
0x103: {  	[sflag:s17] =	ssyncset.done $0x0  }
0x104: {  	s10 =	simm.s32 $0x500;
	[sflag:s17] =	ssyncadd.s32 $0xFFFFC000  }
0x105: {  	[tilespmem:s20], [sflag:$0x2] =	stream.indirect.gather [hbm4b:s4+s18], $0x80, s10, s18, $0xb8;
	[tilespmem:$0x1D400] =	vst v63  }
0x106: {  	_ =	swait.ge [sflag:s21], $0x4000  }
0x107: {  	[sflag:s21] =	ssyncset.done $0x0  }
0x108: {  	s11 =	simm.s32 $0x480;
	[sflag:s21] =	ssyncadd.s32 $0xFFFFC000  }
0x109: {  	[spmem:s2] =	stream.indirect.scatter.add.f32 [tilespmem:s16], [sflag:$0x3], $0x80, s11, s18, $0xb8;
	[tilespmem:$0x1D400] =	vst v63  }
0x10a: {  	_ =	swait.ge [sflag:s17], $0x4000  }
0x10b: {  	[sflag:s17] =	ssyncset.done $0x0  }
0x10c: {  	s14 =	simm.s32 $0x600;
	[sflag:s17] =	ssyncadd.s32 $0xFFFFC000  }
0x10d: {  	[tilespmem:s16], [sflag:$0x1] =	stream.indirect.gather [hbm4b:s4+s18], $0x80, s14, s18, $0xb8;
	[tilespmem:$0x1D400] =	vst v63  }
0x10e: {  	_ =	swait.ge [sflag:s23], $0x4000  }
0x10f: {  	[sflag:s23] =	ssyncset.done $0x0  }
0x110: {  	s15 =	simm.s32 $0x580;
	[sflag:s23] =	ssyncadd.s32 $0xFFFFC000  }
0x111: {  	[spmem:s2] =	stream.indirect.scatter.add.f32 [tilespmem:s20], [sflag:$0x3], $0x80, s15, s18, $0xb8;
	[tilespmem:$0x1D400] =	vst v63  }
0x112: {  	_ =	swait.ge [sflag:s17], $0x4000  }
0x113: {  	[sflag:s17] =	ssyncset.done $0x0  }
0x114: {  	s29 =	simm.s32 $0x700;
	[sflag:s17] =	ssyncadd.s32 $0xFFFFC000  }
0x115: {  	[tilespmem:s20], [sflag:$0x2] =	stream.indirect.gather [hbm4b:s4+s18], $0x80, s29, s18, $0xb8;
	[tilespmem:$0x1D400] =	vst v63  }
0x116: {  	_ =	swait.ge [sflag:s21], $0x4000  }
0x117: {  	[sflag:s21] =	ssyncset.done $0x0  }
0x118: {  	s29 =	simm.s32 $0x680;
	[sflag:s21] =	ssyncadd.s32 $0xFFFFC000  }
0x119: {  	[spmem:s2] =	stream.indirect.scatter.add.f32 [tilespmem:s16], [sflag:$0x3], $0x80, s29, s18, $0xb8;
	[tilespmem:$0x1D400] =	vst v63  }
0x11a: {  	_ =	swait.ge [sflag:s17], $0x4000  }
0x11b: {  	[sflag:s17] =	ssyncset.done $0x0  }
0x11c: {  	s30 =	simm.s32 $0x800;
	[sflag:s17] =	ssyncadd.s32 $0xFFFFC000  }
0x11d: {  	[tilespmem:s16], [sflag:$0x1] =	stream.indirect.gather [hbm4b:s4+s18], $0x80, s30, s18, $0xb8;
	[tilespmem:$0x1D400] =	vst v63  }
0x11e: {  	_ =	swait.ge [sflag:s23], $0x4000  }
0x11f: {  	[sflag:s23] =	ssyncset.done $0x0  }
0x120: {  	s0 =	simm.s32 $0x780;
	[sflag:s23] =	ssyncadd.s32 $0xFFFFC000  }
0x121: {  	[spmem:s2] =	stream.indirect.scatter.add.f32 [tilespmem:s20], [sflag:$0x3], $0x80, s0, s18, $0xb8;
	[tilespmem:$0x1D400] =	vst v63  }
0x122: {  	_ =	swait.ge [sflag:s17], $0x4000  }
0x123: {  	[sflag:s17] =	ssyncset.done $0x0  }
0x124: {  	s31 =	simm.s32 $0x900;
	[sflag:s17] =	ssyncadd.s32 $0xFFFFC000  }
0x125: {  	[tilespmem:s20], [sflag:$0x2] =	stream.indirect.gather [hbm4b:s4+s18], $0x80, s31, s18, $0xb8;
	[tilespmem:$0x1D400] =	vst v63  }
0x126: {  	_ =	swait.ge [sflag:s21], $0x4000  }
0x127: {  	[sflag:s21] =	ssyncset.done $0x0  }
0x128: {  	s3 =	simm.s32 $0x880;
	[sflag:s21] =	ssyncadd.s32 $0xFFFFC000  }
0x129: {  	[spmem:s2] =	stream.indirect.scatter.add.f32 [tilespmem:s16], [sflag:$0x3], $0x80, s3, s18, $0xb8;
	[tilespmem:$0x1D400] =	vst v63  }
0x12a: {  	_ =	swait.ge [sflag:s17], $0x4000  }
0x12b: {  	[sflag:s17] =	ssyncset.done $0x0  }
0x12c: {  	s31 =	simm.s32 $0xA00;
	[sflag:s17] =	ssyncadd.s32 $0xFFFFC000  }
0x12d: {  	[tilespmem:s16], [sflag:$0x1] =	stream.indirect.gather [hbm4b:s4+s18], $0x80, s31, s18, $0xb8;
	[tilespmem:$0x1D400] =	vst v63  }
0x12e: {  	_ =	swait.ge [sflag:s23], $0x4000  }
0x12f: {  	[sflag:s23] =	ssyncset.done $0x0  }
0x130: {  	s5 =	simm.s32 $0x980;
	[sflag:s23] =	ssyncadd.s32 $0xFFFFC000  }
0x131: {  	[spmem:s2] =	stream.indirect.scatter.add.f32 [tilespmem:s20], [sflag:$0x3], $0x80, s5, s18, $0xb8;
	[tilespmem:$0x1D400] =	vst v63  }
0x132: {  	_ =	swait.ge [sflag:s17], $0x4000  }
0x133: {  	[sflag:s17] =	ssyncset.done $0x0  }
0x134: {  	s13 =	simm.s32 $0xB00;
	[sflag:s17] =	ssyncadd.s32 $0xFFFFC000  }
0x135: {  	[tilespmem:s20], [sflag:$0x2] =	stream.indirect.gather [hbm4b:s4+s18], $0x80, s13, s18, $0xb8;
	[tilespmem:$0x1D400] =	vst v63  }
0x136: {  	_ =	swait.ge [sflag:s21], $0x4000  }
0x137: {  	[sflag:s21] =	ssyncset.done $0x0  }
0x138: {  	s13 =	simm.s32 $0xA80;
	[sflag:s21] =	ssyncadd.s32 $0xFFFFC000  }
0x139: {  	[spmem:s2] =	stream.indirect.scatter.add.f32 [tilespmem:s16], [sflag:$0x3], $0x80, s13, s18, $0xb8;
	[tilespmem:$0x1D400] =	vst v63  }
0x13a: {  	_ =	swait.ge [sflag:s17], $0x4000  }
0x13b: {  	[sflag:s17] =	ssyncset.done $0x0  }
0x13c: {  	s13 =	simm.s32 $0xC00;
	[sflag:s17] =	ssyncadd.s32 $0xFFFFC000  }
0x13d: {  	[tilespmem:s16], [sflag:$0x1] =	stream.indirect.gather [hbm4b:s4+s18], $0x80, s13, s18, $0xb8;
	[tilespmem:$0x1D400] =	vst v63  }
0x13e: {  	_ =	swait.ge [sflag:s23], $0x4000  }
0x13f: {  	[sflag:s23] =	ssyncset.done $0x0  }
0x140: {  	s13 =	simm.s32 $0xB80;
	[sflag:s23] =	ssyncadd.s32 $0xFFFFC000  }
0x141: {  	[spmem:s2] =	stream.indirect.scatter.add.f32 [tilespmem:s20], [sflag:$0x3], $0x80, s13, s18, $0xb8;
	[tilespmem:$0x1D400] =	vst v63  }
0x142: {  	_ =	swait.ge [sflag:s17], $0x4000  }
0x143: {  	[sflag:s17] =	ssyncset.done $0x0  }
0x144: {  	s13 =	simm.s32 $0xD00;
	[sflag:s17] =	ssyncadd.s32 $0xFFFFC000  }
0x145: {  	[tilespmem:s20], [sflag:$0x2] =	stream.indirect.gather [hbm4b:s4+s18], $0x80, s13, s18, $0xb8;
	[tilespmem:$0x1D400] =	vst v63  }
0x146: {  	_ =	swait.ge [sflag:s21], $0x4000  }
0x147: {  	[sflag:s21] =	ssyncset.done $0x0  }
0x148: {  	s13 =	simm.s32 $0xC80;
	[sflag:s21] =	ssyncadd.s32 $0xFFFFC000  }
0x149: {  	[spmem:s2] =	stream.indirect.scatter.add.f32 [tilespmem:s16], [sflag:$0x3], $0x80, s13, s18, $0xb8;
	[tilespmem:$0x1D400] =	vst v63  }
0x14a: {  	_ =	swait.ge [sflag:s17], $0x4000  }
0x14b: {  	[sflag:s17] =	ssyncset.done $0x0  }
0x14c: {  	s13 =	simm.s32 $0xE00;
	[sflag:s17] =	ssyncadd.s32 $0xFFFFC000  }
0x14d: {  	[tilespmem:s16], [sflag:$0x1] =	stream.indirect.gather [hbm4b:s4+s18], $0x80, s13, s18, $0xb8;
	[tilespmem:$0x1D400] =	vst v63  }
0x14e: {  	_ =	swait.ge [sflag:s23], $0x4000  }
0x14f: {  	[sflag:s23] =	ssyncset.done $0x0  }
0x150: {  	s13 =	simm.s32 $0xD80;
	[sflag:s23] =	ssyncadd.s32 $0xFFFFC000  }
0x151: {  	[spmem:s2] =	stream.indirect.scatter.add.f32 [tilespmem:s20], [sflag:$0x3], $0x80, s13, s18, $0xb8;
	[tilespmem:$0x1D400] =	vst v63  }
0x152: {  	_ =	swait.ge [sflag:s17], $0x4000  }
0x153: {  	[sflag:s17] =	ssyncset.done $0x0  }
0x154: {  	s13 =	simm.s32 $0xF00;
	[sflag:s17] =	ssyncadd.s32 $0xFFFFC000  }
0x155: {  	[tilespmem:s20], [sflag:$0x2] =	stream.indirect.gather [hbm4b:s4+s18], $0x80, s13, s18, $0xb8;
	[tilespmem:$0x1D400] =	vst v63  }
0x156: {  	_ =	swait.ge [sflag:s21], $0x4000  }
0x157: {  	[sflag:s21] =	ssyncset.done $0x0  }
0x158: {  	s13 =	simm.s32 $0xE80;
	[sflag:s21] =	ssyncadd.s32 $0xFFFFC000  }
0x159: {  	[spmem:s2] =	stream.indirect.scatter.add.f32 [tilespmem:s16], [sflag:$0x3], $0x80, s13, s18, $0xb8;
	[tilespmem:$0x1D400] =	vst v63  }
0x15a: {  	_ =	swait.ge [sflag:s17], $0x4000  }
0x15b: {  	[sflag:s17] =	ssyncset.done $0x0  }
0x15c: {  	s13 =	simm.s32 $0x1000;
	[sflag:s17] =	ssyncadd.s32 $0xFFFFC000  }
0x15d: {  	[tilespmem:s16], [sflag:$0x1] =	stream.indirect.gather [hbm4b:s4+s18], $0x80, s13, s18, $0xb8;
	[tilespmem:$0x1D400] =	vst v63  }
0x15e: {  	_ =	swait.ge [sflag:s23], $0x4000  }
0x15f: {  	[sflag:s23] =	ssyncset.done $0x0  }
0x160: {  	s13 =	simm.s32 $0xF80;
	[sflag:s23] =	ssyncadd.s32 $0xFFFFC000  }
0x161: {  	[spmem:s2] =	stream.indirect.scatter.add.f32 [tilespmem:s20], [sflag:$0x3], $0x80, s13, s18, $0xb8;
	[tilespmem:$0x1D400] =	vst v63  }
0x162: {  	_ =	swait.ge [sflag:s17], $0x4000  }
0x163: {  	[sflag:s17] =	ssyncset.done $0x0  }
0x164: {  	s13 =	simm.s32 $0x1100;
	[sflag:s17] =	ssyncadd.s32 $0xFFFFC000  }
0x165: {  	[tilespmem:s20], [sflag:$0x2] =	stream.indirect.gather [hbm4b:s4+s18], $0x80, s13, s18, $0xb8;
	[tilespmem:$0x1D400] =	vst v63  }
0x166: {  	_ =	swait.ge [sflag:s21], $0x4000  }
0x167: {  	[sflag:s21] =	ssyncset.done $0x0  }
0x168: {  	s19 =	simm.s32 $0x1080;
	[sflag:s21] =	ssyncadd.s32 $0xFFFFC000  }
0x169: {  	[spmem:s2] =	stream.indirect.scatter.add.f32 [tilespmem:s16], [sflag:$0x3], $0x80, s19, s18, $0xb8;
	[tilespmem:$0x1D400] =	vst v63  }
0x16a: {  	_ =	swait.ge [sflag:s17], $0x4000  }
0x16b: {  	[sflag:s17] =	ssyncset.done $0x0  }
0x16c: {  	s22 =	simm.s32 $0x1200;
	[sflag:s17] =	ssyncadd.s32 $0xFFFFC000  }
0x16d: {  	[tilespmem:s16], [sflag:$0x1] =	stream.indirect.gather [hbm4b:s4+s18], $0x80, s22, s18, $0xb8;
	[tilespmem:$0x1D400] =	vst v63  }
0x16e: {  	_ =	swait.ge [sflag:s23], $0x4000  }
0x16f: {  	[sflag:s23] =	ssyncset.done $0x0  }
0x170: {  	s24 =	simm.s32 $0x1180;
	[sflag:s23] =	ssyncadd.s32 $0xFFFFC000  }
0x171: {  	[spmem:s2] =	stream.indirect.scatter.add.f32 [tilespmem:s20], [sflag:$0x3], $0x80, s24, s18, $0xb8;
	[tilespmem:$0x1D400] =	vst v63  }
0x172: {  	_ =	swait.ge [sflag:s17], $0x4000  }
0x173: {  	[sflag:s17] =	ssyncset.done $0x0  }
0x174: {  	s25 =	simm.s32 $0x1300;
	[sflag:s17] =	ssyncadd.s32 $0xFFFFC000  }
0x175: {  	[tilespmem:s20], [sflag:$0x2] =	stream.indirect.gather [hbm4b:s4+s18], $0x80, s25, s18, $0xb8;
	[tilespmem:$0x1D400] =	vst v63  }
0x176: {  	_ =	swait.ge [sflag:s21], $0x4000  }
0x177: {  	[sflag:s21] =	ssyncset.done $0x0  }
0x178: {  	s26 =	simm.s32 $0x1280;
	[sflag:s21] =	ssyncadd.s32 $0xFFFFC000  }
0x179: {  	[spmem:s2] =	stream.indirect.scatter.add.f32 [tilespmem:s16], [sflag:$0x3], $0x80, s26, s18, $0xb8;
	[tilespmem:$0x1D400] =	vst v63  }
0x17a: {  	_ =	swait.ge [sflag:s17], $0x4000  }
0x17b: {  	[sflag:s17] =	ssyncset.done $0x0  }
0x17c: {  	[sflag:s17] =	ssyncadd.s32 $0xFFFFC000  }
0x17d: {  	_ =	swait.ge [sflag:s23], $0x4000  }
0x17e: {  	[sflag:s23] =	ssyncset.done $0x0  }
0x17f: {  	s28 =	simm.s32 $0x1380;
	[sflag:s23] =	ssyncadd.s32 $0xFFFFC000  }
0x180: {  	[spmem:s2] =	stream.indirect.scatter.add.f32 [tilespmem:s20], [sflag:$0x3], $0x80, s28, s18, $0xb8;
	[tilespmem:$0x1D400] =	vst v63  }
0x181: {  	_ =	swait.ge [sflag:s17], $0x4000  }
0x182: {  	[sflag:s17] =	ssyncset.done $0x0  }
0x183: {  	s26 =	rddreg [dreg:$0x5];
	[sflag:s17] =	ssyncadd.s32 $0xFFFFC000  }
0x184: {  	[tilespmem:s1], [sflag:$0x3] =	stream.linear.gather [hbm4b:s26+s1], $0x1400, $0x38;
	[tilespmem:$0x1D400] =	vst v63  }
0x185: {  	_ =	swait.ge [sflag:s17], $0x1400  }
0x186: {  	[sflag:s17] =	ssyncset.done $0x0  }
0x187: {  	[sflag:s17] =	ssyncadd.s32 $0xFFFFEC00  }
0x188: {  	[tilespmem:s16], [sflag:$0x1] =	stream.indirect.gather [hbm4b:s4+s18], $0x80, s1, s18, $0xb8;
	[tilespmem:$0x1D400] =	vst v63  }
0x189: {  	s28 =	simm.s32 $0x100  }
0x18a: {  	[tilespmem:s20], [sflag:$0x2] =	stream.indirect.gather [hbm4b:s4+s18], $0x80, s28, s18, $0xb8;
	[tilespmem:$0x1D400] =	vst v63  }
0x18b: {  	_ =	swait.ge [sflag:s21], $0x4000  }
0x18c: {  	[sflag:s21] =	ssyncset.done $0x0  }
0x18d: {  	[sflag:s21] =	ssyncadd.s32 $0xFFFFC000  }
0x18e: {  	[spmem:s2] =	stream.indirect.scatter.add.f32 [tilespmem:s16], [sflag:$0x3], $0x80, s18, s18, $0xb8;
	[tilespmem:$0x1D400] =	vst v63  }
0x18f: {  	_ =	swait.ge [sflag:s17], $0x4000  }
0x190: {  	[sflag:s17] =	ssyncset.done $0x0  }
0x191: {  	s19 =	simm.s32 $0x200;
	[sflag:s17] =	ssyncadd.s32 $0xFFFFC000  }
0x192: {  	[tilespmem:s16], [sflag:$0x1] =	stream.indirect.gather [hbm4b:s4+s18], $0x80, s19, s18, $0xb8;
	[tilespmem:$0x1D400] =	vst v63  }
0x193: {  	_ =	swait.ge [sflag:s23], $0x4000  }
0x194: {  	[sflag:s23] =	ssyncset.done $0x0  }
0x195: {  	s22 =	simm.s32 $0x180;
	[sflag:s23] =	ssyncadd.s32 $0xFFFFC000  }
0x196: {  	[spmem:s2] =	stream.indirect.scatter.add.f32 [tilespmem:s20], [sflag:$0x3], $0x80, s22, s18, $0xb8;
	[tilespmem:$0x1D400] =	vst v63  }
0x197: {  	_ =	swait.ge [sflag:s17], $0x4000  }
0x198: {  	[sflag:s17] =	ssyncset.done $0x0  }
0x199: {  	[sflag:s17] =	ssyncadd.s32 $0xFFFFC000  }
0x19a: {  	[tilespmem:s20], [sflag:$0x2] =	stream.indirect.gather [hbm4b:s4+s18], $0x80, s6, s18, $0xb8;
	[tilespmem:$0x1D400] =	vst v63  }
0x19b: {  	_ =	swait.ge [sflag:s21], $0x4000  }
0x19c: {  	[sflag:s21] =	ssyncset.done $0x0  }
0x19d: {  	[sflag:s21] =	ssyncadd.s32 $0xFFFFC000  }
0x19e: {  	[spmem:s2] =	stream.indirect.scatter.add.f32 [tilespmem:s16], [sflag:$0x3], $0x80, s7, s18, $0xb8;
	[tilespmem:$0x1D400] =	vst v63  }
0x19f: {  	_ =	swait.ge [sflag:s17], $0x4000  }
0x1a0: {  	[sflag:s17] =	ssyncset.done $0x0  }
0x1a1: {  	[sflag:s17] =	ssyncadd.s32 $0xFFFFC000  }
0x1a2: {  	[tilespmem:s16], [sflag:$0x1] =	stream.indirect.gather [hbm4b:s4+s18], $0x80, s8, s18, $0xb8;
	[tilespmem:$0x1D400] =	vst v63  }
0x1a3: {  	_ =	swait.ge [sflag:s23], $0x4000  }
0x1a4: {  	[sflag:s23] =	ssyncset.done $0x0  }
0x1a5: {  	[sflag:s23] =	ssyncadd.s32 $0xFFFFC000  }
0x1a6: {  	[spmem:s2] =	stream.indirect.scatter.add.f32 [tilespmem:s20], [sflag:$0x3], $0x80, s9, s18, $0xb8;
	[tilespmem:$0x1D400] =	vst v63  }
0x1a7: {  	_ =	swait.ge [sflag:s17], $0x4000  }
0x1a8: {  	[sflag:s17] =	ssyncset.done $0x0  }
0x1a9: {  	[sflag:s17] =	ssyncadd.s32 $0xFFFFC000  }
0x1aa: {  	[tilespmem:s20], [sflag:$0x2] =	stream.indirect.gather [hbm4b:s4+s18], $0x80, s10, s18, $0xb8;
	[tilespmem:$0x1D400] =	vst v63  }
0x1ab: {  	_ =	swait.ge [sflag:s21], $0x4000  }
0x1ac: {  	[sflag:s21] =	ssyncset.done $0x0  }
0x1ad: {  	[sflag:s21] =	ssyncadd.s32 $0xFFFFC000  }
0x1ae: {  	[spmem:s2] =	stream.indirect.scatter.add.f32 [tilespmem:s16], [sflag:$0x3], $0x80, s11, s18, $0xb8;
	[tilespmem:$0x1D400] =	vst v63  }
0x1af: {  	_ =	swait.ge [sflag:s17], $0x4000  }
0x1b0: {  	[sflag:s17] =	ssyncset.done $0x0  }
0x1b1: {  	[sflag:s17] =	ssyncadd.s32 $0xFFFFC000  }
0x1b2: {  	[tilespmem:s16], [sflag:$0x1] =	stream.indirect.gather [hbm4b:s4+s18], $0x80, s14, s18, $0xb8;
	[tilespmem:$0x1D400] =	vst v63  }
0x1b3: {  	_ =	swait.ge [sflag:s23], $0x4000  }
0x1b4: {  	[sflag:s23] =	ssyncset.done $0x0  }
0x1b5: {  	[sflag:s23] =	ssyncadd.s32 $0xFFFFC000  }
0x1b6: {  	[spmem:s2] =	stream.indirect.scatter.add.f32 [tilespmem:s20], [sflag:$0x3], $0x80, s15, s18, $0xb8;
	[tilespmem:$0x1D400] =	vst v63  }
0x1b7: {  	_ =	swait.ge [sflag:s17], $0x4000  }
0x1b8: {  	[sflag:s17] =	ssyncset.done $0x0  }
0x1b9: {  	s24 =	simm.s32 $0x700;
	[sflag:s17] =	ssyncadd.s32 $0xFFFFC000  }
0x1ba: {  	[tilespmem:s20], [sflag:$0x2] =	stream.indirect.gather [hbm4b:s4+s18], $0x80, s24, s18, $0xb8;
	[tilespmem:$0x1D400] =	vst v63  }
0x1bb: {  	_ =	swait.ge [sflag:s21], $0x4000  }
0x1bc: {  	[sflag:s21] =	ssyncset.done $0x0  }
0x1bd: {  	[sflag:s21] =	ssyncadd.s32 $0xFFFFC000  }
0x1be: {  	[spmem:s2] =	stream.indirect.scatter.add.f32 [tilespmem:s16], [sflag:$0x3], $0x80, s29, s18, $0xb8;
	[tilespmem:$0x1D400] =	vst v63  }
0x1bf: {  	_ =	swait.ge [sflag:s17], $0x4000  }
0x1c0: {  	[sflag:s17] =	ssyncset.done $0x0  }
0x1c1: {  	[sflag:s17] =	ssyncadd.s32 $0xFFFFC000  }
0x1c2: {  	[tilespmem:s16], [sflag:$0x1] =	stream.indirect.gather [hbm4b:s4+s18], $0x80, s30, s18, $0xb8;
	[tilespmem:$0x1D400] =	vst v63  }
0x1c3: {  	_ =	swait.ge [sflag:s23], $0x4000  }
0x1c4: {  	[sflag:s23] =	ssyncset.done $0x0  }
0x1c5: {  	[sflag:s23] =	ssyncadd.s32 $0xFFFFC000  }
0x1c6: {  	[spmem:s2] =	stream.indirect.scatter.add.f32 [tilespmem:s20], [sflag:$0x3], $0x80, s0, s18, $0xb8;
	[tilespmem:$0x1D400] =	vst v63  }
0x1c7: {  	_ =	swait.ge [sflag:s17], $0x4000  }
0x1c8: {  	[sflag:s17] =	ssyncset.done $0x0  }
0x1c9: {  	s25 =	simm.s32 $0x900;
	[sflag:s17] =	ssyncadd.s32 $0xFFFFC000  }
0x1ca: {  	[tilespmem:s20], [sflag:$0x2] =	stream.indirect.gather [hbm4b:s4+s18], $0x80, s25, s18, $0xb8;
	[tilespmem:$0x1D400] =	vst v63  }
0x1cb: {  	_ =	swait.ge [sflag:s21], $0x4000  }
0x1cc: {  	[sflag:s21] =	ssyncset.done $0x0  }
0x1cd: {  	[sflag:s21] =	ssyncadd.s32 $0xFFFFC000  }
0x1ce: {  	[spmem:s2] =	stream.indirect.scatter.add.f32 [tilespmem:s16], [sflag:$0x3], $0x80, s3, s18, $0xb8;
	[tilespmem:$0x1D400] =	vst v63  }
0x1cf: {  	_ =	swait.ge [sflag:s17], $0x4000  }
0x1d0: {  	[sflag:s17] =	ssyncset.done $0x0  }
0x1d1: {  	[sflag:s17] =	ssyncadd.s32 $0xFFFFC000  }
0x1d2: {  	[tilespmem:s16], [sflag:$0x1] =	stream.indirect.gather [hbm4b:s4+s18], $0x80, s31, s18, $0xb8;
	[tilespmem:$0x1D400] =	vst v63  }
0x1d3: {  	_ =	swait.ge [sflag:s23], $0x4000  }
0x1d4: {  	[sflag:s23] =	ssyncset.done $0x0  }
0x1d5: {  	[sflag:s23] =	ssyncadd.s32 $0xFFFFC000  }
0x1d6: {  	[spmem:s2] =	stream.indirect.scatter.add.f32 [tilespmem:s20], [sflag:$0x3], $0x80, s5, s18, $0xb8;
	[tilespmem:$0x1D400] =	vst v63  }
0x1d7: {  	_ =	swait.ge [sflag:s17], $0x4000  }
0x1d8: {  	[sflag:s17] =	ssyncset.done $0x0  }
0x1d9: {  	s26 =	simm.s32 $0xB00;
	[sflag:s17] =	ssyncadd.s32 $0xFFFFC000  }
0x1da: {  	[tilespmem:s20], [sflag:$0x2] =	stream.indirect.gather [hbm4b:s4+s18], $0x80, s26, s18, $0xb8;
	[tilespmem:$0x1D400] =	vst v63  }
0x1db: {  	_ =	swait.ge [sflag:s21], $0x4000  }
0x1dc: {  	[sflag:s21] =	ssyncset.done $0x0  }
0x1dd: {  	s31 =	simm.s32 $0xA80;
	[sflag:s21] =	ssyncadd.s32 $0xFFFFC000  }
0x1de: {  	[spmem:s2] =	stream.indirect.scatter.add.f32 [tilespmem:s16], [sflag:$0x3], $0x80, s31, s18, $0xb8;
	[tilespmem:$0x1D400] =	vst v63  }
0x1df: {  	_ =	swait.ge [sflag:s17], $0x4000  }
0x1e0: {  	[sflag:s17] =	ssyncset.done $0x0  }
0x1e1: {  	s19 =	simm.s32 $0xC00;
	[sflag:s17] =	ssyncadd.s32 $0xFFFFC000  }
0x1e2: {  	[tilespmem:s16], [sflag:$0x1] =	stream.indirect.gather [hbm4b:s4+s18], $0x80, s19, s18, $0xb8;
	[tilespmem:$0x1D400] =	vst v63  }
0x1e3: {  	_ =	swait.ge [sflag:s23], $0x4000  }
0x1e4: {  	[sflag:s23] =	ssyncset.done $0x0  }
0x1e5: {  	s22 =	simm.s32 $0xB80;
	[sflag:s23] =	ssyncadd.s32 $0xFFFFC000  }
0x1e6: {  	[spmem:s2] =	stream.indirect.scatter.add.f32 [tilespmem:s20], [sflag:$0x3], $0x80, s22, s18, $0xb8;
	[tilespmem:$0x1D400] =	vst v63  }
0x1e7: {  	_ =	swait.ge [sflag:s17], $0x4000  }
0x1e8: {  	[sflag:s17] =	ssyncset.done $0x0  }
0x1e9: {  	s24 =	simm.s32 $0xD00;
	[sflag:s17] =	ssyncadd.s32 $0xFFFFC000  }
0x1ea: {  	[tilespmem:s20], [sflag:$0x2] =	stream.indirect.gather [hbm4b:s4+s18], $0x80, s24, s18, $0xb8;
	[tilespmem:$0x1D400] =	vst v63  }
0x1eb: {  	_ =	swait.ge [sflag:s21], $0x4000  }
0x1ec: {  	[sflag:s21] =	ssyncset.done $0x0  }
0x1ed: {  	s25 =	simm.s32 $0xC80;
	[sflag:s21] =	ssyncadd.s32 $0xFFFFC000  }
0x1ee: {  	[spmem:s2] =	stream.indirect.scatter.add.f32 [tilespmem:s16], [sflag:$0x3], $0x80, s25, s18, $0xb8;
	[tilespmem:$0x1D400] =	vst v63  }
0x1ef: {  	_ =	swait.ge [sflag:s17], $0x4000  }
0x1f0: {  	[sflag:s17] =	ssyncset.done $0x0  }
0x1f1: {  	s26 =	simm.s32 $0xE00;
	[sflag:s17] =	ssyncadd.s32 $0xFFFFC000  }
0x1f2: {  	[tilespmem:s16], [sflag:$0x1] =	stream.indirect.gather [hbm4b:s4+s18], $0x80, s26, s18, $0xb8;
	[tilespmem:$0x1D400] =	vst v63  }
0x1f3: {  	_ =	swait.ge [sflag:s23], $0x4000  }
0x1f4: {  	[sflag:s23] =	ssyncset.done $0x0  }
0x1f5: {  	s13 =	simm.s32 $0xD80;
	[sflag:s23] =	ssyncadd.s32 $0xFFFFC000  }
0x1f6: {  	[spmem:s2] =	stream.indirect.scatter.add.f32 [tilespmem:s20], [sflag:$0x3], $0x80, s13, s18, $0xb8;
	[tilespmem:$0x1D400] =	vst v63  }
0x1f7: {  	_ =	swait.ge [sflag:s17], $0x4000  }
0x1f8: {  	[sflag:s17] =	ssyncset.done $0x0  }
0x1f9: {  	s13 =	simm.s32 $0xF00;
	[sflag:s17] =	ssyncadd.s32 $0xFFFFC000  }
0x1fa: {  	[tilespmem:s20], [sflag:$0x2] =	stream.indirect.gather [hbm4b:s4+s18], $0x80, s13, s18, $0xb8;
	[tilespmem:$0x1D400] =	vst v63  }
0x1fb: {  	_ =	swait.ge [sflag:s21], $0x4000  }
0x1fc: {  	[sflag:s21] =	ssyncset.done $0x0  }
0x1fd: {  	s13 =	simm.s32 $0xE80;
	[sflag:s21] =	ssyncadd.s32 $0xFFFFC000  }
0x1fe: {  	[spmem:s2] =	stream.indirect.scatter.add.f32 [tilespmem:s16], [sflag:$0x3], $0x80, s13, s18, $0xb8;
	[tilespmem:$0x1D400] =	vst v63  }
0x1ff: {  	_ =	swait.ge [sflag:s17], $0x4000  }
0x200: {  	[sflag:s17] =	ssyncset.done $0x0  }
0x201: {  	s13 =	simm.s32 $0x1000;
	[sflag:s17] =	ssyncadd.s32 $0xFFFFC000  }
0x202: {  	[tilespmem:s16], [sflag:$0x1] =	stream.indirect.gather [hbm4b:s4+s18], $0x80, s13, s18, $0xb8;
	[tilespmem:$0x1D400] =	vst v63  }
0x203: {  	_ =	swait.ge [sflag:s23], $0x4000  }
0x204: {  	[sflag:s23] =	ssyncset.done $0x0  }
0x205: {  	s13 =	simm.s32 $0xF80;
	[sflag:s23] =	ssyncadd.s32 $0xFFFFC000  }
0x206: {  	[spmem:s2] =	stream.indirect.scatter.add.f32 [tilespmem:s20], [sflag:$0x3], $0x80, s13, s18, $0xb8;
	[tilespmem:$0x1D400] =	vst v63  }
0x207: {  	_ =	swait.ge [sflag:s17], $0x4000  }
0x208: {  	[sflag:s17] =	ssyncset.done $0x0  }
0x209: {  	s13 =	simm.s32 $0x1100;
	[sflag:s17] =	ssyncadd.s32 $0xFFFFC000  }
0x20a: {  	[tilespmem:s20], [sflag:$0x2] =	stream.indirect.gather [hbm4b:s4+s18], $0x80, s13, s18, $0xb8;
	[tilespmem:$0x1D400] =	vst v63  }
0x20b: {  	_ =	swait.ge [sflag:s21], $0x4000  }
0x20c: {  	[sflag:s21] =	ssyncset.done $0x0  }
0x20d: {  	s13 =	simm.s32 $0x1080;
	[sflag:s21] =	ssyncadd.s32 $0xFFFFC000  }
0x20e: {  	[spmem:s2] =	stream.indirect.scatter.add.f32 [tilespmem:s16], [sflag:$0x3], $0x80, s13, s18, $0xb8;
	[tilespmem:$0x1D400] =	vst v63  }
0x20f: {  	_ =	swait.ge [sflag:s17], $0x4000  }
0x210: {  	[sflag:s17] =	ssyncset.done $0x0  }
0x211: {  	s13 =	simm.s32 $0x1200;
	[sflag:s17] =	ssyncadd.s32 $0xFFFFC000  }
0x212: {  	[tilespmem:s16], [sflag:$0x1] =	stream.indirect.gather [hbm4b:s4+s18], $0x80, s13, s18, $0xb8;
	[tilespmem:$0x1D400] =	vst v63  }
0x213: {  	_ =	swait.ge [sflag:s23], $0x4000  }
0x214: {  	[sflag:s23] =	ssyncset.done $0x0  }
0x215: {  	s13 =	simm.s32 $0x1180;
	[sflag:s23] =	ssyncadd.s32 $0xFFFFC000  }
0x216: {  	[spmem:s2] =	stream.indirect.scatter.add.f32 [tilespmem:s20], [sflag:$0x3], $0x80, s13, s18, $0xb8;
	[tilespmem:$0x1D400] =	vst v63  }
0x217: {  	_ =	swait.ge [sflag:s17], $0x4000  }
0x218: {  	[sflag:s17] =	ssyncset.done $0x0  }
0x219: {  	s13 =	simm.s32 $0x1300;
	[sflag:s17] =	ssyncadd.s32 $0xFFFFC000  }
0x21a: {  	[tilespmem:s20], [sflag:$0x2] =	stream.indirect.gather [hbm4b:s4+s18], $0x80, s13, s18, $0xb8;
	[tilespmem:$0x1D400] =	vst v63  }
0x21b: {  	_ =	swait.ge [sflag:s21], $0x4000  }
0x21c: {  	[sflag:s21] =	ssyncset.done $0x0  }
0x21d: {  	s13 =	simm.s32 $0x1280;
	[sflag:s21] =	ssyncadd.s32 $0xFFFFC000  }
0x21e: {  	[spmem:s2] =	stream.indirect.scatter.add.f32 [tilespmem:s16], [sflag:$0x3], $0x80, s13, s18, $0xb8;
	[tilespmem:$0x1D400] =	vst v63  }
0x21f: {  	_ =	swait.ge [sflag:s17], $0x4000  }
0x220: {  	[sflag:s17] =	ssyncset.done $0x0  }
0x221: {  	[sflag:s17] =	ssyncadd.s32 $0xFFFFC000  }
0x222: {  	_ =	swait.ge [sflag:s23], $0x4000  }
0x223: {  	[sflag:s23] =	ssyncset.done $0x0  }
0x224: {  	s13 =	simm.s32 $0x1380;
	[sflag:s23] =	ssyncadd.s32 $0xFFFFC000  }
0x225: {  	[spmem:s2] =	stream.indirect.scatter.add.f32 [tilespmem:s20], [sflag:$0x3], $0x80, s13, s18, $0xb8;
	[tilespmem:$0x1D400] =	vst v63  }
0x226: {  	_ =	swait.ge [sflag:s17], $0x4000  }
0x227: {  	[sflag:s17] =	ssyncset.done $0x0  }
0x228: {  	s13 =	rddreg [dreg:$0x6];
	[sflag:s17] =	ssyncadd.s32 $0xFFFFC000  }
0x229: {  	[tilespmem:s1], [sflag:$0x3] =	stream.linear.gather [hbm4b:s13+s1], $0x1400, $0x38;
	[tilespmem:$0x1D400] =	vst v63  }
0x22a: {  	_ =	swait.ge [sflag:s17], $0x1400  }
0x22b: {  	[sflag:s17] =	ssyncset.done $0x0  }
0x22c: {  	[sflag:s17] =	ssyncadd.s32 $0xFFFFEC00  }
0x22d: {  	[tilespmem:s16], [sflag:$0x1] =	stream.indirect.gather [hbm4b:s4+s18], $0x80, s1, s18, $0xb8;
	[tilespmem:$0x1D400] =	vst v63  }
0x22e: {  	s13 =	simm.s32 $0x100  }
0x22f: {  	[tilespmem:s20], [sflag:$0x2] =	stream.indirect.gather [hbm4b:s4+s18], $0x80, s13, s18, $0xb8;
	[tilespmem:$0x1D400] =	vst v63  }
0x230: {  	_ =	swait.ge [sflag:s21], $0x4000  }
0x231: {  	[sflag:s21] =	ssyncset.done $0x0  }
0x232: {  	[sflag:s21] =	ssyncadd.s32 $0xFFFFC000  }
0x233: {  	[spmem:s2] =	stream.indirect.scatter.add.f32 [tilespmem:s16], [sflag:$0x3], $0x80, s18, s18, $0xb8;
	[tilespmem:$0x1D400] =	vst v63  }
0x234: {  	_ =	swait.ge [sflag:s17], $0x4000  }
0x235: {  	[sflag:s17] =	ssyncset.done $0x0  }
0x236: {  	s13 =	simm.s32 $0x200;
	[sflag:s17] =	ssyncadd.s32 $0xFFFFC000  }
0x237: {  	[tilespmem:s16], [sflag:$0x1] =	stream.indirect.gather [hbm4b:s4+s18], $0x80, s13, s18, $0xb8;
	[tilespmem:$0x1D400] =	vst v63  }
0x238: {  	_ =	swait.ge [sflag:s23], $0x4000  }
0x239: {  	[sflag:s23] =	ssyncset.done $0x0  }
0x23a: {  	s13 =	simm.s32 $0x180;
	[sflag:s23] =	ssyncadd.s32 $0xFFFFC000  }
0x23b: {  	[spmem:s2] =	stream.indirect.scatter.add.f32 [tilespmem:s20], [sflag:$0x3], $0x80, s13, s18, $0xb8;
	[tilespmem:$0x1D400] =	vst v63  }
0x23c: {  	_ =	swait.ge [sflag:s17], $0x4000  }
0x23d: {  	[sflag:s17] =	ssyncset.done $0x0  }
0x23e: {  	s6 =	simm.s32 $0x300;
	[sflag:s17] =	ssyncadd.s32 $0xFFFFC000  }
0x23f: {  	[tilespmem:s20], [sflag:$0x2] =	stream.indirect.gather [hbm4b:s4+s18], $0x80, s6, s18, $0xb8;
	[tilespmem:$0x1D400] =	vst v63  }
0x240: {  	_ =	swait.ge [sflag:s21], $0x4000  }
0x241: {  	[sflag:s21] =	ssyncset.done $0x0  }
0x242: {  	s7 =	simm.s32 $0x280;
	[sflag:s21] =	ssyncadd.s32 $0xFFFFC000  }
0x243: {  	[spmem:s2] =	stream.indirect.scatter.add.f32 [tilespmem:s16], [sflag:$0x3], $0x80, s7, s18, $0xb8;
	[tilespmem:$0x1D400] =	vst v63  }
0x244: {  	_ =	swait.ge [sflag:s17], $0x4000  }
0x245: {  	[sflag:s17] =	ssyncset.done $0x0  }
0x246: {  	s8 =	simm.s32 $0x400;
	[sflag:s17] =	ssyncadd.s32 $0xFFFFC000  }
0x247: {  	[tilespmem:s16], [sflag:$0x1] =	stream.indirect.gather [hbm4b:s4+s18], $0x80, s8, s18, $0xb8;
	[tilespmem:$0x1D400] =	vst v63  }
0x248: {  	_ =	swait.ge [sflag:s23], $0x4000  }
0x249: {  	[sflag:s23] =	ssyncset.done $0x0  }
0x24a: {  	s9 =	simm.s32 $0x380;
	[sflag:s23] =	ssyncadd.s32 $0xFFFFC000  }
0x24b: {  	[spmem:s2] =	stream.indirect.scatter.add.f32 [tilespmem:s20], [sflag:$0x3], $0x80, s9, s18, $0xb8;
	[tilespmem:$0x1D400] =	vst v63  }
0x24c: {  	_ =	swait.ge [sflag:s17], $0x4000  }
0x24d: {  	[sflag:s17] =	ssyncset.done $0x0  }
0x24e: {  	s10 =	simm.s32 $0x500;
	[sflag:s17] =	ssyncadd.s32 $0xFFFFC000  }
0x24f: {  	[tilespmem:s20], [sflag:$0x2] =	stream.indirect.gather [hbm4b:s4+s18], $0x80, s10, s18, $0xb8;
	[tilespmem:$0x1D400] =	vst v63  }
0x250: {  	_ =	swait.ge [sflag:s21], $0x4000  }
0x251: {  	[sflag:s21] =	ssyncset.done $0x0  }
0x252: {  	s11 =	simm.s32 $0x480;
	[sflag:s21] =	ssyncadd.s32 $0xFFFFC000  }
0x253: {  	[spmem:s2] =	stream.indirect.scatter.add.f32 [tilespmem:s16], [sflag:$0x3], $0x80, s11, s18, $0xb8;
	[tilespmem:$0x1D400] =	vst v63  }
0x254: {  	_ =	swait.ge [sflag:s17], $0x4000  }
0x255: {  	[sflag:s17] =	ssyncset.done $0x0  }
0x256: {  	s14 =	simm.s32 $0x600;
	[sflag:s17] =	ssyncadd.s32 $0xFFFFC000  }
0x257: {  	[tilespmem:s16], [sflag:$0x1] =	stream.indirect.gather [hbm4b:s4+s18], $0x80, s14, s18, $0xb8;
	[tilespmem:$0x1D400] =	vst v63  }
0x258: {  	_ =	swait.ge [sflag:s23], $0x4000  }
0x259: {  	[sflag:s23] =	ssyncset.done $0x0  }
0x25a: {  	s15 =	simm.s32 $0x580;
	[sflag:s23] =	ssyncadd.s32 $0xFFFFC000  }
0x25b: {  	[spmem:s2] =	stream.indirect.scatter.add.f32 [tilespmem:s20], [sflag:$0x3], $0x80, s15, s18, $0xb8;
	[tilespmem:$0x1D400] =	vst v63  }
0x25c: {  	_ =	swait.ge [sflag:s17], $0x4000  }
0x25d: {  	[sflag:s17] =	ssyncset.done $0x0  }
0x25e: {  	s15 =	simm.s32 $0x700;
	[sflag:s17] =	ssyncadd.s32 $0xFFFFC000  }
0x25f: {  	[tilespmem:s20], [sflag:$0x2] =	stream.indirect.gather [hbm4b:s4+s18], $0x80, s15, s18, $0xb8;
	[tilespmem:$0x1D400] =	vst v63  }
0x260: {  	_ =	swait.ge [sflag:s21], $0x4000  }
0x261: {  	[sflag:s21] =	ssyncset.done $0x0  }
0x262: {  	s28 =	simm.s32 $0x680;
	[sflag:s21] =	ssyncadd.s32 $0xFFFFC000  }
0x263: {  	[spmem:s2] =	stream.indirect.scatter.add.f32 [tilespmem:s16], [sflag:$0x3], $0x80, s28, s18, $0xb8;
	[tilespmem:$0x1D400] =	vst v63  }
0x264: {  	_ =	swait.ge [sflag:s17], $0x4000  }
0x265: {  	[sflag:s17] =	ssyncset.done $0x0  }
0x266: {  	s29 =	simm.s32 $0x800;
	[sflag:s17] =	ssyncadd.s32 $0xFFFFC000  }
0x267: {  	[tilespmem:s16], [sflag:$0x1] =	stream.indirect.gather [hbm4b:s4+s18], $0x80, s29, s18, $0xb8;
	[tilespmem:$0x1D400] =	vst v63  }
0x268: {  	_ =	swait.ge [sflag:s23], $0x4000  }
0x269: {  	[sflag:s23] =	ssyncset.done $0x0  }
0x26a: {  	s0 =	simm.s32 $0x780;
	[sflag:s23] =	ssyncadd.s32 $0xFFFFC000  }
0x26b: {  	[spmem:s2] =	stream.indirect.scatter.add.f32 [tilespmem:s20], [sflag:$0x3], $0x80, s0, s18, $0xb8;
	[tilespmem:$0x1D400] =	vst v63  }
0x26c: {  	_ =	swait.ge [sflag:s17], $0x4000  }
0x26d: {  	[sflag:s17] =	ssyncset.done $0x0  }
0x26e: {  	s1 =	simm.s32 $0x900;
	[sflag:s17] =	ssyncadd.s32 $0xFFFFC000  }
0x26f: {  	[tilespmem:s20], [sflag:$0x2] =	stream.indirect.gather [hbm4b:s4+s18], $0x80, s1, s18, $0xb8;
	[tilespmem:$0x1D400] =	vst v63  }
0x270: {  	_ =	swait.ge [sflag:s21], $0x4000  }
0x271: {  	[sflag:s21] =	ssyncset.done $0x0  }
0x272: {  	s3 =	simm.s32 $0x880;
	[sflag:s21] =	ssyncadd.s32 $0xFFFFC000  }
0x273: {  	[spmem:s2] =	stream.indirect.scatter.add.f32 [tilespmem:s16], [sflag:$0x3], $0x80, s3, s18, $0xb8;
	[tilespmem:$0x1D400] =	vst v63  }
0x274: {  	_ =	swait.ge [sflag:s17], $0x4000  }
0x275: {  	[sflag:s17] =	ssyncset.done $0x0  }
0x276: {  	s30 =	simm.s32 $0xA00;
	[sflag:s17] =	ssyncadd.s32 $0xFFFFC000  }
0x277: {  	[tilespmem:s16], [sflag:$0x1] =	stream.indirect.gather [hbm4b:s4+s18], $0x80, s30, s18, $0xb8;
	[tilespmem:$0x1D400] =	vst v63  }
0x278: {  	_ =	swait.ge [sflag:s23], $0x4000  }
0x279: {  	[sflag:s23] =	ssyncset.done $0x0  }
0x27a: {  	s5 =	simm.s32 $0x980;
	[sflag:s23] =	ssyncadd.s32 $0xFFFFC000  }
0x27b: {  	[spmem:s2] =	stream.indirect.scatter.add.f32 [tilespmem:s20], [sflag:$0x3], $0x80, s5, s18, $0xb8;
	[tilespmem:$0x1D400] =	vst v63  }
0x27c: {  	_ =	swait.ge [sflag:s17], $0x4000  }
0x27d: {  	[sflag:s17] =	ssyncset.done $0x0  }
0x27e: {  	s6 =	simm.s32 $0xB00;
	[sflag:s17] =	ssyncadd.s32 $0xFFFFC000  }
0x27f: {  	[tilespmem:s20], [sflag:$0x2] =	stream.indirect.gather [hbm4b:s4+s18], $0x80, s6, s18, $0xb8;
	[tilespmem:$0x1D400] =	vst v63  }
0x280: {  	_ =	swait.ge [sflag:s21], $0x4000  }
0x281: {  	[sflag:s21] =	ssyncset.done $0x0  }
0x282: {  	s31 =	simm.s32 $0xA80;
	[sflag:s21] =	ssyncadd.s32 $0xFFFFC000  }
0x283: {  	[spmem:s2] =	stream.indirect.scatter.add.f32 [tilespmem:s16], [sflag:$0x3], $0x80, s31, s18, $0xb8;
	[tilespmem:$0x1D400] =	vst v63  }
0x284: {  	_ =	swait.ge [sflag:s17], $0x4000  }
0x285: {  	[sflag:s17] =	ssyncset.done $0x0  }
0x286: {  	s19 =	simm.s32 $0xC00;
	[sflag:s17] =	ssyncadd.s32 $0xFFFFC000  }
0x287: {  	[tilespmem:s16], [sflag:$0x1] =	stream.indirect.gather [hbm4b:s4+s18], $0x80, s19, s18, $0xb8;
	[tilespmem:$0x1D400] =	vst v63  }
0x288: {  	_ =	swait.ge [sflag:s23], $0x4000  }
0x289: {  	[sflag:s23] =	ssyncset.done $0x0  }
0x28a: {  	s22 =	simm.s32 $0xB80;
	[sflag:s23] =	ssyncadd.s32 $0xFFFFC000  }
0x28b: {  	[spmem:s2] =	stream.indirect.scatter.add.f32 [tilespmem:s20], [sflag:$0x3], $0x80, s22, s18, $0xb8;
	[tilespmem:$0x1D400] =	vst v63  }
0x28c: {  	_ =	swait.ge [sflag:s17], $0x4000  }
0x28d: {  	[sflag:s17] =	ssyncset.done $0x0  }
0x28e: {  	s24 =	simm.s32 $0xD00;
	[sflag:s17] =	ssyncadd.s32 $0xFFFFC000  }
0x28f: {  	[tilespmem:s20], [sflag:$0x2] =	stream.indirect.gather [hbm4b:s4+s18], $0x80, s24, s18, $0xb8;
	[tilespmem:$0x1D400] =	vst v63  }
0x290: {  	_ =	swait.ge [sflag:s21], $0x4000  }
0x291: {  	[sflag:s21] =	ssyncset.done $0x0  }
0x292: {  	s25 =	simm.s32 $0xC80;
	[sflag:s21] =	ssyncadd.s32 $0xFFFFC000  }
0x293: {  	[spmem:s2] =	stream.indirect.scatter.add.f32 [tilespmem:s16], [sflag:$0x3], $0x80, s25, s18, $0xb8;
	[tilespmem:$0x1D400] =	vst v63  }
0x294: {  	_ =	swait.ge [sflag:s17], $0x4000  }
0x295: {  	[sflag:s17] =	ssyncset.done $0x0  }
0x296: {  	s26 =	simm.s32 $0xE00;
	[sflag:s17] =	ssyncadd.s32 $0xFFFFC000  }
0x297: {  	[tilespmem:s16], [sflag:$0x1] =	stream.indirect.gather [hbm4b:s4+s18], $0x80, s26, s18, $0xb8;
	[tilespmem:$0x1D400] =	vst v63  }
0x298: {  	_ =	swait.ge [sflag:s23], $0x4000  }
0x299: {  	[sflag:s23] =	ssyncset.done $0x0  }
0x29a: {  	s7 =	simm.s32 $0xD80;
	[sflag:s23] =	ssyncadd.s32 $0xFFFFC000  }
0x29b: {  	[spmem:s2] =	stream.indirect.scatter.add.f32 [tilespmem:s20], [sflag:$0x3], $0x80, s7, s18, $0xb8;
	[tilespmem:$0x1D400] =	vst v63  }
0x29c: {  	_ =	swait.ge [sflag:s17], $0x4000  }
0x29d: {  	[sflag:s17] =	ssyncset.done $0x0  }
0x29e: {  	s8 =	simm.s32 $0xF00;
	[sflag:s17] =	ssyncadd.s32 $0xFFFFC000  }
0x29f: {  	[tilespmem:s20], [sflag:$0x2] =	stream.indirect.gather [hbm4b:s4+s18], $0x80, s8, s18, $0xb8;
	[tilespmem:$0x1D400] =	vst v63  }
0x2a0: {  	_ =	swait.ge [sflag:s21], $0x4000  }
0x2a1: {  	[sflag:s21] =	ssyncset.done $0x0  }
0x2a2: {  	s9 =	simm.s32 $0xE80;
	[sflag:s21] =	ssyncadd.s32 $0xFFFFC000  }
0x2a3: {  	[spmem:s2] =	stream.indirect.scatter.add.f32 [tilespmem:s16], [sflag:$0x3], $0x80, s9, s18, $0xb8;
	[tilespmem:$0x1D400] =	vst v63  }
0x2a4: {  	_ =	swait.ge [sflag:s17], $0x4000  }
0x2a5: {  	[sflag:s17] =	ssyncset.done $0x0  }
0x2a6: {  	s10 =	simm.s32 $0x1000;
	[sflag:s17] =	ssyncadd.s32 $0xFFFFC000  }
0x2a7: {  	[tilespmem:s16], [sflag:$0x1] =	stream.indirect.gather [hbm4b:s4+s18], $0x80, s10, s18, $0xb8;
	[tilespmem:$0x1D400] =	vst v63  }
0x2a8: {  	_ =	swait.ge [sflag:s23], $0x4000  }
0x2a9: {  	[sflag:s23] =	ssyncset.done $0x0  }
0x2aa: {  	s11 =	simm.s32 $0xF80;
	[sflag:s23] =	ssyncadd.s32 $0xFFFFC000  }
0x2ab: {  	[spmem:s2] =	stream.indirect.scatter.add.f32 [tilespmem:s20], [sflag:$0x3], $0x80, s11, s18, $0xb8;
	[tilespmem:$0x1D400] =	vst v63  }
0x2ac: {  	_ =	swait.ge [sflag:s17], $0x4000  }
0x2ad: {  	[sflag:s17] =	ssyncset.done $0x0  }
0x2ae: {  	s13 =	simm.s32 $0x1100;
	[sflag:s17] =	ssyncadd.s32 $0xFFFFC000  }
0x2af: {  	[tilespmem:s20], [sflag:$0x2] =	stream.indirect.gather [hbm4b:s4+s18], $0x80, s13, s18, $0xb8;
	[tilespmem:$0x1D400] =	vst v63  }
0x2b0: {  	_ =	swait.ge [sflag:s21], $0x4000  }
0x2b1: {  	[sflag:s21] =	ssyncset.done $0x0  }
0x2b2: {  	s14 =	simm.s32 $0x1080;
	[sflag:s21] =	ssyncadd.s32 $0xFFFFC000  }
0x2b3: {  	[spmem:s2] =	stream.indirect.scatter.add.f32 [tilespmem:s16], [sflag:$0x3], $0x80, s14, s18, $0xb8;
	[tilespmem:$0x1D400] =	vst v63  }
0x2b4: {  	_ =	swait.ge [sflag:s17], $0x4000  }
0x2b5: {  	[sflag:s17] =	ssyncset.done $0x0  }
0x2b6: {  	s15 =	simm.s32 $0x1200;
	[sflag:s17] =	ssyncadd.s32 $0xFFFFC000  }
0x2b7: {  	[tilespmem:s16], [sflag:$0x1] =	stream.indirect.gather [hbm4b:s4+s18], $0x80, s15, s18, $0xb8;
	[tilespmem:$0x1D400] =	vst v63  }
0x2b8: {  	_ =	swait.ge [sflag:s23], $0x4000  }
0x2b9: {  	[sflag:s23] =	ssyncset.done $0x0  }
0x2ba: {  	s19 =	simm.s32 $0x1180;
	[sflag:s23] =	ssyncadd.s32 $0xFFFFC000  }
0x2bb: {  	[spmem:s2] =	stream.indirect.scatter.add.f32 [tilespmem:s20], [sflag:$0x3], $0x80, s19, s18, $0xb8;
	[tilespmem:$0x1D400] =	vst v63  }
0x2bc: {  	_ =	swait.ge [sflag:s17], $0x4000  }
0x2bd: {  	[sflag:s17] =	ssyncset.done $0x0  }
0x2be: {  	s22 =	simm.s32 $0x1300;
	[sflag:s17] =	ssyncadd.s32 $0xFFFFC000  }
0x2bf: {  	[tilespmem:s20], [sflag:$0x2] =	stream.indirect.gather [hbm4b:s4+s18], $0x80, s22, s18, $0xb8;
	[tilespmem:$0x1D400] =	vst v63  }
0x2c0: {  	_ =	swait.ge [sflag:s21], $0x4000  }
0x2c1: {  	[sflag:s21] =	ssyncset.done $0x0  }
0x2c2: {  	s24 =	simm.s32 $0x1280;
	[sflag:s21] =	ssyncadd.s32 $0xFFFFC000  }
0x2c3: {  	[spmem:s2] =	stream.indirect.scatter.add.f32 [tilespmem:s16], [sflag:$0x3], $0x80, s24, s18, $0xb8;
	[tilespmem:$0x1D400] =	vst v63  }
0x2c4: {  	_ =	swait.ge [sflag:s17], $0x4000  }
0x2c5: {  	[sflag:s17] =	ssyncset.done $0x0  }
0x2c6: {  	[sflag:s17] =	ssyncadd.s32 $0xFFFFC000  }
0x2c7: {  	_ =	swait.ge [sflag:s23], $0x4000  }
0x2c8: {  	[sflag:s23] =	ssyncset.done $0x0  }
0x2c9: {  	s25 =	simm.s32 $0x1380;
	[sflag:s23] =	ssyncadd.s32 $0xFFFFC000  }
0x2ca: {  	[spmem:s2] =	stream.indirect.scatter.add.f32 [tilespmem:s20], [sflag:$0x3], $0x80, s25, s18, $0xb8;
	[tilespmem:$0x1D400] =	vst v63  }
0x2cb: {  	_ =	swait.ge [sflag:s17], $0x4000  }
0x2cc: {  	[sflag:s17] =	ssyncset.done $0x0  }
0x2cd: {  	[sflag:s17] =	ssyncadd.s32 $0xFFFFC000  }
0x2ce: {  	s26 =	stileid.u32;
	[bflag:$0x0] =	sbarrier.arrive $0xFFFF  }
0x2cf: {  	s13 =	sshll.u32 s26, $0x6;
	s28 =	rddreg [dreg:$0xd]  }
0x2d0: {  	s13 =	sor.u32 $0x1C03, s13;
	s30 =	rddreg [dreg:$0x7];
	s29 =	sshrl.u32 s28, $0x3  }
0x2d1: {  	[hbm:s30], [sflag:s13] =	dma.local [spmem:s29], $0x2800  }
0x2d2: {  	_ =	swait.ge [sflag:s17], $0x2800  }
0x2d3: {  	s12 =	sadd.s32 $0x1, s12;
	s31 =	rddreg [dreg:$0x8]  }
0x2d4: {  	p0 =	sne.s32 s12, s31  }
.Ltmp1:
0x2d5: {  	_ = 	snop;
	(pc) =	sbr.rel @p0 .LBB2_1-.Ltmp1, $3  }
0x2d6: {  	_ =	sdelay $0x1  }
0x2d7: {  	[sflag:s17] =	ssyncset.done $0x0  }
0x2d8: {  	[sflag:s17] =	ssyncadd.s32 $0xFFFFD800  }
0x2d9: {  	_ =	sfence.sel $0x180000  }
0x2da: {  	[bflag:$0x0] =	sbarrier.arrive $0xFFFF  }
0x2db: {  	_ =	strace $0x9000004A  }
0x2dc: {  	s0 =	stileid.u32;
	[bflag:$0x2] =	sbarrier.arrive $0xFFFF  }
0x2dd: {  	p0 =	sne.s32 s0, $0x0;
	s0 =	rddreg [dreg:$0x2]  }
0x2de: {  	s0 =	sadd.s32 @!p0 $0x100000, s0  }
0x2df: {  	[sflag:s0] =	ssyncadd.tile.s32 @!p0 $0x1;
	_ =	shalt  }
.Lfunc_end2:
_tile_overlayer_lowered:
.L_overlay_start_2:
0x2e0: {  	(tag) =	ssettag $0x2  }
0x2e1: {  	s0 =	rddreg [dreg:$0x0];
	s2 =	stileid.u32  }
0x2e2: {  	s1 =	rddreg [dreg:$0x1];
	p0 =	sne.s32 s2, $0x0  }
0x2e3: {  	s3 =	rddreg [dreg:$0x2];
	[bflag:$0x3] =	sbarrier.arrive $0xFFFF;
	s2 =	simm.s32 @!p0 $0x1C03  }
0x2e4: {  	[timem:s3], [sflag:s2] =	dma.local @!p0 [hbm:s0], s1  }
0x2e5: {  	s0 =	simm.s32 @!p0 $0x3  }
0x2e6: {  	_ =	swait.ge @!p0 [sflag:s0], s1  }
0x2e7: {  	s1 =	ssub.s32 @!p0 $0x0, s1;
	[sflag:s0] =	ssyncset.done @!p0 $0x0  }
0x2e8: {  	[sflag:s0] =	ssyncadd.s32 @!p0 s1  }
0x2e9: {  	[bflag:$0x3] =	sbarrier.arrive $0xFFFF  }
0x2ea: {  	_ =	shalt  }

// kernel: kernel.15.cloned.1.call-start
scs
__scs_entry_jumppad:
0x0: {  	(pc) =	sbr.rel $0x88, $3  }
0x1: {  	(tag) =	ssettag $0x0;
	lr =	simm.s32 $0x1  }
0x2: {  	[smem:$0x3F99] =	sst lr;
	_ =	strace $0xD0000000  }
0x3: {  	_ = 	snop  }
0x4: {  	_ = 	snop  }
0x5: {  	_ = 	snop  }
0x6: {  	_ = 	snop  }
0x7: {  	_ = 	snop  }
__scs_overlays_trampoline_lowered:
0x8: {  	[smem:$0x3FA8] =	sst s0  }
0x9: {  	[smem:$0x3FA9] =	sst s1  }
0xa: {  	[smem:$0x3FAA] =	sst s2  }
0xb: {  	[smem:$0x3FAB] =	sst s3  }
0xc: {  	[smem:$0x3FAC] =	sst s4  }
0xd: {  	[smem:$0x3FAD] =	sst s5  }
0xe: {  	[smem:$0x3FAE] =	sst s6  }
0xf: {  	[smem:$0x3FAF] =	sst s7  }
0x10: {  	[smem:$0x3FB0] =	sst s8  }
0x11: {  	[smem:$0x3FB1] =	sst s9;
	s0 =	simm.s32 @!p0 $0x0  }
0x12: {  	s1 =	sld [smem:$0x3F97];
	s0 =	simm.s32 @p0 $0x1  }
0x13: {  	[smem:$0x3FB2] =	sst s0;
	s0 =	simm.s32 @!p1 $0x0  }
0x14: {  	s2 =	sld [smem:$0x3F96];
	s0 =	simm.s32 @p1 $0x1  }
0x15: {  	[smem:$0x3FB3] =	sst s0;
	s0 =	simm.s32 @!p2 $0x0  }
0x16: {  	s3 =	sld [smem:$0x3FDB];
	s0 =	simm.s32 @p2 $0x1  }
0x17: {  	s4 =	simm.s32 $0x1BF5;
	[smem:$0x3FB5] =	sst s0  }
0x18: {  	s0 =	sld [smem:$0x3F98];
	_ =	swait.ge [sflag:s4], $0x0  }
0x19: {  	s7 =	sld [smem:$0x3F99]  }
0x1a: {  	s8 =	sadd.s32 $0xFFFFE003, lr  }
0x1b: {  	s9 =	sadd.s32 $0xFFFFFEF7, lr;
	s5 =	simm.s32 $0xFFFFFFFF;
	p2 =	slt.u32 s8, $0xFFFFF086  }
0x1c: {  	p1 =	slt.u32 s9, $0xF7A;
	s5 =	simm.s32 @!p2 $0x0  }
0x1d: {  	s5 =	simm.s32 @p1 $0x1;
	p0 =	seq.s32 s7, s2  }
0x1e: {  	s7 =	smul.u32 @!p0 $0xF7A, s2;
	p2 =	seq.s32 @!p0 s5, $0x0  }
0x1f: {  	s9 =	smul.u32 $0xF7A, s1;
	s8 =	simm.s32 @!p0 $0x1BF5;
	p2 =	por !p2, p0  }
0x20: {  	[sflag:s8] =	ssyncset.s32 @!p0 $0xFFFFF086;
	s6 =	sadd.s32 @!p0 s3, s7;
	s7 =	simm.s32 @!p0 $0x108  }
0x21: {  	s3 =	sadd.s32 s3, s9;
	s6 =	sadd.s32 @!p0 $0x88, s6;
	s7 =	simm.s32 @p2 $0x1082  }
0x22: {  	[simem:s7], [sflag:s8] =	dma.local @!p0 [hbm:s6], $0xF7A  }
0x23: {  	s9 =	sor.u32 $0xD0000000, s2;
	s6 =	simm.s32 $0x108;
	_ =	swait.ge @!p0 [sflag:s8], $0x0  }
0x24: {  	s3 =	sadd.s32 $0x88, s3;
	s6 =	simm.s32 @!p1 $0x1082;
	[sflag:s4] =	ssyncset.s32 $0xFFFFF086  }
0x25: {  	[simem:s6], [sflag:s4] =	dma.local [hbm:s3], $0xF7A  }
0x26: {  	[smem:$0x3F99] =	sst s1;
	(tag) =	ssettag s2;
	_ =	strace s9  }
0x27: {  	s1 =	sld [smem:$0x3FA9]  }
0x28: {  	s2 =	sld [smem:$0x3FAA]  }
0x29: {  	s4 =	sld [smem:$0x3FAC]  }
0x2a: {  	p0 =	seq.s32 s5, $0x0;
	s5 =	sld [smem:$0x3FAD]  }
0x2b: {  	s6 =	sld [smem:$0x3FAE]  }
0x2c: {  	s7 =	sld [smem:$0x3FAF]  }
0x2d: {  	s3 =	simm.s32 $0x108;
	s8 =	sld [smem:$0x3FB0]  }
0x2e: {  	s3 =	simm.s32 @!p0 $0x1082;
	s9 =	sld [smem:$0x3FB1]  }
0x2f: {  	lr =	sadd.s32 s0, s3;
	s0 =	sld [smem:$0x3FA8]  }
0x30: {  	s3 =	sld [smem:$0x3FAB]  }
0x31: {  	[smem:$0x3FB4] =	sst s10  }
0x32: {  	s10 =	sld [smem:$0x3FB2];
	_ =	sdelay $0x3  }
0x33: {  	p0 =	seq.s32 s10, $0x1;
	s10 =	sld [smem:$0x3FB4];
	_ =	sdelay $0x3  }
0x34: {  	[smem:$0x3FB4] =	sst s10  }
0x35: {  	s10 =	sld [smem:$0x3FB3];
	_ =	sdelay $0x3  }
0x36: {  	p1 =	seq.s32 s10, $0x1;
	s10 =	sld [smem:$0x3FB4];
	_ =	sdelay $0x3  }
0x37: {  	[smem:$0x3FB4] =	sst s10  }
0x38: {  	s10 =	sld [smem:$0x3FB5]  }
0x39: {  	_ = 	snop;
	(pc) =	sbr.ind lr, $3  }
0x3a: {  	_ = 	snop  }
0x3b: {  	_ = 	snop  }
0x3c: {  	p2 =	seq.s32 s10, $0x1;
	s10 =	sld [smem:$0x3FB4]  }
0x3d: {  	_ =	shalt  }
0x3e: {  	_ =	shalt  }
0x3f: {  	_ =	shalt  }
0x40: {  	_ =	shalt  }
0x41: {  	_ =	shalt  }
0x42: {  	_ =	shalt  }
0x43: {  	_ =	shalt  }
0x44: {  	_ =	shalt  }
0x45: {  	_ =	shalt  }
0x46: {  	_ =	shalt  }
0x47: {  	_ =	shalt  }
0x48: {  	_ =	shalt  }
0x49: {  	_ =	shalt  }
0x4a: {  	_ =	shalt  }
0x4b: {  	_ =	shalt  }
0x4c: {  	_ =	shalt  }
0x4d: {  	_ =	shalt  }
0x4e: {  	_ =	shalt  }
0x4f: {  	_ =	shalt  }
0x50: {  	_ =	shalt  }
0x51: {  	_ =	shalt  }
0x52: {  	_ =	shalt  }
0x53: {  	_ =	shalt  }
0x54: {  	_ =	shalt  }
0x55: {  	_ =	shalt  }
0x56: {  	_ =	shalt  }
0x57: {  	_ =	shalt  }
0x58: {  	_ =	shalt  }
0x59: {  	_ =	shalt  }
0x5a: {  	_ =	shalt  }
0x5b: {  	_ =	shalt  }
0x5c: {  	_ =	shalt  }
0x5d: {  	_ =	shalt  }
0x5e: {  	_ =	shalt  }
0x5f: {  	_ =	shalt  }
0x60: {  	_ =	shalt  }
0x61: {  	_ =	shalt  }
0x62: {  	_ =	shalt  }
0x63: {  	_ =	shalt  }
0x64: {  	_ =	shalt  }
0x65: {  	_ =	shalt  }
0x66: {  	_ =	shalt  }
0x67: {  	_ =	shalt  }
0x68: {  	_ =	shalt  }
0x69: {  	_ =	shalt  }
0x6a: {  	_ =	shalt  }
0x6b: {  	_ =	shalt  }
0x6c: {  	_ =	shalt  }
0x6d: {  	_ =	shalt  }
0x6e: {  	_ =	shalt  }
0x6f: {  	_ =	shalt  }
0x70: {  	_ =	shalt  }
0x71: {  	_ =	shalt  }
0x72: {  	_ =	shalt  }
0x73: {  	_ =	shalt  }
0x74: {  	_ =	shalt  }
0x75: {  	_ =	shalt  }
0x76: {  	_ =	shalt  }
0x77: {  	_ =	shalt  }
0x78: {  	_ =	shalt  }
0x79: {  	_ =	shalt  }
0x7a: {  	_ =	shalt  }
0x7b: {  	_ =	shalt  }
0x7c: {  	_ =	shalt  }
0x7d: {  	_ =	shalt  }
0x7e: {  	_ =	shalt  }
0x7f: {  	_ =	shalt  }
0x80: {  	_ =	shalt  }
0x81: {  	_ =	shalt  }
0x82: {  	_ =	shalt  }
0x83: {  	_ =	shalt  }
0x84: {  	_ =	shalt  }
0x85: {  	_ =	shalt  }
0x86: {  	_ =	shalt  }
0x87: {  	_ =	shalt  }
.Lfunc_end0:
.L_simem_size_0:
called_computation.2_lowered:
.L_overlay_start_0:
0x88: {  	s2 =	sld [smem:$0x3FD9]  }
0x89: {  	s3 =	sld [smem:$0x3FFE];
	_ =	sdelay $0x1  }
0x8a: {  	s1 =	srdreg.scid  }
0x8b: {  	s0 =	sand.u32 $0x1, s1  }
0x8c: {  	s16 =	sshll.u32 s0, $0xA;
	s2 =	sadd.s32 s3, s2  }
0x8d: {  	s2 =	sadd.s32 s2, s16  }
0x8e: {  	[smem:$0x3FC0] =	sst s2  }
0x8f: {  	_ = 	snop  }
0x90: {  	(tm) =	ssettm $0x1  }
0x91: {  	s17 =	sld [smem:$0x3FFB];
	_ =	sdelay $0x3  }
0x92: {  	_ =	strace s17  }
0x93: {  	s2 =	sld [smem:$0x3FFC];
	_ =	sdelay $0x3  }
0x94: {  	_ =	strace s2  }
0x95: {  	s2 =	sld [smem:$0x3FFD];
	_ =	sdelay $0x3  }
0x96: {  	_ =	strace s2  }
0x97: {  	_ =	strace $0x8FFFFFFF  }
0x98: {  	s18 =	sld [smem:$0x3FDB];
	_ =	sdelay $0x1  }
0x99: {  	s19 =	simm.s32 $_scs_section_size  }
0x9a: {  	s4 =	simm.s32 $_size__tile_overlayer_lowered;
	s5 =	simm.s32 $_tile_overlayer_lowered  }
0x9b: {  	s22 =	simm.s32 $0x1BFF;
	s21 =	sshll.u32 s5, $0x1;
	s2 =	sadd.s32 s19, s18  }
0x9c: {  	s6 =	simm.s32 $0x0;
	s20 =	sshll.u32 s4, $0x1;
	s4 =	sadd.s32 s21, s2  }
0x9d: {  	[timem:s6], [sflag:s22] =	dma.local [hbm:s4], s20  }
0x9e: {  	_ =	swait.ge [sflag:s22], s20  }
0x9f: {  	s3 =	ssub.s32 $0x0, s20;
	[sflag:s22] =	ssyncset.done $0x0  }
0xa0: {  	[sflag:s22] =	ssyncadd.s32 s3;
	_ =	sdelay $0x1  }
0xa1: {  	s23 =	simm.s32 $0x1B8B  }
0xa2: {  	_ =	swait.ge [sflag:s23], $0x1  }
0xa3: {  	[sflag:s23] =	ssyncset.done $0x0  }
0xa4: {  	s25 =	simm.s32 $0x1B8E;
	s24 =	sld [smem:$0x3FFE];
	[sflag:s23] =	ssyncadd.s32 $0xFFFFFFFF  }
0xa5: {  	s26 =	simm.s32 $execute0_lowered;
	[smem:$0x3FD2] =	sst s25  }
0xa6: {  	s4 =	sshll.u32 s26, $0x1;
	_ =	strace $0x8000004C;
	[dreg:$0x1] =	wrdreg $0xFFFFFFFF  }
0xa7: {  	s28 =	simm.s32 $_size_execute0_lowered;
	s2 =	sadd.s32 s2, s4;
	[dreg:$0x0] =	wrdreg $0x0  }
0xa8: {  	s4 =	sshll.u32 s28, $0x1;
	[dreg:$0x2] =	wrdreg s2  }
0xa9: {  	[dreg:$0x3] =	wrdreg s4  }
0xaa: {  	[dreg:$0x4] =	wrdreg $0xC0  }
0xab: {  	_ =	task [dreg:s6], $0x5FFFF  }
0xac: {  	[dreg:$0x1] =	wrdreg $0xFFFFFFFF  }
0xad: {  	[dreg:$0x0] =	wrdreg $0x60  }
0xae: {  	[dreg:$0x2] =	wrdreg s24  }
0xaf: {  	[dreg:$0x3] =	wrdreg $0x94000  }
0xb0: {  	[dreg:$0x4] =	wrdreg $0x9  }
0xb1: {  	_ =	task.clear_ibuf [dreg:s6], $0x5FFFF;
	_ =	strace $0x9000004C  }
0xb2: {  	s29 =	simm.s32 $0x9;
	_ =	strace $0x8000004E  }
0xb3: {  	_ =	swait.ge [sflag:s29], $0x1  }
0xb4: {  	[sflag:s29] =	ssyncadd.s32 $0xFFFFFFFF  }
0xb5: {  	_ =	strace $0x9000004E  }
0xb6: {  	_ =	sfence  }
0xb7: {  	s30 =	sld [smem:$0x0];
	_ =	sdelay $0x2  }
0xb8: {  	s31 =	sshll.u32 s1, $0xD;
	s1 =	sshrl.u32 s1, $0x2  }
0xb9: {  	s3 =	sand.u32 $0x4000, s31;
	s1 =	sadd.s32 s1, s30  }
0xba: {  	s0 =	sor.u32 s3, s0;
	s1 =	sshll.u32 s1, $0x11  }
0xbb: {  	s0 =	sor.u32 s1, s0  }
0xbc: {  	s0 =	sadd.s32 $0x8F2B, s0  }
0xbd: {  	[sflag:s0] =	ssyncadd.remote.s32 $0x1  }
0xbe: {  	_ =	sfence.sel $0xFFFF  }
0xbf: {  	[dreg:$0x0] =	wrdreg $0xFFFFFFFF;
	(pc) =	sbr.abs _section_cstart, $3  }
0xc0: {  	[dreg:$0x1] =	wrdreg $0xFFFFFFFF  }
0xc1: {  	_ =	task.clear_ibuf [dreg:s6], $0x2FFFF;
	_ =	strace $0x9FFFFFFF  }
0xc2: {  	(tm) =	ssettm $0x7FFFFFFF  }
0xc3: {  	_ =	shalt  }
tec
execute0_lowered:
.L_overlay_start_1:
0x0: {  	(tag) =	ssettag $0x1  }
0x1: {  	s0 =	srdreg.scid;
	s5 =	rddreg [dreg:$0x0]  }
0x2: {  	s7 =	stileid.u32;
	s2 =	rddreg [dreg:$0x1];
	s3 =	simm.s32 $0x0  }
0x3: {  	s0 =	sand.u32 $0x1, s0;
	[smem:$0x7FF] =	sst s3;
	s20 =	smul.u32 $0x14000, s7  }
0x4: {  	s1 =	sshll.u32 s0, $0x4;
	s4 =	smul.u32 $0x140000, s0;
	s0 =	ssub.s32 $0x2, s0  }
0x5: {  	s1 =	sor.u32 s7, s1;
	s7 =	smul.u32 $0x50000, s7;
	s21 =	sshrl.u32 s0, $0x1  }
0x6: {  	_ =	strace $0x8000004D;
	s3 =	sadd.s32 s20, s4;
	s0 =	ssub.s32 s0, s21  }
0x7: {  	s3 =	sshrl.u32 s3, $0x3;
	s7 =	sshrl.u32 s7, $0x2;
	s0 =	smax.u32 s0, $0x1  }
0x8: {  	s3 =	sadd.s32 s3, s5;
	s22 =	sadd.s32 s7, s2;
	[dreg:$0x8] =	wrdreg s0  }
0x9: {  	s16 =	simm.s32 $0x1400;
	s26 =	sadd.s32 $0x3EA00, s3;
	[dreg:$0xd] =	wrdreg s22  }
0xa: {  	s1 =	smul.u32 $0x5000, s1;
	s28 =	sadd.s32 $0x4000, s22;
	[dreg:$0x7] =	wrdreg s26  }
0xb: {  	s17 =	simm.s32 $0x3;
	s29 =	sadd.s32 $0x8000, s22;
	[dreg:$0x9] =	wrdreg s28  }
0xc: {  	s1 =	sshrl.u32 s1, $0x3;
	s30 =	sadd.s32 $0xC000, s22;
	[dreg:$0xa] =	wrdreg s29  }
0xd: {  	s1 =	sadd.s32 s1, s5;
	s31 =	sadd.s32 $0x10000, s22;
	[dreg:$0xb] =	wrdreg s30  }
0xe: {  	s18 =	simm.s32 $0x80;
	s23 =	sadd.s32 $0x2A00, s1;
	[dreg:$0xc] =	wrdreg s31  }
0xf: {  	s12 =	simm.s32 $0x0;
	s24 =	sadd.s32 $0x2C80, s1;
	[dreg:$0x3] =	wrdreg s23  }
0x10: {  	s4 =	sadd.s32 $0x16A00, s5;
	s25 =	sadd.s32 $0x2F00, s1;
	[dreg:$0x4] =	wrdreg s24  }
0x11: {  	s20 =	simm.s32 $0x5400;
	s1 =	sadd.s32 $0x3180, s1;
	[dreg:$0x5] =	wrdreg s25  }
0x12: {  	v0 =	vimm.f32 $0.0e+00;
	s21 =	simm.s32 $0x1;
	[dreg:$0x6] =	wrdreg s1;
	s23 =	simm.s32 $0x2  }
.LBB2_1:
0x13: {  	s13 =	simm.s32 $0x0;
	s14 =	simm.s32 $0x200  }
.LBB2_2:
0x14: {  	p0 =	sne.s32 s14, $0xFE00;
	[tilespmem:s13+$0x1470] =	vst v0  }
0x15: {  	[tilespmem:s13+$0x1400] =	vst v0  }
0x16: {  	[tilespmem:s13+$0x1410] =	vst v0  }
.Ltmp0:
0x17: {  	[tilespmem:s13+$0x1420] =	vst v0;
	(pc) =	sbr.rel @p0 .LBB2_2-.Ltmp0, $4  }
0x18: {  	[tilespmem:s13+$0x1430] =	vst v0  }
0x19: {  	[tilespmem:s13+$0x1440] =	vst v0  }
0x1a: {  	[tilespmem:s13+$0x1450] =	vst v0  }
0x1b: {  	[tilespmem:s13+$0x1460] =	vst v0;
	s13 =	sshra.s32 s14, $0x2;
	s14 =	sadd.s32 $0x200, s14  }
0x1c: {  	[tilespmem:s13+$0x1470] =	vst v0  }
0x1d: {  	[tilespmem:s13+$0x1400] =	vst v0  }
0x1e: {  	[tilespmem:s13+$0x1410] =	vst v0  }
0x1f: {  	[tilespmem:s13+$0x1420] =	vst v0  }
0x20: {  	[tilespmem:s13+$0x1430] =	vst v0  }
0x21: {  	[tilespmem:s13+$0x1440] =	vst v0  }
0x22: {  	[tilespmem:s13+$0x1450] =	vst v0  }
0x23: {  	[tilespmem:s13+$0x1460] =	vst v0;
	s0 =	rddreg [dreg:$0xd]  }
0x24: {  	[spmem:s0] =	stream.linear.scatter [tilespmem:s16], [sflag:$0x3], $0x4000, $0x38;
	[tilespmem:$0x1D400] =	vst v63  }
0x25: {  	_ =	swait.ge [sflag:s17], $0x4000  }
0x26: {  	[sflag:s17] =	ssyncset.done $0x0  }
0x27: {  	s31 =	rddreg [dreg:$0x9];
	[sflag:s17] =	ssyncadd.s32 $0xFFFFC000  }
0x28: {  	[spmem:s31] =	stream.linear.scatter [tilespmem:s16], [sflag:$0x3], $0x4000, $0x38;
	[tilespmem:$0x1D400] =	vst v63  }
0x29: {  	_ =	swait.ge [sflag:s17], $0x4000  }
0x2a: {  	[sflag:s17] =	ssyncset.done $0x0  }
0x2b: {  	s0 =	rddreg [dreg:$0xa];
	[sflag:s17] =	ssyncadd.s32 $0xFFFFC000  }
0x2c: {  	[spmem:s0] =	stream.linear.scatter [tilespmem:s16], [sflag:$0x3], $0x4000, $0x38;
	[tilespmem:$0x1D400] =	vst v63  }
0x2d: {  	_ =	swait.ge [sflag:s17], $0x4000  }
0x2e: {  	[sflag:s17] =	ssyncset.done $0x0  }
0x2f: {  	s1 =	rddreg [dreg:$0xb];
	[sflag:s17] =	ssyncadd.s32 $0xFFFFC000  }
0x30: {  	[spmem:s1] =	stream.linear.scatter [tilespmem:s16], [sflag:$0x3], $0x4000, $0x38;
	[tilespmem:$0x1D400] =	vst v63  }
0x31: {  	_ =	swait.ge [sflag:s17], $0x4000  }
0x32: {  	[sflag:s17] =	ssyncset.done $0x0  }
0x33: {  	s3 =	rddreg [dreg:$0xc];
	[sflag:s17] =	ssyncadd.s32 $0xFFFFC000  }
0x34: {  	[spmem:s3] =	stream.linear.scatter [tilespmem:s16], [sflag:$0x3], $0x4000, $0x38;
	[tilespmem:$0x1D400] =	vst v63  }
0x35: {  	_ =	swait.ge [sflag:s17], $0x4000  }
0x36: {  	[sflag:s17] =	ssyncset.done $0x0  }
0x37: {  	[sflag:s17] =	ssyncadd.s32 $0xFFFFC000  }
0x38: {  	[bflag:$0x0] =	sbarrier.arrive $0xFFFF  }
0x39: {  	s1 =	simm.s32 $0x0;
	s5 =	rddreg [dreg:$0x3]  }
0x3a: {  	[tilespmem:s1], [sflag:$0x3] =	stream.linear.gather [hbm4b:s5+s1], $0x1400, $0x38;
	[tilespmem:$0x1D400] =	vst v63  }
0x3b: {  	_ =	swait.ge [sflag:s17], $0x1400  }
0x3c: {  	[sflag:s17] =	ssyncset.done $0x0  }
0x3d: {  	[sflag:s17] =	ssyncadd.s32 $0xFFFFEC00  }
0x3e: {  	[tilespmem:s16], [sflag:$0x1] =	stream.indirect.gather [hbm4b:s4+s18], $0x80, s1, s18, $0xb8;
	[tilespmem:$0x1D400] =	vst v63  }
0x3f: {  	s6 =	simm.s32 $0x100  }
0x40: {  	[tilespmem:s20], [sflag:$0x2] =	stream.indirect.gather [hbm4b:s4+s18], $0x80, s6, s18, $0xb8;
	[tilespmem:$0x1D400] =	vst v63  }
0x41: {  	_ =	swait.ge [sflag:s21], $0x4000  }
0x42: {  	[sflag:s21] =	ssyncset.done $0x0  }
0x43: {  	[sflag:s21] =	ssyncadd.s32 $0xFFFFC000  }
0x44: {  	[spmem:s2] =	stream.indirect.scatter.add.f32 [tilespmem:s16], [sflag:$0x3], $0x80, s18, s18, $0xb8;
	[tilespmem:$0x1D400] =	vst v63  }
0x45: {  	_ =	swait.ge [sflag:s17], $0x4000  }
0x46: {  	[sflag:s17] =	ssyncset.done $0x0  }
0x47: {  	s7 =	simm.s32 $0x200;
	[sflag:s17] =	ssyncadd.s32 $0xFFFFC000  }
0x48: {  	[tilespmem:s16], [sflag:$0x1] =	stream.indirect.gather [hbm4b:s4+s18], $0x80, s7, s18, $0xb8;
	[tilespmem:$0x1D400] =	vst v63  }
0x49: {  	_ =	swait.ge [sflag:s23], $0x4000  }
0x4a: {  	[sflag:s23] =	ssyncset.done $0x0  }
0x4b: {  	s8 =	simm.s32 $0x180;
	[sflag:s23] =	ssyncadd.s32 $0xFFFFC000  }
0x4c: {  	[spmem:s2] =	stream.indirect.scatter.add.f32 [tilespmem:s20], [sflag:$0x3], $0x80, s8, s18, $0xb8;
	[tilespmem:$0x1D400] =	vst v63  }
0x4d: {  	_ =	swait.ge [sflag:s17], $0x4000  }
0x4e: {  	[sflag:s17] =	ssyncset.done $0x0  }
0x4f: {  	s9 =	simm.s32 $0x300;
	[sflag:s17] =	ssyncadd.s32 $0xFFFFC000  }
0x50: {  	[tilespmem:s20], [sflag:$0x2] =	stream.indirect.gather [hbm4b:s4+s18], $0x80, s9, s18, $0xb8;
	[tilespmem:$0x1D400] =	vst v63  }
0x51: {  	_ =	swait.ge [sflag:s21], $0x4000  }
0x52: {  	[sflag:s21] =	ssyncset.done $0x0  }
0x53: {  	s10 =	simm.s32 $0x280;
	[sflag:s21] =	ssyncadd.s32 $0xFFFFC000  }
0x54: {  	[spmem:s2] =	stream.indirect.scatter.add.f32 [tilespmem:s16], [sflag:$0x3], $0x80, s10, s18, $0xb8;
	[tilespmem:$0x1D400] =	vst v63  }
0x55: {  	_ =	swait.ge [sflag:s17], $0x4000  }
0x56: {  	[sflag:s17] =	ssyncset.done $0x0  }
0x57: {  	s11 =	simm.s32 $0x400;
	[sflag:s17] =	ssyncadd.s32 $0xFFFFC000  }
0x58: {  	[tilespmem:s16], [sflag:$0x1] =	stream.indirect.gather [hbm4b:s4+s18], $0x80, s11, s18, $0xb8;
	[tilespmem:$0x1D400] =	vst v63  }
0x59: {  	_ =	swait.ge [sflag:s23], $0x4000  }
0x5a: {  	[sflag:s23] =	ssyncset.done $0x0  }
0x5b: {  	s13 =	simm.s32 $0x380;
	[sflag:s23] =	ssyncadd.s32 $0xFFFFC000  }
0x5c: {  	[spmem:s2] =	stream.indirect.scatter.add.f32 [tilespmem:s20], [sflag:$0x3], $0x80, s13, s18, $0xb8;
	[tilespmem:$0x1D400] =	vst v63  }
0x5d: {  	_ =	swait.ge [sflag:s17], $0x4000  }
0x5e: {  	[sflag:s17] =	ssyncset.done $0x0  }
0x5f: {  	s14 =	simm.s32 $0x500;
	[sflag:s17] =	ssyncadd.s32 $0xFFFFC000  }
0x60: {  	[tilespmem:s20], [sflag:$0x2] =	stream.indirect.gather [hbm4b:s4+s18], $0x80, s14, s18, $0xb8;
	[tilespmem:$0x1D400] =	vst v63  }
0x61: {  	_ =	swait.ge [sflag:s21], $0x4000  }
0x62: {  	[sflag:s21] =	ssyncset.done $0x0  }
0x63: {  	s15 =	simm.s32 $0x480;
	[sflag:s21] =	ssyncadd.s32 $0xFFFFC000  }
0x64: {  	[spmem:s2] =	stream.indirect.scatter.add.f32 [tilespmem:s16], [sflag:$0x3], $0x80, s15, s18, $0xb8;
	[tilespmem:$0x1D400] =	vst v63  }
0x65: {  	_ =	swait.ge [sflag:s17], $0x4000  }
0x66: {  	[sflag:s17] =	ssyncset.done $0x0  }
0x67: {  	s19 =	simm.s32 $0x600;
	[sflag:s17] =	ssyncadd.s32 $0xFFFFC000  }
0x68: {  	[tilespmem:s16], [sflag:$0x1] =	stream.indirect.gather [hbm4b:s4+s18], $0x80, s19, s18, $0xb8;
	[tilespmem:$0x1D400] =	vst v63  }
0x69: {  	_ =	swait.ge [sflag:s23], $0x4000  }
0x6a: {  	[sflag:s23] =	ssyncset.done $0x0  }
0x6b: {  	s22 =	simm.s32 $0x580;
	[sflag:s23] =	ssyncadd.s32 $0xFFFFC000  }
0x6c: {  	[spmem:s2] =	stream.indirect.scatter.add.f32 [tilespmem:s20], [sflag:$0x3], $0x80, s22, s18, $0xb8;
	[tilespmem:$0x1D400] =	vst v63  }
0x6d: {  	_ =	swait.ge [sflag:s17], $0x4000  }
0x6e: {  	[sflag:s17] =	ssyncset.done $0x0  }
0x6f: {  	s24 =	simm.s32 $0x700;
	[sflag:s17] =	ssyncadd.s32 $0xFFFFC000  }
0x70: {  	[tilespmem:s20], [sflag:$0x2] =	stream.indirect.gather [hbm4b:s4+s18], $0x80, s24, s18, $0xb8;
	[tilespmem:$0x1D400] =	vst v63  }
0x71: {  	_ =	swait.ge [sflag:s21], $0x4000  }
0x72: {  	[sflag:s21] =	ssyncset.done $0x0  }
0x73: {  	s25 =	simm.s32 $0x680;
	[sflag:s21] =	ssyncadd.s32 $0xFFFFC000  }
0x74: {  	[spmem:s2] =	stream.indirect.scatter.add.f32 [tilespmem:s16], [sflag:$0x3], $0x80, s25, s18, $0xb8;
	[tilespmem:$0x1D400] =	vst v63  }
0x75: {  	_ =	swait.ge [sflag:s17], $0x4000  }
0x76: {  	[sflag:s17] =	ssyncset.done $0x0  }
0x77: {  	s26 =	simm.s32 $0x800;
	[sflag:s17] =	ssyncadd.s32 $0xFFFFC000  }
0x78: {  	[tilespmem:s16], [sflag:$0x1] =	stream.indirect.gather [hbm4b:s4+s18], $0x80, s26, s18, $0xb8;
	[tilespmem:$0x1D400] =	vst v63  }
0x79: {  	_ =	swait.ge [sflag:s23], $0x4000  }
0x7a: {  	[sflag:s23] =	ssyncset.done $0x0  }
0x7b: {  	s28 =	simm.s32 $0x780;
	[sflag:s23] =	ssyncadd.s32 $0xFFFFC000  }
0x7c: {  	[spmem:s2] =	stream.indirect.scatter.add.f32 [tilespmem:s20], [sflag:$0x3], $0x80, s28, s18, $0xb8;
	[tilespmem:$0x1D400] =	vst v63  }
0x7d: {  	_ =	swait.ge [sflag:s17], $0x4000  }
0x7e: {  	[sflag:s17] =	ssyncset.done $0x0  }
0x7f: {  	s31 =	simm.s32 $0x900;
	[sflag:s17] =	ssyncadd.s32 $0xFFFFC000  }
0x80: {  	[tilespmem:s20], [sflag:$0x2] =	stream.indirect.gather [hbm4b:s4+s18], $0x80, s31, s18, $0xb8;
	[tilespmem:$0x1D400] =	vst v63  }
0x81: {  	_ =	swait.ge [sflag:s21], $0x4000  }
0x82: {  	[sflag:s21] =	ssyncset.done $0x0  }
0x83: {  	s6 =	simm.s32 $0x880;
	[sflag:s21] =	ssyncadd.s32 $0xFFFFC000  }
0x84: {  	[spmem:s2] =	stream.indirect.scatter.add.f32 [tilespmem:s16], [sflag:$0x3], $0x80, s6, s18, $0xb8;
	[tilespmem:$0x1D400] =	vst v63  }
0x85: {  	_ =	swait.ge [sflag:s17], $0x4000  }
0x86: {  	[sflag:s17] =	ssyncset.done $0x0  }
0x87: {  	s7 =	simm.s32 $0xA00;
	[sflag:s17] =	ssyncadd.s32 $0xFFFFC000  }
0x88: {  	[tilespmem:s16], [sflag:$0x1] =	stream.indirect.gather [hbm4b:s4+s18], $0x80, s7, s18, $0xb8;
	[tilespmem:$0x1D400] =	vst v63  }
0x89: {  	_ =	swait.ge [sflag:s23], $0x4000  }
0x8a: {  	[sflag:s23] =	ssyncset.done $0x0  }
0x8b: {  	s8 =	simm.s32 $0x980;
	[sflag:s23] =	ssyncadd.s32 $0xFFFFC000  }
0x8c: {  	[spmem:s2] =	stream.indirect.scatter.add.f32 [tilespmem:s20], [sflag:$0x3], $0x80, s8, s18, $0xb8;
	[tilespmem:$0x1D400] =	vst v63  }
0x8d: {  	_ =	swait.ge [sflag:s17], $0x4000  }
0x8e: {  	[sflag:s17] =	ssyncset.done $0x0  }
0x8f: {  	s9 =	simm.s32 $0xB00;
	[sflag:s17] =	ssyncadd.s32 $0xFFFFC000  }
0x90: {  	[tilespmem:s20], [sflag:$0x2] =	stream.indirect.gather [hbm4b:s4+s18], $0x80, s9, s18, $0xb8;
	[tilespmem:$0x1D400] =	vst v63  }
0x91: {  	_ =	swait.ge [sflag:s21], $0x4000  }
0x92: {  	[sflag:s21] =	ssyncset.done $0x0  }
0x93: {  	s10 =	simm.s32 $0xA80;
	[sflag:s21] =	ssyncadd.s32 $0xFFFFC000  }
0x94: {  	[spmem:s2] =	stream.indirect.scatter.add.f32 [tilespmem:s16], [sflag:$0x3], $0x80, s10, s18, $0xb8;
	[tilespmem:$0x1D400] =	vst v63  }
0x95: {  	_ =	swait.ge [sflag:s17], $0x4000  }
0x96: {  	[sflag:s17] =	ssyncset.done $0x0  }
0x97: {  	s11 =	simm.s32 $0xC00;
	[sflag:s17] =	ssyncadd.s32 $0xFFFFC000  }
0x98: {  	[tilespmem:s16], [sflag:$0x1] =	stream.indirect.gather [hbm4b:s4+s18], $0x80, s11, s18, $0xb8;
	[tilespmem:$0x1D400] =	vst v63  }
0x99: {  	_ =	swait.ge [sflag:s23], $0x4000  }
0x9a: {  	[sflag:s23] =	ssyncset.done $0x0  }
0x9b: {  	s14 =	simm.s32 $0xB80;
	[sflag:s23] =	ssyncadd.s32 $0xFFFFC000  }
0x9c: {  	[spmem:s2] =	stream.indirect.scatter.add.f32 [tilespmem:s20], [sflag:$0x3], $0x80, s14, s18, $0xb8;
	[tilespmem:$0x1D400] =	vst v63  }
0x9d: {  	_ =	swait.ge [sflag:s17], $0x4000  }
0x9e: {  	[sflag:s17] =	ssyncset.done $0x0  }
0x9f: {  	s15 =	simm.s32 $0xD00;
	[sflag:s17] =	ssyncadd.s32 $0xFFFFC000  }
0xa0: {  	[tilespmem:s20], [sflag:$0x2] =	stream.indirect.gather [hbm4b:s4+s18], $0x80, s15, s18, $0xb8;
	[tilespmem:$0x1D400] =	vst v63  }
0xa1: {  	_ =	swait.ge [sflag:s21], $0x4000  }
0xa2: {  	[sflag:s21] =	ssyncset.done $0x0  }
0xa3: {  	s19 =	simm.s32 $0xC80;
	[sflag:s21] =	ssyncadd.s32 $0xFFFFC000  }
0xa4: {  	[spmem:s2] =	stream.indirect.scatter.add.f32 [tilespmem:s16], [sflag:$0x3], $0x80, s19, s18, $0xb8;
	[tilespmem:$0x1D400] =	vst v63  }
0xa5: {  	_ =	swait.ge [sflag:s17], $0x4000  }
0xa6: {  	[sflag:s17] =	ssyncset.done $0x0  }
0xa7: {  	s22 =	simm.s32 $0xE00;
	[sflag:s17] =	ssyncadd.s32 $0xFFFFC000  }
0xa8: {  	[tilespmem:s16], [sflag:$0x1] =	stream.indirect.gather [hbm4b:s4+s18], $0x80, s22, s18, $0xb8;
	[tilespmem:$0x1D400] =	vst v63  }
0xa9: {  	_ =	swait.ge [sflag:s23], $0x4000  }
0xaa: {  	[sflag:s23] =	ssyncset.done $0x0  }
0xab: {  	s24 =	simm.s32 $0xD80;
	[sflag:s23] =	ssyncadd.s32 $0xFFFFC000  }
0xac: {  	[spmem:s2] =	stream.indirect.scatter.add.f32 [tilespmem:s20], [sflag:$0x3], $0x80, s24, s18, $0xb8;
	[tilespmem:$0x1D400] =	vst v63  }
0xad: {  	_ =	swait.ge [sflag:s17], $0x4000  }
0xae: {  	[sflag:s17] =	ssyncset.done $0x0  }
0xaf: {  	s25 =	simm.s32 $0xF00;
	[sflag:s17] =	ssyncadd.s32 $0xFFFFC000  }
0xb0: {  	[tilespmem:s20], [sflag:$0x2] =	stream.indirect.gather [hbm4b:s4+s18], $0x80, s25, s18, $0xb8;
	[tilespmem:$0x1D400] =	vst v63  }
0xb1: {  	_ =	swait.ge [sflag:s21], $0x4000  }
0xb2: {  	[sflag:s21] =	ssyncset.done $0x0  }
0xb3: {  	s26 =	simm.s32 $0xE80;
	[sflag:s21] =	ssyncadd.s32 $0xFFFFC000  }
0xb4: {  	[spmem:s2] =	stream.indirect.scatter.add.f32 [tilespmem:s16], [sflag:$0x3], $0x80, s26, s18, $0xb8;
	[tilespmem:$0x1D400] =	vst v63  }
0xb5: {  	_ =	swait.ge [sflag:s17], $0x4000  }
0xb6: {  	[sflag:s17] =	ssyncset.done $0x0  }
0xb7: {  	s28 =	simm.s32 $0x1000;
	[sflag:s17] =	ssyncadd.s32 $0xFFFFC000  }
0xb8: {  	[tilespmem:s16], [sflag:$0x1] =	stream.indirect.gather [hbm4b:s4+s18], $0x80, s28, s18, $0xb8;
	[tilespmem:$0x1D400] =	vst v63  }
0xb9: {  	_ =	swait.ge [sflag:s23], $0x4000  }
0xba: {  	[sflag:s23] =	ssyncset.done $0x0  }
0xbb: {  	s0 =	simm.s32 $0xF80;
	[sflag:s23] =	ssyncadd.s32 $0xFFFFC000  }
0xbc: {  	[spmem:s2] =	stream.indirect.scatter.add.f32 [tilespmem:s20], [sflag:$0x3], $0x80, s0, s18, $0xb8;
	[tilespmem:$0x1D400] =	vst v63  }
0xbd: {  	_ =	swait.ge [sflag:s17], $0x4000  }
0xbe: {  	[sflag:s17] =	ssyncset.done $0x0  }
0xbf: {  	s6 =	simm.s32 $0x1100;
	[sflag:s17] =	ssyncadd.s32 $0xFFFFC000  }
0xc0: {  	[tilespmem:s20], [sflag:$0x2] =	stream.indirect.gather [hbm4b:s4+s18], $0x80, s6, s18, $0xb8;
	[tilespmem:$0x1D400] =	vst v63  }
0xc1: {  	_ =	swait.ge [sflag:s21], $0x4000  }
0xc2: {  	[sflag:s21] =	ssyncset.done $0x0  }
0xc3: {  	s7 =	simm.s32 $0x1080;
	[sflag:s21] =	ssyncadd.s32 $0xFFFFC000  }
0xc4: {  	[spmem:s2] =	stream.indirect.scatter.add.f32 [tilespmem:s16], [sflag:$0x3], $0x80, s7, s18, $0xb8;
	[tilespmem:$0x1D400] =	vst v63  }
0xc5: {  	_ =	swait.ge [sflag:s17], $0x4000  }
0xc6: {  	[sflag:s17] =	ssyncset.done $0x0  }
0xc7: {  	s8 =	simm.s32 $0x1200;
	[sflag:s17] =	ssyncadd.s32 $0xFFFFC000  }
0xc8: {  	[tilespmem:s16], [sflag:$0x1] =	stream.indirect.gather [hbm4b:s4+s18], $0x80, s8, s18, $0xb8;
	[tilespmem:$0x1D400] =	vst v63  }
0xc9: {  	_ =	swait.ge [sflag:s23], $0x4000  }
0xca: {  	[sflag:s23] =	ssyncset.done $0x0  }
0xcb: {  	s9 =	simm.s32 $0x1180;
	[sflag:s23] =	ssyncadd.s32 $0xFFFFC000  }
0xcc: {  	[spmem:s2] =	stream.indirect.scatter.add.f32 [tilespmem:s20], [sflag:$0x3], $0x80, s9, s18, $0xb8;
	[tilespmem:$0x1D400] =	vst v63  }
0xcd: {  	_ =	swait.ge [sflag:s17], $0x4000  }
0xce: {  	[sflag:s17] =	ssyncset.done $0x0  }
0xcf: {  	s10 =	simm.s32 $0x1300;
	[sflag:s17] =	ssyncadd.s32 $0xFFFFC000  }
0xd0: {  	[tilespmem:s20], [sflag:$0x2] =	stream.indirect.gather [hbm4b:s4+s18], $0x80, s10, s18, $0xb8;
	[tilespmem:$0x1D400] =	vst v63  }
0xd1: {  	_ =	swait.ge [sflag:s21], $0x4000  }
0xd2: {  	[sflag:s21] =	ssyncset.done $0x0  }
0xd3: {  	s11 =	simm.s32 $0x1280;
	[sflag:s21] =	ssyncadd.s32 $0xFFFFC000  }
0xd4: {  	[spmem:s2] =	stream.indirect.scatter.add.f32 [tilespmem:s16], [sflag:$0x3], $0x80, s11, s18, $0xb8;
	[tilespmem:$0x1D400] =	vst v63  }
0xd5: {  	_ =	swait.ge [sflag:s17], $0x4000  }
0xd6: {  	[sflag:s17] =	ssyncset.done $0x0  }
0xd7: {  	[sflag:s17] =	ssyncadd.s32 $0xFFFFC000  }
0xd8: {  	_ =	swait.ge [sflag:s23], $0x4000  }
0xd9: {  	[sflag:s23] =	ssyncset.done $0x0  }
0xda: {  	s14 =	simm.s32 $0x1380;
	[sflag:s23] =	ssyncadd.s32 $0xFFFFC000  }
0xdb: {  	[spmem:s2] =	stream.indirect.scatter.add.f32 [tilespmem:s20], [sflag:$0x3], $0x80, s14, s18, $0xb8;
	[tilespmem:$0x1D400] =	vst v63  }
0xdc: {  	_ =	swait.ge [sflag:s17], $0x4000  }
0xdd: {  	[sflag:s17] =	ssyncset.done $0x0  }
0xde: {  	s15 =	rddreg [dreg:$0x4];
	[sflag:s17] =	ssyncadd.s32 $0xFFFFC000  }
0xdf: {  	[tilespmem:s1], [sflag:$0x3] =	stream.linear.gather [hbm4b:s15+s1], $0x1400, $0x38;
	[tilespmem:$0x1D400] =	vst v63  }
0xe0: {  	_ =	swait.ge [sflag:s17], $0x1400  }
0xe1: {  	[sflag:s17] =	ssyncset.done $0x0  }
0xe2: {  	[sflag:s17] =	ssyncadd.s32 $0xFFFFEC00  }
0xe3: {  	[tilespmem:s16], [sflag:$0x1] =	stream.indirect.gather [hbm4b:s4+s18], $0x80, s1, s18, $0xb8;
	[tilespmem:$0x1D400] =	vst v63  }
0xe4: {  	s5 =	simm.s32 $0x100  }
0xe5: {  	[tilespmem:s20], [sflag:$0x2] =	stream.indirect.gather [hbm4b:s4+s18], $0x80, s5, s18, $0xb8;
	[tilespmem:$0x1D400] =	vst v63  }
0xe6: {  	_ =	swait.ge [sflag:s21], $0x4000  }
0xe7: {  	[sflag:s21] =	ssyncset.done $0x0  }
0xe8: {  	[sflag:s21] =	ssyncadd.s32 $0xFFFFC000  }
0xe9: {  	[spmem:s2] =	stream.indirect.scatter.add.f32 [tilespmem:s16], [sflag:$0x3], $0x80, s18, s18, $0xb8;
	[tilespmem:$0x1D400] =	vst v63  }
0xea: {  	_ =	swait.ge [sflag:s17], $0x4000  }
0xeb: {  	[sflag:s17] =	ssyncset.done $0x0  }
0xec: {  	s30 =	simm.s32 $0x200;
	[sflag:s17] =	ssyncadd.s32 $0xFFFFC000  }
0xed: {  	[tilespmem:s16], [sflag:$0x1] =	stream.indirect.gather [hbm4b:s4+s18], $0x80, s30, s18, $0xb8;
	[tilespmem:$0x1D400] =	vst v63  }
0xee: {  	_ =	swait.ge [sflag:s23], $0x4000  }
0xef: {  	[sflag:s23] =	ssyncset.done $0x0  }
0xf0: {  	s3 =	simm.s32 $0x180;
	[sflag:s23] =	ssyncadd.s32 $0xFFFFC000  }
0xf1: {  	[spmem:s2] =	stream.indirect.scatter.add.f32 [tilespmem:s20], [sflag:$0x3], $0x80, s3, s18, $0xb8;
	[tilespmem:$0x1D400] =	vst v63  }
0xf2: {  	_ =	swait.ge [sflag:s17], $0x4000  }
0xf3: {  	[sflag:s17] =	ssyncset.done $0x0  }
0xf4: {  	s6 =	simm.s32 $0x300;
	[sflag:s17] =	ssyncadd.s32 $0xFFFFC000  }
0xf5: {  	[tilespmem:s20], [sflag:$0x2] =	stream.indirect.gather [hbm4b:s4+s18], $0x80, s6, s18, $0xb8;
	[tilespmem:$0x1D400] =	vst v63  }
0xf6: {  	_ =	swait.ge [sflag:s21], $0x4000  }
0xf7: {  	[sflag:s21] =	ssyncset.done $0x0  }
0xf8: {  	s7 =	simm.s32 $0x280;
	[sflag:s21] =	ssyncadd.s32 $0xFFFFC000  }
0xf9: {  	[spmem:s2] =	stream.indirect.scatter.add.f32 [tilespmem:s16], [sflag:$0x3], $0x80, s7, s18, $0xb8;
	[tilespmem:$0x1D400] =	vst v63  }
0xfa: {  	_ =	swait.ge [sflag:s17], $0x4000  }
0xfb: {  	[sflag:s17] =	ssyncset.done $0x0  }
0xfc: {  	s8 =	simm.s32 $0x400;
	[sflag:s17] =	ssyncadd.s32 $0xFFFFC000  }
0xfd: {  	[tilespmem:s16], [sflag:$0x1] =	stream.indirect.gather [hbm4b:s4+s18], $0x80, s8, s18, $0xb8;
	[tilespmem:$0x1D400] =	vst v63  }
0xfe: {  	_ =	swait.ge [sflag:s23], $0x4000  }
0xff: {  	[sflag:s23] =	ssyncset.done $0x0  }
0x100: {  	s9 =	simm.s32 $0x380;
	[sflag:s23] =	ssyncadd.s32 $0xFFFFC000  }
0x101: {  	[spmem:s2] =	stream.indirect.scatter.add.f32 [tilespmem:s20], [sflag:$0x3], $0x80, s9, s18, $0xb8;
	[tilespmem:$0x1D400] =	vst v63  }
0x102: {  	_ =	swait.ge [sflag:s17], $0x4000  }
0x103: {  	[sflag:s17] =	ssyncset.done $0x0  }
0x104: {  	s10 =	simm.s32 $0x500;
	[sflag:s17] =	ssyncadd.s32 $0xFFFFC000  }
0x105: {  	[tilespmem:s20], [sflag:$0x2] =	stream.indirect.gather [hbm4b:s4+s18], $0x80, s10, s18, $0xb8;
	[tilespmem:$0x1D400] =	vst v63  }
0x106: {  	_ =	swait.ge [sflag:s21], $0x4000  }
0x107: {  	[sflag:s21] =	ssyncset.done $0x0  }
0x108: {  	s11 =	simm.s32 $0x480;
	[sflag:s21] =	ssyncadd.s32 $0xFFFFC000  }
0x109: {  	[spmem:s2] =	stream.indirect.scatter.add.f32 [tilespmem:s16], [sflag:$0x3], $0x80, s11, s18, $0xb8;
	[tilespmem:$0x1D400] =	vst v63  }
0x10a: {  	_ =	swait.ge [sflag:s17], $0x4000  }
0x10b: {  	[sflag:s17] =	ssyncset.done $0x0  }
0x10c: {  	s14 =	simm.s32 $0x600;
	[sflag:s17] =	ssyncadd.s32 $0xFFFFC000  }
0x10d: {  	[tilespmem:s16], [sflag:$0x1] =	stream.indirect.gather [hbm4b:s4+s18], $0x80, s14, s18, $0xb8;
	[tilespmem:$0x1D400] =	vst v63  }
0x10e: {  	_ =	swait.ge [sflag:s23], $0x4000  }
0x10f: {  	[sflag:s23] =	ssyncset.done $0x0  }
0x110: {  	s15 =	simm.s32 $0x580;
	[sflag:s23] =	ssyncadd.s32 $0xFFFFC000  }
0x111: {  	[spmem:s2] =	stream.indirect.scatter.add.f32 [tilespmem:s20], [sflag:$0x3], $0x80, s15, s18, $0xb8;
	[tilespmem:$0x1D400] =	vst v63  }
0x112: {  	_ =	swait.ge [sflag:s17], $0x4000  }
0x113: {  	[sflag:s17] =	ssyncset.done $0x0  }
0x114: {  	s29 =	simm.s32 $0x700;
	[sflag:s17] =	ssyncadd.s32 $0xFFFFC000  }
0x115: {  	[tilespmem:s20], [sflag:$0x2] =	stream.indirect.gather [hbm4b:s4+s18], $0x80, s29, s18, $0xb8;
	[tilespmem:$0x1D400] =	vst v63  }
0x116: {  	_ =	swait.ge [sflag:s21], $0x4000  }
0x117: {  	[sflag:s21] =	ssyncset.done $0x0  }
0x118: {  	s29 =	simm.s32 $0x680;
	[sflag:s21] =	ssyncadd.s32 $0xFFFFC000  }
0x119: {  	[spmem:s2] =	stream.indirect.scatter.add.f32 [tilespmem:s16], [sflag:$0x3], $0x80, s29, s18, $0xb8;
	[tilespmem:$0x1D400] =	vst v63  }
0x11a: {  	_ =	swait.ge [sflag:s17], $0x4000  }
0x11b: {  	[sflag:s17] =	ssyncset.done $0x0  }
0x11c: {  	s30 =	simm.s32 $0x800;
	[sflag:s17] =	ssyncadd.s32 $0xFFFFC000  }
0x11d: {  	[tilespmem:s16], [sflag:$0x1] =	stream.indirect.gather [hbm4b:s4+s18], $0x80, s30, s18, $0xb8;
	[tilespmem:$0x1D400] =	vst v63  }
0x11e: {  	_ =	swait.ge [sflag:s23], $0x4000  }
0x11f: {  	[sflag:s23] =	ssyncset.done $0x0  }
0x120: {  	s0 =	simm.s32 $0x780;
	[sflag:s23] =	ssyncadd.s32 $0xFFFFC000  }
0x121: {  	[spmem:s2] =	stream.indirect.scatter.add.f32 [tilespmem:s20], [sflag:$0x3], $0x80, s0, s18, $0xb8;
	[tilespmem:$0x1D400] =	vst v63  }
0x122: {  	_ =	swait.ge [sflag:s17], $0x4000  }
0x123: {  	[sflag:s17] =	ssyncset.done $0x0  }
0x124: {  	s31 =	simm.s32 $0x900;
	[sflag:s17] =	ssyncadd.s32 $0xFFFFC000  }
0x125: {  	[tilespmem:s20], [sflag:$0x2] =	stream.indirect.gather [hbm4b:s4+s18], $0x80, s31, s18, $0xb8;
	[tilespmem:$0x1D400] =	vst v63  }
0x126: {  	_ =	swait.ge [sflag:s21], $0x4000  }
0x127: {  	[sflag:s21] =	ssyncset.done $0x0  }
0x128: {  	s3 =	simm.s32 $0x880;
	[sflag:s21] =	ssyncadd.s32 $0xFFFFC000  }
0x129: {  	[spmem:s2] =	stream.indirect.scatter.add.f32 [tilespmem:s16], [sflag:$0x3], $0x80, s3, s18, $0xb8;
	[tilespmem:$0x1D400] =	vst v63  }
0x12a: {  	_ =	swait.ge [sflag:s17], $0x4000  }
0x12b: {  	[sflag:s17] =	ssyncset.done $0x0  }
0x12c: {  	s31 =	simm.s32 $0xA00;
	[sflag:s17] =	ssyncadd.s32 $0xFFFFC000  }
0x12d: {  	[tilespmem:s16], [sflag:$0x1] =	stream.indirect.gather [hbm4b:s4+s18], $0x80, s31, s18, $0xb8;
	[tilespmem:$0x1D400] =	vst v63  }
0x12e: {  	_ =	swait.ge [sflag:s23], $0x4000  }
0x12f: {  	[sflag:s23] =	ssyncset.done $0x0  }
0x130: {  	s5 =	simm.s32 $0x980;
	[sflag:s23] =	ssyncadd.s32 $0xFFFFC000  }
0x131: {  	[spmem:s2] =	stream.indirect.scatter.add.f32 [tilespmem:s20], [sflag:$0x3], $0x80, s5, s18, $0xb8;
	[tilespmem:$0x1D400] =	vst v63  }
0x132: {  	_ =	swait.ge [sflag:s17], $0x4000  }
0x133: {  	[sflag:s17] =	ssyncset.done $0x0  }
0x134: {  	s13 =	simm.s32 $0xB00;
	[sflag:s17] =	ssyncadd.s32 $0xFFFFC000  }
0x135: {  	[tilespmem:s20], [sflag:$0x2] =	stream.indirect.gather [hbm4b:s4+s18], $0x80, s13, s18, $0xb8;
	[tilespmem:$0x1D400] =	vst v63  }
0x136: {  	_ =	swait.ge [sflag:s21], $0x4000  }
0x137: {  	[sflag:s21] =	ssyncset.done $0x0  }
0x138: {  	s13 =	simm.s32 $0xA80;
	[sflag:s21] =	ssyncadd.s32 $0xFFFFC000  }
0x139: {  	[spmem:s2] =	stream.indirect.scatter.add.f32 [tilespmem:s16], [sflag:$0x3], $0x80, s13, s18, $0xb8;
	[tilespmem:$0x1D400] =	vst v63  }
0x13a: {  	_ =	swait.ge [sflag:s17], $0x4000  }
0x13b: {  	[sflag:s17] =	ssyncset.done $0x0  }
0x13c: {  	s13 =	simm.s32 $0xC00;
	[sflag:s17] =	ssyncadd.s32 $0xFFFFC000  }
0x13d: {  	[tilespmem:s16], [sflag:$0x1] =	stream.indirect.gather [hbm4b:s4+s18], $0x80, s13, s18, $0xb8;
	[tilespmem:$0x1D400] =	vst v63  }
0x13e: {  	_ =	swait.ge [sflag:s23], $0x4000  }
0x13f: {  	[sflag:s23] =	ssyncset.done $0x0  }
0x140: {  	s13 =	simm.s32 $0xB80;
	[sflag:s23] =	ssyncadd.s32 $0xFFFFC000  }
0x141: {  	[spmem:s2] =	stream.indirect.scatter.add.f32 [tilespmem:s20], [sflag:$0x3], $0x80, s13, s18, $0xb8;
	[tilespmem:$0x1D400] =	vst v63  }
0x142: {  	_ =	swait.ge [sflag:s17], $0x4000  }
0x143: {  	[sflag:s17] =	ssyncset.done $0x0  }
0x144: {  	s13 =	simm.s32 $0xD00;
	[sflag:s17] =	ssyncadd.s32 $0xFFFFC000  }
0x145: {  	[tilespmem:s20], [sflag:$0x2] =	stream.indirect.gather [hbm4b:s4+s18], $0x80, s13, s18, $0xb8;
	[tilespmem:$0x1D400] =	vst v63  }
0x146: {  	_ =	swait.ge [sflag:s21], $0x4000  }
0x147: {  	[sflag:s21] =	ssyncset.done $0x0  }
0x148: {  	s13 =	simm.s32 $0xC80;
	[sflag:s21] =	ssyncadd.s32 $0xFFFFC000  }
0x149: {  	[spmem:s2] =	stream.indirect.scatter.add.f32 [tilespmem:s16], [sflag:$0x3], $0x80, s13, s18, $0xb8;
	[tilespmem:$0x1D400] =	vst v63  }
0x14a: {  	_ =	swait.ge [sflag:s17], $0x4000  }
0x14b: {  	[sflag:s17] =	ssyncset.done $0x0  }
0x14c: {  	s13 =	simm.s32 $0xE00;
	[sflag:s17] =	ssyncadd.s32 $0xFFFFC000  }
0x14d: {  	[tilespmem:s16], [sflag:$0x1] =	stream.indirect.gather [hbm4b:s4+s18], $0x80, s13, s18, $0xb8;
	[tilespmem:$0x1D400] =	vst v63  }
0x14e: {  	_ =	swait.ge [sflag:s23], $0x4000  }
0x14f: {  	[sflag:s23] =	ssyncset.done $0x0  }
0x150: {  	s13 =	simm.s32 $0xD80;
	[sflag:s23] =	ssyncadd.s32 $0xFFFFC000  }
0x151: {  	[spmem:s2] =	stream.indirect.scatter.add.f32 [tilespmem:s20], [sflag:$0x3], $0x80, s13, s18, $0xb8;
	[tilespmem:$0x1D400] =	vst v63  }
0x152: {  	_ =	swait.ge [sflag:s17], $0x4000  }
0x153: {  	[sflag:s17] =	ssyncset.done $0x0  }
0x154: {  	s13 =	simm.s32 $0xF00;
	[sflag:s17] =	ssyncadd.s32 $0xFFFFC000  }
0x155: {  	[tilespmem:s20], [sflag:$0x2] =	stream.indirect.gather [hbm4b:s4+s18], $0x80, s13, s18, $0xb8;
	[tilespmem:$0x1D400] =	vst v63  }
0x156: {  	_ =	swait.ge [sflag:s21], $0x4000  }
0x157: {  	[sflag:s21] =	ssyncset.done $0x0  }
0x158: {  	s13 =	simm.s32 $0xE80;
	[sflag:s21] =	ssyncadd.s32 $0xFFFFC000  }
0x159: {  	[spmem:s2] =	stream.indirect.scatter.add.f32 [tilespmem:s16], [sflag:$0x3], $0x80, s13, s18, $0xb8;
	[tilespmem:$0x1D400] =	vst v63  }
0x15a: {  	_ =	swait.ge [sflag:s17], $0x4000  }
0x15b: {  	[sflag:s17] =	ssyncset.done $0x0  }
0x15c: {  	s13 =	simm.s32 $0x1000;
	[sflag:s17] =	ssyncadd.s32 $0xFFFFC000  }
0x15d: {  	[tilespmem:s16], [sflag:$0x1] =	stream.indirect.gather [hbm4b:s4+s18], $0x80, s13, s18, $0xb8;
	[tilespmem:$0x1D400] =	vst v63  }
0x15e: {  	_ =	swait.ge [sflag:s23], $0x4000  }
0x15f: {  	[sflag:s23] =	ssyncset.done $0x0  }
0x160: {  	s13 =	simm.s32 $0xF80;
	[sflag:s23] =	ssyncadd.s32 $0xFFFFC000  }
0x161: {  	[spmem:s2] =	stream.indirect.scatter.add.f32 [tilespmem:s20], [sflag:$0x3], $0x80, s13, s18, $0xb8;
	[tilespmem:$0x1D400] =	vst v63  }
0x162: {  	_ =	swait.ge [sflag:s17], $0x4000  }
0x163: {  	[sflag:s17] =	ssyncset.done $0x0  }
0x164: {  	s13 =	simm.s32 $0x1100;
	[sflag:s17] =	ssyncadd.s32 $0xFFFFC000  }
0x165: {  	[tilespmem:s20], [sflag:$0x2] =	stream.indirect.gather [hbm4b:s4+s18], $0x80, s13, s18, $0xb8;
	[tilespmem:$0x1D400] =	vst v63  }
0x166: {  	_ =	swait.ge [sflag:s21], $0x4000  }
0x167: {  	[sflag:s21] =	ssyncset.done $0x0  }
0x168: {  	s19 =	simm.s32 $0x1080;
	[sflag:s21] =	ssyncadd.s32 $0xFFFFC000  }
0x169: {  	[spmem:s2] =	stream.indirect.scatter.add.f32 [tilespmem:s16], [sflag:$0x3], $0x80, s19, s18, $0xb8;
	[tilespmem:$0x1D400] =	vst v63  }
0x16a: {  	_ =	swait.ge [sflag:s17], $0x4000  }
0x16b: {  	[sflag:s17] =	ssyncset.done $0x0  }
0x16c: {  	s22 =	simm.s32 $0x1200;
	[sflag:s17] =	ssyncadd.s32 $0xFFFFC000  }
0x16d: {  	[tilespmem:s16], [sflag:$0x1] =	stream.indirect.gather [hbm4b:s4+s18], $0x80, s22, s18, $0xb8;
	[tilespmem:$0x1D400] =	vst v63  }
0x16e: {  	_ =	swait.ge [sflag:s23], $0x4000  }
0x16f: {  	[sflag:s23] =	ssyncset.done $0x0  }
0x170: {  	s24 =	simm.s32 $0x1180;
	[sflag:s23] =	ssyncadd.s32 $0xFFFFC000  }
0x171: {  	[spmem:s2] =	stream.indirect.scatter.add.f32 [tilespmem:s20], [sflag:$0x3], $0x80, s24, s18, $0xb8;
	[tilespmem:$0x1D400] =	vst v63  }
0x172: {  	_ =	swait.ge [sflag:s17], $0x4000  }
0x173: {  	[sflag:s17] =	ssyncset.done $0x0  }
0x174: {  	s25 =	simm.s32 $0x1300;
	[sflag:s17] =	ssyncadd.s32 $0xFFFFC000  }
0x175: {  	[tilespmem:s20], [sflag:$0x2] =	stream.indirect.gather [hbm4b:s4+s18], $0x80, s25, s18, $0xb8;
	[tilespmem:$0x1D400] =	vst v63  }
0x176: {  	_ =	swait.ge [sflag:s21], $0x4000  }
0x177: {  	[sflag:s21] =	ssyncset.done $0x0  }
0x178: {  	s26 =	simm.s32 $0x1280;
	[sflag:s21] =	ssyncadd.s32 $0xFFFFC000  }
0x179: {  	[spmem:s2] =	stream.indirect.scatter.add.f32 [tilespmem:s16], [sflag:$0x3], $0x80, s26, s18, $0xb8;
	[tilespmem:$0x1D400] =	vst v63  }
0x17a: {  	_ =	swait.ge [sflag:s17], $0x4000  }
0x17b: {  	[sflag:s17] =	ssyncset.done $0x0  }
0x17c: {  	[sflag:s17] =	ssyncadd.s32 $0xFFFFC000  }
0x17d: {  	_ =	swait.ge [sflag:s23], $0x4000  }
0x17e: {  	[sflag:s23] =	ssyncset.done $0x0  }
0x17f: {  	s28 =	simm.s32 $0x1380;
	[sflag:s23] =	ssyncadd.s32 $0xFFFFC000  }
0x180: {  	[spmem:s2] =	stream.indirect.scatter.add.f32 [tilespmem:s20], [sflag:$0x3], $0x80, s28, s18, $0xb8;
	[tilespmem:$0x1D400] =	vst v63  }
0x181: {  	_ =	swait.ge [sflag:s17], $0x4000  }
0x182: {  	[sflag:s17] =	ssyncset.done $0x0  }
0x183: {  	s26 =	rddreg [dreg:$0x5];
	[sflag:s17] =	ssyncadd.s32 $0xFFFFC000  }
0x184: {  	[tilespmem:s1], [sflag:$0x3] =	stream.linear.gather [hbm4b:s26+s1], $0x1400, $0x38;
	[tilespmem:$0x1D400] =	vst v63  }
0x185: {  	_ =	swait.ge [sflag:s17], $0x1400  }
0x186: {  	[sflag:s17] =	ssyncset.done $0x0  }
0x187: {  	[sflag:s17] =	ssyncadd.s32 $0xFFFFEC00  }
0x188: {  	[tilespmem:s16], [sflag:$0x1] =	stream.indirect.gather [hbm4b:s4+s18], $0x80, s1, s18, $0xb8;
	[tilespmem:$0x1D400] =	vst v63  }
0x189: {  	s28 =	simm.s32 $0x100  }
0x18a: {  	[tilespmem:s20], [sflag:$0x2] =	stream.indirect.gather [hbm4b:s4+s18], $0x80, s28, s18, $0xb8;
	[tilespmem:$0x1D400] =	vst v63  }
0x18b: {  	_ =	swait.ge [sflag:s21], $0x4000  }
0x18c: {  	[sflag:s21] =	ssyncset.done $0x0  }
0x18d: {  	[sflag:s21] =	ssyncadd.s32 $0xFFFFC000  }
0x18e: {  	[spmem:s2] =	stream.indirect.scatter.add.f32 [tilespmem:s16], [sflag:$0x3], $0x80, s18, s18, $0xb8;
	[tilespmem:$0x1D400] =	vst v63  }
0x18f: {  	_ =	swait.ge [sflag:s17], $0x4000  }
0x190: {  	[sflag:s17] =	ssyncset.done $0x0  }
0x191: {  	s19 =	simm.s32 $0x200;
	[sflag:s17] =	ssyncadd.s32 $0xFFFFC000  }
0x192: {  	[tilespmem:s16], [sflag:$0x1] =	stream.indirect.gather [hbm4b:s4+s18], $0x80, s19, s18, $0xb8;
	[tilespmem:$0x1D400] =	vst v63  }
0x193: {  	_ =	swait.ge [sflag:s23], $0x4000  }
0x194: {  	[sflag:s23] =	ssyncset.done $0x0  }
0x195: {  	s22 =	simm.s32 $0x180;
	[sflag:s23] =	ssyncadd.s32 $0xFFFFC000  }
0x196: {  	[spmem:s2] =	stream.indirect.scatter.add.f32 [tilespmem:s20], [sflag:$0x3], $0x80, s22, s18, $0xb8;
	[tilespmem:$0x1D400] =	vst v63  }
0x197: {  	_ =	swait.ge [sflag:s17], $0x4000  }
0x198: {  	[sflag:s17] =	ssyncset.done $0x0  }
0x199: {  	[sflag:s17] =	ssyncadd.s32 $0xFFFFC000  }
0x19a: {  	[tilespmem:s20], [sflag:$0x2] =	stream.indirect.gather [hbm4b:s4+s18], $0x80, s6, s18, $0xb8;
	[tilespmem:$0x1D400] =	vst v63  }
0x19b: {  	_ =	swait.ge [sflag:s21], $0x4000  }
0x19c: {  	[sflag:s21] =	ssyncset.done $0x0  }
0x19d: {  	[sflag:s21] =	ssyncadd.s32 $0xFFFFC000  }
0x19e: {  	[spmem:s2] =	stream.indirect.scatter.add.f32 [tilespmem:s16], [sflag:$0x3], $0x80, s7, s18, $0xb8;
	[tilespmem:$0x1D400] =	vst v63  }
0x19f: {  	_ =	swait.ge [sflag:s17], $0x4000  }
0x1a0: {  	[sflag:s17] =	ssyncset.done $0x0  }
0x1a1: {  	[sflag:s17] =	ssyncadd.s32 $0xFFFFC000  }
0x1a2: {  	[tilespmem:s16], [sflag:$0x1] =	stream.indirect.gather [hbm4b:s4+s18], $0x80, s8, s18, $0xb8;
	[tilespmem:$0x1D400] =	vst v63  }
0x1a3: {  	_ =	swait.ge [sflag:s23], $0x4000  }
0x1a4: {  	[sflag:s23] =	ssyncset.done $0x0  }
0x1a5: {  	[sflag:s23] =	ssyncadd.s32 $0xFFFFC000  }
0x1a6: {  	[spmem:s2] =	stream.indirect.scatter.add.f32 [tilespmem:s20], [sflag:$0x3], $0x80, s9, s18, $0xb8;
	[tilespmem:$0x1D400] =	vst v63  }
0x1a7: {  	_ =	swait.ge [sflag:s17], $0x4000  }
0x1a8: {  	[sflag:s17] =	ssyncset.done $0x0  }
0x1a9: {  	[sflag:s17] =	ssyncadd.s32 $0xFFFFC000  }
0x1aa: {  	[tilespmem:s20], [sflag:$0x2] =	stream.indirect.gather [hbm4b:s4+s18], $0x80, s10, s18, $0xb8;
	[tilespmem:$0x1D400] =	vst v63  }
0x1ab: {  	_ =	swait.ge [sflag:s21], $0x4000  }
0x1ac: {  	[sflag:s21] =	ssyncset.done $0x0  }
0x1ad: {  	[sflag:s21] =	ssyncadd.s32 $0xFFFFC000  }
0x1ae: {  	[spmem:s2] =	stream.indirect.scatter.add.f32 [tilespmem:s16], [sflag:$0x3], $0x80, s11, s18, $0xb8;
	[tilespmem:$0x1D400] =	vst v63  }
0x1af: {  	_ =	swait.ge [sflag:s17], $0x4000  }
0x1b0: {  	[sflag:s17] =	ssyncset.done $0x0  }
0x1b1: {  	[sflag:s17] =	ssyncadd.s32 $0xFFFFC000  }
0x1b2: {  	[tilespmem:s16], [sflag:$0x1] =	stream.indirect.gather [hbm4b:s4+s18], $0x80, s14, s18, $0xb8;
	[tilespmem:$0x1D400] =	vst v63  }
0x1b3: {  	_ =	swait.ge [sflag:s23], $0x4000  }
0x1b4: {  	[sflag:s23] =	ssyncset.done $0x0  }
0x1b5: {  	[sflag:s23] =	ssyncadd.s32 $0xFFFFC000  }
0x1b6: {  	[spmem:s2] =	stream.indirect.scatter.add.f32 [tilespmem:s20], [sflag:$0x3], $0x80, s15, s18, $0xb8;
	[tilespmem:$0x1D400] =	vst v63  }
0x1b7: {  	_ =	swait.ge [sflag:s17], $0x4000  }
0x1b8: {  	[sflag:s17] =	ssyncset.done $0x0  }
0x1b9: {  	s24 =	simm.s32 $0x700;
	[sflag:s17] =	ssyncadd.s32 $0xFFFFC000  }
0x1ba: {  	[tilespmem:s20], [sflag:$0x2] =	stream.indirect.gather [hbm4b:s4+s18], $0x80, s24, s18, $0xb8;
	[tilespmem:$0x1D400] =	vst v63  }
0x1bb: {  	_ =	swait.ge [sflag:s21], $0x4000  }
0x1bc: {  	[sflag:s21] =	ssyncset.done $0x0  }
0x1bd: {  	[sflag:s21] =	ssyncadd.s32 $0xFFFFC000  }
0x1be: {  	[spmem:s2] =	stream.indirect.scatter.add.f32 [tilespmem:s16], [sflag:$0x3], $0x80, s29, s18, $0xb8;
	[tilespmem:$0x1D400] =	vst v63  }
0x1bf: {  	_ =	swait.ge [sflag:s17], $0x4000  }
0x1c0: {  	[sflag:s17] =	ssyncset.done $0x0  }
0x1c1: {  	[sflag:s17] =	ssyncadd.s32 $0xFFFFC000  }
0x1c2: {  	[tilespmem:s16], [sflag:$0x1] =	stream.indirect.gather [hbm4b:s4+s18], $0x80, s30, s18, $0xb8;
	[tilespmem:$0x1D400] =	vst v63  }
0x1c3: {  	_ =	swait.ge [sflag:s23], $0x4000  }
0x1c4: {  	[sflag:s23] =	ssyncset.done $0x0  }
0x1c5: {  	[sflag:s23] =	ssyncadd.s32 $0xFFFFC000  }
0x1c6: {  	[spmem:s2] =	stream.indirect.scatter.add.f32 [tilespmem:s20], [sflag:$0x3], $0x80, s0, s18, $0xb8;
	[tilespmem:$0x1D400] =	vst v63  }
0x1c7: {  	_ =	swait.ge [sflag:s17], $0x4000  }
0x1c8: {  	[sflag:s17] =	ssyncset.done $0x0  }
0x1c9: {  	s25 =	simm.s32 $0x900;
	[sflag:s17] =	ssyncadd.s32 $0xFFFFC000  }
0x1ca: {  	[tilespmem:s20], [sflag:$0x2] =	stream.indirect.gather [hbm4b:s4+s18], $0x80, s25, s18, $0xb8;
	[tilespmem:$0x1D400] =	vst v63  }
0x1cb: {  	_ =	swait.ge [sflag:s21], $0x4000  }
0x1cc: {  	[sflag:s21] =	ssyncset.done $0x0  }
0x1cd: {  	[sflag:s21] =	ssyncadd.s32 $0xFFFFC000  }
0x1ce: {  	[spmem:s2] =	stream.indirect.scatter.add.f32 [tilespmem:s16], [sflag:$0x3], $0x80, s3, s18, $0xb8;
	[tilespmem:$0x1D400] =	vst v63  }
0x1cf: {  	_ =	swait.ge [sflag:s17], $0x4000  }
0x1d0: {  	[sflag:s17] =	ssyncset.done $0x0  }
0x1d1: {  	[sflag:s17] =	ssyncadd.s32 $0xFFFFC000  }
0x1d2: {  	[tilespmem:s16], [sflag:$0x1] =	stream.indirect.gather [hbm4b:s4+s18], $0x80, s31, s18, $0xb8;
	[tilespmem:$0x1D400] =	vst v63  }
0x1d3: {  	_ =	swait.ge [sflag:s23], $0x4000  }
0x1d4: {  	[sflag:s23] =	ssyncset.done $0x0  }
0x1d5: {  	[sflag:s23] =	ssyncadd.s32 $0xFFFFC000  }
0x1d6: {  	[spmem:s2] =	stream.indirect.scatter.add.f32 [tilespmem:s20], [sflag:$0x3], $0x80, s5, s18, $0xb8;
	[tilespmem:$0x1D400] =	vst v63  }
0x1d7: {  	_ =	swait.ge [sflag:s17], $0x4000  }
0x1d8: {  	[sflag:s17] =	ssyncset.done $0x0  }
0x1d9: {  	s26 =	simm.s32 $0xB00;
	[sflag:s17] =	ssyncadd.s32 $0xFFFFC000  }
0x1da: {  	[tilespmem:s20], [sflag:$0x2] =	stream.indirect.gather [hbm4b:s4+s18], $0x80, s26, s18, $0xb8;
	[tilespmem:$0x1D400] =	vst v63  }
0x1db: {  	_ =	swait.ge [sflag:s21], $0x4000  }
0x1dc: {  	[sflag:s21] =	ssyncset.done $0x0  }
0x1dd: {  	s31 =	simm.s32 $0xA80;
	[sflag:s21] =	ssyncadd.s32 $0xFFFFC000  }
0x1de: {  	[spmem:s2] =	stream.indirect.scatter.add.f32 [tilespmem:s16], [sflag:$0x3], $0x80, s31, s18, $0xb8;
	[tilespmem:$0x1D400] =	vst v63  }
0x1df: {  	_ =	swait.ge [sflag:s17], $0x4000  }
0x1e0: {  	[sflag:s17] =	ssyncset.done $0x0  }
0x1e1: {  	s19 =	simm.s32 $0xC00;
	[sflag:s17] =	ssyncadd.s32 $0xFFFFC000  }
0x1e2: {  	[tilespmem:s16], [sflag:$0x1] =	stream.indirect.gather [hbm4b:s4+s18], $0x80, s19, s18, $0xb8;
	[tilespmem:$0x1D400] =	vst v63  }
0x1e3: {  	_ =	swait.ge [sflag:s23], $0x4000  }
0x1e4: {  	[sflag:s23] =	ssyncset.done $0x0  }
0x1e5: {  	s22 =	simm.s32 $0xB80;
	[sflag:s23] =	ssyncadd.s32 $0xFFFFC000  }
0x1e6: {  	[spmem:s2] =	stream.indirect.scatter.add.f32 [tilespmem:s20], [sflag:$0x3], $0x80, s22, s18, $0xb8;
	[tilespmem:$0x1D400] =	vst v63  }
0x1e7: {  	_ =	swait.ge [sflag:s17], $0x4000  }
0x1e8: {  	[sflag:s17] =	ssyncset.done $0x0  }
0x1e9: {  	s24 =	simm.s32 $0xD00;
	[sflag:s17] =	ssyncadd.s32 $0xFFFFC000  }
0x1ea: {  	[tilespmem:s20], [sflag:$0x2] =	stream.indirect.gather [hbm4b:s4+s18], $0x80, s24, s18, $0xb8;
	[tilespmem:$0x1D400] =	vst v63  }
0x1eb: {  	_ =	swait.ge [sflag:s21], $0x4000  }
0x1ec: {  	[sflag:s21] =	ssyncset.done $0x0  }
0x1ed: {  	s25 =	simm.s32 $0xC80;
	[sflag:s21] =	ssyncadd.s32 $0xFFFFC000  }
0x1ee: {  	[spmem:s2] =	stream.indirect.scatter.add.f32 [tilespmem:s16], [sflag:$0x3], $0x80, s25, s18, $0xb8;
	[tilespmem:$0x1D400] =	vst v63  }
0x1ef: {  	_ =	swait.ge [sflag:s17], $0x4000  }
0x1f0: {  	[sflag:s17] =	ssyncset.done $0x0  }
0x1f1: {  	s26 =	simm.s32 $0xE00;
	[sflag:s17] =	ssyncadd.s32 $0xFFFFC000  }
0x1f2: {  	[tilespmem:s16], [sflag:$0x1] =	stream.indirect.gather [hbm4b:s4+s18], $0x80, s26, s18, $0xb8;
	[tilespmem:$0x1D400] =	vst v63  }
0x1f3: {  	_ =	swait.ge [sflag:s23], $0x4000  }
0x1f4: {  	[sflag:s23] =	ssyncset.done $0x0  }
0x1f5: {  	s13 =	simm.s32 $0xD80;
	[sflag:s23] =	ssyncadd.s32 $0xFFFFC000  }
0x1f6: {  	[spmem:s2] =	stream.indirect.scatter.add.f32 [tilespmem:s20], [sflag:$0x3], $0x80, s13, s18, $0xb8;
	[tilespmem:$0x1D400] =	vst v63  }
0x1f7: {  	_ =	swait.ge [sflag:s17], $0x4000  }
0x1f8: {  	[sflag:s17] =	ssyncset.done $0x0  }
0x1f9: {  	s13 =	simm.s32 $0xF00;
	[sflag:s17] =	ssyncadd.s32 $0xFFFFC000  }
0x1fa: {  	[tilespmem:s20], [sflag:$0x2] =	stream.indirect.gather [hbm4b:s4+s18], $0x80, s13, s18, $0xb8;
	[tilespmem:$0x1D400] =	vst v63  }
0x1fb: {  	_ =	swait.ge [sflag:s21], $0x4000  }
0x1fc: {  	[sflag:s21] =	ssyncset.done $0x0  }
0x1fd: {  	s13 =	simm.s32 $0xE80;
	[sflag:s21] =	ssyncadd.s32 $0xFFFFC000  }
0x1fe: {  	[spmem:s2] =	stream.indirect.scatter.add.f32 [tilespmem:s16], [sflag:$0x3], $0x80, s13, s18, $0xb8;
	[tilespmem:$0x1D400] =	vst v63  }
0x1ff: {  	_ =	swait.ge [sflag:s17], $0x4000  }
0x200: {  	[sflag:s17] =	ssyncset.done $0x0  }
0x201: {  	s13 =	simm.s32 $0x1000;
	[sflag:s17] =	ssyncadd.s32 $0xFFFFC000  }
0x202: {  	[tilespmem:s16], [sflag:$0x1] =	stream.indirect.gather [hbm4b:s4+s18], $0x80, s13, s18, $0xb8;
	[tilespmem:$0x1D400] =	vst v63  }
0x203: {  	_ =	swait.ge [sflag:s23], $0x4000  }
0x204: {  	[sflag:s23] =	ssyncset.done $0x0  }
0x205: {  	s13 =	simm.s32 $0xF80;
	[sflag:s23] =	ssyncadd.s32 $0xFFFFC000  }
0x206: {  	[spmem:s2] =	stream.indirect.scatter.add.f32 [tilespmem:s20], [sflag:$0x3], $0x80, s13, s18, $0xb8;
	[tilespmem:$0x1D400] =	vst v63  }
0x207: {  	_ =	swait.ge [sflag:s17], $0x4000  }
0x208: {  	[sflag:s17] =	ssyncset.done $0x0  }
0x209: {  	s13 =	simm.s32 $0x1100;
	[sflag:s17] =	ssyncadd.s32 $0xFFFFC000  }
0x20a: {  	[tilespmem:s20], [sflag:$0x2] =	stream.indirect.gather [hbm4b:s4+s18], $0x80, s13, s18, $0xb8;
	[tilespmem:$0x1D400] =	vst v63  }
0x20b: {  	_ =	swait.ge [sflag:s21], $0x4000  }
0x20c: {  	[sflag:s21] =	ssyncset.done $0x0  }
0x20d: {  	s13 =	simm.s32 $0x1080;
	[sflag:s21] =	ssyncadd.s32 $0xFFFFC000  }
0x20e: {  	[spmem:s2] =	stream.indirect.scatter.add.f32 [tilespmem:s16], [sflag:$0x3], $0x80, s13, s18, $0xb8;
	[tilespmem:$0x1D400] =	vst v63  }
0x20f: {  	_ =	swait.ge [sflag:s17], $0x4000  }
0x210: {  	[sflag:s17] =	ssyncset.done $0x0  }
0x211: {  	s13 =	simm.s32 $0x1200;
	[sflag:s17] =	ssyncadd.s32 $0xFFFFC000  }
0x212: {  	[tilespmem:s16], [sflag:$0x1] =	stream.indirect.gather [hbm4b:s4+s18], $0x80, s13, s18, $0xb8;
	[tilespmem:$0x1D400] =	vst v63  }
0x213: {  	_ =	swait.ge [sflag:s23], $0x4000  }
0x214: {  	[sflag:s23] =	ssyncset.done $0x0  }
0x215: {  	s13 =	simm.s32 $0x1180;
	[sflag:s23] =	ssyncadd.s32 $0xFFFFC000  }
0x216: {  	[spmem:s2] =	stream.indirect.scatter.add.f32 [tilespmem:s20], [sflag:$0x3], $0x80, s13, s18, $0xb8;
	[tilespmem:$0x1D400] =	vst v63  }
0x217: {  	_ =	swait.ge [sflag:s17], $0x4000  }
0x218: {  	[sflag:s17] =	ssyncset.done $0x0  }
0x219: {  	s13 =	simm.s32 $0x1300;
	[sflag:s17] =	ssyncadd.s32 $0xFFFFC000  }
0x21a: {  	[tilespmem:s20], [sflag:$0x2] =	stream.indirect.gather [hbm4b:s4+s18], $0x80, s13, s18, $0xb8;
	[tilespmem:$0x1D400] =	vst v63  }
0x21b: {  	_ =	swait.ge [sflag:s21], $0x4000  }
0x21c: {  	[sflag:s21] =	ssyncset.done $0x0  }
0x21d: {  	s13 =	simm.s32 $0x1280;
	[sflag:s21] =	ssyncadd.s32 $0xFFFFC000  }
0x21e: {  	[spmem:s2] =	stream.indirect.scatter.add.f32 [tilespmem:s16], [sflag:$0x3], $0x80, s13, s18, $0xb8;
	[tilespmem:$0x1D400] =	vst v63  }
0x21f: {  	_ =	swait.ge [sflag:s17], $0x4000  }
0x220: {  	[sflag:s17] =	ssyncset.done $0x0  }
0x221: {  	[sflag:s17] =	ssyncadd.s32 $0xFFFFC000  }
0x222: {  	_ =	swait.ge [sflag:s23], $0x4000  }
0x223: {  	[sflag:s23] =	ssyncset.done $0x0  }
0x224: {  	s13 =	simm.s32 $0x1380;
	[sflag:s23] =	ssyncadd.s32 $0xFFFFC000  }
0x225: {  	[spmem:s2] =	stream.indirect.scatter.add.f32 [tilespmem:s20], [sflag:$0x3], $0x80, s13, s18, $0xb8;
	[tilespmem:$0x1D400] =	vst v63  }
0x226: {  	_ =	swait.ge [sflag:s17], $0x4000  }
0x227: {  	[sflag:s17] =	ssyncset.done $0x0  }
0x228: {  	s13 =	rddreg [dreg:$0x6];
	[sflag:s17] =	ssyncadd.s32 $0xFFFFC000  }
0x229: {  	[tilespmem:s1], [sflag:$0x3] =	stream.linear.gather [hbm4b:s13+s1], $0x1400, $0x38;
	[tilespmem:$0x1D400] =	vst v63  }
0x22a: {  	_ =	swait.ge [sflag:s17], $0x1400  }
0x22b: {  	[sflag:s17] =	ssyncset.done $0x0  }
0x22c: {  	[sflag:s17] =	ssyncadd.s32 $0xFFFFEC00  }
0x22d: {  	[tilespmem:s16], [sflag:$0x1] =	stream.indirect.gather [hbm4b:s4+s18], $0x80, s1, s18, $0xb8;
	[tilespmem:$0x1D400] =	vst v63  }
0x22e: {  	s13 =	simm.s32 $0x100  }
0x22f: {  	[tilespmem:s20], [sflag:$0x2] =	stream.indirect.gather [hbm4b:s4+s18], $0x80, s13, s18, $0xb8;
	[tilespmem:$0x1D400] =	vst v63  }
0x230: {  	_ =	swait.ge [sflag:s21], $0x4000  }
0x231: {  	[sflag:s21] =	ssyncset.done $0x0  }
0x232: {  	[sflag:s21] =	ssyncadd.s32 $0xFFFFC000  }
0x233: {  	[spmem:s2] =	stream.indirect.scatter.add.f32 [tilespmem:s16], [sflag:$0x3], $0x80, s18, s18, $0xb8;
	[tilespmem:$0x1D400] =	vst v63  }
0x234: {  	_ =	swait.ge [sflag:s17], $0x4000  }
0x235: {  	[sflag:s17] =	ssyncset.done $0x0  }
0x236: {  	s13 =	simm.s32 $0x200;
	[sflag:s17] =	ssyncadd.s32 $0xFFFFC000  }
0x237: {  	[tilespmem:s16], [sflag:$0x1] =	stream.indirect.gather [hbm4b:s4+s18], $0x80, s13, s18, $0xb8;
	[tilespmem:$0x1D400] =	vst v63  }
0x238: {  	_ =	swait.ge [sflag:s23], $0x4000  }
0x239: {  	[sflag:s23] =	ssyncset.done $0x0  }
0x23a: {  	s13 =	simm.s32 $0x180;
	[sflag:s23] =	ssyncadd.s32 $0xFFFFC000  }
0x23b: {  	[spmem:s2] =	stream.indirect.scatter.add.f32 [tilespmem:s20], [sflag:$0x3], $0x80, s13, s18, $0xb8;
	[tilespmem:$0x1D400] =	vst v63  }
0x23c: {  	_ =	swait.ge [sflag:s17], $0x4000  }
0x23d: {  	[sflag:s17] =	ssyncset.done $0x0  }
0x23e: {  	s6 =	simm.s32 $0x300;
	[sflag:s17] =	ssyncadd.s32 $0xFFFFC000  }
0x23f: {  	[tilespmem:s20], [sflag:$0x2] =	stream.indirect.gather [hbm4b:s4+s18], $0x80, s6, s18, $0xb8;
	[tilespmem:$0x1D400] =	vst v63  }
0x240: {  	_ =	swait.ge [sflag:s21], $0x4000  }
0x241: {  	[sflag:s21] =	ssyncset.done $0x0  }
0x242: {  	s7 =	simm.s32 $0x280;
	[sflag:s21] =	ssyncadd.s32 $0xFFFFC000  }
0x243: {  	[spmem:s2] =	stream.indirect.scatter.add.f32 [tilespmem:s16], [sflag:$0x3], $0x80, s7, s18, $0xb8;
	[tilespmem:$0x1D400] =	vst v63  }
0x244: {  	_ =	swait.ge [sflag:s17], $0x4000  }
0x245: {  	[sflag:s17] =	ssyncset.done $0x0  }
0x246: {  	s8 =	simm.s32 $0x400;
	[sflag:s17] =	ssyncadd.s32 $0xFFFFC000  }
0x247: {  	[tilespmem:s16], [sflag:$0x1] =	stream.indirect.gather [hbm4b:s4+s18], $0x80, s8, s18, $0xb8;
	[tilespmem:$0x1D400] =	vst v63  }
0x248: {  	_ =	swait.ge [sflag:s23], $0x4000  }
0x249: {  	[sflag:s23] =	ssyncset.done $0x0  }
0x24a: {  	s9 =	simm.s32 $0x380;
	[sflag:s23] =	ssyncadd.s32 $0xFFFFC000  }
0x24b: {  	[spmem:s2] =	stream.indirect.scatter.add.f32 [tilespmem:s20], [sflag:$0x3], $0x80, s9, s18, $0xb8;
	[tilespmem:$0x1D400] =	vst v63  }
0x24c: {  	_ =	swait.ge [sflag:s17], $0x4000  }
0x24d: {  	[sflag:s17] =	ssyncset.done $0x0  }
0x24e: {  	s10 =	simm.s32 $0x500;
	[sflag:s17] =	ssyncadd.s32 $0xFFFFC000  }
0x24f: {  	[tilespmem:s20], [sflag:$0x2] =	stream.indirect.gather [hbm4b:s4+s18], $0x80, s10, s18, $0xb8;
	[tilespmem:$0x1D400] =	vst v63  }
0x250: {  	_ =	swait.ge [sflag:s21], $0x4000  }
0x251: {  	[sflag:s21] =	ssyncset.done $0x0  }
0x252: {  	s11 =	simm.s32 $0x480;
	[sflag:s21] =	ssyncadd.s32 $0xFFFFC000  }
0x253: {  	[spmem:s2] =	stream.indirect.scatter.add.f32 [tilespmem:s16], [sflag:$0x3], $0x80, s11, s18, $0xb8;
	[tilespmem:$0x1D400] =	vst v63  }
0x254: {  	_ =	swait.ge [sflag:s17], $0x4000  }
0x255: {  	[sflag:s17] =	ssyncset.done $0x0  }
0x256: {  	s14 =	simm.s32 $0x600;
	[sflag:s17] =	ssyncadd.s32 $0xFFFFC000  }
0x257: {  	[tilespmem:s16], [sflag:$0x1] =	stream.indirect.gather [hbm4b:s4+s18], $0x80, s14, s18, $0xb8;
	[tilespmem:$0x1D400] =	vst v63  }
0x258: {  	_ =	swait.ge [sflag:s23], $0x4000  }
0x259: {  	[sflag:s23] =	ssyncset.done $0x0  }
0x25a: {  	s15 =	simm.s32 $0x580;
	[sflag:s23] =	ssyncadd.s32 $0xFFFFC000  }
0x25b: {  	[spmem:s2] =	stream.indirect.scatter.add.f32 [tilespmem:s20], [sflag:$0x3], $0x80, s15, s18, $0xb8;
	[tilespmem:$0x1D400] =	vst v63  }
0x25c: {  	_ =	swait.ge [sflag:s17], $0x4000  }
0x25d: {  	[sflag:s17] =	ssyncset.done $0x0  }
0x25e: {  	s15 =	simm.s32 $0x700;
	[sflag:s17] =	ssyncadd.s32 $0xFFFFC000  }
0x25f: {  	[tilespmem:s20], [sflag:$0x2] =	stream.indirect.gather [hbm4b:s4+s18], $0x80, s15, s18, $0xb8;
	[tilespmem:$0x1D400] =	vst v63  }
0x260: {  	_ =	swait.ge [sflag:s21], $0x4000  }
0x261: {  	[sflag:s21] =	ssyncset.done $0x0  }
0x262: {  	s28 =	simm.s32 $0x680;
	[sflag:s21] =	ssyncadd.s32 $0xFFFFC000  }
0x263: {  	[spmem:s2] =	stream.indirect.scatter.add.f32 [tilespmem:s16], [sflag:$0x3], $0x80, s28, s18, $0xb8;
	[tilespmem:$0x1D400] =	vst v63  }
0x264: {  	_ =	swait.ge [sflag:s17], $0x4000  }
0x265: {  	[sflag:s17] =	ssyncset.done $0x0  }
0x266: {  	s29 =	simm.s32 $0x800;
	[sflag:s17] =	ssyncadd.s32 $0xFFFFC000  }
0x267: {  	[tilespmem:s16], [sflag:$0x1] =	stream.indirect.gather [hbm4b:s4+s18], $0x80, s29, s18, $0xb8;
	[tilespmem:$0x1D400] =	vst v63  }
0x268: {  	_ =	swait.ge [sflag:s23], $0x4000  }
0x269: {  	[sflag:s23] =	ssyncset.done $0x0  }
0x26a: {  	s0 =	simm.s32 $0x780;
	[sflag:s23] =	ssyncadd.s32 $0xFFFFC000  }
0x26b: {  	[spmem:s2] =	stream.indirect.scatter.add.f32 [tilespmem:s20], [sflag:$0x3], $0x80, s0, s18, $0xb8;
	[tilespmem:$0x1D400] =	vst v63  }
0x26c: {  	_ =	swait.ge [sflag:s17], $0x4000  }
0x26d: {  	[sflag:s17] =	ssyncset.done $0x0  }
0x26e: {  	s1 =	simm.s32 $0x900;
	[sflag:s17] =	ssyncadd.s32 $0xFFFFC000  }
0x26f: {  	[tilespmem:s20], [sflag:$0x2] =	stream.indirect.gather [hbm4b:s4+s18], $0x80, s1, s18, $0xb8;
	[tilespmem:$0x1D400] =	vst v63  }
0x270: {  	_ =	swait.ge [sflag:s21], $0x4000  }
0x271: {  	[sflag:s21] =	ssyncset.done $0x0  }
0x272: {  	s3 =	simm.s32 $0x880;
	[sflag:s21] =	ssyncadd.s32 $0xFFFFC000  }
0x273: {  	[spmem:s2] =	stream.indirect.scatter.add.f32 [tilespmem:s16], [sflag:$0x3], $0x80, s3, s18, $0xb8;
	[tilespmem:$0x1D400] =	vst v63  }
0x274: {  	_ =	swait.ge [sflag:s17], $0x4000  }
0x275: {  	[sflag:s17] =	ssyncset.done $0x0  }
0x276: {  	s30 =	simm.s32 $0xA00;
	[sflag:s17] =	ssyncadd.s32 $0xFFFFC000  }
0x277: {  	[tilespmem:s16], [sflag:$0x1] =	stream.indirect.gather [hbm4b:s4+s18], $0x80, s30, s18, $0xb8;
	[tilespmem:$0x1D400] =	vst v63  }
0x278: {  	_ =	swait.ge [sflag:s23], $0x4000  }
0x279: {  	[sflag:s23] =	ssyncset.done $0x0  }
0x27a: {  	s5 =	simm.s32 $0x980;
	[sflag:s23] =	ssyncadd.s32 $0xFFFFC000  }
0x27b: {  	[spmem:s2] =	stream.indirect.scatter.add.f32 [tilespmem:s20], [sflag:$0x3], $0x80, s5, s18, $0xb8;
	[tilespmem:$0x1D400] =	vst v63  }
0x27c: {  	_ =	swait.ge [sflag:s17], $0x4000  }
0x27d: {  	[sflag:s17] =	ssyncset.done $0x0  }
0x27e: {  	s6 =	simm.s32 $0xB00;
	[sflag:s17] =	ssyncadd.s32 $0xFFFFC000  }
0x27f: {  	[tilespmem:s20], [sflag:$0x2] =	stream.indirect.gather [hbm4b:s4+s18], $0x80, s6, s18, $0xb8;
	[tilespmem:$0x1D400] =	vst v63  }
0x280: {  	_ =	swait.ge [sflag:s21], $0x4000  }
0x281: {  	[sflag:s21] =	ssyncset.done $0x0  }
0x282: {  	s31 =	simm.s32 $0xA80;
	[sflag:s21] =	ssyncadd.s32 $0xFFFFC000  }
0x283: {  	[spmem:s2] =	stream.indirect.scatter.add.f32 [tilespmem:s16], [sflag:$0x3], $0x80, s31, s18, $0xb8;
	[tilespmem:$0x1D400] =	vst v63  }
0x284: {  	_ =	swait.ge [sflag:s17], $0x4000  }
0x285: {  	[sflag:s17] =	ssyncset.done $0x0  }
0x286: {  	s19 =	simm.s32 $0xC00;
	[sflag:s17] =	ssyncadd.s32 $0xFFFFC000  }
0x287: {  	[tilespmem:s16], [sflag:$0x1] =	stream.indirect.gather [hbm4b:s4+s18], $0x80, s19, s18, $0xb8;
	[tilespmem:$0x1D400] =	vst v63  }
0x288: {  	_ =	swait.ge [sflag:s23], $0x4000  }
0x289: {  	[sflag:s23] =	ssyncset.done $0x0  }
0x28a: {  	s22 =	simm.s32 $0xB80;
	[sflag:s23] =	ssyncadd.s32 $0xFFFFC000  }
0x28b: {  	[spmem:s2] =	stream.indirect.scatter.add.f32 [tilespmem:s20], [sflag:$0x3], $0x80, s22, s18, $0xb8;
	[tilespmem:$0x1D400] =	vst v63  }
0x28c: {  	_ =	swait.ge [sflag:s17], $0x4000  }
0x28d: {  	[sflag:s17] =	ssyncset.done $0x0  }
0x28e: {  	s24 =	simm.s32 $0xD00;
	[sflag:s17] =	ssyncadd.s32 $0xFFFFC000  }
0x28f: {  	[tilespmem:s20], [sflag:$0x2] =	stream.indirect.gather [hbm4b:s4+s18], $0x80, s24, s18, $0xb8;
	[tilespmem:$0x1D400] =	vst v63  }
0x290: {  	_ =	swait.ge [sflag:s21], $0x4000  }
0x291: {  	[sflag:s21] =	ssyncset.done $0x0  }
0x292: {  	s25 =	simm.s32 $0xC80;
	[sflag:s21] =	ssyncadd.s32 $0xFFFFC000  }
0x293: {  	[spmem:s2] =	stream.indirect.scatter.add.f32 [tilespmem:s16], [sflag:$0x3], $0x80, s25, s18, $0xb8;
	[tilespmem:$0x1D400] =	vst v63  }
0x294: {  	_ =	swait.ge [sflag:s17], $0x4000  }
0x295: {  	[sflag:s17] =	ssyncset.done $0x0  }
0x296: {  	s26 =	simm.s32 $0xE00;
	[sflag:s17] =	ssyncadd.s32 $0xFFFFC000  }
0x297: {  	[tilespmem:s16], [sflag:$0x1] =	stream.indirect.gather [hbm4b:s4+s18], $0x80, s26, s18, $0xb8;
	[tilespmem:$0x1D400] =	vst v63  }
0x298: {  	_ =	swait.ge [sflag:s23], $0x4000  }
0x299: {  	[sflag:s23] =	ssyncset.done $0x0  }
0x29a: {  	s7 =	simm.s32 $0xD80;
	[sflag:s23] =	ssyncadd.s32 $0xFFFFC000  }
0x29b: {  	[spmem:s2] =	stream.indirect.scatter.add.f32 [tilespmem:s20], [sflag:$0x3], $0x80, s7, s18, $0xb8;
	[tilespmem:$0x1D400] =	vst v63  }
0x29c: {  	_ =	swait.ge [sflag:s17], $0x4000  }
0x29d: {  	[sflag:s17] =	ssyncset.done $0x0  }
0x29e: {  	s8 =	simm.s32 $0xF00;
	[sflag:s17] =	ssyncadd.s32 $0xFFFFC000  }
0x29f: {  	[tilespmem:s20], [sflag:$0x2] =	stream.indirect.gather [hbm4b:s4+s18], $0x80, s8, s18, $0xb8;
	[tilespmem:$0x1D400] =	vst v63  }
0x2a0: {  	_ =	swait.ge [sflag:s21], $0x4000  }
0x2a1: {  	[sflag:s21] =	ssyncset.done $0x0  }
0x2a2: {  	s9 =	simm.s32 $0xE80;
	[sflag:s21] =	ssyncadd.s32 $0xFFFFC000  }
0x2a3: {  	[spmem:s2] =	stream.indirect.scatter.add.f32 [tilespmem:s16], [sflag:$0x3], $0x80, s9, s18, $0xb8;
	[tilespmem:$0x1D400] =	vst v63  }
0x2a4: {  	_ =	swait.ge [sflag:s17], $0x4000  }
0x2a5: {  	[sflag:s17] =	ssyncset.done $0x0  }
0x2a6: {  	s10 =	simm.s32 $0x1000;
	[sflag:s17] =	ssyncadd.s32 $0xFFFFC000  }
0x2a7: {  	[tilespmem:s16], [sflag:$0x1] =	stream.indirect.gather [hbm4b:s4+s18], $0x80, s10, s18, $0xb8;
	[tilespmem:$0x1D400] =	vst v63  }
0x2a8: {  	_ =	swait.ge [sflag:s23], $0x4000  }
0x2a9: {  	[sflag:s23] =	ssyncset.done $0x0  }
0x2aa: {  	s11 =	simm.s32 $0xF80;
	[sflag:s23] =	ssyncadd.s32 $0xFFFFC000  }
0x2ab: {  	[spmem:s2] =	stream.indirect.scatter.add.f32 [tilespmem:s20], [sflag:$0x3], $0x80, s11, s18, $0xb8;
	[tilespmem:$0x1D400] =	vst v63  }
0x2ac: {  	_ =	swait.ge [sflag:s17], $0x4000  }
0x2ad: {  	[sflag:s17] =	ssyncset.done $0x0  }
0x2ae: {  	s13 =	simm.s32 $0x1100;
	[sflag:s17] =	ssyncadd.s32 $0xFFFFC000  }
0x2af: {  	[tilespmem:s20], [sflag:$0x2] =	stream.indirect.gather [hbm4b:s4+s18], $0x80, s13, s18, $0xb8;
	[tilespmem:$0x1D400] =	vst v63  }
0x2b0: {  	_ =	swait.ge [sflag:s21], $0x4000  }
0x2b1: {  	[sflag:s21] =	ssyncset.done $0x0  }
0x2b2: {  	s14 =	simm.s32 $0x1080;
	[sflag:s21] =	ssyncadd.s32 $0xFFFFC000  }
0x2b3: {  	[spmem:s2] =	stream.indirect.scatter.add.f32 [tilespmem:s16], [sflag:$0x3], $0x80, s14, s18, $0xb8;
	[tilespmem:$0x1D400] =	vst v63  }
0x2b4: {  	_ =	swait.ge [sflag:s17], $0x4000  }
0x2b5: {  	[sflag:s17] =	ssyncset.done $0x0  }
0x2b6: {  	s15 =	simm.s32 $0x1200;
	[sflag:s17] =	ssyncadd.s32 $0xFFFFC000  }
0x2b7: {  	[tilespmem:s16], [sflag:$0x1] =	stream.indirect.gather [hbm4b:s4+s18], $0x80, s15, s18, $0xb8;
	[tilespmem:$0x1D400] =	vst v63  }
0x2b8: {  	_ =	swait.ge [sflag:s23], $0x4000  }
0x2b9: {  	[sflag:s23] =	ssyncset.done $0x0  }
0x2ba: {  	s19 =	simm.s32 $0x1180;
	[sflag:s23] =	ssyncadd.s32 $0xFFFFC000  }
0x2bb: {  	[spmem:s2] =	stream.indirect.scatter.add.f32 [tilespmem:s20], [sflag:$0x3], $0x80, s19, s18, $0xb8;
	[tilespmem:$0x1D400] =	vst v63  }
0x2bc: {  	_ =	swait.ge [sflag:s17], $0x4000  }
0x2bd: {  	[sflag:s17] =	ssyncset.done $0x0  }
0x2be: {  	s22 =	simm.s32 $0x1300;
	[sflag:s17] =	ssyncadd.s32 $0xFFFFC000  }
0x2bf: {  	[tilespmem:s20], [sflag:$0x2] =	stream.indirect.gather [hbm4b:s4+s18], $0x80, s22, s18, $0xb8;
	[tilespmem:$0x1D400] =	vst v63  }
0x2c0: {  	_ =	swait.ge [sflag:s21], $0x4000  }
0x2c1: {  	[sflag:s21] =	ssyncset.done $0x0  }
0x2c2: {  	s24 =	simm.s32 $0x1280;
	[sflag:s21] =	ssyncadd.s32 $0xFFFFC000  }
0x2c3: {  	[spmem:s2] =	stream.indirect.scatter.add.f32 [tilespmem:s16], [sflag:$0x3], $0x80, s24, s18, $0xb8;
	[tilespmem:$0x1D400] =	vst v63  }
0x2c4: {  	_ =	swait.ge [sflag:s17], $0x4000  }
0x2c5: {  	[sflag:s17] =	ssyncset.done $0x0  }
0x2c6: {  	[sflag:s17] =	ssyncadd.s32 $0xFFFFC000  }
0x2c7: {  	_ =	swait.ge [sflag:s23], $0x4000  }
0x2c8: {  	[sflag:s23] =	ssyncset.done $0x0  }
0x2c9: {  	s25 =	simm.s32 $0x1380;
	[sflag:s23] =	ssyncadd.s32 $0xFFFFC000  }
0x2ca: {  	[spmem:s2] =	stream.indirect.scatter.add.f32 [tilespmem:s20], [sflag:$0x3], $0x80, s25, s18, $0xb8;
	[tilespmem:$0x1D400] =	vst v63  }
0x2cb: {  	_ =	swait.ge [sflag:s17], $0x4000  }
0x2cc: {  	[sflag:s17] =	ssyncset.done $0x0  }
0x2cd: {  	[sflag:s17] =	ssyncadd.s32 $0xFFFFC000  }
0x2ce: {  	s26 =	stileid.u32;
	[bflag:$0x0] =	sbarrier.arrive $0xFFFF  }
0x2cf: {  	s13 =	sshll.u32 s26, $0x6;
	s28 =	rddreg [dreg:$0xd]  }
0x2d0: {  	s13 =	sor.u32 $0x1C03, s13;
	s30 =	rddreg [dreg:$0x7];
	s29 =	sshrl.u32 s28, $0x3  }
0x2d1: {  	[hbm:s30], [sflag:s13] =	dma.local [spmem:s29], $0x2800  }
0x2d2: {  	_ =	swait.ge [sflag:s17], $0x2800  }
0x2d3: {  	s12 =	sadd.s32 $0x1, s12;
	s31 =	rddreg [dreg:$0x8]  }
0x2d4: {  	p0 =	sne.s32 s12, s31  }
.Ltmp1:
0x2d5: {  	_ = 	snop;
	(pc) =	sbr.rel @p0 .LBB2_1-.Ltmp1, $3  }
0x2d6: {  	_ =	sdelay $0x1  }
0x2d7: {  	[sflag:s17] =	ssyncset.done $0x0  }
0x2d8: {  	[sflag:s17] =	ssyncadd.s32 $0xFFFFD800  }
0x2d9: {  	_ =	sfence.sel $0x180000  }
0x2da: {  	[bflag:$0x0] =	sbarrier.arrive $0xFFFF  }
0x2db: {  	_ =	strace $0x9000004D  }
0x2dc: {  	s0 =	stileid.u32;
	[bflag:$0x2] =	sbarrier.arrive $0xFFFF  }
0x2dd: {  	p0 =	sne.s32 s0, $0x0;
	s0 =	rddreg [dreg:$0x2]  }
0x2de: {  	s0 =	sadd.s32 @!p0 $0x100000, s0  }
0x2df: {  	[sflag:s0] =	ssyncadd.tile.s32 @!p0 $0x1;
	_ =	shalt  }
.Lfunc_end2:
_tile_overlayer_lowered:
.L_overlay_start_2:
0x2e0: {  	(tag) =	ssettag $0x2  }
0x2e1: {  	s0 =	rddreg [dreg:$0x0];
	s2 =	stileid.u32  }
0x2e2: {  	s1 =	rddreg [dreg:$0x1];
	p0 =	sne.s32 s2, $0x0  }
0x2e3: {  	s3 =	rddreg [dreg:$0x2];
	[bflag:$0x3] =	sbarrier.arrive $0xFFFF;
	s2 =	simm.s32 @!p0 $0x1C03  }
0x2e4: {  	[timem:s3], [sflag:s2] =	dma.local @!p0 [hbm:s0], s1  }
0x2e5: {  	s0 =	simm.s32 @!p0 $0x3  }
0x2e6: {  	_ =	swait.ge @!p0 [sflag:s0], s1  }
0x2e7: {  	s1 =	ssub.s32 @!p0 $0x0, s1;
	[sflag:s0] =	ssyncset.done @!p0 $0x0  }
0x2e8: {  	[sflag:s0] =	ssyncadd.s32 @!p0 s1  }
0x2e9: {  	[bflag:$0x3] =	sbarrier.arrive $0xFFFF  }
0x2ea: {  	_ =	shalt  }

// kernel: kernel.9.cloned.1.call-start
scs
__scs_entry_jumppad:
0x0: {  	(pc) =	sbr.rel $0x88, $3  }
0x1: {  	(tag) =	ssettag $0x0;
	lr =	simm.s32 $0x1  }
0x2: {  	[smem:$0x3F99] =	sst lr;
	_ =	strace $0xD0000000  }
0x3: {  	_ = 	snop  }
0x4: {  	_ = 	snop  }
0x5: {  	_ = 	snop  }
0x6: {  	_ = 	snop  }
0x7: {  	_ = 	snop  }
__scs_overlays_trampoline_lowered:
0x8: {  	[smem:$0x3FA8] =	sst s0  }
0x9: {  	[smem:$0x3FA9] =	sst s1  }
0xa: {  	[smem:$0x3FAA] =	sst s2  }
0xb: {  	[smem:$0x3FAB] =	sst s3  }
0xc: {  	[smem:$0x3FAC] =	sst s4  }
0xd: {  	[smem:$0x3FAD] =	sst s5  }
0xe: {  	[smem:$0x3FAE] =	sst s6  }
0xf: {  	[smem:$0x3FAF] =	sst s7  }
0x10: {  	[smem:$0x3FB0] =	sst s8  }
0x11: {  	[smem:$0x3FB1] =	sst s9;
	s0 =	simm.s32 @!p0 $0x0  }
0x12: {  	s1 =	sld [smem:$0x3F97];
	s0 =	simm.s32 @p0 $0x1  }
0x13: {  	[smem:$0x3FB2] =	sst s0;
	s0 =	simm.s32 @!p1 $0x0  }
0x14: {  	s2 =	sld [smem:$0x3F96];
	s0 =	simm.s32 @p1 $0x1  }
0x15: {  	[smem:$0x3FB3] =	sst s0;
	s0 =	simm.s32 @!p2 $0x0  }
0x16: {  	s3 =	sld [smem:$0x3FDB];
	s0 =	simm.s32 @p2 $0x1  }
0x17: {  	s4 =	simm.s32 $0x1BF5;
	[smem:$0x3FB5] =	sst s0  }
0x18: {  	s0 =	sld [smem:$0x3F98];
	_ =	swait.ge [sflag:s4], $0x0  }
0x19: {  	s7 =	sld [smem:$0x3F99]  }
0x1a: {  	s8 =	sadd.s32 $0xFFFFE003, lr  }
0x1b: {  	s9 =	sadd.s32 $0xFFFFFEF7, lr;
	s5 =	simm.s32 $0xFFFFFFFF;
	p2 =	slt.u32 s8, $0xFFFFF086  }
0x1c: {  	p1 =	slt.u32 s9, $0xF7A;
	s5 =	simm.s32 @!p2 $0x0  }
0x1d: {  	s5 =	simm.s32 @p1 $0x1;
	p0 =	seq.s32 s7, s2  }
0x1e: {  	s7 =	smul.u32 @!p0 $0xF7A, s2;
	p2 =	seq.s32 @!p0 s5, $0x0  }
0x1f: {  	s9 =	smul.u32 $0xF7A, s1;
	s8 =	simm.s32 @!p0 $0x1BF5;
	p2 =	por !p2, p0  }
0x20: {  	[sflag:s8] =	ssyncset.s32 @!p0 $0xFFFFF086;
	s6 =	sadd.s32 @!p0 s3, s7;
	s7 =	simm.s32 @!p0 $0x108  }
0x21: {  	s3 =	sadd.s32 s3, s9;
	s6 =	sadd.s32 @!p0 $0x88, s6;
	s7 =	simm.s32 @p2 $0x1082  }
0x22: {  	[simem:s7], [sflag:s8] =	dma.local @!p0 [hbm:s6], $0xF7A  }
0x23: {  	s9 =	sor.u32 $0xD0000000, s2;
	s6 =	simm.s32 $0x108;
	_ =	swait.ge @!p0 [sflag:s8], $0x0  }
0x24: {  	s3 =	sadd.s32 $0x88, s3;
	s6 =	simm.s32 @!p1 $0x1082;
	[sflag:s4] =	ssyncset.s32 $0xFFFFF086  }
0x25: {  	[simem:s6], [sflag:s4] =	dma.local [hbm:s3], $0xF7A  }
0x26: {  	[smem:$0x3F99] =	sst s1;
	(tag) =	ssettag s2;
	_ =	strace s9  }
0x27: {  	s1 =	sld [smem:$0x3FA9]  }
0x28: {  	s2 =	sld [smem:$0x3FAA]  }
0x29: {  	s4 =	sld [smem:$0x3FAC]  }
0x2a: {  	p0 =	seq.s32 s5, $0x0;
	s5 =	sld [smem:$0x3FAD]  }
0x2b: {  	s6 =	sld [smem:$0x3FAE]  }
0x2c: {  	s7 =	sld [smem:$0x3FAF]  }
0x2d: {  	s3 =	simm.s32 $0x108;
	s8 =	sld [smem:$0x3FB0]  }
0x2e: {  	s3 =	simm.s32 @!p0 $0x1082;
	s9 =	sld [smem:$0x3FB1]  }
0x2f: {  	lr =	sadd.s32 s0, s3;
	s0 =	sld [smem:$0x3FA8]  }
0x30: {  	s3 =	sld [smem:$0x3FAB]  }
0x31: {  	[smem:$0x3FB4] =	sst s10  }
0x32: {  	s10 =	sld [smem:$0x3FB2];
	_ =	sdelay $0x3  }
0x33: {  	p0 =	seq.s32 s10, $0x1;
	s10 =	sld [smem:$0x3FB4];
	_ =	sdelay $0x3  }
0x34: {  	[smem:$0x3FB4] =	sst s10  }
0x35: {  	s10 =	sld [smem:$0x3FB3];
	_ =	sdelay $0x3  }
0x36: {  	p1 =	seq.s32 s10, $0x1;
	s10 =	sld [smem:$0x3FB4];
	_ =	sdelay $0x3  }
0x37: {  	[smem:$0x3FB4] =	sst s10  }
0x38: {  	s10 =	sld [smem:$0x3FB5]  }
0x39: {  	_ = 	snop;
	(pc) =	sbr.ind lr, $3  }
0x3a: {  	_ = 	snop  }
0x3b: {  	_ = 	snop  }
0x3c: {  	p2 =	seq.s32 s10, $0x1;
	s10 =	sld [smem:$0x3FB4]  }
0x3d: {  	_ =	shalt  }
0x3e: {  	_ =	shalt  }
0x3f: {  	_ =	shalt  }
0x40: {  	_ =	shalt  }
0x41: {  	_ =	shalt  }
0x42: {  	_ =	shalt  }
0x43: {  	_ =	shalt  }
0x44: {  	_ =	shalt  }
0x45: {  	_ =	shalt  }
0x46: {  	_ =	shalt  }
0x47: {  	_ =	shalt  }
0x48: {  	_ =	shalt  }
0x49: {  	_ =	shalt  }
0x4a: {  	_ =	shalt  }
0x4b: {  	_ =	shalt  }
0x4c: {  	_ =	shalt  }
0x4d: {  	_ =	shalt  }
0x4e: {  	_ =	shalt  }
0x4f: {  	_ =	shalt  }
0x50: {  	_ =	shalt  }
0x51: {  	_ =	shalt  }
0x52: {  	_ =	shalt  }
0x53: {  	_ =	shalt  }
0x54: {  	_ =	shalt  }
0x55: {  	_ =	shalt  }
0x56: {  	_ =	shalt  }
0x57: {  	_ =	shalt  }
0x58: {  	_ =	shalt  }
0x59: {  	_ =	shalt  }
0x5a: {  	_ =	shalt  }
0x5b: {  	_ =	shalt  }
0x5c: {  	_ =	shalt  }
0x5d: {  	_ =	shalt  }
0x5e: {  	_ =	shalt  }
0x5f: {  	_ =	shalt  }
0x60: {  	_ =	shalt  }
0x61: {  	_ =	shalt  }
0x62: {  	_ =	shalt  }
0x63: {  	_ =	shalt  }
0x64: {  	_ =	shalt  }
0x65: {  	_ =	shalt  }
0x66: {  	_ =	shalt  }
0x67: {  	_ =	shalt  }
0x68: {  	_ =	shalt  }
0x69: {  	_ =	shalt  }
0x6a: {  	_ =	shalt  }
0x6b: {  	_ =	shalt  }
0x6c: {  	_ =	shalt  }
0x6d: {  	_ =	shalt  }
0x6e: {  	_ =	shalt  }
0x6f: {  	_ =	shalt  }
0x70: {  	_ =	shalt  }
0x71: {  	_ =	shalt  }
0x72: {  	_ =	shalt  }
0x73: {  	_ =	shalt  }
0x74: {  	_ =	shalt  }
0x75: {  	_ =	shalt  }
0x76: {  	_ =	shalt  }
0x77: {  	_ =	shalt  }
0x78: {  	_ =	shalt  }
0x79: {  	_ =	shalt  }
0x7a: {  	_ =	shalt  }
0x7b: {  	_ =	shalt  }
0x7c: {  	_ =	shalt  }
0x7d: {  	_ =	shalt  }
0x7e: {  	_ =	shalt  }
0x7f: {  	_ =	shalt  }
0x80: {  	_ =	shalt  }
0x81: {  	_ =	shalt  }
0x82: {  	_ =	shalt  }
0x83: {  	_ =	shalt  }
0x84: {  	_ =	shalt  }
0x85: {  	_ =	shalt  }
0x86: {  	_ =	shalt  }
0x87: {  	_ =	shalt  }
.Lfunc_end0:
.L_simem_size_0:
called_computation_lowered:
.L_overlay_start_0:
0x88: {  	s2 =	sld [smem:$0x3FD9]  }
0x89: {  	s3 =	sld [smem:$0x3FFE];
	_ =	sdelay $0x1  }
0x8a: {  	s1 =	srdreg.scid  }
0x8b: {  	s0 =	sand.u32 $0x1, s1  }
0x8c: {  	s16 =	sshll.u32 s0, $0xA;
	s2 =	sadd.s32 s3, s2  }
0x8d: {  	s2 =	sadd.s32 s2, s16  }
0x8e: {  	[smem:$0x3FC0] =	sst s2  }
0x8f: {  	_ = 	snop  }
0x90: {  	(tm) =	ssettm $0x1  }
0x91: {  	s17 =	sld [smem:$0x3FFB];
	_ =	sdelay $0x3  }
0x92: {  	_ =	strace s17  }
0x93: {  	s2 =	sld [smem:$0x3FFC];
	_ =	sdelay $0x3  }
0x94: {  	_ =	strace s2  }
0x95: {  	s2 =	sld [smem:$0x3FFD];
	_ =	sdelay $0x3  }
0x96: {  	_ =	strace s2  }
0x97: {  	_ =	strace $0x8FFFFFFF  }
0x98: {  	s18 =	sld [smem:$0x3FDB];
	_ =	sdelay $0x1  }
0x99: {  	s19 =	simm.s32 $_scs_section_size  }
0x9a: {  	s4 =	simm.s32 $_size__tile_overlayer_lowered;
	s5 =	simm.s32 $_tile_overlayer_lowered  }
0x9b: {  	s22 =	simm.s32 $0x1BFF;
	s21 =	sshll.u32 s5, $0x1;
	s2 =	sadd.s32 s19, s18  }
0x9c: {  	s6 =	simm.s32 $0x0;
	s20 =	sshll.u32 s4, $0x1;
	s4 =	sadd.s32 s21, s2  }
0x9d: {  	[timem:s6], [sflag:s22] =	dma.local [hbm:s4], s20  }
0x9e: {  	_ =	swait.ge [sflag:s22], s20  }
0x9f: {  	s3 =	ssub.s32 $0x0, s20;
	[sflag:s22] =	ssyncset.done $0x0  }
0xa0: {  	[sflag:s22] =	ssyncadd.s32 s3;
	_ =	sdelay $0x1  }
0xa1: {  	s23 =	simm.s32 $0x1B8B  }
0xa2: {  	_ =	swait.ge [sflag:s23], $0x1  }
0xa3: {  	[sflag:s23] =	ssyncset.done $0x0  }
0xa4: {  	s25 =	simm.s32 $0x1B8E;
	s24 =	sld [smem:$0x3FFE];
	[sflag:s23] =	ssyncadd.s32 $0xFFFFFFFF  }
0xa5: {  	s26 =	simm.s32 $execute0_lowered;
	[smem:$0x3FD2] =	sst s25  }
0xa6: {  	s4 =	sshll.u32 s26, $0x1;
	_ =	strace $0x80000046;
	[dreg:$0x1] =	wrdreg $0xFFFFFFFF  }
0xa7: {  	s28 =	simm.s32 $_size_execute0_lowered;
	s2 =	sadd.s32 s2, s4;
	[dreg:$0x0] =	wrdreg $0x0  }
0xa8: {  	s4 =	sshll.u32 s28, $0x1;
	[dreg:$0x2] =	wrdreg s2  }
0xa9: {  	[dreg:$0x3] =	wrdreg s4  }
0xaa: {  	[dreg:$0x4] =	wrdreg $0xC0  }
0xab: {  	_ =	task [dreg:s6], $0x5FFFF  }
0xac: {  	[dreg:$0x1] =	wrdreg $0xFFFFFFFF  }
0xad: {  	[dreg:$0x0] =	wrdreg $0x60  }
0xae: {  	[dreg:$0x2] =	wrdreg s24  }
0xaf: {  	[dreg:$0x3] =	wrdreg $0x90000  }
0xb0: {  	[dreg:$0x4] =	wrdreg $0x9  }
0xb1: {  	_ =	task.clear_ibuf [dreg:s6], $0x5FFFF;
	_ =	strace $0x90000046  }
0xb2: {  	s29 =	simm.s32 $0x9;
	_ =	strace $0x80000048  }
0xb3: {  	_ =	swait.ge [sflag:s29], $0x1  }
0xb4: {  	[sflag:s29] =	ssyncadd.s32 $0xFFFFFFFF  }
0xb5: {  	_ =	strace $0x90000048  }
0xb6: {  	_ =	sfence  }
0xb7: {  	s30 =	sld [smem:$0x0];
	_ =	sdelay $0x2  }
0xb8: {  	s31 =	sshll.u32 s1, $0xD;
	s1 =	sshrl.u32 s1, $0x2  }
0xb9: {  	s3 =	sand.u32 $0x4000, s31;
	s1 =	sadd.s32 s1, s30  }
0xba: {  	s0 =	sor.u32 s3, s0;
	s1 =	sshll.u32 s1, $0x11  }
0xbb: {  	s0 =	sor.u32 s1, s0  }
0xbc: {  	s0 =	sadd.s32 $0x8F2B, s0  }
0xbd: {  	[sflag:s0] =	ssyncadd.remote.s32 $0x1  }
0xbe: {  	_ =	sfence.sel $0xFFFF  }
0xbf: {  	[dreg:$0x0] =	wrdreg $0xFFFFFFFF;
	(pc) =	sbr.abs _section_cstart, $3  }
0xc0: {  	[dreg:$0x1] =	wrdreg $0xFFFFFFFF  }
0xc1: {  	_ =	task.clear_ibuf [dreg:s6], $0x2FFFF;
	_ =	strace $0x9FFFFFFF  }
0xc2: {  	(tm) =	ssettm $0x7FFFFFFF  }
0xc3: {  	_ =	shalt  }
tec
execute0_lowered:
.L_overlay_start_1:
0x0: {  	(tag) =	ssettag $0x1  }
0x1: {  	s4 =	rddreg [dreg:$0x0]  }
0x2: {  	s2 =	rddreg [dreg:$0x1];
	s1 =	srdreg.scid  }
0x3: {  	s0 =	rddreg [dreg:$0x2];
	s3 =	simm.s32 $0x0;
	s12 =	simm.s32 $0x2  }
0x4: {  	s13 =	simm.s32 $0x5000;
	s14 =	simm.s32 $0x80;
	s15 =	simm.s32 $0x1  }
0x5: {  	s18 =	simm.s32 $0x0;
	s5 =	sand.u32 $0x1, s1;
	s1 =	stileid.u32  }
0x6: {  	[smem:$0x7FF] =	sst s3;
	s6 =	smul.u32 $0x140000, s5;
	s7 =	sshll.u32 s5, $0x4  }
0x7: {  	s8 =	smul.u32 $0x14000, s1;
	_ =	strace $0x80000047;
	s5 =	ssub.s32 $0x2, s5  }
0x8: {  	s29 =	smul.u32 $0x50000, s1;
	s16 =	sshll.u32 s1, $0x6;
	s7 =	sor.u32 s1, s7  }
0x9: {  	s30 =	sshrl.u32 s5, $0x1;
	s16 =	sor.u32 $0x1C02, s16;
	s7 =	smul.u32 $0xA00, s7  }
0xa: {  	s6 =	sadd.s32 s8, s6;
	s9 =	ssub.s32 s5, s30;
	s31 =	sshrl.u32 s29, $0x2  }
0xb: {  	s6 =	sshrl.u32 s6, $0x3;
	s5 =	sadd.s32 s31, s2;
	s7 =	sadd.s32 s7, s4  }
0xc: {  	s6 =	sadd.s32 s6, s4;
	s8 =	sadd.s32 $0x4000, s5;
	s10 =	sadd.s32 $0xC000, s5  }
0xd: {  	s11 =	sadd.s32 $0x10000, s5;
	s17 =	sshrl.u32 s5, $0x3;
	s4 =	sadd.s32 $0x2A00, s7  }
0xe: {  	v0 =	vimm.f32 $0.0e+00;
	v1 =	vimm.f32 $1.000000000e+00;
	s6 =	sadd.s32 $0x16A00, s6;
	s7 =	smax.u32 s9, $0x1;
	s9 =	sadd.s32 $0x8000, s5  }
.LBB2_1:
0xf: {  	[tilespmem:s3], [sflag:$0x2] =	stream.linear.gather [hbm4b:s4+s3], $0x5000, $0x38;
	[tilespmem:$0x1D000] =	vst v63  }
0x10: {  	_ =	swait.ge [sflag:s12], $0x5000  }
0x11: {  	[sflag:s12] =	ssyncset.done $0x0  }
0x12: {  	s19 =	simm.s32 $0x0;
	s20 =	simm.s32 $0x200;
	[sflag:s12] =	ssyncadd.s32 $0xFFFFB000  }
.LBB2_2:
0x13: {  	p0 =	sne.s32 s20, $0xFE00;
	[tilespmem:s19+$0x5070] =	vst v0  }
0x14: {  	[tilespmem:s19+$0x5000] =	vst v0  }
0x15: {  	[tilespmem:s19+$0x5010] =	vst v0  }
.Ltmp0:
0x16: {  	[tilespmem:s19+$0x5020] =	vst v0;
	(pc) =	sbr.rel @p0 .LBB2_2-.Ltmp0, $4  }
0x17: {  	[tilespmem:s19+$0x5030] =	vst v0  }
0x18: {  	[tilespmem:s19+$0x5040] =	vst v0  }
0x19: {  	[tilespmem:s19+$0x5050] =	vst v0  }
0x1a: {  	[tilespmem:s19+$0x5060] =	vst v0;
	s19 =	sshra.s32 s20, $0x2;
	s20 =	sadd.s32 $0x200, s20  }
0x1b: {  	[tilespmem:s19+$0x5070] =	vst v0  }
0x1c: {  	[tilespmem:s19+$0x5000] =	vst v0  }
0x1d: {  	[tilespmem:s19+$0x5010] =	vst v0  }
0x1e: {  	[tilespmem:s19+$0x5020] =	vst v0  }
0x1f: {  	[tilespmem:s19+$0x5030] =	vst v0  }
0x20: {  	[tilespmem:s19+$0x5040] =	vst v0  }
0x21: {  	[tilespmem:s19+$0x5050] =	vst v0  }
0x22: {  	[tilespmem:s19+$0x5060] =	vst v0  }
0x23: {  	[spmem:s5] =	stream.linear.scatter [tilespmem:s13], [sflag:$0x2], $0x4000, $0x38;
	[tilespmem:$0x1D000] =	vst v63  }
0x24: {  	_ =	swait.ge [sflag:s12], $0x4000  }
0x25: {  	[sflag:s12] =	ssyncset.done $0x0  }
0x26: {  	[sflag:s12] =	ssyncadd.s32 $0xFFFFC000  }
0x27: {  	[spmem:s8] =	stream.linear.scatter [tilespmem:s13], [sflag:$0x2], $0x4000, $0x38;
	[tilespmem:$0x1D000] =	vst v63  }
0x28: {  	_ =	swait.ge [sflag:s12], $0x4000  }
0x29: {  	[sflag:s12] =	ssyncset.done $0x0  }
0x2a: {  	[sflag:s12] =	ssyncadd.s32 $0xFFFFC000  }
0x2b: {  	[spmem:s9] =	stream.linear.scatter [tilespmem:s13], [sflag:$0x2], $0x4000, $0x38;
	[tilespmem:$0x1D000] =	vst v63  }
0x2c: {  	_ =	swait.ge [sflag:s12], $0x4000  }
0x2d: {  	[sflag:s12] =	ssyncset.done $0x0  }
0x2e: {  	[sflag:s12] =	ssyncadd.s32 $0xFFFFC000  }
0x2f: {  	[spmem:s10] =	stream.linear.scatter [tilespmem:s13], [sflag:$0x2], $0x4000, $0x38;
	[tilespmem:$0x1D000] =	vst v63  }
0x30: {  	_ =	swait.ge [sflag:s12], $0x4000  }
0x31: {  	[sflag:s12] =	ssyncset.done $0x0  }
0x32: {  	[sflag:s12] =	ssyncadd.s32 $0xFFFFC000  }
0x33: {  	[spmem:s11] =	stream.linear.scatter [tilespmem:s13], [sflag:$0x2], $0x4000, $0x38;
	[tilespmem:$0x1D000] =	vst v63  }
0x34: {  	_ =	swait.ge [sflag:s12], $0x4000  }
0x35: {  	[sflag:s12] =	ssyncset.done $0x0  }
0x36: {  	s19 =	simm.s32 $0x0;
	s20 =	simm.s32 $0x200;
	[sflag:s12] =	ssyncadd.s32 $0xFFFFC000  }
.LBB2_4:
0x37: {  	p0 =	sne.s32 s20, $0xFE00;
	[tilespmem:s19+$0x5070] =	vst v1  }
0x38: {  	[tilespmem:s19+$0x5000] =	vst v1  }
0x39: {  	[tilespmem:s19+$0x5010] =	vst v1  }
.Ltmp1:
0x3a: {  	[tilespmem:s19+$0x5020] =	vst v1;
	(pc) =	sbr.rel @p0 .LBB2_4-.Ltmp1, $4  }
0x3b: {  	[tilespmem:s19+$0x5030] =	vst v1  }
0x3c: {  	[tilespmem:s19+$0x5040] =	vst v1  }
0x3d: {  	[tilespmem:s19+$0x5050] =	vst v1  }
0x3e: {  	[tilespmem:s19+$0x5060] =	vst v1;
	s19 =	sshra.s32 s20, $0x2;
	s20 =	sadd.s32 $0x200, s20  }
0x3f: {  	[tilespmem:s19+$0x5070] =	vst v1  }
0x40: {  	[tilespmem:s19+$0x5000] =	vst v1  }
0x41: {  	[tilespmem:s19+$0x5010] =	vst v1  }
0x42: {  	[tilespmem:s19+$0x5020] =	vst v1  }
0x43: {  	[tilespmem:s19+$0x5030] =	vst v1  }
0x44: {  	[tilespmem:s19+$0x5040] =	vst v1  }
0x45: {  	[tilespmem:s19+$0x5050] =	vst v1  }
0x46: {  	[tilespmem:s19+$0x5060] =	vst v1  }
0x47: {  	s23 =	simm.s32 $0x80;
	[bflag:$0x0] =	sbarrier.arrive $0xFFFF  }
0x48: {  	[spmem:s2] =	stream.indirect.scatter.add.f32 [tilespmem:s13], [sflag:$0x1], $0x80, s23, s14, $0xb8;
	[tilespmem:$0x1D000] =	vst v63  }
0x49: {  	s24 =	simm.s32 $0x180  }
0x4a: {  	[spmem:s2] =	stream.indirect.scatter.add.f32 [tilespmem:s13], [sflag:$0x1], $0x80, s24, s14, $0xb8;
	[tilespmem:$0x1D000] =	vst v63  }
0x4b: {  	s25 =	simm.s32 $0x280  }
0x4c: {  	[spmem:s2] =	stream.indirect.scatter.add.f32 [tilespmem:s13], [sflag:$0x1], $0x80, s25, s14, $0xb8;
	[tilespmem:$0x1D000] =	vst v63  }
0x4d: {  	s26 =	simm.s32 $0x380  }
0x4e: {  	[spmem:s2] =	stream.indirect.scatter.add.f32 [tilespmem:s13], [sflag:$0x1], $0x80, s26, s14, $0xb8;
	[tilespmem:$0x1D000] =	vst v63  }
0x4f: {  	s28 =	simm.s32 $0x480  }
0x50: {  	[spmem:s2] =	stream.indirect.scatter.add.f32 [tilespmem:s13], [sflag:$0x1], $0x80, s28, s14, $0xb8;
	[tilespmem:$0x1D000] =	vst v63  }
0x51: {  	s29 =	simm.s32 $0x580  }
0x52: {  	[spmem:s2] =	stream.indirect.scatter.add.f32 [tilespmem:s13], [sflag:$0x1], $0x80, s29, s14, $0xb8;
	[tilespmem:$0x1D000] =	vst v63  }
0x53: {  	s30 =	simm.s32 $0x680  }
0x54: {  	[spmem:s2] =	stream.indirect.scatter.add.f32 [tilespmem:s13], [sflag:$0x1], $0x80, s30, s14, $0xb8;
	[tilespmem:$0x1D000] =	vst v63  }
0x55: {  	s31 =	simm.s32 $0x780  }
0x56: {  	[spmem:s2] =	stream.indirect.scatter.add.f32 [tilespmem:s13], [sflag:$0x1], $0x80, s31, s14, $0xb8;
	[tilespmem:$0x1D000] =	vst v63  }
0x57: {  	_ =	swait.ge [sflag:s15], $0x4000  }
0x58: {  	[sflag:s15] =	ssyncset.done $0x0  }
0x59: {  	[sflag:s15] =	ssyncadd.s32 $0xFFFFC000  }
0x5a: {  	_ =	swait.ge [sflag:s15], $0x4000  }
0x5b: {  	[sflag:s15] =	ssyncset.done $0x0  }
0x5c: {  	[sflag:s15] =	ssyncadd.s32 $0xFFFFC000  }
0x5d: {  	_ =	swait.ge [sflag:s15], $0x4000  }
0x5e: {  	[sflag:s15] =	ssyncset.done $0x0  }
0x5f: {  	[sflag:s15] =	ssyncadd.s32 $0xFFFFC000  }
0x60: {  	_ =	swait.ge [sflag:s15], $0x4000  }
0x61: {  	[sflag:s15] =	ssyncset.done $0x0  }
0x62: {  	[sflag:s15] =	ssyncadd.s32 $0xFFFFC000  }
0x63: {  	_ =	swait.ge [sflag:s15], $0x4000  }
0x64: {  	[sflag:s15] =	ssyncset.done $0x0  }
0x65: {  	[sflag:s15] =	ssyncadd.s32 $0xFFFFC000  }
0x66: {  	_ =	swait.ge [sflag:s15], $0x4000  }
0x67: {  	[sflag:s15] =	ssyncset.done $0x0  }
0x68: {  	[sflag:s15] =	ssyncadd.s32 $0xFFFFC000  }
0x69: {  	_ =	swait.ge [sflag:s15], $0x4000  }
0x6a: {  	[sflag:s15] =	ssyncset.done $0x0  }
0x6b: {  	[sflag:s15] =	ssyncadd.s32 $0xFFFFC000  }
0x6c: {  	_ =	swait.ge [sflag:s15], $0x4000  }
0x6d: {  	s22 =	simm.s32 $0x4000;
	s21 =	simm.s32 $0x800;
	[sflag:s15] =	ssyncset.done $0x0  }
.LBB2_6:
0x6e: {  	s23 =	sadd.s32 $0x80, s21  }
0x6f: {  	[sflag:s15] =	ssyncadd.s32 $0xFFFFC000;
	s20 =	smov.u32 s22;
	s19 =	sadd.s32 $0x2000, s22  }
0x70: {  	[spmem:s2] =	stream.indirect.scatter.add.f32 [tilespmem:s13], [sflag:$0x1], $0x80, s23, s14, $0xb8;
	[tilespmem:$0x1D000] =	vst v63  }
0x71: {  	p0 =	sne.s32 s22, $0x12000;
	s22 =	sadd.s32 $0x180, s21  }
0x72: {  	[spmem:s2] =	stream.indirect.scatter.add.f32 [tilespmem:s13], [sflag:$0x1], $0x80, s22, s14, $0xb8;
	[tilespmem:$0x1D000] =	vst v63  }
0x73: {  	s22 =	sadd.s32 $0x280, s21  }
0x74: {  	[spmem:s2] =	stream.indirect.scatter.add.f32 [tilespmem:s13], [sflag:$0x1], $0x80, s22, s14, $0xb8;
	[tilespmem:$0x1D000] =	vst v63  }
0x75: {  	s22 =	sadd.s32 $0x380, s21  }
0x76: {  	[spmem:s2] =	stream.indirect.scatter.add.f32 [tilespmem:s13], [sflag:$0x1], $0x80, s22, s14, $0xb8;
	[tilespmem:$0x1D000] =	vst v63  }
0x77: {  	s22 =	sadd.s32 $0x480, s21  }
0x78: {  	[spmem:s2] =	stream.indirect.scatter.add.f32 [tilespmem:s13], [sflag:$0x1], $0x80, s22, s14, $0xb8;
	[tilespmem:$0x1D000] =	vst v63  }
0x79: {  	s22 =	sadd.s32 $0x580, s21  }
0x7a: {  	[spmem:s2] =	stream.indirect.scatter.add.f32 [tilespmem:s13], [sflag:$0x1], $0x80, s22, s14, $0xb8;
	[tilespmem:$0x1D000] =	vst v63  }
0x7b: {  	s22 =	sadd.s32 $0x680, s21  }
0x7c: {  	[spmem:s2] =	stream.indirect.scatter.add.f32 [tilespmem:s13], [sflag:$0x1], $0x80, s22, s14, $0xb8;
	[tilespmem:$0x1D000] =	vst v63  }
0x7d: {  	s21 =	sadd.s32 $0x780, s21  }
0x7e: {  	[spmem:s2] =	stream.indirect.scatter.add.f32 [tilespmem:s13], [sflag:$0x1], $0x80, s21, s14, $0xb8;
	[tilespmem:$0x1D000] =	vst v63  }
0x7f: {  	_ =	swait.ge [sflag:s15], $0x4000  }
0x80: {  	[sflag:s15] =	ssyncset.done $0x0  }
0x81: {  	[sflag:s15] =	ssyncadd.s32 $0xFFFFC000  }
0x82: {  	_ =	swait.ge [sflag:s15], $0x4000  }
0x83: {  	[sflag:s15] =	ssyncset.done $0x0  }
0x84: {  	[sflag:s15] =	ssyncadd.s32 $0xFFFFC000  }
0x85: {  	_ =	swait.ge [sflag:s15], $0x4000  }
0x86: {  	[sflag:s15] =	ssyncset.done $0x0  }
0x87: {  	[sflag:s15] =	ssyncadd.s32 $0xFFFFC000  }
0x88: {  	_ =	swait.ge [sflag:s15], $0x4000  }
0x89: {  	[sflag:s15] =	ssyncset.done $0x0  }
0x8a: {  	[sflag:s15] =	ssyncadd.s32 $0xFFFFC000  }
0x8b: {  	_ =	swait.ge [sflag:s15], $0x4000  }
0x8c: {  	[sflag:s15] =	ssyncset.done $0x0  }
0x8d: {  	[sflag:s15] =	ssyncadd.s32 $0xFFFFC000  }
0x8e: {  	_ =	swait.ge [sflag:s15], $0x4000  }
0x8f: {  	[sflag:s15] =	ssyncset.done $0x0  }
0x90: {  	[sflag:s15] =	ssyncadd.s32 $0xFFFFC000  }
.Ltmp2:
0x91: {  	_ =	swait.ge [sflag:s15], $0x4000;
	(pc) =	sbr.rel @p0 .LBB2_6-.Ltmp2, $4  }
0x92: {  	[sflag:s15] =	ssyncset.done $0x0  }
0x93: {  	[sflag:s15] =	ssyncadd.s32 $0xFFFFC000  }
0x94: {  	_ =	swait.ge [sflag:s15], $0x4000  }
0x95: {  	s22 =	smov.u32 s19;
	s21 =	sshra.s32 s20, $0x2;
	[sflag:s15] =	ssyncset.done $0x0  }
0x96: {  	s19 =	sadd.s32 $0x80, s21;
	[sflag:s15] =	ssyncadd.s32 $0xFFFFC000  }
0x97: {  	[spmem:s2] =	stream.indirect.scatter.add.f32 [tilespmem:s13], [sflag:$0x1], $0x80, s19, s14, $0xb8;
	[tilespmem:$0x1D000] =	vst v63  }
0x98: {  	s24 =	sadd.s32 $0x180, s21  }
0x99: {  	[spmem:s2] =	stream.indirect.scatter.add.f32 [tilespmem:s13], [sflag:$0x1], $0x80, s24, s14, $0xb8;
	[tilespmem:$0x1D000] =	vst v63  }
0x9a: {  	s25 =	sadd.s32 $0x280, s21  }
0x9b: {  	[spmem:s2] =	stream.indirect.scatter.add.f32 [tilespmem:s13], [sflag:$0x1], $0x80, s25, s14, $0xb8;
	[tilespmem:$0x1D000] =	vst v63  }
0x9c: {  	s26 =	sadd.s32 $0x380, s21  }
0x9d: {  	[spmem:s2] =	stream.indirect.scatter.add.f32 [tilespmem:s13], [sflag:$0x1], $0x80, s26, s14, $0xb8;
	[tilespmem:$0x1D000] =	vst v63  }
0x9e: {  	s28 =	sadd.s32 $0x480, s21  }
0x9f: {  	[spmem:s2] =	stream.indirect.scatter.add.f32 [tilespmem:s13], [sflag:$0x1], $0x80, s28, s14, $0xb8;
	[tilespmem:$0x1D000] =	vst v63  }
0xa0: {  	s29 =	sadd.s32 $0x580, s21  }
0xa1: {  	[spmem:s2] =	stream.indirect.scatter.add.f32 [tilespmem:s13], [sflag:$0x1], $0x80, s29, s14, $0xb8;
	[tilespmem:$0x1D000] =	vst v63  }
0xa2: {  	s30 =	sadd.s32 $0x680, s21  }
0xa3: {  	[spmem:s2] =	stream.indirect.scatter.add.f32 [tilespmem:s13], [sflag:$0x1], $0x80, s30, s14, $0xb8;
	[tilespmem:$0x1D000] =	vst v63  }
0xa4: {  	s31 =	sadd.s32 $0x780, s21  }
0xa5: {  	[spmem:s2] =	stream.indirect.scatter.add.f32 [tilespmem:s13], [sflag:$0x1], $0x80, s31, s14, $0xb8;
	[tilespmem:$0x1D000] =	vst v63  }
0xa6: {  	_ =	swait.ge [sflag:s15], $0x4000  }
0xa7: {  	[sflag:s15] =	ssyncset.done $0x0  }
0xa8: {  	[sflag:s15] =	ssyncadd.s32 $0xFFFFC000  }
0xa9: {  	_ =	swait.ge [sflag:s15], $0x4000  }
0xaa: {  	[sflag:s15] =	ssyncset.done $0x0  }
0xab: {  	[sflag:s15] =	ssyncadd.s32 $0xFFFFC000  }
0xac: {  	_ =	swait.ge [sflag:s15], $0x4000  }
0xad: {  	[sflag:s15] =	ssyncset.done $0x0  }
0xae: {  	[sflag:s15] =	ssyncadd.s32 $0xFFFFC000  }
0xaf: {  	_ =	swait.ge [sflag:s15], $0x4000  }
0xb0: {  	[sflag:s15] =	ssyncset.done $0x0  }
0xb1: {  	[sflag:s15] =	ssyncadd.s32 $0xFFFFC000  }
0xb2: {  	_ =	swait.ge [sflag:s15], $0x4000  }
0xb3: {  	[sflag:s15] =	ssyncset.done $0x0  }
0xb4: {  	[sflag:s15] =	ssyncadd.s32 $0xFFFFC000  }
0xb5: {  	_ =	swait.ge [sflag:s15], $0x4000  }
0xb6: {  	[sflag:s15] =	ssyncset.done $0x0  }
0xb7: {  	[sflag:s15] =	ssyncadd.s32 $0xFFFFC000  }
0xb8: {  	_ =	swait.ge [sflag:s15], $0x4000  }
0xb9: {  	[sflag:s15] =	ssyncset.done $0x0  }
0xba: {  	[sflag:s15] =	ssyncadd.s32 $0xFFFFC000  }
0xbb: {  	_ =	swait.ge [sflag:s15], $0x4000  }
0xbc: {  	s18 =	sadd.s32 $0x1, s18;
	[sflag:s15] =	ssyncset.done $0x0  }
0xbd: {  	p0 =	sne.s32 s18, s7;
	[sflag:s15] =	ssyncadd.s32 $0xFFFFC000  }
.Ltmp3:
0xbe: {  	[bflag:$0x0] =	sbarrier.arrive $0xFFFF;
	(pc) =	sbr.rel @p0 .LBB2_1-.Ltmp3, $4  }
0xbf: {  	[hbm:s6], [sflag:s16] =	dma.local [spmem:s17], $0x2800  }
0xc0: {  	_ =	swait.ge [sflag:s12], $0x2800  }
0xc1: {  	[sflag:s12] =	ssyncset.done $0x0  }
0xc2: {  	[sflag:s12] =	ssyncadd.s32 $0xFFFFD800  }
0xc3: {  	_ =	sfence.sel $0x180000  }
0xc4: {  	[bflag:$0x0] =	sbarrier.arrive $0xFFFF  }
0xc5: {  	p0 =	sne.s32 s1, $0x0;
	_ =	strace $0x90000047  }
0xc6: {  	s0 =	sadd.s32 @!p0 $0x100000, s0;
	[bflag:$0x2] =	sbarrier.arrive $0xFFFF  }
0xc7: {  	[sflag:s0] =	ssyncadd.tile.s32 @!p0 $0x1;
	_ =	shalt  }
.Lfunc_end2:
_tile_overlayer_lowered:
.L_overlay_start_2:
0xc8: {  	(tag) =	ssettag $0x2  }
0xc9: {  	s0 =	rddreg [dreg:$0x0];
	s2 =	stileid.u32  }
0xca: {  	s1 =	rddreg [dreg:$0x1];
	p0 =	sne.s32 s2, $0x0  }
0xcb: {  	s3 =	rddreg [dreg:$0x2];
	[bflag:$0x3] =	sbarrier.arrive $0xFFFF;
	s2 =	simm.s32 @!p0 $0x1C02  }
0xcc: {  	[timem:s3], [sflag:s2] =	dma.local @!p0 [hbm:s0], s1  }
0xcd: {  	s0 =	simm.s32 @!p0 $0x2  }
0xce: {  	_ =	swait.ge @!p0 [sflag:s0], s1  }
0xcf: {  	s1 =	ssub.s32 @!p0 $0x0, s1;
	[sflag:s0] =	ssyncset.done @!p0 $0x0  }
0xd0: {  	[sflag:s0] =	ssyncadd.s32 @!p0 s1  }
0xd1: {  	[bflag:$0x3] =	sbarrier.arrive $0xFFFF  }
0xd2: {  	_ =	shalt  }

</sc_bundles>
